<compile_context>
chip_gen: v7x
topology: tpu7x:2x2x1
jax: 0.10.2.dev20260603
libtpu: 0.0.44.dev20260713+nightly
codegen_flags: <defaults>
</compile_context>

<pallas_src>
import functools

import jax
import jax.numpy as jnp
from jax import lax
from jax.experimental import pallas as pl
from jax.experimental.pallas import tpu as pltpu
from jax.experimental.pallas import tpu_sc as plsc

_NC = 2
_NS = 16
_NW = _NC * _NS
_L = 16
_TR = 8
_NE = 16


@functools.lru_cache(maxsize=None)
def _build(B, D, V):
    bpw = B // _NW
    nchunk = bpw // _NE
    nblk = bpw // _L
    ng = D // _TR

    mesh = plsc.VectorSubcoreMesh(core_axis_name="c", subcore_axis_name="s")

    @functools.partial(
        pl.kernel,
        mesh=mesh,
        out_type=jax.ShapeDtypeStruct((B,), jnp.float32),
        compiler_params=pltpu.CompilerParams(needs_layout_passes=False),
        scratch_types=[
            pltpu.VMEM((bpw + _L,), jnp.int32),
            pltpu.VMEM((bpw + _L,), jnp.int32),
            pltpu.VMEM((2, ng, _TR, _NE * _L), jnp.float32),
            pltpu.VMEM((2, ng, _TR, _NE * _L), jnp.float32),
            pltpu.VMEM((D * _L,), jnp.float32),
            pltpu.VMEM((_L,), jnp.float32),
            pltpu.VMEM((bpw,), jnp.float32),
            pltpu.SemaphoreType.DMA,
            pltpu.SemaphoreType.DMA,
        ],
    )
    def gmf(uid_hbm, iid_hbm, ut_hbm, it_hbm, w_hbm, b_hbm, out_hbm,
            uidx, iidx, u_s, i_s, w_v, b_v, acc, sem0, sem1):
        wid = lax.axis_index("s") * _NC + lax.axis_index("c")
        base = wid * bpw

        pltpu.sync_copy(uid_hbm.at[pl.ds(base, bpw)], uidx.at[pl.ds(0, bpw)])
        pltpu.sync_copy(iid_hbm.at[pl.ds(base, bpw)], iidx.at[pl.ds(0, bpw)])
        pltpu.sync_copy(w_hbm, w_v)
        pltpu.sync_copy(b_hbm, b_v)

        zero = jnp.zeros((_L,), jnp.float32)
        for t in range(nblk):
            acc[pl.ds(t * _L, _L)] = zero
        uidx[pl.ds(bpw, _L)] = jnp.zeros((_L,), jnp.int32)
        iidx[pl.ds(bpw, _L)] = jnp.zeros((_L,), jnp.int32)

        iota = lax.iota(jnp.int32, _L)

        def fire(c, buf, sem):
            def one(l, carry):
                e = c * _NE + l
                u = uidx[pl.ds(e, _L)][0]
                i = iidx[pl.ds(e, _L)][0]
                ua = (u // _L) * _L
                ia = (i // _L) * _L
                dsl = pl.ds(l * _L, _L)
                for g in range(ng):
                    pltpu.async_copy(
                        ut_hbm.at[g].at[pl.ds(0, _TR), pl.ds(ua, _L)],
                        u_s.at[buf].at[g].at[pl.ds(0, _TR), dsl], sem)
                    pltpu.async_copy(
                        it_hbm.at[g].at[pl.ds(0, _TR), pl.ds(ia, _L)],
                        i_s.at[buf].at[g].at[pl.ds(0, _TR), dsl], sem)
                return carry
            lax.fori_loop(0, _NE, one, 0)

        csrc = ut_hbm.at[pl.ds(0, ng), pl.ds(0, _TR), pl.ds(0, _NE * _L)]

        def drain(buf, sem):
            pltpu.make_async_copy(csrc, u_s.at[buf], sem).wait()
            pltpu.make_async_copy(csrc, i_s.at[buf], sem).wait()

        def compute(c, buf):
            uv = uidx[pl.ds(c * _NE, _NE)]
            iv = iidx[pl.ds(c * _NE, _NE)]
            uoff = iota * _L + jnp.bitwise_and(uv, _L - 1)
            ioff = iota * _L + jnp.bitwise_and(iv, _L - 1)
            bsp = jnp.full((_L,), buf, jnp.int32)

            def dim_body(d, a):
                g = d // _TR
                r = d % _TR
                gsp = jnp.full((_L,), g, jnp.int32)
                rsp = jnp.full((_L,), r, jnp.int32)
                wd = w_v[pl.ds(d * _L, _L)]
                gu = plsc.load_gather(u_s, [bsp, gsp, rsp, uoff])
                gi = plsc.load_gather(i_s, [bsp, gsp, rsp, ioff])
                return a + gu * gi * wd

            asl = pl.ds(c * _NE, _L)
            acc[asl] = lax.fori_loop(0, D, dim_body, acc[asl])

        fire(0, 0, sem0)

        def pair_body(k, carry):
            c0 = 2 * k
            fire(c0 + 1, 1, sem1)
            drain(0, sem0)
            compute(c0, 0)
            fire(c0 + 2, 0, sem0)
            drain(1, sem1)
            compute(c0 + 1, 1)
            return carry

        lax.fori_loop(0, nchunk // 2 - 1, pair_body, 0)

        c_last = nchunk - 1
        fire(c_last, 1, sem1)
        drain(0, sem0)
        compute(c_last - 1, 0)
        drain(1, sem1)
        compute(c_last, 1)

        bvec = b_v[...]
        for t in range(nblk):
            x = acc[pl.ds(t * _L, _L)] + bvec
            acc[pl.ds(t * _L, _L)] = 1.0 / (1.0 + jnp.exp(-x))
        pltpu.sync_copy(acc, out_hbm.at[pl.ds(base, bpw)])

    return gmf


def kernel(uid, iid, user_table, item_table, W, b):
    B = uid.shape[0]
    V, D = user_table.shape
    gmf = _build(B, D, V)
    ut3 = user_table.T.reshape(D // _TR, _TR, V)
    it3 = item_table.T.reshape(D // _TR, _TR, V)
    w_splat = jnp.broadcast_to(W.reshape(D, 1), (D, _L)).reshape(-1)
    b_splat = jnp.broadcast_to(b.reshape(()), (_L,)).astype(jnp.float32)
    out = gmf(uid, iid, ut3, it3, w_splat, b_splat)
    return out.reshape(B, 1)

# --- scband reference (transcript-rebuilt; emitter-appended) ---
"""Pipeline reference for scband-gmf-31327491457250 (READ-ONLY COPY).

The authoritative reference and input builder live on the scoring server;
editing this copy changes nothing except your own understanding.
"""

import jax, jax.numpy as jnp
import numpy as np

NUM_USERS = 1000000
NUM_ITEMS = 1000000
LATENT_DIM = 32
BATCH = 16384

def setup_inputs(seed: int = 0) -> dict:
    key = jax.random.key(seed)
    k_uid, k_iid, k_ue, k_ie, k_w, k_b = jax.random.split(key, 6)
    uid = jax.random.randint(k_uid, (BATCH,), 0, NUM_USERS, dtype=jnp.int64 if jax.config.jax_enable_x64 else jnp.int32).astype(jnp.int32)
    iid = jax.random.randint(k_iid, (BATCH,), 0, NUM_ITEMS, dtype=jnp.int64 if jax.config.jax_enable_x64 else jnp.int32).astype(jnp.int32)
    user_table = jax.random.normal(k_ue, (NUM_USERS, LATENT_DIM), dtype=jnp.float32) * 0.01
    item_table = jax.random.normal(k_ie, (NUM_ITEMS, LATENT_DIM), dtype=jnp.float32) * 0.01
    W = jax.random.normal(k_w, (LATENT_DIM, 1), dtype=jnp.float32) * (1.0 / np.sqrt(LATENT_DIM))
    b = jnp.zeros((1,), dtype=jnp.float32)
    return {"uid": uid, "iid": iid, "user_table": user_table, "item_table": item_table, "W": W, "b": b}

def reference(uid, iid, user_table, item_table, W, b):
    user_emb = jnp.take(user_table, uid, axis=0)          # [B, D] gather
    item_emb = jnp.take(item_table, iid, axis=0)          # [B, D] gather
    multiply_layer = user_emb * item_emb                   # elementwise GMF
    predict = multiply_layer @ W + b                       # [B, 1]
    output = jax.nn.sigmoid(predict)
    return output

if __name__ == "__main__":
    import jax
    _d = setup_inputs()
    print(jax.jit(kernel)(*tuple(_d.values())))

</pallas_src>

<mosaic_0001>
#map = affine_map<(d0, d1) -> (0)>
#map1 = affine_map<(d0, d1) -> (0, 0, 0)>
module attributes {stable_mosaic.version = 14 : i64} {
  func.func @gmf(%arg0: i32, %arg1: i32, %arg2: memref<16384xi32, #tpu.memory_space<hbm>>, %arg3: memref<16384xi32, #tpu.memory_space<hbm>>, %arg4: memref<4x8x1000000xf32, #tpu.memory_space<hbm>>, %arg5: memref<4x8x1000000xf32, #tpu.memory_space<hbm>>, %arg6: memref<512xf32, #tpu.memory_space<hbm>>, %arg7: memref<16xf32, #tpu.memory_space<hbm>>, %arg8: memref<16384xf32, #tpu.memory_space<hbm>>, %arg9: memref<528xi32, #tpu.memory_space<vmem>>, %arg10: memref<528xi32, #tpu.memory_space<vmem>>, %arg11: memref<2x4x8x256xf32, #tpu.memory_space<vmem>>, %arg12: memref<2x4x8x256xf32, #tpu.memory_space<vmem>>, %arg13: memref<512xf32, #tpu.memory_space<vmem>>, %arg14: memref<16xf32, #tpu.memory_space<vmem>>, %arg15: memref<512xf32, #tpu.memory_space<vmem>>, %arg16: memref<!tpu.dma_semaphore, #tpu.memory_space<semaphore_mem>>, %arg17: memref<!tpu.dma_semaphore, #tpu.memory_space<semaphore_mem>>) attributes {dimension_semantics = [#tpu.dimension_semantics<core_parallel>, #tpu.dimension_semantics<subcore_parallel>], iteration_bounds = array<i64: 2, 16>, scalar_prefetch = 0 : i64, scratch_operands = 9 : i64, tpu.core_type = #tpu.core_type<sc_vector_subcore>, window_params = [{transform_indices = #map}, {transform_indices = #map}, {transform_indices = #map1}, {transform_indices = #map1}, {transform_indices = #map}, {transform_indices = #map}, {transform_indices = #map}]} {
    %mul3A = arith.constant 2 : i32
    %mul3A_0 = arith.muli %arg1, %mul3A : i32
    %add3A = arith.addi %mul3A_0, %arg0 : i32
    %mul3A_1 = arith.constant 512 : i32
    %mul3A_2 = arith.muli %add3A, %mul3A_1 : i32
    "tpu.region"() ({
      %run_scoped3A = tpu.sem_alloc : memref<!tpu.dma_semaphore, #tpu.memory_space<semaphore_mem>>
      %dma_start3A = arith.constant 0 : i32
      %dma_start3A_704 = tpu.memref_slice %arg9[%dma_start3A] : memref<528xi32, #tpu.memory_space<vmem>> -> memref<512xi32, #tpu.memory_space<vmem>>
      %dma_start3A_705 = tpu.memref_slice %arg2[%mul3A_2] : memref<16384xi32, #tpu.memory_space<hbm>> -> memref<512xi32, #tpu.memory_space<hbm>>
      %dma_start3A_706 = arith.constant 0 : i32
      %dma_start3A_707 = tpu.memref_slice %arg9[%dma_start3A_706] : memref<528xi32, #tpu.memory_space<vmem>> -> memref<512xi32, #tpu.memory_space<vmem>>
      %dma_start3A_708 = tpu.memref_slice %arg2[%mul3A_2] : memref<16384xi32, #tpu.memory_space<hbm>> -> memref<512xi32, #tpu.memory_space<hbm>>
      tpu.enqueue_dma source(%dma_start3A_708 : memref<512xi32, #tpu.memory_space<hbm>>) target(%dma_start3A_707 : memref<512xi32, #tpu.memory_space<vmem>>) target_semaphore(%run_scoped3A : memref<!tpu.dma_semaphore, #tpu.memory_space<semaphore_mem>>)
      %dma_wait3A_709 = arith.constant 0 : i32
      %dma_wait3A_710 = tpu.memref_slice %arg9[%dma_wait3A_709] : memref<528xi32, #tpu.memory_space<vmem>> -> memref<512xi32, #tpu.memory_space<vmem>>
      %dma_wait3A_711 = tpu.memref_slice %arg2[%mul3A_2] : memref<16384xi32, #tpu.memory_space<hbm>> -> memref<512xi32, #tpu.memory_space<hbm>>
      %dma_wait3A_712 = arith.constant 0 : i32
      %dma_wait3A_713 = tpu.memref_slice %arg9[%dma_wait3A_712] : memref<528xi32, #tpu.memory_space<vmem>> -> memref<512xi32, #tpu.memory_space<vmem>>
      %dma_wait3A_714 = tpu.memref_slice %arg2[%mul3A_2] : memref<16384xi32, #tpu.memory_space<hbm>> -> memref<512xi32, #tpu.memory_space<hbm>>
      tpu.wait_dma2 semaphore(%run_scoped3A : memref<!tpu.dma_semaphore, #tpu.memory_space<semaphore_mem>>) src(%dma_wait3A_714 : memref<512xi32, #tpu.memory_space<hbm>>) dst(%dma_wait3A_713 : memref<512xi32, #tpu.memory_space<vmem>>)
      tpu.yield
    }) : () -> ()
    "tpu.region"() ({
      %run_scoped3A = tpu.sem_alloc : memref<!tpu.dma_semaphore, #tpu.memory_space<semaphore_mem>>
      %dma_start3A = arith.constant 0 : i32
      %dma_start3A_704 = tpu.memref_slice %arg10[%dma_start3A] : memref<528xi32, #tpu.memory_space<vmem>> -> memref<512xi32, #tpu.memory_space<vmem>>
      %dma_start3A_705 = tpu.memref_slice %arg3[%mul3A_2] : memref<16384xi32, #tpu.memory_space<hbm>> -> memref<512xi32, #tpu.memory_space<hbm>>
      %dma_start3A_706 = arith.constant 0 : i32
      %dma_start3A_707 = tpu.memref_slice %arg10[%dma_start3A_706] : memref<528xi32, #tpu.memory_space<vmem>> -> memref<512xi32, #tpu.memory_space<vmem>>
      %dma_start3A_708 = tpu.memref_slice %arg3[%mul3A_2] : memref<16384xi32, #tpu.memory_space<hbm>> -> memref<512xi32, #tpu.memory_space<hbm>>
      tpu.enqueue_dma source(%dma_start3A_708 : memref<512xi32, #tpu.memory_space<hbm>>) target(%dma_start3A_707 : memref<512xi32, #tpu.memory_space<vmem>>) target_semaphore(%run_scoped3A : memref<!tpu.dma_semaphore, #tpu.memory_space<semaphore_mem>>)
      %dma_wait3A_709 = arith.constant 0 : i32
      %dma_wait3A_710 = tpu.memref_slice %arg10[%dma_wait3A_709] : memref<528xi32, #tpu.memory_space<vmem>> -> memref<512xi32, #tpu.memory_space<vmem>>
      %dma_wait3A_711 = tpu.memref_slice %arg3[%mul3A_2] : memref<16384xi32, #tpu.memory_space<hbm>> -> memref<512xi32, #tpu.memory_space<hbm>>
      %dma_wait3A_712 = arith.constant 0 : i32
      %dma_wait3A_713 = tpu.memref_slice %arg10[%dma_wait3A_712] : memref<528xi32, #tpu.memory_space<vmem>> -> memref<512xi32, #tpu.memory_space<vmem>>
      %dma_wait3A_714 = tpu.memref_slice %arg3[%mul3A_2] : memref<16384xi32, #tpu.memory_space<hbm>> -> memref<512xi32, #tpu.memory_space<hbm>>
      tpu.wait_dma2 semaphore(%run_scoped3A : memref<!tpu.dma_semaphore, #tpu.memory_space<semaphore_mem>>) src(%dma_wait3A_714 : memref<512xi32, #tpu.memory_space<hbm>>) dst(%dma_wait3A_713 : memref<512xi32, #tpu.memory_space<vmem>>)
      tpu.yield
    }) : () -> ()
    "tpu.region"() ({
      %run_scoped3A = tpu.sem_alloc : memref<!tpu.dma_semaphore, #tpu.memory_space<semaphore_mem>>
      tpu.enqueue_dma source(%arg6 : memref<512xf32, #tpu.memory_space<hbm>>) target(%arg13 : memref<512xf32, #tpu.memory_space<vmem>>) target_semaphore(%run_scoped3A : memref<!tpu.dma_semaphore, #tpu.memory_space<semaphore_mem>>)
      tpu.wait_dma2 semaphore(%run_scoped3A : memref<!tpu.dma_semaphore, #tpu.memory_space<semaphore_mem>>) src(%arg6 : memref<512xf32, #tpu.memory_space<hbm>>) dst(%arg13 : memref<512xf32, #tpu.memory_space<vmem>>)
      tpu.yield
    }) : () -> ()
    "tpu.region"() ({
      %run_scoped3A = tpu.sem_alloc : memref<!tpu.dma_semaphore, #tpu.memory_space<semaphore_mem>>
      tpu.enqueue_dma source(%arg7 : memref<16xf32, #tpu.memory_space<hbm>>) target(%arg14 : memref<16xf32, #tpu.memory_space<vmem>>) target_semaphore(%run_scoped3A : memref<!tpu.dma_semaphore, #tpu.memory_space<semaphore_mem>>)
      tpu.wait_dma2 semaphore(%run_scoped3A : memref<!tpu.dma_semaphore, #tpu.memory_space<semaphore_mem>>) src(%arg7 : memref<16xf32, #tpu.memory_space<hbm>>) dst(%arg14 : memref<16xf32, #tpu.memory_space<vmem>>)
      tpu.yield
    }) : () -> ()
    %broadcast_in_dim3A = arith.constant 0.000000e+00 : f32
    %broadcast_in_dim3A_3 = vector.broadcast %broadcast_in_dim3A : f32 to vector<16xf32>
    %swap3A = arith.constant 0 : index
    %swap3A_4 = tpu.vector_load %arg15[%swap3A] {strides = array<i32>} : memref<512xf32, #tpu.memory_space<vmem>>, vector<16xf32>,
    tpu.vector_store %arg15[%swap3A], %broadcast_in_dim3A_3 {strides = array<i32>} : memref<512xf32, #tpu.memory_space<vmem>>, vector<16xf32>,
    %swap3A_5 = arith.constant 16 : index
    %swap3A_6 = tpu.vector_load %arg15[%swap3A_5] {strides = array<i32>} : memref<512xf32, #tpu.memory_space<vmem>>, vector<16xf32>,
    tpu.vector_store %arg15[%swap3A_5], %broadcast_in_dim3A_3 {strides = array<i32>} : memref<512xf32, #tpu.memory_space<vmem>>, vector<16xf32>,
    %swap3A_7 = arith.constant 32 : index
    %swap3A_8 = tpu.vector_load %arg15[%swap3A_7] {strides = array<i32>} : memref<512xf32, #tpu.memory_space<vmem>>, vector<16xf32>,
    tpu.vector_store %arg15[%swap3A_7], %broadcast_in_dim3A_3 {strides = array<i32>} : memref<512xf32, #tpu.memory_space<vmem>>, vector<16xf32>,
    %swap3A_9 = arith.constant 48 : index
    %swap3A_10 = tpu.vector_load %arg15[%swap3A_9] {strides = array<i32>} : memref<512xf32, #tpu.memory_space<vmem>>, vector<16xf32>,
    tpu.vector_store %arg15[%swap3A_9], %broadcast_in_dim3A_3 {strides = array<i32>} : memref<512xf32, #tpu.memory_space<vmem>>, vector<16xf32>,
    %swap3A_11 = arith.constant 64 : index
    %swap3A_12 = tpu.vector_load %arg15[%swap3A_11] {strides = array<i32>} : memref<512xf32, #tpu.memory_space<vmem>>, vector<16xf32>,
    tpu.vector_store %arg15[%swap3A_11], %broadcast_in_dim3A_3 {strides = array<i32>} : memref<512xf32, #tpu.memory_space<vmem>>, vector<16xf32>,
    %swap3A_13 = arith.constant 80 : index
    %swap3A_14 = tpu.vector_load %arg15[%swap3A_13] {strides = array<i32>} : memref<512xf32, #tpu.memory_space<vmem>>, vector<16xf32>,
    tpu.vector_store %arg15[%swap3A_13], %broadcast_in_dim3A_3 {strides = array<i32>} : memref<512xf32, #tpu.memory_space<vmem>>, vector<16xf32>,
    %swap3A_15 = arith.constant 96 : index
    %swap3A_16 = tpu.vector_load %arg15[%swap3A_15] {strides = array<i32>} : memref<512xf32, #tpu.memory_space<vmem>>, vector<16xf32>,
    tpu.vector_store %arg15[%swap3A_15], %broadcast_in_dim3A_3 {strides = array<i32>} : memref<512xf32, #tpu.memory_space<vmem>>, vector<16xf32>,
    %swap3A_17 = arith.constant 112 : index
    %swap3A_18 = tpu.vector_load %arg15[%swap3A_17] {strides = array<i32>} : memref<512xf32, #tpu.memory_space<vmem>>, vector<16xf32>,
    tpu.vector_store %arg15[%swap3A_17], %broadcast_in_dim3A_3 {strides = array<i32>} : memref<512xf32, #tpu.memory_space<vmem>>, vector<16xf32>,
    %swap3A_19 = arith.constant 128 : index
    %swap3A_20 = tpu.vector_load %arg15[%swap3A_19] {strides = array<i32>} : memref<512xf32, #tpu.memory_space<vmem>>, vector<16xf32>,
    tpu.vector_store %arg15[%swap3A_19], %broadcast_in_dim3A_3 {strides = array<i32>} : memref<512xf32, #tpu.memory_space<vmem>>, vector<16xf32>,
    %swap3A_21 = arith.constant 144 : index
    %swap3A_22 = tpu.vector_load %arg15[%swap3A_21] {strides = array<i32>} : memref<512xf32, #tpu.memory_space<vmem>>, vector<16xf32>,
    tpu.vector_store %arg15[%swap3A_21], %broadcast_in_dim3A_3 {strides = array<i32>} : memref<512xf32, #tpu.memory_space<vmem>>, vector<16xf32>,
    %swap3A_23 = arith.constant 160 : index
    %swap3A_24 = tpu.vector_load %arg15[%swap3A_23] {strides = array<i32>} : memref<512xf32, #tpu.memory_space<vmem>>, vector<16xf32>,
    tpu.vector_store %arg15[%swap3A_23], %broadcast_in_dim3A_3 {strides = array<i32>} : memref<512xf32, #tpu.memory_space<vmem>>, vector<16xf32>,
    %swap3A_25 = arith.constant 176 : index
    %swap3A_26 = tpu.vector_load %arg15[%swap3A_25] {strides = array<i32>} : memref<512xf32, #tpu.memory_space<vmem>>, vector<16xf32>,
    tpu.vector_store %arg15[%swap3A_25], %broadcast_in_dim3A_3 {strides = array<i32>} : memref<512xf32, #tpu.memory_space<vmem>>, vector<16xf32>,
    %swap3A_27 = arith.constant 192 : index
    %swap3A_28 = tpu.vector_load %arg15[%swap3A_27] {strides = array<i32>} : memref<512xf32, #tpu.memory_space<vmem>>, vector<16xf32>,
    tpu.vector_store %arg15[%swap3A_27], %broadcast_in_dim3A_3 {strides = array<i32>} : memref<512xf32, #tpu.memory_space<vmem>>, vector<16xf32>,
    %swap3A_29 = arith.constant 208 : index
    %swap3A_30 = tpu.vector_load %arg15[%swap3A_29] {strides = array<i32>} : memref<512xf32, #tpu.memory_space<vmem>>, vector<16xf32>,
    tpu.vector_store %arg15[%swap3A_29], %broadcast_in_dim3A_3 {strides = array<i32>} : memref<512xf32, #tpu.memory_space<vmem>>, vector<16xf32>,
    %swap3A_31 = arith.constant 224 : index
    %swap3A_32 = tpu.vector_load %arg15[%swap3A_31] {strides = array<i32>} : memref<512xf32, #tpu.memory_space<vmem>>, vector<16xf32>,
    tpu.vector_store %arg15[%swap3A_31], %broadcast_in_dim3A_3 {strides = array<i32>} : memref<512xf32, #tpu.memory_space<vmem>>, vector<16xf32>,
    %swap3A_33 = arith.constant 240 : index
    %swap3A_34 = tpu.vector_load %arg15[%swap3A_33] {strides = array<i32>} : memref<512xf32, #tpu.memory_space<vmem>>, vector<16xf32>,
    tpu.vector_store %arg15[%swap3A_33], %broadcast_in_dim3A_3 {strides = array<i32>} : memref<512xf32, #tpu.memory_space<vmem>>, vector<16xf32>,
    %swap3A_35 = arith.constant 256 : index
    %swap3A_36 = tpu.vector_load %arg15[%swap3A_35] {strides = array<i32>} : memref<512xf32, #tpu.memory_space<vmem>>, vector<16xf32>,
    tpu.vector_store %arg15[%swap3A_35], %broadcast_in_dim3A_3 {strides = array<i32>} : memref<512xf32, #tpu.memory_space<vmem>>, vector<16xf32>,
    %swap3A_37 = arith.constant 272 : index
    %swap3A_38 = tpu.vector_load %arg15[%swap3A_37] {strides = array<i32>} : memref<512xf32, #tpu.memory_space<vmem>>, vector<16xf32>,
    tpu.vector_store %arg15[%swap3A_37], %broadcast_in_dim3A_3 {strides = array<i32>} : memref<512xf32, #tpu.memory_space<vmem>>, vector<16xf32>,
    %swap3A_39 = arith.constant 288 : index
    %swap3A_40 = tpu.vector_load %arg15[%swap3A_39] {strides = array<i32>} : memref<512xf32, #tpu.memory_space<vmem>>, vector<16xf32>,
    tpu.vector_store %arg15[%swap3A_39], %broadcast_in_dim3A_3 {strides = array<i32>} : memref<512xf32, #tpu.memory_space<vmem>>, vector<16xf32>,
    %swap3A_41 = arith.constant 304 : index
    %swap3A_42 = tpu.vector_load %arg15[%swap3A_41] {strides = array<i32>} : memref<512xf32, #tpu.memory_space<vmem>>, vector<16xf32>,
    tpu.vector_store %arg15[%swap3A_41], %broadcast_in_dim3A_3 {strides = array<i32>} : memref<512xf32, #tpu.memory_space<vmem>>, vector<16xf32>,
    %swap3A_43 = arith.constant 320 : index
    %swap3A_44 = tpu.vector_load %arg15[%swap3A_43] {strides = array<i32>} : memref<512xf32, #tpu.memory_space<vmem>>, vector<16xf32>,
    tpu.vector_store %arg15[%swap3A_43], %broadcast_in_dim3A_3 {strides = array<i32>} : memref<512xf32, #tpu.memory_space<vmem>>, vector<16xf32>,
    %swap3A_45 = arith.constant 336 : index
    %swap3A_46 = tpu.vector_load %arg15[%swap3A_45] {strides = array<i32>} : memref<512xf32, #tpu.memory_space<vmem>>, vector<16xf32>,
    tpu.vector_store %arg15[%swap3A_45], %broadcast_in_dim3A_3 {strides = array<i32>} : memref<512xf32, #tpu.memory_space<vmem>>, vector<16xf32>,
    %swap3A_47 = arith.constant 352 : index
    %swap3A_48 = tpu.vector_load %arg15[%swap3A_47] {strides = array<i32>} : memref<512xf32, #tpu.memory_space<vmem>>, vector<16xf32>,
    tpu.vector_store %arg15[%swap3A_47], %broadcast_in_dim3A_3 {strides = array<i32>} : memref<512xf32, #tpu.memory_space<vmem>>, vector<16xf32>,
    %swap3A_49 = arith.constant 368 : index
    %swap3A_50 = tpu.vector_load %arg15[%swap3A_49] {strides = array<i32>} : memref<512xf32, #tpu.memory_space<vmem>>, vector<16xf32>,
    tpu.vector_store %arg15[%swap3A_49], %broadcast_in_dim3A_3 {strides = array<i32>} : memref<512xf32, #tpu.memory_space<vmem>>, vector<16xf32>,
    %swap3A_51 = arith.constant 384 : index
    %swap3A_52 = tpu.vector_load %arg15[%swap3A_51] {strides = array<i32>} : memref<512xf32, #tpu.memory_space<vmem>>, vector<16xf32>,
    tpu.vector_store %arg15[%swap3A_51], %broadcast_in_dim3A_3 {strides = array<i32>} : memref<512xf32, #tpu.memory_space<vmem>>, vector<16xf32>,
    %swap3A_53 = arith.constant 400 : index
    %swap3A_54 = tpu.vector_load %arg15[%swap3A_53] {strides = array<i32>} : memref<512xf32, #tpu.memory_space<vmem>>, vector<16xf32>,
    tpu.vector_store %arg15[%swap3A_53], %broadcast_in_dim3A_3 {strides = array<i32>} : memref<512xf32, #tpu.memory_space<vmem>>, vector<16xf32>,
    %swap3A_55 = arith.constant 416 : index
    %swap3A_56 = tpu.vector_load %arg15[%swap3A_55] {strides = array<i32>} : memref<512xf32, #tpu.memory_space<vmem>>, vector<16xf32>,
    tpu.vector_store %arg15[%swap3A_55], %broadcast_in_dim3A_3 {strides = array<i32>} : memref<512xf32, #tpu.memory_space<vmem>>, vector<16xf32>,
    %swap3A_57 = arith.constant 432 : index
    %swap3A_58 = tpu.vector_load %arg15[%swap3A_57] {strides = array<i32>} : memref<512xf32, #tpu.memory_space<vmem>>, vector<16xf32>,
    tpu.vector_store %arg15[%swap3A_57], %broadcast_in_dim3A_3 {strides = array<i32>} : memref<512xf32, #tpu.memory_space<vmem>>, vector<16xf32>,
    %swap3A_59 = arith.constant 448 : index
    %swap3A_60 = tpu.vector_load %arg15[%swap3A_59] {strides = array<i32>} : memref<512xf32, #tpu.memory_space<vmem>>, vector<16xf32>,
    tpu.vector_store %arg15[%swap3A_59], %broadcast_in_dim3A_3 {strides = array<i32>} : memref<512xf32, #tpu.memory_space<vmem>>, vector<16xf32>,
    %swap3A_61 = arith.constant 464 : index
    %swap3A_62 = tpu.vector_load %arg15[%swap3A_61] {strides = array<i32>} : memref<512xf32, #tpu.memory_space<vmem>>, vector<16xf32>,
    tpu.vector_store %arg15[%swap3A_61], %broadcast_in_dim3A_3 {strides = array<i32>} : memref<512xf32, #tpu.memory_space<vmem>>, vector<16xf32>,
    %swap3A_63 = arith.constant 480 : index
    %swap3A_64 = tpu.vector_load %arg15[%swap3A_63] {strides = array<i32>} : memref<512xf32, #tpu.memory_space<vmem>>, vector<16xf32>,
    tpu.vector_store %arg15[%swap3A_63], %broadcast_in_dim3A_3 {strides = array<i32>} : memref<512xf32, #tpu.memory_space<vmem>>, vector<16xf32>,
    %swap3A_65 = arith.constant 496 : index
    %swap3A_66 = tpu.vector_load %arg15[%swap3A_65] {strides = array<i32>} : memref<512xf32, #tpu.memory_space<vmem>>, vector<16xf32>,
    tpu.vector_store %arg15[%swap3A_65], %broadcast_in_dim3A_3 {strides = array<i32>} : memref<512xf32, #tpu.memory_space<vmem>>, vector<16xf32>,
    %broadcast_in_dim3A_67 = arith.constant 0 : i32
    %broadcast_in_dim3A_68 = vector.broadcast %broadcast_in_dim3A_67 : i32 to vector<16xi32>
    %swap3A_69 = arith.constant 512 : index
    %swap3A_70 = tpu.vector_load %arg9[%swap3A_69] {strides = array<i32>} : memref<528xi32, #tpu.memory_space<vmem>>, vector<16xi32>,
    tpu.vector_store %arg9[%swap3A_69], %broadcast_in_dim3A_68 {strides = array<i32>} : memref<528xi32, #tpu.memory_space<vmem>>, vector<16xi32>,
    %broadcast_in_dim3A_71 = arith.constant 0 : i32
    %broadcast_in_dim3A_72 = vector.broadcast %broadcast_in_dim3A_71 : i32 to vector<16xi32>
    %swap3A_73 = arith.constant 512 : index
    %swap3A_74 = tpu.vector_load %arg10[%swap3A_73] {strides = array<i32>} : memref<528xi32, #tpu.memory_space<vmem>>, vector<16xi32>,
    tpu.vector_store %arg10[%swap3A_73], %broadcast_in_dim3A_72 {strides = array<i32>} : memref<528xi32, #tpu.memory_space<vmem>>, vector<16xi32>,
    %iota3A = tpu.iota {dimensions = array<i32: 0>} : vector<16xi32>
    %scan3A = arith.constant 0 : i32
    %scan3A_75 = arith.constant 0 : i32
    %scan3A_76 = arith.constant 16 : i32
    %scan3A_77 = arith.addi %scan3A_75, %scan3A_76 : i32
    %scan3A_78 = arith.constant 1 : i32
    scf.for %scan3A_704 = %scan3A_75 to %scan3A_77 step %scan3A_78  : i32 {
      %add3A_705 = arith.constant 0 : i32
      %add3A_706 = arith.addi %add3A_705, %scan3A_704 : i32
      %get3A_707 = arith.index_cast %add3A_706 : i32 to index
      %get3A_708 = tpu.vector_load %arg9[%get3A_707] {strides = array<i32>} : memref<528xi32, #tpu.memory_space<vmem>>, vector<16xi32>,
      %slice3A = vector.extract_strided_slice %get3A_708 {offsets = [0], sizes = [1], strides = [1]} : vector<16xi32> to vector<1xi32>
      %squeeze3A = vector.extract %slice3A[0] : i32 from vector<1xi32>
      %get3A_709 = arith.index_cast %add3A_706 : i32 to index
      %get3A_710 = tpu.vector_load %arg10[%get3A_709] {strides = array<i32>} : memref<528xi32, #tpu.memory_space<vmem>>, vector<16xi32>,
      %slice3A_711 = vector.extract_strided_slice %get3A_710 {offsets = [0], sizes = [1], strides = [1]} : vector<16xi32> to vector<1xi32>
      %squeeze3A_712 = vector.extract %slice3A_711[0] : i32 from vector<1xi32>
      %jit3A = arith.constant 16 : i32
      %div3A_713 = arith.divsi %squeeze3A, %jit3A : i32
      %sign3A = arith.constant 0 : i32
      %sign3A_714 = arith.cmpi sgt, %squeeze3A, %sign3A : i32
      %sign3A_715 = arith.extui %sign3A_714 : i1 to i32
      %sign3A_716 = arith.constant 0 : i32
      %sign3A_717 = arith.cmpi slt, %squeeze3A, %sign3A_716 : i32
      %sign3A_718 = arith.extui %sign3A_717 : i1 to i32
      %sign3A_719 = arith.subi %sign3A_715, %sign3A_718 : i32
      %sign3A_720 = arith.constant 0 : i32
      %sign3A_721 = arith.cmpi sgt, %jit3A, %sign3A_720 : i32
      %sign3A_722 = arith.extui %sign3A_721 : i1 to i32
      %sign3A_723 = arith.constant 0 : i32
      %sign3A_724 = arith.cmpi slt, %jit3A, %sign3A_723 : i32
      %sign3A_725 = arith.extui %sign3A_724 : i1 to i32
      %sign3A_726 = arith.subi %sign3A_722, %sign3A_725 : i32
      %ne3A = arith.cmpi ne, %sign3A_719, %sign3A_726 : i32
      %rem3A = arith.remsi %squeeze3A, %jit3A : i32
      %ne3A_727 = arith.constant 0 : i32
      %ne3A_728 = arith.cmpi ne, %rem3A, %ne3A_727 : i32
      %and3A_729 = arith.andi %ne3A, %ne3A_728 : i1
      %sub3A = arith.constant 1 : i32
      %sub3A_730 = arith.subi %div3A_713, %sub3A : i32
      %select_n3A = arith.select %and3A_729, %sub3A_730, %div3A_713 : i32
      %mul3A_731 = arith.constant 16 : i32
      %mul3A_732 = arith.muli %select_n3A, %mul3A_731 : i32
      %jit3A_733 = arith.constant 16 : i32
      %div3A_734 = arith.divsi %squeeze3A_712, %jit3A_733 : i32
      %sign3A_735 = arith.constant 0 : i32
      %sign3A_736 = arith.cmpi sgt, %squeeze3A_712, %sign3A_735 : i32
      %sign3A_737 = arith.extui %sign3A_736 : i1 to i32
      %sign3A_738 = arith.constant 0 : i32
      %sign3A_739 = arith.cmpi slt, %squeeze3A_712, %sign3A_738 : i32
      %sign3A_740 = arith.extui %sign3A_739 : i1 to i32
      %sign3A_741 = arith.subi %sign3A_737, %sign3A_740 : i32
      %sign3A_742 = arith.constant 0 : i32
      %sign3A_743 = arith.cmpi sgt, %jit3A_733, %sign3A_742 : i32
      %sign3A_744 = arith.extui %sign3A_743 : i1 to i32
      %sign3A_745 = arith.constant 0 : i32
      %sign3A_746 = arith.cmpi slt, %jit3A_733, %sign3A_745 : i32
      %sign3A_747 = arith.extui %sign3A_746 : i1 to i32
      %sign3A_748 = arith.subi %sign3A_744, %sign3A_747 : i32
      %ne3A_749 = arith.cmpi ne, %sign3A_741, %sign3A_748 : i32
      %rem3A_750 = arith.remsi %squeeze3A_712, %jit3A_733 : i32
      %ne3A_751 = arith.constant 0 : i32
      %ne3A_752 = arith.cmpi ne, %rem3A_750, %ne3A_751 : i32
      %and3A_753 = arith.andi %ne3A_749, %ne3A_752 : i1
      %sub3A_754 = arith.constant 1 : i32
      %sub3A_755 = arith.subi %div3A_734, %sub3A_754 : i32
      %select_n3A_756 = arith.select %and3A_753, %sub3A_755, %div3A_734 : i32
      %mul3A_757 = arith.constant 16 : i32
      %mul3A_758 = arith.muli %select_n3A_756, %mul3A_757 : i32
      %mul3A_759 = arith.constant 16 : i32
      %mul3A_760 = arith.muli %scan3A_704, %mul3A_759 : i32
      %dma_start3A = arith.constant 0 : i32
      %dma_start3A_761 = arith.constant 0 : i32
      %dma_start3A_762 = arith.constant 0 : i32
      %dma_start3A_763 = arith.constant 0 : i32
      %dma_start3A_764 = arith.constant 0 : i32
      %dma_start3A_765 = arith.constant 0 : i32
      %dma_start3A_766 = tpu.memref_slice %arg11[%dma_start3A_761, %dma_start3A_763, %dma_start3A_764, %dma_start3A_765] : memref<2x4x8x256xf32, #tpu.memory_space<vmem>> -> memref<1x4x8x256xf32, #tpu.memory_space<vmem>>
      %dma_start3A_767 = tpu.memref_squeeze %dma_start3A_766 : memref<1x4x8x256xf32, #tpu.memory_space<vmem>> -> memref<4x8x256xf32, #tpu.memory_space<vmem>>
      %dma_start3A_768 = arith.constant 0 : i32
      %dma_start3A_769 = arith.constant 0 : i32
      %dma_start3A_770 = tpu.memref_slice %dma_start3A_767[%dma_start3A_762, %dma_start3A_768, %dma_start3A_769] : memref<4x8x256xf32, #tpu.memory_space<vmem>> -> memref<1x8x256xf32, #tpu.memory_space<vmem>>
      %dma_start3A_771 = tpu.memref_squeeze %dma_start3A_770 : memref<1x8x256xf32, #tpu.memory_space<vmem>> -> memref<8x256xf32, #tpu.memory_space<vmem>>
      %dma_start3A_772 = arith.constant 0 : i32
      %dma_start3A_773 = tpu.memref_slice %dma_start3A_771[%dma_start3A_772, %mul3A_760] : memref<8x256xf32, #tpu.memory_space<vmem>> -> memref<8x16xf32, #tpu.memory_space<vmem>>
      %dma_start3A_774 = arith.constant 0 : i32
      %dma_start3A_775 = arith.constant 0 : i32
      %dma_start3A_776 = tpu.memref_slice %arg4[%dma_start3A, %dma_start3A_774, %dma_start3A_775] : memref<4x8x1000000xf32, #tpu.memory_space<hbm>> -> memref<1x8x1000000xf32, #tpu.memory_space<hbm>>
      %dma_start3A_777 = tpu.memref_squeeze %dma_start3A_776 : memref<1x8x1000000xf32, #tpu.memory_space<hbm>> -> memref<8x1000000xf32, #tpu.memory_space<hbm>>
      %dma_start3A_778 = arith.constant 0 : i32
      %dma_start3A_779 = tpu.memref_slice %dma_start3A_777[%dma_start3A_778, %mul3A_732] : memref<8x1000000xf32, #tpu.memory_space<hbm>> -> memref<8x16xf32, #tpu.memory_space<hbm>>
      %dma_start3A_780 = arith.constant 0 : i32
      %dma_start3A_781 = arith.constant 0 : i32
      %dma_start3A_782 = arith.constant 0 : i32
      %dma_start3A_783 = tpu.memref_slice %arg11[%dma_start3A_761, %dma_start3A_780, %dma_start3A_781, %dma_start3A_782] : memref<2x4x8x256xf32, #tpu.memory_space<vmem>> -> memref<1x4x8x256xf32, #tpu.memory_space<vmem>>
      %dma_start3A_784 = tpu.memref_squeeze %dma_start3A_783 : memref<1x4x8x256xf32, #tpu.memory_space<vmem>> -> memref<4x8x256xf32, #tpu.memory_space<vmem>>
      %dma_start3A_785 = arith.constant 0 : i32
      %dma_start3A_786 = arith.constant 0 : i32
      %dma_start3A_787 = tpu.memref_slice %dma_start3A_784[%dma_start3A_762, %dma_start3A_785, %dma_start3A_786] : memref<4x8x256xf32, #tpu.memory_space<vmem>> -> memref<1x8x256xf32, #tpu.memory_space<vmem>>
      %dma_start3A_788 = tpu.memref_squeeze %dma_start3A_787 : memref<1x8x256xf32, #tpu.memory_space<vmem>> -> memref<8x256xf32, #tpu.memory_space<vmem>>
      %dma_start3A_789 = arith.constant 0 : i32
      %dma_start3A_790 = tpu.memref_slice %dma_start3A_788[%dma_start3A_789, %mul3A_760] : memref<8x256xf32, #tpu.memory_space<vmem>> -> memref<8x16xf32, #tpu.memory_space<vmem>>
      %dma_start3A_791 = arith.constant 0 : i32
      %dma_start3A_792 = arith.constant 0 : i32
      %dma_start3A_793 = tpu.memref_slice %arg4[%dma_start3A, %dma_start3A_791, %dma_start3A_792] : memref<4x8x1000000xf32, #tpu.memory_space<hbm>> -> memref<1x8x1000000xf32, #tpu.memory_space<hbm>>
      %dma_start3A_794 = tpu.memref_squeeze %dma_start3A_793 : memref<1x8x1000000xf32, #tpu.memory_space<hbm>> -> memref<8x1000000xf32, #tpu.memory_space<hbm>>
      %dma_start3A_795 = arith.constant 0 : i32
      %dma_start3A_796 = tpu.memref_slice %dma_start3A_794[%dma_start3A_795, %mul3A_732] : memref<8x1000000xf32, #tpu.memory_space<hbm>> -> memref<8x16xf32, #tpu.memory_space<hbm>>
      tpu.enqueue_dma source(%dma_start3A_796 : memref<8x16xf32, #tpu.memory_space<hbm>>) target(%dma_start3A_790 : memref<8x16xf32, #tpu.memory_space<vmem>>) target_semaphore(%arg16 : memref<!tpu.dma_semaphore, #tpu.memory_space<semaphore_mem>>)
      %dma_start3A_797 = arith.constant 0 : i32
      %dma_start3A_798 = arith.constant 0 : i32
      %dma_start3A_799 = arith.constant 0 : i32
      %dma_start3A_800 = arith.constant 0 : i32
      %dma_start3A_801 = arith.constant 0 : i32
      %dma_start3A_802 = arith.constant 0 : i32
      %dma_start3A_803 = tpu.memref_slice %arg12[%dma_start3A_798, %dma_start3A_800, %dma_start3A_801, %dma_start3A_802] : memref<2x4x8x256xf32, #tpu.memory_space<vmem>> -> memref<1x4x8x256xf32, #tpu.memory_space<vmem>>
      %dma_start3A_804 = tpu.memref_squeeze %dma_start3A_803 : memref<1x4x8x256xf32, #tpu.memory_space<vmem>> -> memref<4x8x256xf32, #tpu.memory_space<vmem>>
      %dma_start3A_805 = arith.constant 0 : i32
      %dma_start3A_806 = arith.constant 0 : i32
      %dma_start3A_807 = tpu.memref_slice %dma_start3A_804[%dma_start3A_799, %dma_start3A_805, %dma_start3A_806] : memref<4x8x256xf32, #tpu.memory_space<vmem>> -> memref<1x8x256xf32, #tpu.memory_space<vmem>>
      %dma_start3A_808 = tpu.memref_squeeze %dma_start3A_807 : memref<1x8x256xf32, #tpu.memory_space<vmem>> -> memref<8x256xf32, #tpu.memory_space<vmem>>
      %dma_start3A_809 = arith.constant 0 : i32
      %dma_start3A_810 = tpu.memref_slice %dma_start3A_808[%dma_start3A_809, %mul3A_760] : memref<8x256xf32, #tpu.memory_space<vmem>> -> memref<8x16xf32, #tpu.memory_space<vmem>>
      %dma_start3A_811 = arith.constant 0 : i32
      %dma_start3A_812 = arith.constant 0 : i32
      %dma_start3A_813 = tpu.memref_slice %arg5[%dma_start3A_797, %dma_start3A_811, %dma_start3A_812] : memref<4x8x1000000xf32, #tpu.memory_space<hbm>> -> memref<1x8x1000000xf32, #tpu.memory_space<hbm>>
      %dma_start3A_814 = tpu.memref_squeeze %dma_start3A_813 : memref<1x8x1000000xf32, #tpu.memory_space<hbm>> -> memref<8x1000000xf32, #tpu.memory_space<hbm>>
      %dma_start3A_815 = arith.constant 0 : i32
      %dma_start3A_816 = tpu.memref_slice %dma_start3A_814[%dma_start3A_815, %mul3A_758] : memref<8x1000000xf32, #tpu.memory_space<hbm>> -> memref<8x16xf32, #tpu.memory_space<hbm>>
      %dma_start3A_817 = arith.constant 0 : i32
      %dma_start3A_818 = arith.constant 0 : i32
      %dma_start3A_819 = arith.constant 0 : i32
      %dma_start3A_820 = tpu.memref_slice %arg12[%dma_start3A_798, %dma_start3A_817, %dma_start3A_818, %dma_start3A_819] : memref<2x4x8x256xf32, #tpu.memory_space<vmem>> -> memref<1x4x8x256xf32, #tpu.memory_space<vmem>>
      %dma_start3A_821 = tpu.memref_squeeze %dma_start3A_820 : memref<1x4x8x256xf32, #tpu.memory_space<vmem>> -> memref<4x8x256xf32, #tpu.memory_space<vmem>>
      %dma_start3A_822 = arith.constant 0 : i32
      %dma_start3A_823 = arith.constant 0 : i32
      %dma_start3A_824 = tpu.memref_slice %dma_start3A_821[%dma_start3A_799, %dma_start3A_822, %dma_start3A_823] : memref<4x8x256xf32, #tpu.memory_space<vmem>> -> memref<1x8x256xf32, #tpu.memory_space<vmem>>
      %dma_start3A_825 = tpu.memref_squeeze %dma_start3A_824 : memref<1x8x256xf32, #tpu.memory_space<vmem>> -> memref<8x256xf32, #tpu.memory_space<vmem>>
      %dma_start3A_826 = arith.constant 0 : i32
      %dma_start3A_827 = tpu.memref_slice %dma_start3A_825[%dma_start3A_826, %mul3A_760] : memref<8x256xf32, #tpu.memory_space<vmem>> -> memref<8x16xf32, #tpu.memory_space<vmem>>
      %dma_start3A_828 = arith.constant 0 : i32
      %dma_start3A_829 = arith.constant 0 : i32
      %dma_start3A_830 = tpu.memref_slice %arg5[%dma_start3A_797, %dma_start3A_828, %dma_start3A_829] : memref<4x8x1000000xf32, #tpu.memory_space<hbm>> -> memref<1x8x1000000xf32, #tpu.memory_space<hbm>>
      %dma_start3A_831 = tpu.memref_squeeze %dma_start3A_830 : memref<1x8x1000000xf32, #tpu.memory_space<hbm>> -> memref<8x1000000xf32, #tpu.memory_space<hbm>>
      %dma_start3A_832 = arith.constant 0 : i32
      %dma_start3A_833 = tpu.memref_slice %dma_start3A_831[%dma_start3A_832, %mul3A_758] : memref<8x1000000xf32, #tpu.memory_space<hbm>> -> memref<8x16xf32, #tpu.memory_space<hbm>>
      tpu.enqueue_dma source(%dma_start3A_833 : memref<8x16xf32, #tpu.memory_space<hbm>>) target(%dma_start3A_827 : memref<8x16xf32, #tpu.memory_space<vmem>>) target_semaphore(%arg16 : memref<!tpu.dma_semaphore, #tpu.memory_space<semaphore_mem>>)
      %dma_start3A_834 = arith.constant 1 : i32
      %dma_start3A_835 = arith.constant 0 : i32
      %dma_start3A_836 = arith.constant 1 : i32
      %dma_start3A_837 = arith.constant 0 : i32
      %dma_start3A_838 = arith.constant 0 : i32
      %dma_start3A_839 = arith.constant 0 : i32
      %dma_start3A_840 = tpu.memref_slice %arg11[%dma_start3A_835, %dma_start3A_837, %dma_start3A_838, %dma_start3A_839] : memref<2x4x8x256xf32, #tpu.memory_space<vmem>> -> memref<1x4x8x256xf32, #tpu.memory_space<vmem>>
      %dma_start3A_841 = tpu.memref_squeeze %dma_start3A_840 : memref<1x4x8x256xf32, #tpu.memory_space<vmem>> -> memref<4x8x256xf32, #tpu.memory_space<vmem>>
      %dma_start3A_842 = arith.constant 0 : i32
      %dma_start3A_843 = arith.constant 0 : i32
      %dma_start3A_844 = tpu.memref_slice %dma_start3A_841[%dma_start3A_836, %dma_start3A_842, %dma_start3A_843] : memref<4x8x256xf32, #tpu.memory_space<vmem>> -> memref<1x8x256xf32, #tpu.memory_space<vmem>>
      %dma_start3A_845 = tpu.memref_squeeze %dma_start3A_844 : memref<1x8x256xf32, #tpu.memory_space<vmem>> -> memref<8x256xf32, #tpu.memory_space<vmem>>
      %dma_start3A_846 = arith.constant 0 : i32
      %dma_start3A_847 = tpu.memref_slice %dma_start3A_845[%dma_start3A_846, %mul3A_760] : memref<8x256xf32, #tpu.memory_space<vmem>> -> memref<8x16xf32, #tpu.memory_space<vmem>>
      %dma_start3A_848 = arith.constant 0 : i32
      %dma_start3A_849 = arith.constant 0 : i32
      %dma_start3A_850 = tpu.memref_slice %arg4[%dma_start3A_834, %dma_start3A_848, %dma_start3A_849] : memref<4x8x1000000xf32, #tpu.memory_space<hbm>> -> memref<1x8x1000000xf32, #tpu.memory_space<hbm>>
      %dma_start3A_851 = tpu.memref_squeeze %dma_start3A_850 : memref<1x8x1000000xf32, #tpu.memory_space<hbm>> -> memref<8x1000000xf32, #tpu.memory_space<hbm>>
      %dma_start3A_852 = arith.constant 0 : i32
      %dma_start3A_853 = tpu.memref_slice %dma_start3A_851[%dma_start3A_852, %mul3A_732] : memref<8x1000000xf32, #tpu.memory_space<hbm>> -> memref<8x16xf32, #tpu.memory_space<hbm>>
      %dma_start3A_854 = arith.constant 0 : i32
      %dma_start3A_855 = arith.constant 0 : i32
      %dma_start3A_856 = arith.constant 0 : i32
      %dma_start3A_857 = tpu.memref_slice %arg11[%dma_start3A_835, %dma_start3A_854, %dma_start3A_855, %dma_start3A_856] : memref<2x4x8x256xf32, #tpu.memory_space<vmem>> -> memref<1x4x8x256xf32, #tpu.memory_space<vmem>>
      %dma_start3A_858 = tpu.memref_squeeze %dma_start3A_857 : memref<1x4x8x256xf32, #tpu.memory_space<vmem>> -> memref<4x8x256xf32, #tpu.memory_space<vmem>>
      %dma_start3A_859 = arith.constant 0 : i32
      %dma_start3A_860 = arith.constant 0 : i32
      %dma_start3A_861 = tpu.memref_slice %dma_start3A_858[%dma_start3A_836, %dma_start3A_859, %dma_start3A_860] : memref<4x8x256xf32, #tpu.memory_space<vmem>> -> memref<1x8x256xf32, #tpu.memory_space<vmem>>
      %dma_start3A_862 = tpu.memref_squeeze %dma_start3A_861 : memref<1x8x256xf32, #tpu.memory_space<vmem>> -> memref<8x256xf32, #tpu.memory_space<vmem>>
      %dma_start3A_863 = arith.constant 0 : i32
      %dma_start3A_864 = tpu.memref_slice %dma_start3A_862[%dma_start3A_863, %mul3A_760] : memref<8x256xf32, #tpu.memory_space<vmem>> -> memref<8x16xf32, #tpu.memory_space<vmem>>
      %dma_start3A_865 = arith.constant 0 : i32
      %dma_start3A_866 = arith.constant 0 : i32
      %dma_start3A_867 = tpu.memref_slice %arg4[%dma_start3A_834, %dma_start3A_865, %dma_start3A_866] : memref<4x8x1000000xf32, #tpu.memory_space<hbm>> -> memref<1x8x1000000xf32, #tpu.memory_space<hbm>>
      %dma_start3A_868 = tpu.memref_squeeze %dma_start3A_867 : memref<1x8x1000000xf32, #tpu.memory_space<hbm>> -> memref<8x1000000xf32, #tpu.memory_space<hbm>>
      %dma_start3A_869 = arith.constant 0 : i32
      %dma_start3A_870 = tpu.memref_slice %dma_start3A_868[%dma_start3A_869, %mul3A_732] : memref<8x1000000xf32, #tpu.memory_space<hbm>> -> memref<8x16xf32, #tpu.memory_space<hbm>>
      tpu.enqueue_dma source(%dma_start3A_870 : memref<8x16xf32, #tpu.memory_space<hbm>>) target(%dma_start3A_864 : memref<8x16xf32, #tpu.memory_space<vmem>>) target_semaphore(%arg16 : memref<!tpu.dma_semaphore, #tpu.memory_space<semaphore_mem>>)
      %dma_start3A_871 = arith.constant 1 : i32
      %dma_start3A_872 = arith.constant 0 : i32
      %dma_start3A_873 = arith.constant 1 : i32
      %dma_start3A_874 = arith.constant 0 : i32
      %dma_start3A_875 = arith.constant 0 : i32
      %dma_start3A_876 = arith.constant 0 : i32
      %dma_start3A_877 = tpu.memref_slice %arg12[%dma_start3A_872, %dma_start3A_874, %dma_start3A_875, %dma_start3A_876] : memref<2x4x8x256xf32, #tpu.memory_space<vmem>> -> memref<1x4x8x256xf32, #tpu.memory_space<vmem>>
      %dma_start3A_878 = tpu.memref_squeeze %dma_start3A_877 : memref<1x4x8x256xf32, #tpu.memory_space<vmem>> -> memref<4x8x256xf32, #tpu.memory_space<vmem>>
      %dma_start3A_879 = arith.constant 0 : i32
      %dma_start3A_880 = arith.constant 0 : i32
      %dma_start3A_881 = tpu.memref_slice %dma_start3A_878[%dma_start3A_873, %dma_start3A_879, %dma_start3A_880] : memref<4x8x256xf32, #tpu.memory_space<vmem>> -> memref<1x8x256xf32, #tpu.memory_space<vmem>>
      %dma_start3A_882 = tpu.memref_squeeze %dma_start3A_881 : memref<1x8x256xf32, #tpu.memory_space<vmem>> -> memref<8x256xf32, #tpu.memory_space<vmem>>
      %dma_start3A_883 = arith.constant 0 : i32
      %dma_start3A_884 = tpu.memref_slice %dma_start3A_882[%dma_start3A_883, %mul3A_760] : memref<8x256xf32, #tpu.memory_space<vmem>> -> memref<8x16xf32, #tpu.memory_space<vmem>>
      %dma_start3A_885 = arith.constant 0 : i32
      %dma_start3A_886 = arith.constant 0 : i32
      %dma_start3A_887 = tpu.memref_slice %arg5[%dma_start3A_871, %dma_start3A_885, %dma_start3A_886] : memref<4x8x1000000xf32, #tpu.memory_space<hbm>> -> memref<1x8x1000000xf32, #tpu.memory_space<hbm>>
      %dma_start3A_888 = tpu.memref_squeeze %dma_start3A_887 : memref<1x8x1000000xf32, #tpu.memory_space<hbm>> -> memref<8x1000000xf32, #tpu.memory_space<hbm>>
      %dma_start3A_889 = arith.constant 0 : i32
      %dma_start3A_890 = tpu.memref_slice %dma_start3A_888[%dma_start3A_889, %mul3A_758] : memref<8x1000000xf32, #tpu.memory_space<hbm>> -> memref<8x16xf32, #tpu.memory_space<hbm>>
      %dma_start3A_891 = arith.constant 0 : i32
      %dma_start3A_892 = arith.constant 0 : i32
      %dma_start3A_893 = arith.constant 0 : i32
      %dma_start3A_894 = tpu.memref_slice %arg12[%dma_start3A_872, %dma_start3A_891, %dma_start3A_892, %dma_start3A_893] : memref<2x4x8x256xf32, #tpu.memory_space<vmem>> -> memref<1x4x8x256xf32, #tpu.memory_space<vmem>>
      %dma_start3A_895 = tpu.memref_squeeze %dma_start3A_894 : memref<1x4x8x256xf32, #tpu.memory_space<vmem>> -> memref<4x8x256xf32, #tpu.memory_space<vmem>>
      %dma_start3A_896 = arith.constant 0 : i32
      %dma_start3A_897 = arith.constant 0 : i32
      %dma_start3A_898 = tpu.memref_slice %dma_start3A_895[%dma_start3A_873, %dma_start3A_896, %dma_start3A_897] : memref<4x8x256xf32, #tpu.memory_space<vmem>> -> memref<1x8x256xf32, #tpu.memory_space<vmem>>
      %dma_start3A_899 = tpu.memref_squeeze %dma_start3A_898 : memref<1x8x256xf32, #tpu.memory_space<vmem>> -> memref<8x256xf32, #tpu.memory_space<vmem>>
      %dma_start3A_900 = arith.constant 0 : i32
      %dma_start3A_901 = tpu.memref_slice %dma_start3A_899[%dma_start3A_900, %mul3A_760] : memref<8x256xf32, #tpu.memory_space<vmem>> -> memref<8x16xf32, #tpu.memory_space<vmem>>
      %dma_start3A_902 = arith.constant 0 : i32
      %dma_start3A_903 = arith.constant 0 : i32
      %dma_start3A_904 = tpu.memref_slice %arg5[%dma_start3A_871, %dma_start3A_902, %dma_start3A_903] : memref<4x8x1000000xf32, #tpu.memory_space<hbm>> -> memref<1x8x1000000xf32, #tpu.memory_space<hbm>>
      %dma_start3A_905 = tpu.memref_squeeze %dma_start3A_904 : memref<1x8x1000000xf32, #tpu.memory_space<hbm>> -> memref<8x1000000xf32, #tpu.memory_space<hbm>>
      %dma_start3A_906 = arith.constant 0 : i32
      %dma_start3A_907 = tpu.memref_slice %dma_start3A_905[%dma_start3A_906, %mul3A_758] : memref<8x1000000xf32, #tpu.memory_space<hbm>> -> memref<8x16xf32, #tpu.memory_space<hbm>>
      tpu.enqueue_dma source(%dma_start3A_907 : memref<8x16xf32, #tpu.memory_space<hbm>>) target(%dma_start3A_901 : memref<8x16xf32, #tpu.memory_space<vmem>>) target_semaphore(%arg16 : memref<!tpu.dma_semaphore, #tpu.memory_space<semaphore_mem>>)
      %dma_start3A_908 = arith.constant 2 : i32
      %dma_start3A_909 = arith.constant 0 : i32
      %dma_start3A_910 = arith.constant 2 : i32
      %dma_start3A_911 = arith.constant 0 : i32
      %dma_start3A_912 = arith.constant 0 : i32
      %dma_start3A_913 = arith.constant 0 : i32
      %dma_start3A_914 = tpu.memref_slice %arg11[%dma_start3A_909, %dma_start3A_911, %dma_start3A_912, %dma_start3A_913] : memref<2x4x8x256xf32, #tpu.memory_space<vmem>> -> memref<1x4x8x256xf32, #tpu.memory_space<vmem>>
      %dma_start3A_915 = tpu.memref_squeeze %dma_start3A_914 : memref<1x4x8x256xf32, #tpu.memory_space<vmem>> -> memref<4x8x256xf32, #tpu.memory_space<vmem>>
      %dma_start3A_916 = arith.constant 0 : i32
      %dma_start3A_917 = arith.constant 0 : i32
      %dma_start3A_918 = tpu.memref_slice %dma_start3A_915[%dma_start3A_910, %dma_start3A_916, %dma_start3A_917] : memref<4x8x256xf32, #tpu.memory_space<vmem>> -> memref<1x8x256xf32, #tpu.memory_space<vmem>>
      %dma_start3A_919 = tpu.memref_squeeze %dma_start3A_918 : memref<1x8x256xf32, #tpu.memory_space<vmem>> -> memref<8x256xf32, #tpu.memory_space<vmem>>
      %dma_start3A_920 = arith.constant 0 : i32
      %dma_start3A_921 = tpu.memref_slice %dma_start3A_919[%dma_start3A_920, %mul3A_760] : memref<8x256xf32, #tpu.memory_space<vmem>> -> memref<8x16xf32, #tpu.memory_space<vmem>>
      %dma_start3A_922 = arith.constant 0 : i32
      %dma_start3A_923 = arith.constant 0 : i32
      %dma_start3A_924 = tpu.memref_slice %arg4[%dma_start3A_908, %dma_start3A_922, %dma_start3A_923] : memref<4x8x1000000xf32, #tpu.memory_space<hbm>> -> memref<1x8x1000000xf32, #tpu.memory_space<hbm>>
      %dma_start3A_925 = tpu.memref_squeeze %dma_start3A_924 : memref<1x8x1000000xf32, #tpu.memory_space<hbm>> -> memref<8x1000000xf32, #tpu.memory_space<hbm>>
      %dma_start3A_926 = arith.constant 0 : i32
      %dma_start3A_927 = tpu.memref_slice %dma_start3A_925[%dma_start3A_926, %mul3A_732] : memref<8x1000000xf32, #tpu.memory_space<hbm>> -> memref<8x16xf32, #tpu.memory_space<hbm>>
      %dma_start3A_928 = arith.constant 0 : i32
      %dma_start3A_929 = arith.constant 0 : i32
      %dma_start3A_930 = arith.constant 0 : i32
      %dma_start3A_931 = tpu.memref_slice %arg11[%dma_start3A_909, %dma_start3A_928, %dma_start3A_929, %dma_start3A_930] : memref<2x4x8x256xf32, #tpu.memory_space<vmem>> -> memref<1x4x8x256xf32, #tpu.memory_space<vmem>>
      %dma_start3A_932 = tpu.memref_squeeze %dma_start3A_931 : memref<1x4x8x256xf32, #tpu.memory_space<vmem>> -> memref<4x8x256xf32, #tpu.memory_space<vmem>>
      %dma_start3A_933 = arith.constant 0 : i32
      %dma_start3A_934 = arith.constant 0 : i32
      %dma_start3A_935 = tpu.memref_slice %dma_start3A_932[%dma_start3A_910, %dma_start3A_933, %dma_start3A_934] : memref<4x8x256xf32, #tpu.memory_space<vmem>> -> memref<1x8x256xf32, #tpu.memory_space<vmem>>
      %dma_start3A_936 = tpu.memref_squeeze %dma_start3A_935 : memref<1x8x256xf32, #tpu.memory_space<vmem>> -> memref<8x256xf32, #tpu.memory_space<vmem>>
      %dma_start3A_937 = arith.constant 0 : i32
      %dma_start3A_938 = tpu.memref_slice %dma_start3A_936[%dma_start3A_937, %mul3A_760] : memref<8x256xf32, #tpu.memory_space<vmem>> -> memref<8x16xf32, #tpu.memory_space<vmem>>
      %dma_start3A_939 = arith.constant 0 : i32
      %dma_start3A_940 = arith.constant 0 : i32
      %dma_start3A_941 = tpu.memref_slice %arg4[%dma_start3A_908, %dma_start3A_939, %dma_start3A_940] : memref<4x8x1000000xf32, #tpu.memory_space<hbm>> -> memref<1x8x1000000xf32, #tpu.memory_space<hbm>>
      %dma_start3A_942 = tpu.memref_squeeze %dma_start3A_941 : memref<1x8x1000000xf32, #tpu.memory_space<hbm>> -> memref<8x1000000xf32, #tpu.memory_space<hbm>>
      %dma_start3A_943 = arith.constant 0 : i32
      %dma_start3A_944 = tpu.memref_slice %dma_start3A_942[%dma_start3A_943, %mul3A_732] : memref<8x1000000xf32, #tpu.memory_space<hbm>> -> memref<8x16xf32, #tpu.memory_space<hbm>>
      tpu.enqueue_dma source(%dma_start3A_944 : memref<8x16xf32, #tpu.memory_space<hbm>>) target(%dma_start3A_938 : memref<8x16xf32, #tpu.memory_space<vmem>>) target_semaphore(%arg16 : memref<!tpu.dma_semaphore, #tpu.memory_space<semaphore_mem>>)
      %dma_start3A_945 = arith.constant 2 : i32
      %dma_start3A_946 = arith.constant 0 : i32
      %dma_start3A_947 = arith.constant 2 : i32
      %dma_start3A_948 = arith.constant 0 : i32
      %dma_start3A_949 = arith.constant 0 : i32
      %dma_start3A_950 = arith.constant 0 : i32
      %dma_start3A_951 = tpu.memref_slice %arg12[%dma_start3A_946, %dma_start3A_948, %dma_start3A_949, %dma_start3A_950] : memref<2x4x8x256xf32, #tpu.memory_space<vmem>> -> memref<1x4x8x256xf32, #tpu.memory_space<vmem>>
      %dma_start3A_952 = tpu.memref_squeeze %dma_start3A_951 : memref<1x4x8x256xf32, #tpu.memory_space<vmem>> -> memref<4x8x256xf32, #tpu.memory_space<vmem>>
      %dma_start3A_953 = arith.constant 0 : i32
      %dma_start3A_954 = arith.constant 0 : i32
      %dma_start3A_955 = tpu.memref_slice %dma_start3A_952[%dma_start3A_947, %dma_start3A_953, %dma_start3A_954] : memref<4x8x256xf32, #tpu.memory_space<vmem>> -> memref<1x8x256xf32, #tpu.memory_space<vmem>>
      %dma_start3A_956 = tpu.memref_squeeze %dma_start3A_955 : memref<1x8x256xf32, #tpu.memory_space<vmem>> -> memref<8x256xf32, #tpu.memory_space<vmem>>
      %dma_start3A_957 = arith.constant 0 : i32
      %dma_start3A_958 = tpu.memref_slice %dma_start3A_956[%dma_start3A_957, %mul3A_760] : memref<8x256xf32, #tpu.memory_space<vmem>> -> memref<8x16xf32, #tpu.memory_space<vmem>>
      %dma_start3A_959 = arith.constant 0 : i32
      %dma_start3A_960 = arith.constant 0 : i32
      %dma_start3A_961 = tpu.memref_slice %arg5[%dma_start3A_945, %dma_start3A_959, %dma_start3A_960] : memref<4x8x1000000xf32, #tpu.memory_space<hbm>> -> memref<1x8x1000000xf32, #tpu.memory_space<hbm>>
      %dma_start3A_962 = tpu.memref_squeeze %dma_start3A_961 : memref<1x8x1000000xf32, #tpu.memory_space<hbm>> -> memref<8x1000000xf32, #tpu.memory_space<hbm>>
      %dma_start3A_963 = arith.constant 0 : i32
      %dma_start3A_964 = tpu.memref_slice %dma_start3A_962[%dma_start3A_963, %mul3A_758] : memref<8x1000000xf32, #tpu.memory_space<hbm>> -> memref<8x16xf32, #tpu.memory_space<hbm>>
      %dma_start3A_965 = arith.constant 0 : i32
      %dma_start3A_966 = arith.constant 0 : i32
      %dma_start3A_967 = arith.constant 0 : i32
      %dma_start3A_968 = tpu.memref_slice %arg12[%dma_start3A_946, %dma_start3A_965, %dma_start3A_966, %dma_start3A_967] : memref<2x4x8x256xf32, #tpu.memory_space<vmem>> -> memref<1x4x8x256xf32, #tpu.memory_space<vmem>>
      %dma_start3A_969 = tpu.memref_squeeze %dma_start3A_968 : memref<1x4x8x256xf32, #tpu.memory_space<vmem>> -> memref<4x8x256xf32, #tpu.memory_space<vmem>>
      %dma_start3A_970 = arith.constant 0 : i32
      %dma_start3A_971 = arith.constant 0 : i32
      %dma_start3A_972 = tpu.memref_slice %dma_start3A_969[%dma_start3A_947, %dma_start3A_970, %dma_start3A_971] : memref<4x8x256xf32, #tpu.memory_space<vmem>> -> memref<1x8x256xf32, #tpu.memory_space<vmem>>
      %dma_start3A_973 = tpu.memref_squeeze %dma_start3A_972 : memref<1x8x256xf32, #tpu.memory_space<vmem>> -> memref<8x256xf32, #tpu.memory_space<vmem>>
      %dma_start3A_974 = arith.constant 0 : i32
      %dma_start3A_975 = tpu.memref_slice %dma_start3A_973[%dma_start3A_974, %mul3A_760] : memref<8x256xf32, #tpu.memory_space<vmem>> -> memref<8x16xf32, #tpu.memory_space<vmem>>
      %dma_start3A_976 = arith.constant 0 : i32
      %dma_start3A_977 = arith.constant 0 : i32
      %dma_start3A_978 = tpu.memref_slice %arg5[%dma_start3A_945, %dma_start3A_976, %dma_start3A_977] : memref<4x8x1000000xf32, #tpu.memory_space<hbm>> -> memref<1x8x1000000xf32, #tpu.memory_space<hbm>>
      %dma_start3A_979 = tpu.memref_squeeze %dma_start3A_978 : memref<1x8x1000000xf32, #tpu.memory_space<hbm>> -> memref<8x1000000xf32, #tpu.memory_space<hbm>>
      %dma_start3A_980 = arith.constant 0 : i32
      %dma_start3A_981 = tpu.memref_slice %dma_start3A_979[%dma_start3A_980, %mul3A_758] : memref<8x1000000xf32, #tpu.memory_space<hbm>> -> memref<8x16xf32, #tpu.memory_space<hbm>>
      tpu.enqueue_dma source(%dma_start3A_981 : memref<8x16xf32, #tpu.memory_space<hbm>>) target(%dma_start3A_975 : memref<8x16xf32, #tpu.memory_space<vmem>>) target_semaphore(%arg16 : memref<!tpu.dma_semaphore, #tpu.memory_space<semaphore_mem>>)
      %dma_start3A_982 = arith.constant 3 : i32
      %dma_start3A_983 = arith.constant 0 : i32
      %dma_start3A_984 = arith.constant 3 : i32
      %dma_start3A_985 = arith.constant 0 : i32
      %dma_start3A_986 = arith.constant 0 : i32
      %dma_start3A_987 = arith.constant 0 : i32
      %dma_start3A_988 = tpu.memref_slice %arg11[%dma_start3A_983, %dma_start3A_985, %dma_start3A_986, %dma_start3A_987] : memref<2x4x8x256xf32, #tpu.memory_space<vmem>> -> memref<1x4x8x256xf32, #tpu.memory_space<vmem>>
      %dma_start3A_989 = tpu.memref_squeeze %dma_start3A_988 : memref<1x4x8x256xf32, #tpu.memory_space<vmem>> -> memref<4x8x256xf32, #tpu.memory_space<vmem>>
      %dma_start3A_990 = arith.constant 0 : i32
      %dma_start3A_991 = arith.constant 0 : i32
      %dma_start3A_992 = tpu.memref_slice %dma_start3A_989[%dma_start3A_984, %dma_start3A_990, %dma_start3A_991] : memref<4x8x256xf32, #tpu.memory_space<vmem>> -> memref<1x8x256xf32, #tpu.memory_space<vmem>>
      %dma_start3A_993 = tpu.memref_squeeze %dma_start3A_992 : memref<1x8x256xf32, #tpu.memory_space<vmem>> -> memref<8x256xf32, #tpu.memory_space<vmem>>
      %dma_start3A_994 = arith.constant 0 : i32
      %dma_start3A_995 = tpu.memref_slice %dma_start3A_993[%dma_start3A_994, %mul3A_760] : memref<8x256xf32, #tpu.memory_space<vmem>> -> memref<8x16xf32, #tpu.memory_space<vmem>>
      %dma_start3A_996 = arith.constant 0 : i32
      %dma_start3A_997 = arith.constant 0 : i32
      %dma_start3A_998 = tpu.memref_slice %arg4[%dma_start3A_982, %dma_start3A_996, %dma_start3A_997] : memref<4x8x1000000xf32, #tpu.memory_space<hbm>> -> memref<1x8x1000000xf32, #tpu.memory_space<hbm>>
      %dma_start3A_999 = tpu.memref_squeeze %dma_start3A_998 : memref<1x8x1000000xf32, #tpu.memory_space<hbm>> -> memref<8x1000000xf32, #tpu.memory_space<hbm>>
      %dma_start3A_1000 = arith.constant 0 : i32
      %dma_start3A_1001 = tpu.memref_slice %dma_start3A_999[%dma_start3A_1000, %mul3A_732] : memref<8x1000000xf32, #tpu.memory_space<hbm>> -> memref<8x16xf32, #tpu.memory_space<hbm>>
      %dma_start3A_1002 = arith.constant 0 : i32
      %dma_start3A_1003 = arith.constant 0 : i32
      %dma_start3A_1004 = arith.constant 0 : i32
      %dma_start3A_1005 = tpu.memref_slice %arg11[%dma_start3A_983, %dma_start3A_1002, %dma_start3A_1003, %dma_start3A_1004] : memref<2x4x8x256xf32, #tpu.memory_space<vmem>> -> memref<1x4x8x256xf32, #tpu.memory_space<vmem>>
      %dma_start3A_1006 = tpu.memref_squeeze %dma_start3A_1005 : memref<1x4x8x256xf32, #tpu.memory_space<vmem>> -> memref<4x8x256xf32, #tpu.memory_space<vmem>>
      %dma_start3A_1007 = arith.constant 0 : i32
      %dma_start3A_1008 = arith.constant 0 : i32
      %dma_start3A_1009 = tpu.memref_slice %dma_start3A_1006[%dma_start3A_984, %dma_start3A_1007, %dma_start3A_1008] : memref<4x8x256xf32, #tpu.memory_space<vmem>> -> memref<1x8x256xf32, #tpu.memory_space<vmem>>
      %dma_start3A_1010 = tpu.memref_squeeze %dma_start3A_1009 : memref<1x8x256xf32, #tpu.memory_space<vmem>> -> memref<8x256xf32, #tpu.memory_space<vmem>>
      %dma_start3A_1011 = arith.constant 0 : i32
      %dma_start3A_1012 = tpu.memref_slice %dma_start3A_1010[%dma_start3A_1011, %mul3A_760] : memref<8x256xf32, #tpu.memory_space<vmem>> -> memref<8x16xf32, #tpu.memory_space<vmem>>
      %dma_start3A_1013 = arith.constant 0 : i32
      %dma_start3A_1014 = arith.constant 0 : i32
      %dma_start3A_1015 = tpu.memref_slice %arg4[%dma_start3A_982, %dma_start3A_1013, %dma_start3A_1014] : memref<4x8x1000000xf32, #tpu.memory_space<hbm>> -> memref<1x8x1000000xf32, #tpu.memory_space<hbm>>
      %dma_start3A_1016 = tpu.memref_squeeze %dma_start3A_1015 : memref<1x8x1000000xf32, #tpu.memory_space<hbm>> -> memref<8x1000000xf32, #tpu.memory_space<hbm>>
      %dma_start3A_1017 = arith.constant 0 : i32
      %dma_start3A_1018 = tpu.memref_slice %dma_start3A_1016[%dma_start3A_1017, %mul3A_732] : memref<8x1000000xf32, #tpu.memory_space<hbm>> -> memref<8x16xf32, #tpu.memory_space<hbm>>
      tpu.enqueue_dma source(%dma_start3A_1018 : memref<8x16xf32, #tpu.memory_space<hbm>>) target(%dma_start3A_1012 : memref<8x16xf32, #tpu.memory_space<vmem>>) target_semaphore(%arg16 : memref<!tpu.dma_semaphore, #tpu.memory_space<semaphore_mem>>)
      %dma_start3A_1019 = arith.constant 3 : i32
      %dma_start3A_1020 = arith.constant 0 : i32
      %dma_start3A_1021 = arith.constant 3 : i32
      %dma_start3A_1022 = arith.constant 0 : i32
      %dma_start3A_1023 = arith.constant 0 : i32
      %dma_start3A_1024 = arith.constant 0 : i32
      %dma_start3A_1025 = tpu.memref_slice %arg12[%dma_start3A_1020, %dma_start3A_1022, %dma_start3A_1023, %dma_start3A_1024] : memref<2x4x8x256xf32, #tpu.memory_space<vmem>> -> memref<1x4x8x256xf32, #tpu.memory_space<vmem>>
      %dma_start3A_1026 = tpu.memref_squeeze %dma_start3A_1025 : memref<1x4x8x256xf32, #tpu.memory_space<vmem>> -> memref<4x8x256xf32, #tpu.memory_space<vmem>>
      %dma_start3A_1027 = arith.constant 0 : i32
      %dma_start3A_1028 = arith.constant 0 : i32
      %dma_start3A_1029 = tpu.memref_slice %dma_start3A_1026[%dma_start3A_1021, %dma_start3A_1027, %dma_start3A_1028] : memref<4x8x256xf32, #tpu.memory_space<vmem>> -> memref<1x8x256xf32, #tpu.memory_space<vmem>>
      %dma_start3A_1030 = tpu.memref_squeeze %dma_start3A_1029 : memref<1x8x256xf32, #tpu.memory_space<vmem>> -> memref<8x256xf32, #tpu.memory_space<vmem>>
      %dma_start3A_1031 = arith.constant 0 : i32
      %dma_start3A_1032 = tpu.memref_slice %dma_start3A_1030[%dma_start3A_1031, %mul3A_760] : memref<8x256xf32, #tpu.memory_space<vmem>> -> memref<8x16xf32, #tpu.memory_space<vmem>>
      %dma_start3A_1033 = arith.constant 0 : i32
      %dma_start3A_1034 = arith.constant 0 : i32
      %dma_start3A_1035 = tpu.memref_slice %arg5[%dma_start3A_1019, %dma_start3A_1033, %dma_start3A_1034] : memref<4x8x1000000xf32, #tpu.memory_space<hbm>> -> memref<1x8x1000000xf32, #tpu.memory_space<hbm>>
      %dma_start3A_1036 = tpu.memref_squeeze %dma_start3A_1035 : memref<1x8x1000000xf32, #tpu.memory_space<hbm>> -> memref<8x1000000xf32, #tpu.memory_space<hbm>>
      %dma_start3A_1037 = arith.constant 0 : i32
      %dma_start3A_1038 = tpu.memref_slice %dma_start3A_1036[%dma_start3A_1037, %mul3A_758] : memref<8x1000000xf32, #tpu.memory_space<hbm>> -> memref<8x16xf32, #tpu.memory_space<hbm>>
      %dma_start3A_1039 = arith.constant 0 : i32
      %dma_start3A_1040 = arith.constant 0 : i32
      %dma_start3A_1041 = arith.constant 0 : i32
      %dma_start3A_1042 = tpu.memref_slice %arg12[%dma_start3A_1020, %dma_start3A_1039, %dma_start3A_1040, %dma_start3A_1041] : memref<2x4x8x256xf32, #tpu.memory_space<vmem>> -> memref<1x4x8x256xf32, #tpu.memory_space<vmem>>
      %dma_start3A_1043 = tpu.memref_squeeze %dma_start3A_1042 : memref<1x4x8x256xf32, #tpu.memory_space<vmem>> -> memref<4x8x256xf32, #tpu.memory_space<vmem>>
      %dma_start3A_1044 = arith.constant 0 : i32
      %dma_start3A_1045 = arith.constant 0 : i32
      %dma_start3A_1046 = tpu.memref_slice %dma_start3A_1043[%dma_start3A_1021, %dma_start3A_1044, %dma_start3A_1045] : memref<4x8x256xf32, #tpu.memory_space<vmem>> -> memref<1x8x256xf32, #tpu.memory_space<vmem>>
      %dma_start3A_1047 = tpu.memref_squeeze %dma_start3A_1046 : memref<1x8x256xf32, #tpu.memory_space<vmem>> -> memref<8x256xf32, #tpu.memory_space<vmem>>
      %dma_start3A_1048 = arith.constant 0 : i32
      %dma_start3A_1049 = tpu.memref_slice %dma_start3A_1047[%dma_start3A_1048, %mul3A_760] : memref<8x256xf32, #tpu.memory_space<vmem>> -> memref<8x16xf32, #tpu.memory_space<vmem>>
      %dma_start3A_1050 = arith.constant 0 : i32
      %dma_start3A_1051 = arith.constant 0 : i32
      %dma_start3A_1052 = tpu.memref_slice %arg5[%dma_start3A_1019, %dma_start3A_1050, %dma_start3A_1051] : memref<4x8x1000000xf32, #tpu.memory_space<hbm>> -> memref<1x8x1000000xf32, #tpu.memory_space<hbm>>
      %dma_start3A_1053 = tpu.memref_squeeze %dma_start3A_1052 : memref<1x8x1000000xf32, #tpu.memory_space<hbm>> -> memref<8x1000000xf32, #tpu.memory_space<hbm>>
      %dma_start3A_1054 = arith.constant 0 : i32
      %dma_start3A_1055 = tpu.memref_slice %dma_start3A_1053[%dma_start3A_1054, %mul3A_758] : memref<8x1000000xf32, #tpu.memory_space<hbm>> -> memref<8x16xf32, #tpu.memory_space<hbm>>
      tpu.enqueue_dma source(%dma_start3A_1055 : memref<8x16xf32, #tpu.memory_space<hbm>>) target(%dma_start3A_1049 : memref<8x16xf32, #tpu.memory_space<vmem>>) target_semaphore(%arg16 : memref<!tpu.dma_semaphore, #tpu.memory_space<semaphore_mem>>)
    }
    %scan3A_79 = arith.constant 16 : i32
    %scan3A_80 = arith.constant 0 : i32
    %scan3A_81 = arith.constant 0 : i32
    %scan3A_82 = arith.constant 15 : i32
    %scan3A_83 = arith.addi %scan3A_81, %scan3A_82 : i32
    %scan3A_84 = arith.constant 1 : i32
    scf.for %scan3A_704 = %scan3A_81 to %scan3A_83 step %scan3A_84  : i32 {
      %mul3A_705 = arith.constant 2 : i32
      %mul3A_706 = arith.muli %mul3A_705, %scan3A_704 : i32
      %add3A_707 = arith.constant 1 : i32
      %add3A_708 = arith.addi %mul3A_706, %add3A_707 : i32
      %scan3A_709 = arith.constant 0 : i32
      %scan3A_710 = arith.constant 0 : i32
      %scan3A_711 = arith.constant 16 : i32
      %scan3A_712 = arith.addi %scan3A_710, %scan3A_711 : i32
      %scan3A_713 = arith.constant 1 : i32
      scf.for %scan3A_873 = %scan3A_710 to %scan3A_712 step %scan3A_713  : i32 {
        %mul3A_874 = arith.constant 16 : i32
        %mul3A_875 = arith.muli %add3A_708, %mul3A_874 : i32
        %add3A_876 = arith.addi %mul3A_875, %scan3A_873 : i32
        %get3A_877 = arith.index_cast %add3A_876 : i32 to index
        %get3A_878 = tpu.vector_load %arg9[%get3A_877] {strides = array<i32>} : memref<528xi32, #tpu.memory_space<vmem>>, vector<16xi32>,
        %slice3A = vector.extract_strided_slice %get3A_878 {offsets = [0], sizes = [1], strides = [1]} : vector<16xi32> to vector<1xi32>
        %squeeze3A = vector.extract %slice3A[0] : i32 from vector<1xi32>
        %get3A_879 = arith.index_cast %add3A_876 : i32 to index
        %get3A_880 = tpu.vector_load %arg10[%get3A_879] {strides = array<i32>} : memref<528xi32, #tpu.memory_space<vmem>>, vector<16xi32>,
        %slice3A_881 = vector.extract_strided_slice %get3A_880 {offsets = [0], sizes = [1], strides = [1]} : vector<16xi32> to vector<1xi32>
        %squeeze3A_882 = vector.extract %slice3A_881[0] : i32 from vector<1xi32>
        %jit3A = arith.constant 16 : i32
        %div3A_883 = arith.divsi %squeeze3A, %jit3A : i32
        %sign3A = arith.constant 0 : i32
        %sign3A_884 = arith.cmpi sgt, %squeeze3A, %sign3A : i32
        %sign3A_885 = arith.extui %sign3A_884 : i1 to i32
        %sign3A_886 = arith.constant 0 : i32
        %sign3A_887 = arith.cmpi slt, %squeeze3A, %sign3A_886 : i32
        %sign3A_888 = arith.extui %sign3A_887 : i1 to i32
        %sign3A_889 = arith.subi %sign3A_885, %sign3A_888 : i32
        %sign3A_890 = arith.constant 0 : i32
        %sign3A_891 = arith.cmpi sgt, %jit3A, %sign3A_890 : i32
        %sign3A_892 = arith.extui %sign3A_891 : i1 to i32
        %sign3A_893 = arith.constant 0 : i32
        %sign3A_894 = arith.cmpi slt, %jit3A, %sign3A_893 : i32
        %sign3A_895 = arith.extui %sign3A_894 : i1 to i32
        %sign3A_896 = arith.subi %sign3A_892, %sign3A_895 : i32
        %ne3A = arith.cmpi ne, %sign3A_889, %sign3A_896 : i32
        %rem3A = arith.remsi %squeeze3A, %jit3A : i32
        %ne3A_897 = arith.constant 0 : i32
        %ne3A_898 = arith.cmpi ne, %rem3A, %ne3A_897 : i32
        %and3A_899 = arith.andi %ne3A, %ne3A_898 : i1
        %sub3A = arith.constant 1 : i32
        %sub3A_900 = arith.subi %div3A_883, %sub3A : i32
        %select_n3A = arith.select %and3A_899, %sub3A_900, %div3A_883 : i32
        %mul3A_901 = arith.constant 16 : i32
        %mul3A_902 = arith.muli %select_n3A, %mul3A_901 : i32
        %jit3A_903 = arith.constant 16 : i32
        %div3A_904 = arith.divsi %squeeze3A_882, %jit3A_903 : i32
        %sign3A_905 = arith.constant 0 : i32
        %sign3A_906 = arith.cmpi sgt, %squeeze3A_882, %sign3A_905 : i32
        %sign3A_907 = arith.extui %sign3A_906 : i1 to i32
        %sign3A_908 = arith.constant 0 : i32
        %sign3A_909 = arith.cmpi slt, %squeeze3A_882, %sign3A_908 : i32
        %sign3A_910 = arith.extui %sign3A_909 : i1 to i32
        %sign3A_911 = arith.subi %sign3A_907, %sign3A_910 : i32
        %sign3A_912 = arith.constant 0 : i32
        %sign3A_913 = arith.cmpi sgt, %jit3A_903, %sign3A_912 : i32
        %sign3A_914 = arith.extui %sign3A_913 : i1 to i32
        %sign3A_915 = arith.constant 0 : i32
        %sign3A_916 = arith.cmpi slt, %jit3A_903, %sign3A_915 : i32
        %sign3A_917 = arith.extui %sign3A_916 : i1 to i32
        %sign3A_918 = arith.subi %sign3A_914, %sign3A_917 : i32
        %ne3A_919 = arith.cmpi ne, %sign3A_911, %sign3A_918 : i32
        %rem3A_920 = arith.remsi %squeeze3A_882, %jit3A_903 : i32
        %ne3A_921 = arith.constant 0 : i32
        %ne3A_922 = arith.cmpi ne, %rem3A_920, %ne3A_921 : i32
        %and3A_923 = arith.andi %ne3A_919, %ne3A_922 : i1
        %sub3A_924 = arith.constant 1 : i32
        %sub3A_925 = arith.subi %div3A_904, %sub3A_924 : i32
        %select_n3A_926 = arith.select %and3A_923, %sub3A_925, %div3A_904 : i32
        %mul3A_927 = arith.constant 16 : i32
        %mul3A_928 = arith.muli %select_n3A_926, %mul3A_927 : i32
        %mul3A_929 = arith.constant 16 : i32
        %mul3A_930 = arith.muli %scan3A_873, %mul3A_929 : i32
        %dma_start3A = arith.constant 0 : i32
        %dma_start3A_931 = arith.constant 1 : i32
        %dma_start3A_932 = arith.constant 0 : i32
        %dma_start3A_933 = arith.constant 0 : i32
        %dma_start3A_934 = arith.constant 0 : i32
        %dma_start3A_935 = arith.constant 0 : i32
        %dma_start3A_936 = tpu.memref_slice %arg11[%dma_start3A_931, %dma_start3A_933, %dma_start3A_934, %dma_start3A_935] : memref<2x4x8x256xf32, #tpu.memory_space<vmem>> -> memref<1x4x8x256xf32, #tpu.memory_space<vmem>>
        %dma_start3A_937 = tpu.memref_squeeze %dma_start3A_936 : memref<1x4x8x256xf32, #tpu.memory_space<vmem>> -> memref<4x8x256xf32, #tpu.memory_space<vmem>>
        %dma_start3A_938 = arith.constant 0 : i32
        %dma_start3A_939 = arith.constant 0 : i32
        %dma_start3A_940 = tpu.memref_slice %dma_start3A_937[%dma_start3A_932, %dma_start3A_938, %dma_start3A_939] : memref<4x8x256xf32, #tpu.memory_space<vmem>> -> memref<1x8x256xf32, #tpu.memory_space<vmem>>
        %dma_start3A_941 = tpu.memref_squeeze %dma_start3A_940 : memref<1x8x256xf32, #tpu.memory_space<vmem>> -> memref<8x256xf32, #tpu.memory_space<vmem>>
        %dma_start3A_942 = arith.constant 0 : i32
        %dma_start3A_943 = tpu.memref_slice %dma_start3A_941[%dma_start3A_942, %mul3A_930] : memref<8x256xf32, #tpu.memory_space<vmem>> -> memref<8x16xf32, #tpu.memory_space<vmem>>
        %dma_start3A_944 = arith.constant 0 : i32
        %dma_start3A_945 = arith.constant 0 : i32
        %dma_start3A_946 = tpu.memref_slice %arg4[%dma_start3A, %dma_start3A_944, %dma_start3A_945] : memref<4x8x1000000xf32, #tpu.memory_space<hbm>> -> memref<1x8x1000000xf32, #tpu.memory_space<hbm>>
        %dma_start3A_947 = tpu.memref_squeeze %dma_start3A_946 : memref<1x8x1000000xf32, #tpu.memory_space<hbm>> -> memref<8x1000000xf32, #tpu.memory_space<hbm>>
        %dma_start3A_948 = arith.constant 0 : i32
        %dma_start3A_949 = tpu.memref_slice %dma_start3A_947[%dma_start3A_948, %mul3A_902] : memref<8x1000000xf32, #tpu.memory_space<hbm>> -> memref<8x16xf32, #tpu.memory_space<hbm>>
        %dma_start3A_950 = arith.constant 0 : i32
        %dma_start3A_951 = arith.constant 0 : i32
        %dma_start3A_952 = arith.constant 0 : i32
        %dma_start3A_953 = tpu.memref_slice %arg11[%dma_start3A_931, %dma_start3A_950, %dma_start3A_951, %dma_start3A_952] : memref<2x4x8x256xf32, #tpu.memory_space<vmem>> -> memref<1x4x8x256xf32, #tpu.memory_space<vmem>>
        %dma_start3A_954 = tpu.memref_squeeze %dma_start3A_953 : memref<1x4x8x256xf32, #tpu.memory_space<vmem>> -> memref<4x8x256xf32, #tpu.memory_space<vmem>>
        %dma_start3A_955 = arith.constant 0 : i32
        %dma_start3A_956 = arith.constant 0 : i32
        %dma_start3A_957 = tpu.memref_slice %dma_start3A_954[%dma_start3A_932, %dma_start3A_955, %dma_start3A_956] : memref<4x8x256xf32, #tpu.memory_space<vmem>> -> memref<1x8x256xf32, #tpu.memory_space<vmem>>
        %dma_start3A_958 = tpu.memref_squeeze %dma_start3A_957 : memref<1x8x256xf32, #tpu.memory_space<vmem>> -> memref<8x256xf32, #tpu.memory_space<vmem>>
        %dma_start3A_959 = arith.constant 0 : i32
        %dma_start3A_960 = tpu.memref_slice %dma_start3A_958[%dma_start3A_959, %mul3A_930] : memref<8x256xf32, #tpu.memory_space<vmem>> -> memref<8x16xf32, #tpu.memory_space<vmem>>
        %dma_start3A_961 = arith.constant 0 : i32
        %dma_start3A_962 = arith.constant 0 : i32
        %dma_start3A_963 = tpu.memref_slice %arg4[%dma_start3A, %dma_start3A_961, %dma_start3A_962] : memref<4x8x1000000xf32, #tpu.memory_space<hbm>> -> memref<1x8x1000000xf32, #tpu.memory_space<hbm>>
        %dma_start3A_964 = tpu.memref_squeeze %dma_start3A_963 : memref<1x8x1000000xf32, #tpu.memory_space<hbm>> -> memref<8x1000000xf32, #tpu.memory_space<hbm>>
        %dma_start3A_965 = arith.constant 0 : i32
        %dma_start3A_966 = tpu.memref_slice %dma_start3A_964[%dma_start3A_965, %mul3A_902] : memref<8x1000000xf32, #tpu.memory_space<hbm>> -> memref<8x16xf32, #tpu.memory_space<hbm>>
        tpu.enqueue_dma source(%dma_start3A_966 : memref<8x16xf32, #tpu.memory_space<hbm>>) target(%dma_start3A_960 : memref<8x16xf32, #tpu.memory_space<vmem>>) target_semaphore(%arg17 : memref<!tpu.dma_semaphore, #tpu.memory_space<semaphore_mem>>)
        %dma_start3A_967 = arith.constant 0 : i32
        %dma_start3A_968 = arith.constant 1 : i32
        %dma_start3A_969 = arith.constant 0 : i32
        %dma_start3A_970 = arith.constant 0 : i32
        %dma_start3A_971 = arith.constant 0 : i32
        %dma_start3A_972 = arith.constant 0 : i32
        %dma_start3A_973 = tpu.memref_slice %arg12[%dma_start3A_968, %dma_start3A_970, %dma_start3A_971, %dma_start3A_972] : memref<2x4x8x256xf32, #tpu.memory_space<vmem>> -> memref<1x4x8x256xf32, #tpu.memory_space<vmem>>
        %dma_start3A_974 = tpu.memref_squeeze %dma_start3A_973 : memref<1x4x8x256xf32, #tpu.memory_space<vmem>> -> memref<4x8x256xf32, #tpu.memory_space<vmem>>
        %dma_start3A_975 = arith.constant 0 : i32
        %dma_start3A_976 = arith.constant 0 : i32
        %dma_start3A_977 = tpu.memref_slice %dma_start3A_974[%dma_start3A_969, %dma_start3A_975, %dma_start3A_976] : memref<4x8x256xf32, #tpu.memory_space<vmem>> -> memref<1x8x256xf32, #tpu.memory_space<vmem>>
        %dma_start3A_978 = tpu.memref_squeeze %dma_start3A_977 : memref<1x8x256xf32, #tpu.memory_space<vmem>> -> memref<8x256xf32, #tpu.memory_space<vmem>>
        %dma_start3A_979 = arith.constant 0 : i32
        %dma_start3A_980 = tpu.memref_slice %dma_start3A_978[%dma_start3A_979, %mul3A_930] : memref<8x256xf32, #tpu.memory_space<vmem>> -> memref<8x16xf32, #tpu.memory_space<vmem>>
        %dma_start3A_981 = arith.constant 0 : i32
        %dma_start3A_982 = arith.constant 0 : i32
        %dma_start3A_983 = tpu.memref_slice %arg5[%dma_start3A_967, %dma_start3A_981, %dma_start3A_982] : memref<4x8x1000000xf32, #tpu.memory_space<hbm>> -> memref<1x8x1000000xf32, #tpu.memory_space<hbm>>
        %dma_start3A_984 = tpu.memref_squeeze %dma_start3A_983 : memref<1x8x1000000xf32, #tpu.memory_space<hbm>> -> memref<8x1000000xf32, #tpu.memory_space<hbm>>
        %dma_start3A_985 = arith.constant 0 : i32
        %dma_start3A_986 = tpu.memref_slice %dma_start3A_984[%dma_start3A_985, %mul3A_928] : memref<8x1000000xf32, #tpu.memory_space<hbm>> -> memref<8x16xf32, #tpu.memory_space<hbm>>
        %dma_start3A_987 = arith.constant 0 : i32
        %dma_start3A_988 = arith.constant 0 : i32
        %dma_start3A_989 = arith.constant 0 : i32
        %dma_start3A_990 = tpu.memref_slice %arg12[%dma_start3A_968, %dma_start3A_987, %dma_start3A_988, %dma_start3A_989] : memref<2x4x8x256xf32, #tpu.memory_space<vmem>> -> memref<1x4x8x256xf32, #tpu.memory_space<vmem>>
        %dma_start3A_991 = tpu.memref_squeeze %dma_start3A_990 : memref<1x4x8x256xf32, #tpu.memory_space<vmem>> -> memref<4x8x256xf32, #tpu.memory_space<vmem>>
        %dma_start3A_992 = arith.constant 0 : i32
        %dma_start3A_993 = arith.constant 0 : i32
        %dma_start3A_994 = tpu.memref_slice %dma_start3A_991[%dma_start3A_969, %dma_start3A_992, %dma_start3A_993] : memref<4x8x256xf32, #tpu.memory_space<vmem>> -> memref<1x8x256xf32, #tpu.memory_space<vmem>>
        %dma_start3A_995 = tpu.memref_squeeze %dma_start3A_994 : memref<1x8x256xf32, #tpu.memory_space<vmem>> -> memref<8x256xf32, #tpu.memory_space<vmem>>
        %dma_start3A_996 = arith.constant 0 : i32
        %dma_start3A_997 = tpu.memref_slice %dma_start3A_995[%dma_start3A_996, %mul3A_930] : memref<8x256xf32, #tpu.memory_space<vmem>> -> memref<8x16xf32, #tpu.memory_space<vmem>>
        %dma_start3A_998 = arith.constant 0 : i32
        %dma_start3A_999 = arith.constant 0 : i32
        %dma_start3A_1000 = tpu.memref_slice %arg5[%dma_start3A_967, %dma_start3A_998, %dma_start3A_999] : memref<4x8x1000000xf32, #tpu.memory_space<hbm>> -> memref<1x8x1000000xf32, #tpu.memory_space<hbm>>
        %dma_start3A_1001 = tpu.memref_squeeze %dma_start3A_1000 : memref<1x8x1000000xf32, #tpu.memory_space<hbm>> -> memref<8x1000000xf32, #tpu.memory_space<hbm>>
        %dma_start3A_1002 = arith.constant 0 : i32
        %dma_start3A_1003 = tpu.memref_slice %dma_start3A_1001[%dma_start3A_1002, %mul3A_928] : memref<8x1000000xf32, #tpu.memory_space<hbm>> -> memref<8x16xf32, #tpu.memory_space<hbm>>
        tpu.enqueue_dma source(%dma_start3A_1003 : memref<8x16xf32, #tpu.memory_space<hbm>>) target(%dma_start3A_997 : memref<8x16xf32, #tpu.memory_space<vmem>>) target_semaphore(%arg17 : memref<!tpu.dma_semaphore, #tpu.memory_space<semaphore_mem>>)
        %dma_start3A_1004 = arith.constant 1 : i32
        %dma_start3A_1005 = arith.constant 1 : i32
        %dma_start3A_1006 = arith.constant 1 : i32
        %dma_start3A_1007 = arith.constant 0 : i32
        %dma_start3A_1008 = arith.constant 0 : i32
        %dma_start3A_1009 = arith.constant 0 : i32
        %dma_start3A_1010 = tpu.memref_slice %arg11[%dma_start3A_1005, %dma_start3A_1007, %dma_start3A_1008, %dma_start3A_1009] : memref<2x4x8x256xf32, #tpu.memory_space<vmem>> -> memref<1x4x8x256xf32, #tpu.memory_space<vmem>>
        %dma_start3A_1011 = tpu.memref_squeeze %dma_start3A_1010 : memref<1x4x8x256xf32, #tpu.memory_space<vmem>> -> memref<4x8x256xf32, #tpu.memory_space<vmem>>
        %dma_start3A_1012 = arith.constant 0 : i32
        %dma_start3A_1013 = arith.constant 0 : i32
        %dma_start3A_1014 = tpu.memref_slice %dma_start3A_1011[%dma_start3A_1006, %dma_start3A_1012, %dma_start3A_1013] : memref<4x8x256xf32, #tpu.memory_space<vmem>> -> memref<1x8x256xf32, #tpu.memory_space<vmem>>
        %dma_start3A_1015 = tpu.memref_squeeze %dma_start3A_1014 : memref<1x8x256xf32, #tpu.memory_space<vmem>> -> memref<8x256xf32, #tpu.memory_space<vmem>>
        %dma_start3A_1016 = arith.constant 0 : i32
        %dma_start3A_1017 = tpu.memref_slice %dma_start3A_1015[%dma_start3A_1016, %mul3A_930] : memref<8x256xf32, #tpu.memory_space<vmem>> -> memref<8x16xf32, #tpu.memory_space<vmem>>
        %dma_start3A_1018 = arith.constant 0 : i32
        %dma_start3A_1019 = arith.constant 0 : i32
        %dma_start3A_1020 = tpu.memref_slice %arg4[%dma_start3A_1004, %dma_start3A_1018, %dma_start3A_1019] : memref<4x8x1000000xf32, #tpu.memory_space<hbm>> -> memref<1x8x1000000xf32, #tpu.memory_space<hbm>>
        %dma_start3A_1021 = tpu.memref_squeeze %dma_start3A_1020 : memref<1x8x1000000xf32, #tpu.memory_space<hbm>> -> memref<8x1000000xf32, #tpu.memory_space<hbm>>
        %dma_start3A_1022 = arith.constant 0 : i32
        %dma_start3A_1023 = tpu.memref_slice %dma_start3A_1021[%dma_start3A_1022, %mul3A_902] : memref<8x1000000xf32, #tpu.memory_space<hbm>> -> memref<8x16xf32, #tpu.memory_space<hbm>>
        %dma_start3A_1024 = arith.constant 0 : i32
        %dma_start3A_1025 = arith.constant 0 : i32
        %dma_start3A_1026 = arith.constant 0 : i32
        %dma_start3A_1027 = tpu.memref_slice %arg11[%dma_start3A_1005, %dma_start3A_1024, %dma_start3A_1025, %dma_start3A_1026] : memref<2x4x8x256xf32, #tpu.memory_space<vmem>> -> memref<1x4x8x256xf32, #tpu.memory_space<vmem>>
        %dma_start3A_1028 = tpu.memref_squeeze %dma_start3A_1027 : memref<1x4x8x256xf32, #tpu.memory_space<vmem>> -> memref<4x8x256xf32, #tpu.memory_space<vmem>>
        %dma_start3A_1029 = arith.constant 0 : i32
        %dma_start3A_1030 = arith.constant 0 : i32
        %dma_start3A_1031 = tpu.memref_slice %dma_start3A_1028[%dma_start3A_1006, %dma_start3A_1029, %dma_start3A_1030] : memref<4x8x256xf32, #tpu.memory_space<vmem>> -> memref<1x8x256xf32, #tpu.memory_space<vmem>>
        %dma_start3A_1032 = tpu.memref_squeeze %dma_start3A_1031 : memref<1x8x256xf32, #tpu.memory_space<vmem>> -> memref<8x256xf32, #tpu.memory_space<vmem>>
        %dma_start3A_1033 = arith.constant 0 : i32
        %dma_start3A_1034 = tpu.memref_slice %dma_start3A_1032[%dma_start3A_1033, %mul3A_930] : memref<8x256xf32, #tpu.memory_space<vmem>> -> memref<8x16xf32, #tpu.memory_space<vmem>>
        %dma_start3A_1035 = arith.constant 0 : i32
        %dma_start3A_1036 = arith.constant 0 : i32
        %dma_start3A_1037 = tpu.memref_slice %arg4[%dma_start3A_1004, %dma_start3A_1035, %dma_start3A_1036] : memref<4x8x1000000xf32, #tpu.memory_space<hbm>> -> memref<1x8x1000000xf32, #tpu.memory_space<hbm>>
        %dma_start3A_1038 = tpu.memref_squeeze %dma_start3A_1037 : memref<1x8x1000000xf32, #tpu.memory_space<hbm>> -> memref<8x1000000xf32, #tpu.memory_space<hbm>>
        %dma_start3A_1039 = arith.constant 0 : i32
        %dma_start3A_1040 = tpu.memref_slice %dma_start3A_1038[%dma_start3A_1039, %mul3A_902] : memref<8x1000000xf32, #tpu.memory_space<hbm>> -> memref<8x16xf32, #tpu.memory_space<hbm>>
        tpu.enqueue_dma source(%dma_start3A_1040 : memref<8x16xf32, #tpu.memory_space<hbm>>) target(%dma_start3A_1034 : memref<8x16xf32, #tpu.memory_space<vmem>>) target_semaphore(%arg17 : memref<!tpu.dma_semaphore, #tpu.memory_space<semaphore_mem>>)
        %dma_start3A_1041 = arith.constant 1 : i32
        %dma_start3A_1042 = arith.constant 1 : i32
        %dma_start3A_1043 = arith.constant 1 : i32
        %dma_start3A_1044 = arith.constant 0 : i32
        %dma_start3A_1045 = arith.constant 0 : i32
        %dma_start3A_1046 = arith.constant 0 : i32
        %dma_start3A_1047 = tpu.memref_slice %arg12[%dma_start3A_1042, %dma_start3A_1044, %dma_start3A_1045, %dma_start3A_1046] : memref<2x4x8x256xf32, #tpu.memory_space<vmem>> -> memref<1x4x8x256xf32, #tpu.memory_space<vmem>>
        %dma_start3A_1048 = tpu.memref_squeeze %dma_start3A_1047 : memref<1x4x8x256xf32, #tpu.memory_space<vmem>> -> memref<4x8x256xf32, #tpu.memory_space<vmem>>
        %dma_start3A_1049 = arith.constant 0 : i32
        %dma_start3A_1050 = arith.constant 0 : i32
        %dma_start3A_1051 = tpu.memref_slice %dma_start3A_1048[%dma_start3A_1043, %dma_start3A_1049, %dma_start3A_1050] : memref<4x8x256xf32, #tpu.memory_space<vmem>> -> memref<1x8x256xf32, #tpu.memory_space<vmem>>
        %dma_start3A_1052 = tpu.memref_squeeze %dma_start3A_1051 : memref<1x8x256xf32, #tpu.memory_space<vmem>> -> memref<8x256xf32, #tpu.memory_space<vmem>>
        %dma_start3A_1053 = arith.constant 0 : i32
        %dma_start3A_1054 = tpu.memref_slice %dma_start3A_1052[%dma_start3A_1053, %mul3A_930] : memref<8x256xf32, #tpu.memory_space<vmem>> -> memref<8x16xf32, #tpu.memory_space<vmem>>
        %dma_start3A_1055 = arith.constant 0 : i32
        %dma_start3A_1056 = arith.constant 0 : i32
        %dma_start3A_1057 = tpu.memref_slice %arg5[%dma_start3A_1041, %dma_start3A_1055, %dma_start3A_1056] : memref<4x8x1000000xf32, #tpu.memory_space<hbm>> -> memref<1x8x1000000xf32, #tpu.memory_space<hbm>>
        %dma_start3A_1058 = tpu.memref_squeeze %dma_start3A_1057 : memref<1x8x1000000xf32, #tpu.memory_space<hbm>> -> memref<8x1000000xf32, #tpu.memory_space<hbm>>
        %dma_start3A_1059 = arith.constant 0 : i32
        %dma_start3A_1060 = tpu.memref_slice %dma_start3A_1058[%dma_start3A_1059, %mul3A_928] : memref<8x1000000xf32, #tpu.memory_space<hbm>> -> memref<8x16xf32, #tpu.memory_space<hbm>>
        %dma_start3A_1061 = arith.constant 0 : i32
        %dma_start3A_1062 = arith.constant 0 : i32
        %dma_start3A_1063 = arith.constant 0 : i32
        %dma_start3A_1064 = tpu.memref_slice %arg12[%dma_start3A_1042, %dma_start3A_1061, %dma_start3A_1062, %dma_start3A_1063] : memref<2x4x8x256xf32, #tpu.memory_space<vmem>> -> memref<1x4x8x256xf32, #tpu.memory_space<vmem>>
        %dma_start3A_1065 = tpu.memref_squeeze %dma_start3A_1064 : memref<1x4x8x256xf32, #tpu.memory_space<vmem>> -> memref<4x8x256xf32, #tpu.memory_space<vmem>>
        %dma_start3A_1066 = arith.constant 0 : i32
        %dma_start3A_1067 = arith.constant 0 : i32
        %dma_start3A_1068 = tpu.memref_slice %dma_start3A_1065[%dma_start3A_1043, %dma_start3A_1066, %dma_start3A_1067] : memref<4x8x256xf32, #tpu.memory_space<vmem>> -> memref<1x8x256xf32, #tpu.memory_space<vmem>>
        %dma_start3A_1069 = tpu.memref_squeeze %dma_start3A_1068 : memref<1x8x256xf32, #tpu.memory_space<vmem>> -> memref<8x256xf32, #tpu.memory_space<vmem>>
        %dma_start3A_1070 = arith.constant 0 : i32
        %dma_start3A_1071 = tpu.memref_slice %dma_start3A_1069[%dma_start3A_1070, %mul3A_930] : memref<8x256xf32, #tpu.memory_space<vmem>> -> memref<8x16xf32, #tpu.memory_space<vmem>>
        %dma_start3A_1072 = arith.constant 0 : i32
        %dma_start3A_1073 = arith.constant 0 : i32
        %dma_start3A_1074 = tpu.memref_slice %arg5[%dma_start3A_1041, %dma_start3A_1072, %dma_start3A_1073] : memref<4x8x1000000xf32, #tpu.memory_space<hbm>> -> memref<1x8x1000000xf32, #tpu.memory_space<hbm>>
        %dma_start3A_1075 = tpu.memref_squeeze %dma_start3A_1074 : memref<1x8x1000000xf32, #tpu.memory_space<hbm>> -> memref<8x1000000xf32, #tpu.memory_space<hbm>>
        %dma_start3A_1076 = arith.constant 0 : i32
        %dma_start3A_1077 = tpu.memref_slice %dma_start3A_1075[%dma_start3A_1076, %mul3A_928] : memref<8x1000000xf32, #tpu.memory_space<hbm>> -> memref<8x16xf32, #tpu.memory_space<hbm>>
        tpu.enqueue_dma source(%dma_start3A_1077 : memref<8x16xf32, #tpu.memory_space<hbm>>) target(%dma_start3A_1071 : memref<8x16xf32, #tpu.memory_space<vmem>>) target_semaphore(%arg17 : memref<!tpu.dma_semaphore, #tpu.memory_space<semaphore_mem>>)
        %dma_start3A_1078 = arith.constant 2 : i32
        %dma_start3A_1079 = arith.constant 1 : i32
        %dma_start3A_1080 = arith.constant 2 : i32
        %dma_start3A_1081 = arith.constant 0 : i32
        %dma_start3A_1082 = arith.constant 0 : i32
        %dma_start3A_1083 = arith.constant 0 : i32
        %dma_start3A_1084 = tpu.memref_slice %arg11[%dma_start3A_1079, %dma_start3A_1081, %dma_start3A_1082, %dma_start3A_1083] : memref<2x4x8x256xf32, #tpu.memory_space<vmem>> -> memref<1x4x8x256xf32, #tpu.memory_space<vmem>>
        %dma_start3A_1085 = tpu.memref_squeeze %dma_start3A_1084 : memref<1x4x8x256xf32, #tpu.memory_space<vmem>> -> memref<4x8x256xf32, #tpu.memory_space<vmem>>
        %dma_start3A_1086 = arith.constant 0 : i32
        %dma_start3A_1087 = arith.constant 0 : i32
        %dma_start3A_1088 = tpu.memref_slice %dma_start3A_1085[%dma_start3A_1080, %dma_start3A_1086, %dma_start3A_1087] : memref<4x8x256xf32, #tpu.memory_space<vmem>> -> memref<1x8x256xf32, #tpu.memory_space<vmem>>
        %dma_start3A_1089 = tpu.memref_squeeze %dma_start3A_1088 : memref<1x8x256xf32, #tpu.memory_space<vmem>> -> memref<8x256xf32, #tpu.memory_space<vmem>>
        %dma_start3A_1090 = arith.constant 0 : i32
        %dma_start3A_1091 = tpu.memref_slice %dma_start3A_1089[%dma_start3A_1090, %mul3A_930] : memref<8x256xf32, #tpu.memory_space<vmem>> -> memref<8x16xf32, #tpu.memory_space<vmem>>
        %dma_start3A_1092 = arith.constant 0 : i32
        %dma_start3A_1093 = arith.constant 0 : i32
        %dma_start3A_1094 = tpu.memref_slice %arg4[%dma_start3A_1078, %dma_start3A_1092, %dma_start3A_1093] : memref<4x8x1000000xf32, #tpu.memory_space<hbm>> -> memref<1x8x1000000xf32, #tpu.memory_space<hbm>>
        %dma_start3A_1095 = tpu.memref_squeeze %dma_start3A_1094 : memref<1x8x1000000xf32, #tpu.memory_space<hbm>> -> memref<8x1000000xf32, #tpu.memory_space<hbm>>
        %dma_start3A_1096 = arith.constant 0 : i32
        %dma_start3A_1097 = tpu.memref_slice %dma_start3A_1095[%dma_start3A_1096, %mul3A_902] : memref<8x1000000xf32, #tpu.memory_space<hbm>> -> memref<8x16xf32, #tpu.memory_space<hbm>>
        %dma_start3A_1098 = arith.constant 0 : i32
        %dma_start3A_1099 = arith.constant 0 : i32
        %dma_start3A_1100 = arith.constant 0 : i32
        %dma_start3A_1101 = tpu.memref_slice %arg11[%dma_start3A_1079, %dma_start3A_1098, %dma_start3A_1099, %dma_start3A_1100] : memref<2x4x8x256xf32, #tpu.memory_space<vmem>> -> memref<1x4x8x256xf32, #tpu.memory_space<vmem>>
        %dma_start3A_1102 = tpu.memref_squeeze %dma_start3A_1101 : memref<1x4x8x256xf32, #tpu.memory_space<vmem>> -> memref<4x8x256xf32, #tpu.memory_space<vmem>>
        %dma_start3A_1103 = arith.constant 0 : i32
        %dma_start3A_1104 = arith.constant 0 : i32
        %dma_start3A_1105 = tpu.memref_slice %dma_start3A_1102[%dma_start3A_1080, %dma_start3A_1103, %dma_start3A_1104] : memref<4x8x256xf32, #tpu.memory_space<vmem>> -> memref<1x8x256xf32, #tpu.memory_space<vmem>>
        %dma_start3A_1106 = tpu.memref_squeeze %dma_start3A_1105 : memref<1x8x256xf32, #tpu.memory_space<vmem>> -> memref<8x256xf32, #tpu.memory_space<vmem>>
        %dma_start3A_1107 = arith.constant 0 : i32
        %dma_start3A_1108 = tpu.memref_slice %dma_start3A_1106[%dma_start3A_1107, %mul3A_930] : memref<8x256xf32, #tpu.memory_space<vmem>> -> memref<8x16xf32, #tpu.memory_space<vmem>>
        %dma_start3A_1109 = arith.constant 0 : i32
        %dma_start3A_1110 = arith.constant 0 : i32
        %dma_start3A_1111 = tpu.memref_slice %arg4[%dma_start3A_1078, %dma_start3A_1109, %dma_start3A_1110] : memref<4x8x1000000xf32, #tpu.memory_space<hbm>> -> memref<1x8x1000000xf32, #tpu.memory_space<hbm>>
        %dma_start3A_1112 = tpu.memref_squeeze %dma_start3A_1111 : memref<1x8x1000000xf32, #tpu.memory_space<hbm>> -> memref<8x1000000xf32, #tpu.memory_space<hbm>>
        %dma_start3A_1113 = arith.constant 0 : i32
        %dma_start3A_1114 = tpu.memref_slice %dma_start3A_1112[%dma_start3A_1113, %mul3A_902] : memref<8x1000000xf32, #tpu.memory_space<hbm>> -> memref<8x16xf32, #tpu.memory_space<hbm>>
        tpu.enqueue_dma source(%dma_start3A_1114 : memref<8x16xf32, #tpu.memory_space<hbm>>) target(%dma_start3A_1108 : memref<8x16xf32, #tpu.memory_space<vmem>>) target_semaphore(%arg17 : memref<!tpu.dma_semaphore, #tpu.memory_space<semaphore_mem>>)
        %dma_start3A_1115 = arith.constant 2 : i32
        %dma_start3A_1116 = arith.constant 1 : i32
        %dma_start3A_1117 = arith.constant 2 : i32
        %dma_start3A_1118 = arith.constant 0 : i32
        %dma_start3A_1119 = arith.constant 0 : i32
        %dma_start3A_1120 = arith.constant 0 : i32
        %dma_start3A_1121 = tpu.memref_slice %arg12[%dma_start3A_1116, %dma_start3A_1118, %dma_start3A_1119, %dma_start3A_1120] : memref<2x4x8x256xf32, #tpu.memory_space<vmem>> -> memref<1x4x8x256xf32, #tpu.memory_space<vmem>>
        %dma_start3A_1122 = tpu.memref_squeeze %dma_start3A_1121 : memref<1x4x8x256xf32, #tpu.memory_space<vmem>> -> memref<4x8x256xf32, #tpu.memory_space<vmem>>
        %dma_start3A_1123 = arith.constant 0 : i32
        %dma_start3A_1124 = arith.constant 0 : i32
        %dma_start3A_1125 = tpu.memref_slice %dma_start3A_1122[%dma_start3A_1117, %dma_start3A_1123, %dma_start3A_1124] : memref<4x8x256xf32, #tpu.memory_space<vmem>> -> memref<1x8x256xf32, #tpu.memory_space<vmem>>
        %dma_start3A_1126 = tpu.memref_squeeze %dma_start3A_1125 : memref<1x8x256xf32, #tpu.memory_space<vmem>> -> memref<8x256xf32, #tpu.memory_space<vmem>>
        %dma_start3A_1127 = arith.constant 0 : i32
        %dma_start3A_1128 = tpu.memref_slice %dma_start3A_1126[%dma_start3A_1127, %mul3A_930] : memref<8x256xf32, #tpu.memory_space<vmem>> -> memref<8x16xf32, #tpu.memory_space<vmem>>
        %dma_start3A_1129 = arith.constant 0 : i32
        %dma_start3A_1130 = arith.constant 0 : i32
        %dma_start3A_1131 = tpu.memref_slice %arg5[%dma_start3A_1115, %dma_start3A_1129, %dma_start3A_1130] : memref<4x8x1000000xf32, #tpu.memory_space<hbm>> -> memref<1x8x1000000xf32, #tpu.memory_space<hbm>>
        %dma_start3A_1132 = tpu.memref_squeeze %dma_start3A_1131 : memref<1x8x1000000xf32, #tpu.memory_space<hbm>> -> memref<8x1000000xf32, #tpu.memory_space<hbm>>
        %dma_start3A_1133 = arith.constant 0 : i32
        %dma_start3A_1134 = tpu.memref_slice %dma_start3A_1132[%dma_start3A_1133, %mul3A_928] : memref<8x1000000xf32, #tpu.memory_space<hbm>> -> memref<8x16xf32, #tpu.memory_space<hbm>>
        %dma_start3A_1135 = arith.constant 0 : i32
        %dma_start3A_1136 = arith.constant 0 : i32
        %dma_start3A_1137 = arith.constant 0 : i32
        %dma_start3A_1138 = tpu.memref_slice %arg12[%dma_start3A_1116, %dma_start3A_1135, %dma_start3A_1136, %dma_start3A_1137] : memref<2x4x8x256xf32, #tpu.memory_space<vmem>> -> memref<1x4x8x256xf32, #tpu.memory_space<vmem>>
        %dma_start3A_1139 = tpu.memref_squeeze %dma_start3A_1138 : memref<1x4x8x256xf32, #tpu.memory_space<vmem>> -> memref<4x8x256xf32, #tpu.memory_space<vmem>>
        %dma_start3A_1140 = arith.constant 0 : i32
        %dma_start3A_1141 = arith.constant 0 : i32
        %dma_start3A_1142 = tpu.memref_slice %dma_start3A_1139[%dma_start3A_1117, %dma_start3A_1140, %dma_start3A_1141] : memref<4x8x256xf32, #tpu.memory_space<vmem>> -> memref<1x8x256xf32, #tpu.memory_space<vmem>>
        %dma_start3A_1143 = tpu.memref_squeeze %dma_start3A_1142 : memref<1x8x256xf32, #tpu.memory_space<vmem>> -> memref<8x256xf32, #tpu.memory_space<vmem>>
        %dma_start3A_1144 = arith.constant 0 : i32
        %dma_start3A_1145 = tpu.memref_slice %dma_start3A_1143[%dma_start3A_1144, %mul3A_930] : memref<8x256xf32, #tpu.memory_space<vmem>> -> memref<8x16xf32, #tpu.memory_space<vmem>>
        %dma_start3A_1146 = arith.constant 0 : i32
        %dma_start3A_1147 = arith.constant 0 : i32
        %dma_start3A_1148 = tpu.memref_slice %arg5[%dma_start3A_1115, %dma_start3A_1146, %dma_start3A_1147] : memref<4x8x1000000xf32, #tpu.memory_space<hbm>> -> memref<1x8x1000000xf32, #tpu.memory_space<hbm>>
        %dma_start3A_1149 = tpu.memref_squeeze %dma_start3A_1148 : memref<1x8x1000000xf32, #tpu.memory_space<hbm>> -> memref<8x1000000xf32, #tpu.memory_space<hbm>>
        %dma_start3A_1150 = arith.constant 0 : i32
        %dma_start3A_1151 = tpu.memref_slice %dma_start3A_1149[%dma_start3A_1150, %mul3A_928] : memref<8x1000000xf32, #tpu.memory_space<hbm>> -> memref<8x16xf32, #tpu.memory_space<hbm>>
        tpu.enqueue_dma source(%dma_start3A_1151 : memref<8x16xf32, #tpu.memory_space<hbm>>) target(%dma_start3A_1145 : memref<8x16xf32, #tpu.memory_space<vmem>>) target_semaphore(%arg17 : memref<!tpu.dma_semaphore, #tpu.memory_space<semaphore_mem>>)
        %dma_start3A_1152 = arith.constant 3 : i32
        %dma_start3A_1153 = arith.constant 1 : i32
        %dma_start3A_1154 = arith.constant 3 : i32
        %dma_start3A_1155 = arith.constant 0 : i32
        %dma_start3A_1156 = arith.constant 0 : i32
        %dma_start3A_1157 = arith.constant 0 : i32
        %dma_start3A_1158 = tpu.memref_slice %arg11[%dma_start3A_1153, %dma_start3A_1155, %dma_start3A_1156, %dma_start3A_1157] : memref<2x4x8x256xf32, #tpu.memory_space<vmem>> -> memref<1x4x8x256xf32, #tpu.memory_space<vmem>>
        %dma_start3A_1159 = tpu.memref_squeeze %dma_start3A_1158 : memref<1x4x8x256xf32, #tpu.memory_space<vmem>> -> memref<4x8x256xf32, #tpu.memory_space<vmem>>
        %dma_start3A_1160 = arith.constant 0 : i32
        %dma_start3A_1161 = arith.constant 0 : i32
        %dma_start3A_1162 = tpu.memref_slice %dma_start3A_1159[%dma_start3A_1154, %dma_start3A_1160, %dma_start3A_1161] : memref<4x8x256xf32, #tpu.memory_space<vmem>> -> memref<1x8x256xf32, #tpu.memory_space<vmem>>
        %dma_start3A_1163 = tpu.memref_squeeze %dma_start3A_1162 : memref<1x8x256xf32, #tpu.memory_space<vmem>> -> memref<8x256xf32, #tpu.memory_space<vmem>>
        %dma_start3A_1164 = arith.constant 0 : i32
        %dma_start3A_1165 = tpu.memref_slice %dma_start3A_1163[%dma_start3A_1164, %mul3A_930] : memref<8x256xf32, #tpu.memory_space<vmem>> -> memref<8x16xf32, #tpu.memory_space<vmem>>
        %dma_start3A_1166 = arith.constant 0 : i32
        %dma_start3A_1167 = arith.constant 0 : i32
        %dma_start3A_1168 = tpu.memref_slice %arg4[%dma_start3A_1152, %dma_start3A_1166, %dma_start3A_1167] : memref<4x8x1000000xf32, #tpu.memory_space<hbm>> -> memref<1x8x1000000xf32, #tpu.memory_space<hbm>>
        %dma_start3A_1169 = tpu.memref_squeeze %dma_start3A_1168 : memref<1x8x1000000xf32, #tpu.memory_space<hbm>> -> memref<8x1000000xf32, #tpu.memory_space<hbm>>
        %dma_start3A_1170 = arith.constant 0 : i32
        %dma_start3A_1171 = tpu.memref_slice %dma_start3A_1169[%dma_start3A_1170, %mul3A_902] : memref<8x1000000xf32, #tpu.memory_space<hbm>> -> memref<8x16xf32, #tpu.memory_space<hbm>>
        %dma_start3A_1172 = arith.constant 0 : i32
        %dma_start3A_1173 = arith.constant 0 : i32
        %dma_start3A_1174 = arith.constant 0 : i32
        %dma_start3A_1175 = tpu.memref_slice %arg11[%dma_start3A_1153, %dma_start3A_1172, %dma_start3A_1173, %dma_start3A_1174] : memref<2x4x8x256xf32, #tpu.memory_space<vmem>> -> memref<1x4x8x256xf32, #tpu.memory_space<vmem>>
        %dma_start3A_1176 = tpu.memref_squeeze %dma_start3A_1175 : memref<1x4x8x256xf32, #tpu.memory_space<vmem>> -> memref<4x8x256xf32, #tpu.memory_space<vmem>>
        %dma_start3A_1177 = arith.constant 0 : i32
        %dma_start3A_1178 = arith.constant 0 : i32
        %dma_start3A_1179 = tpu.memref_slice %dma_start3A_1176[%dma_start3A_1154, %dma_start3A_1177, %dma_start3A_1178] : memref<4x8x256xf32, #tpu.memory_space<vmem>> -> memref<1x8x256xf32, #tpu.memory_space<vmem>>
        %dma_start3A_1180 = tpu.memref_squeeze %dma_start3A_1179 : memref<1x8x256xf32, #tpu.memory_space<vmem>> -> memref<8x256xf32, #tpu.memory_space<vmem>>
        %dma_start3A_1181 = arith.constant 0 : i32
        %dma_start3A_1182 = tpu.memref_slice %dma_start3A_1180[%dma_start3A_1181, %mul3A_930] : memref<8x256xf32, #tpu.memory_space<vmem>> -> memref<8x16xf32, #tpu.memory_space<vmem>>
        %dma_start3A_1183 = arith.constant 0 : i32
        %dma_start3A_1184 = arith.constant 0 : i32
        %dma_start3A_1185 = tpu.memref_slice %arg4[%dma_start3A_1152, %dma_start3A_1183, %dma_start3A_1184] : memref<4x8x1000000xf32, #tpu.memory_space<hbm>> -> memref<1x8x1000000xf32, #tpu.memory_space<hbm>>
        %dma_start3A_1186 = tpu.memref_squeeze %dma_start3A_1185 : memref<1x8x1000000xf32, #tpu.memory_space<hbm>> -> memref<8x1000000xf32, #tpu.memory_space<hbm>>
        %dma_start3A_1187 = arith.constant 0 : i32
        %dma_start3A_1188 = tpu.memref_slice %dma_start3A_1186[%dma_start3A_1187, %mul3A_902] : memref<8x1000000xf32, #tpu.memory_space<hbm>> -> memref<8x16xf32, #tpu.memory_space<hbm>>
        tpu.enqueue_dma source(%dma_start3A_1188 : memref<8x16xf32, #tpu.memory_space<hbm>>) target(%dma_start3A_1182 : memref<8x16xf32, #tpu.memory_space<vmem>>) target_semaphore(%arg17 : memref<!tpu.dma_semaphore, #tpu.memory_space<semaphore_mem>>)
        %dma_start3A_1189 = arith.constant 3 : i32
        %dma_start3A_1190 = arith.constant 1 : i32
        %dma_start3A_1191 = arith.constant 3 : i32
        %dma_start3A_1192 = arith.constant 0 : i32
        %dma_start3A_1193 = arith.constant 0 : i32
        %dma_start3A_1194 = arith.constant 0 : i32
        %dma_start3A_1195 = tpu.memref_slice %arg12[%dma_start3A_1190, %dma_start3A_1192, %dma_start3A_1193, %dma_start3A_1194] : memref<2x4x8x256xf32, #tpu.memory_space<vmem>> -> memref<1x4x8x256xf32, #tpu.memory_space<vmem>>
        %dma_start3A_1196 = tpu.memref_squeeze %dma_start3A_1195 : memref<1x4x8x256xf32, #tpu.memory_space<vmem>> -> memref<4x8x256xf32, #tpu.memory_space<vmem>>
        %dma_start3A_1197 = arith.constant 0 : i32
        %dma_start3A_1198 = arith.constant 0 : i32
        %dma_start3A_1199 = tpu.memref_slice %dma_start3A_1196[%dma_start3A_1191, %dma_start3A_1197, %dma_start3A_1198] : memref<4x8x256xf32, #tpu.memory_space<vmem>> -> memref<1x8x256xf32, #tpu.memory_space<vmem>>
        %dma_start3A_1200 = tpu.memref_squeeze %dma_start3A_1199 : memref<1x8x256xf32, #tpu.memory_space<vmem>> -> memref<8x256xf32, #tpu.memory_space<vmem>>
        %dma_start3A_1201 = arith.constant 0 : i32
        %dma_start3A_1202 = tpu.memref_slice %dma_start3A_1200[%dma_start3A_1201, %mul3A_930] : memref<8x256xf32, #tpu.memory_space<vmem>> -> memref<8x16xf32, #tpu.memory_space<vmem>>
        %dma_start3A_1203 = arith.constant 0 : i32
        %dma_start3A_1204 = arith.constant 0 : i32
        %dma_start3A_1205 = tpu.memref_slice %arg5[%dma_start3A_1189, %dma_start3A_1203, %dma_start3A_1204] : memref<4x8x1000000xf32, #tpu.memory_space<hbm>> -> memref<1x8x1000000xf32, #tpu.memory_space<hbm>>
        %dma_start3A_1206 = tpu.memref_squeeze %dma_start3A_1205 : memref<1x8x1000000xf32, #tpu.memory_space<hbm>> -> memref<8x1000000xf32, #tpu.memory_space<hbm>>
        %dma_start3A_1207 = arith.constant 0 : i32
        %dma_start3A_1208 = tpu.memref_slice %dma_start3A_1206[%dma_start3A_1207, %mul3A_928] : memref<8x1000000xf32, #tpu.memory_space<hbm>> -> memref<8x16xf32, #tpu.memory_space<hbm>>
        %dma_start3A_1209 = arith.constant 0 : i32
        %dma_start3A_1210 = arith.constant 0 : i32
        %dma_start3A_1211 = arith.constant 0 : i32
        %dma_start3A_1212 = tpu.memref_slice %arg12[%dma_start3A_1190, %dma_start3A_1209, %dma_start3A_1210, %dma_start3A_1211] : memref<2x4x8x256xf32, #tpu.memory_space<vmem>> -> memref<1x4x8x256xf32, #tpu.memory_space<vmem>>
        %dma_start3A_1213 = tpu.memref_squeeze %dma_start3A_1212 : memref<1x4x8x256xf32, #tpu.memory_space<vmem>> -> memref<4x8x256xf32, #tpu.memory_space<vmem>>
        %dma_start3A_1214 = arith.constant 0 : i32
        %dma_start3A_1215 = arith.constant 0 : i32
        %dma_start3A_1216 = tpu.memref_slice %dma_start3A_1213[%dma_start3A_1191, %dma_start3A_1214, %dma_start3A_1215] : memref<4x8x256xf32, #tpu.memory_space<vmem>> -> memref<1x8x256xf32, #tpu.memory_space<vmem>>
        %dma_start3A_1217 = tpu.memref_squeeze %dma_start3A_1216 : memref<1x8x256xf32, #tpu.memory_space<vmem>> -> memref<8x256xf32, #tpu.memory_space<vmem>>
        %dma_start3A_1218 = arith.constant 0 : i32
        %dma_start3A_1219 = tpu.memref_slice %dma_start3A_1217[%dma_start3A_1218, %mul3A_930] : memref<8x256xf32, #tpu.memory_space<vmem>> -> memref<8x16xf32, #tpu.memory_space<vmem>>
        %dma_start3A_1220 = arith.constant 0 : i32
        %dma_start3A_1221 = arith.constant 0 : i32
        %dma_start3A_1222 = tpu.memref_slice %arg5[%dma_start3A_1189, %dma_start3A_1220, %dma_start3A_1221] : memref<4x8x1000000xf32, #tpu.memory_space<hbm>> -> memref<1x8x1000000xf32, #tpu.memory_space<hbm>>
        %dma_start3A_1223 = tpu.memref_squeeze %dma_start3A_1222 : memref<1x8x1000000xf32, #tpu.memory_space<hbm>> -> memref<8x1000000xf32, #tpu.memory_space<hbm>>
        %dma_start3A_1224 = arith.constant 0 : i32
        %dma_start3A_1225 = tpu.memref_slice %dma_start3A_1223[%dma_start3A_1224, %mul3A_928] : memref<8x1000000xf32, #tpu.memory_space<hbm>> -> memref<8x16xf32, #tpu.memory_space<hbm>>
        tpu.enqueue_dma source(%dma_start3A_1225 : memref<8x16xf32, #tpu.memory_space<hbm>>) target(%dma_start3A_1219 : memref<8x16xf32, #tpu.memory_space<vmem>>) target_semaphore(%arg17 : memref<!tpu.dma_semaphore, #tpu.memory_space<semaphore_mem>>)
      }
      %scan3A_714 = arith.constant 16 : i32
      %dma_wait3A_715 = arith.constant 0 : i32
      %dma_wait3A_716 = arith.constant 0 : i32
      %dma_wait3A_717 = arith.constant 0 : i32
      %dma_wait3A_718 = arith.constant 0 : i32
      %dma_wait3A_719 = tpu.memref_slice %arg11[%dma_wait3A_715, %dma_wait3A_716, %dma_wait3A_717, %dma_wait3A_718] : memref<2x4x8x256xf32, #tpu.memory_space<vmem>> -> memref<1x4x8x256xf32, #tpu.memory_space<vmem>>
      %dma_wait3A_720 = tpu.memref_squeeze %dma_wait3A_719 : memref<1x4x8x256xf32, #tpu.memory_space<vmem>> -> memref<4x8x256xf32, #tpu.memory_space<vmem>>
      %dma_wait3A_721 = arith.constant 0 : i32
      %dma_wait3A_722 = arith.constant 0 : i32
      %dma_wait3A_723 = arith.constant 0 : i32
      %dma_wait3A_724 = tpu.memref_slice %arg4[%dma_wait3A_721, %dma_wait3A_722, %dma_wait3A_723] : memref<4x8x1000000xf32, #tpu.memory_space<hbm>> -> memref<4x8x256xf32, #tpu.memory_space<hbm>>
      %dma_wait3A_725 = arith.constant 0 : i32
      %dma_wait3A_726 = arith.constant 0 : i32
      %dma_wait3A_727 = arith.constant 0 : i32
      %dma_wait3A_728 = tpu.memref_slice %arg11[%dma_wait3A_715, %dma_wait3A_725, %dma_wait3A_726, %dma_wait3A_727] : memref<2x4x8x256xf32, #tpu.memory_space<vmem>> -> memref<1x4x8x256xf32, #tpu.memory_space<vmem>>
      %dma_wait3A_729 = tpu.memref_squeeze %dma_wait3A_728 : memref<1x4x8x256xf32, #tpu.memory_space<vmem>> -> memref<4x8x256xf32, #tpu.memory_space<vmem>>
      %dma_wait3A_730 = arith.constant 0 : i32
      %dma_wait3A_731 = arith.constant 0 : i32
      %dma_wait3A_732 = arith.constant 0 : i32
      %dma_wait3A_733 = tpu.memref_slice %arg4[%dma_wait3A_730, %dma_wait3A_731, %dma_wait3A_732] : memref<4x8x1000000xf32, #tpu.memory_space<hbm>> -> memref<4x8x256xf32, #tpu.memory_space<hbm>>
      tpu.wait_dma2 semaphore(%arg16 : memref<!tpu.dma_semaphore, #tpu.memory_space<semaphore_mem>>) src(%dma_wait3A_733 : memref<4x8x256xf32, #tpu.memory_space<hbm>>) dst(%dma_wait3A_729 : memref<4x8x256xf32, #tpu.memory_space<vmem>>)
      %dma_wait3A_734 = arith.constant 0 : i32
      %dma_wait3A_735 = arith.constant 0 : i32
      %dma_wait3A_736 = arith.constant 0 : i32
      %dma_wait3A_737 = arith.constant 0 : i32
      %dma_wait3A_738 = tpu.memref_slice %arg12[%dma_wait3A_734, %dma_wait3A_735, %dma_wait3A_736, %dma_wait3A_737] : memref<2x4x8x256xf32, #tpu.memory_space<vmem>> -> memref<1x4x8x256xf32, #tpu.memory_space<vmem>>
      %dma_wait3A_739 = tpu.memref_squeeze %dma_wait3A_738 : memref<1x4x8x256xf32, #tpu.memory_space<vmem>> -> memref<4x8x256xf32, #tpu.memory_space<vmem>>
      %dma_wait3A_740 = arith.constant 0 : i32
      %dma_wait3A_741 = arith.constant 0 : i32
      %dma_wait3A_742 = arith.constant 0 : i32
      %dma_wait3A_743 = tpu.memref_slice %arg4[%dma_wait3A_740, %dma_wait3A_741, %dma_wait3A_742] : memref<4x8x1000000xf32, #tpu.memory_space<hbm>> -> memref<4x8x256xf32, #tpu.memory_space<hbm>>
      %dma_wait3A_744 = arith.constant 0 : i32
      %dma_wait3A_745 = arith.constant 0 : i32
      %dma_wait3A_746 = arith.constant 0 : i32
      %dma_wait3A_747 = tpu.memref_slice %arg12[%dma_wait3A_734, %dma_wait3A_744, %dma_wait3A_745, %dma_wait3A_746] : memref<2x4x8x256xf32, #tpu.memory_space<vmem>> -> memref<1x4x8x256xf32, #tpu.memory_space<vmem>>
      %dma_wait3A_748 = tpu.memref_squeeze %dma_wait3A_747 : memref<1x4x8x256xf32, #tpu.memory_space<vmem>> -> memref<4x8x256xf32, #tpu.memory_space<vmem>>
      %dma_wait3A_749 = arith.constant 0 : i32
      %dma_wait3A_750 = arith.constant 0 : i32
      %dma_wait3A_751 = arith.constant 0 : i32
      %dma_wait3A_752 = tpu.memref_slice %arg4[%dma_wait3A_749, %dma_wait3A_750, %dma_wait3A_751] : memref<4x8x1000000xf32, #tpu.memory_space<hbm>> -> memref<4x8x256xf32, #tpu.memory_space<hbm>>
      tpu.wait_dma2 semaphore(%arg16 : memref<!tpu.dma_semaphore, #tpu.memory_space<semaphore_mem>>) src(%dma_wait3A_752 : memref<4x8x256xf32, #tpu.memory_space<hbm>>) dst(%dma_wait3A_748 : memref<4x8x256xf32, #tpu.memory_space<vmem>>)
      %mul3A_753 = arith.constant 16 : i32
      %mul3A_754 = arith.muli %mul3A_706, %mul3A_753 : i32
      %get3A_755 = arith.index_cast %mul3A_754 : i32 to index
      %get3A_756 = tpu.vector_load %arg9[%get3A_755] {strides = array<i32>} : memref<528xi32, #tpu.memory_space<vmem>>, vector<16xi32>,
      %mul3A_757 = arith.constant 16 : i32
      %mul3A_758 = arith.muli %mul3A_706, %mul3A_757 : i32
      %get3A_759 = arith.index_cast %mul3A_758 : i32 to index
      %get3A_760 = tpu.vector_load %arg10[%get3A_759] {strides = array<i32>} : memref<528xi32, #tpu.memory_space<vmem>>, vector<16xi32>,
      %mul3A_761 = arith.constant 16 : i32
      %mul3A_762 = vector.broadcast %mul3A_761 : i32 to vector<16xi32>
      %mul3A_763 = arith.muli %iota3A, %mul3A_762 : vector<16xi32>
      %and3A_764 = arith.constant 15 : i32
      %and3A_765 = vector.broadcast %and3A_764 : i32 to vector<16xi32>
      %and3A_766 = arith.andi %get3A_756, %and3A_765 : vector<16xi32>
      %add3A_767 = arith.addi %mul3A_763, %and3A_766 : vector<16xi32>
      %mul3A_768 = arith.constant 16 : i32
      %mul3A_769 = vector.broadcast %mul3A_768 : i32 to vector<16xi32>
      %mul3A_770 = arith.muli %iota3A, %mul3A_769 : vector<16xi32>
      %and3A_771 = arith.constant 15 : i32
      %and3A_772 = vector.broadcast %and3A_771 : i32 to vector<16xi32>
      %and3A_773 = arith.andi %get3A_760, %and3A_772 : vector<16xi32>
      %add3A_774 = arith.addi %mul3A_770, %and3A_773 : vector<16xi32>
      %broadcast_in_dim3A_775 = arith.constant 0 : i32
      %broadcast_in_dim3A_776 = vector.broadcast %broadcast_in_dim3A_775 : i32 to vector<16xi32>
      %mul3A_777 = arith.constant 16 : i32
      %mul3A_778 = arith.muli %mul3A_706, %mul3A_777 : i32
      %get3A_779 = arith.index_cast %mul3A_778 : i32 to index
      %get3A_780 = tpu.vector_load %arg15[%get3A_779] {strides = array<i32>} : memref<512xf32, #tpu.memory_space<vmem>>, vector<16xf32>,
      %scan3A_781 = arith.constant 0 : i32
      %scan3A_782 = arith.constant 32 : i32
      %scan3A_783 = arith.addi %scan3A_781, %scan3A_782 : i32
      %scan3A_784 = arith.constant 1 : i32
      %scan3A_785 = scf.for %scan3A_873 = %scan3A_781 to %scan3A_783 step %scan3A_784 iter_args(%scan3A_874 = %get3A_780) -> (vector<16xf32>)  : i32 {
        %jit3A = arith.constant 8 : i32
        %div3A_875 = arith.divsi %scan3A_873, %jit3A : i32
        %sign3A = arith.constant 0 : i32
        %sign3A_876 = arith.cmpi sgt, %scan3A_873, %sign3A : i32
        %sign3A_877 = arith.extui %sign3A_876 : i1 to i32
        %sign3A_878 = arith.constant 0 : i32
        %sign3A_879 = arith.cmpi slt, %scan3A_873, %sign3A_878 : i32
        %sign3A_880 = arith.extui %sign3A_879 : i1 to i32
        %sign3A_881 = arith.subi %sign3A_877, %sign3A_880 : i32
        %sign3A_882 = arith.constant 0 : i32
        %sign3A_883 = arith.cmpi sgt, %jit3A, %sign3A_882 : i32
        %sign3A_884 = arith.extui %sign3A_883 : i1 to i32
        %sign3A_885 = arith.constant 0 : i32
        %sign3A_886 = arith.cmpi slt, %jit3A, %sign3A_885 : i32
        %sign3A_887 = arith.extui %sign3A_886 : i1 to i32
        %sign3A_888 = arith.subi %sign3A_884, %sign3A_887 : i32
        %ne3A = arith.cmpi ne, %sign3A_881, %sign3A_888 : i32
        %rem3A = arith.remsi %scan3A_873, %jit3A : i32
        %ne3A_889 = arith.constant 0 : i32
        %ne3A_890 = arith.cmpi ne, %rem3A, %ne3A_889 : i32
        %and3A_891 = arith.andi %ne3A, %ne3A_890 : i1
        %sub3A = arith.constant 1 : i32
        %sub3A_892 = arith.subi %div3A_875, %sub3A : i32
        %select_n3A = arith.select %and3A_891, %sub3A_892, %div3A_875 : i32
        %jit3A_893 = arith.constant 8 : i32
        %eq3A = arith.constant 0 : i32
        %eq3A_894 = arith.cmpi eq, %jit3A_893, %eq3A : i32
        %jit3A_895 = arith.constant 1 : i32
        %select_n3A_896 = arith.select %eq3A_894, %jit3A_895, %jit3A_893 : i32
        %rem3A_897 = arith.remsi %scan3A_873, %select_n3A_896 : i32
        %ne3A_898 = arith.constant 0 : i32
        %ne3A_899 = arith.cmpi ne, %rem3A_897, %ne3A_898 : i32
        %lt3A = arith.constant 0 : i32
        %lt3A_900 = arith.cmpi slt, %rem3A_897, %lt3A : i32
        %lt3A_901 = arith.constant 0 : i32
        %lt3A_902 = arith.cmpi slt, %select_n3A_896, %lt3A_901 : i32
        %ne3A_903 = arith.xori %lt3A_900, %lt3A_902 : i1
        %and3A_904 = arith.andi %ne3A_903, %ne3A_899 : i1
        %add3A_905 = arith.addi %rem3A_897, %select_n3A_896 : i32
        %select_n3A_906 = arith.select %and3A_904, %add3A_905, %rem3A_897 : i32
        %broadcast_in_dim3A_907 = vector.broadcast %select_n3A : i32 to vector<16xi32>
        %broadcast_in_dim3A_908 = vector.broadcast %select_n3A_906 : i32 to vector<16xi32>
        %mul3A_909 = arith.constant 16 : i32
        %mul3A_910 = arith.muli %scan3A_873, %mul3A_909 : i32
        %get3A_911 = arith.index_cast %mul3A_910 : i32 to index
        %get3A_912 = tpu.vector_load %arg13[%get3A_911] {strides = array<i32>} : memref<512xf32, #tpu.memory_space<vmem>>, vector<16xf32>,
        %gather3A = tpu.vector_load_idx %arg11[%broadcast_in_dim3A_776, %broadcast_in_dim3A_907, %broadcast_in_dim3A_908, %add3A_767] : memref<2x4x8x256xf32, #tpu.memory_space<vmem>>[vector<16xi32>, vector<16xi32>, vector<16xi32>, vector<16xi32>], vector<16xf32>,
        %gather3A_913 = tpu.vector_load_idx %arg12[%broadcast_in_dim3A_776, %broadcast_in_dim3A_907, %broadcast_in_dim3A_908, %add3A_774] : memref<2x4x8x256xf32, #tpu.memory_space<vmem>>[vector<16xi32>, vector<16xi32>, vector<16xi32>, vector<16xi32>], vector<16xf32>,
        %mul3A_914 = arith.mulf %gather3A, %gather3A_913 : vector<16xf32>
        %mul3A_915 = arith.mulf %mul3A_914, %get3A_912 : vector<16xf32>
        %add3A_916 = arith.addf %scan3A_874, %mul3A_915 : vector<16xf32>
        scf.yield %add3A_916 : vector<16xf32>
      }
      %scan3A_786 = arith.constant 32 : i32
      %swap3A_787 = arith.index_cast %mul3A_778 : i32 to index
      %swap3A_788 = tpu.vector_load %arg15[%swap3A_787] {strides = array<i32>} : memref<512xf32, #tpu.memory_space<vmem>>, vector<16xf32>,
      tpu.vector_store %arg15[%swap3A_787], %scan3A_785 {strides = array<i32>} : memref<512xf32, #tpu.memory_space<vmem>>, vector<16xf32>,
      %add3A_789 = arith.constant 2 : i32
      %add3A_790 = arith.addi %mul3A_706, %add3A_789 : i32
      %scan3A_791 = arith.constant 0 : i32
      %scan3A_792 = arith.constant 0 : i32
      %scan3A_793 = arith.constant 16 : i32
      %scan3A_794 = arith.addi %scan3A_792, %scan3A_793 : i32
      %scan3A_795 = arith.constant 1 : i32
      scf.for %scan3A_873 = %scan3A_792 to %scan3A_794 step %scan3A_795  : i32 {
        %mul3A_874 = arith.constant 16 : i32
        %mul3A_875 = arith.muli %add3A_790, %mul3A_874 : i32
        %add3A_876 = arith.addi %mul3A_875, %scan3A_873 : i32
        %get3A_877 = arith.index_cast %add3A_876 : i32 to index
        %get3A_878 = tpu.vector_load %arg9[%get3A_877] {strides = array<i32>} : memref<528xi32, #tpu.memory_space<vmem>>, vector<16xi32>,
        %slice3A = vector.extract_strided_slice %get3A_878 {offsets = [0], sizes = [1], strides = [1]} : vector<16xi32> to vector<1xi32>
        %squeeze3A = vector.extract %slice3A[0] : i32 from vector<1xi32>
        %get3A_879 = arith.index_cast %add3A_876 : i32 to index
        %get3A_880 = tpu.vector_load %arg10[%get3A_879] {strides = array<i32>} : memref<528xi32, #tpu.memory_space<vmem>>, vector<16xi32>,
        %slice3A_881 = vector.extract_strided_slice %get3A_880 {offsets = [0], sizes = [1], strides = [1]} : vector<16xi32> to vector<1xi32>
        %squeeze3A_882 = vector.extract %slice3A_881[0] : i32 from vector<1xi32>
        %jit3A = arith.constant 16 : i32
        %div3A_883 = arith.divsi %squeeze3A, %jit3A : i32
        %sign3A = arith.constant 0 : i32
        %sign3A_884 = arith.cmpi sgt, %squeeze3A, %sign3A : i32
        %sign3A_885 = arith.extui %sign3A_884 : i1 to i32
        %sign3A_886 = arith.constant 0 : i32
        %sign3A_887 = arith.cmpi slt, %squeeze3A, %sign3A_886 : i32
        %sign3A_888 = arith.extui %sign3A_887 : i1 to i32
        %sign3A_889 = arith.subi %sign3A_885, %sign3A_888 : i32
        %sign3A_890 = arith.constant 0 : i32
        %sign3A_891 = arith.cmpi sgt, %jit3A, %sign3A_890 : i32
        %sign3A_892 = arith.extui %sign3A_891 : i1 to i32
        %sign3A_893 = arith.constant 0 : i32
        %sign3A_894 = arith.cmpi slt, %jit3A, %sign3A_893 : i32
        %sign3A_895 = arith.extui %sign3A_894 : i1 to i32
        %sign3A_896 = arith.subi %sign3A_892, %sign3A_895 : i32
        %ne3A = arith.cmpi ne, %sign3A_889, %sign3A_896 : i32
        %rem3A = arith.remsi %squeeze3A, %jit3A : i32
        %ne3A_897 = arith.constant 0 : i32
        %ne3A_898 = arith.cmpi ne, %rem3A, %ne3A_897 : i32
        %and3A_899 = arith.andi %ne3A, %ne3A_898 : i1
        %sub3A = arith.constant 1 : i32
        %sub3A_900 = arith.subi %div3A_883, %sub3A : i32
        %select_n3A = arith.select %and3A_899, %sub3A_900, %div3A_883 : i32
        %mul3A_901 = arith.constant 16 : i32
        %mul3A_902 = arith.muli %select_n3A, %mul3A_901 : i32
        %jit3A_903 = arith.constant 16 : i32
        %div3A_904 = arith.divsi %squeeze3A_882, %jit3A_903 : i32
        %sign3A_905 = arith.constant 0 : i32
        %sign3A_906 = arith.cmpi sgt, %squeeze3A_882, %sign3A_905 : i32
        %sign3A_907 = arith.extui %sign3A_906 : i1 to i32
        %sign3A_908 = arith.constant 0 : i32
        %sign3A_909 = arith.cmpi slt, %squeeze3A_882, %sign3A_908 : i32
        %sign3A_910 = arith.extui %sign3A_909 : i1 to i32
        %sign3A_911 = arith.subi %sign3A_907, %sign3A_910 : i32
        %sign3A_912 = arith.constant 0 : i32
        %sign3A_913 = arith.cmpi sgt, %jit3A_903, %sign3A_912 : i32
        %sign3A_914 = arith.extui %sign3A_913 : i1 to i32
        %sign3A_915 = arith.constant 0 : i32
        %sign3A_916 = arith.cmpi slt, %jit3A_903, %sign3A_915 : i32
        %sign3A_917 = arith.extui %sign3A_916 : i1 to i32
        %sign3A_918 = arith.subi %sign3A_914, %sign3A_917 : i32
        %ne3A_919 = arith.cmpi ne, %sign3A_911, %sign3A_918 : i32
        %rem3A_920 = arith.remsi %squeeze3A_882, %jit3A_903 : i32
        %ne3A_921 = arith.constant 0 : i32
        %ne3A_922 = arith.cmpi ne, %rem3A_920, %ne3A_921 : i32
        %and3A_923 = arith.andi %ne3A_919, %ne3A_922 : i1
        %sub3A_924 = arith.constant 1 : i32
        %sub3A_925 = arith.subi %div3A_904, %sub3A_924 : i32
        %select_n3A_926 = arith.select %and3A_923, %sub3A_925, %div3A_904 : i32
        %mul3A_927 = arith.constant 16 : i32
        %mul3A_928 = arith.muli %select_n3A_926, %mul3A_927 : i32
        %mul3A_929 = arith.constant 16 : i32
        %mul3A_930 = arith.muli %scan3A_873, %mul3A_929 : i32
        %dma_start3A = arith.constant 0 : i32
        %dma_start3A_931 = arith.constant 0 : i32
        %dma_start3A_932 = arith.constant 0 : i32
        %dma_start3A_933 = arith.constant 0 : i32
        %dma_start3A_934 = arith.constant 0 : i32
        %dma_start3A_935 = arith.constant 0 : i32
        %dma_start3A_936 = tpu.memref_slice %arg11[%dma_start3A_931, %dma_start3A_933, %dma_start3A_934, %dma_start3A_935] : memref<2x4x8x256xf32, #tpu.memory_space<vmem>> -> memref<1x4x8x256xf32, #tpu.memory_space<vmem>>
        %dma_start3A_937 = tpu.memref_squeeze %dma_start3A_936 : memref<1x4x8x256xf32, #tpu.memory_space<vmem>> -> memref<4x8x256xf32, #tpu.memory_space<vmem>>
        %dma_start3A_938 = arith.constant 0 : i32
        %dma_start3A_939 = arith.constant 0 : i32
        %dma_start3A_940 = tpu.memref_slice %dma_start3A_937[%dma_start3A_932, %dma_start3A_938, %dma_start3A_939] : memref<4x8x256xf32, #tpu.memory_space<vmem>> -> memref<1x8x256xf32, #tpu.memory_space<vmem>>
        %dma_start3A_941 = tpu.memref_squeeze %dma_start3A_940 : memref<1x8x256xf32, #tpu.memory_space<vmem>> -> memref<8x256xf32, #tpu.memory_space<vmem>>
        %dma_start3A_942 = arith.constant 0 : i32
        %dma_start3A_943 = tpu.memref_slice %dma_start3A_941[%dma_start3A_942, %mul3A_930] : memref<8x256xf32, #tpu.memory_space<vmem>> -> memref<8x16xf32, #tpu.memory_space<vmem>>
        %dma_start3A_944 = arith.constant 0 : i32
        %dma_start3A_945 = arith.constant 0 : i32
        %dma_start3A_946 = tpu.memref_slice %arg4[%dma_start3A, %dma_start3A_944, %dma_start3A_945] : memref<4x8x1000000xf32, #tpu.memory_space<hbm>> -> memref<1x8x1000000xf32, #tpu.memory_space<hbm>>
        %dma_start3A_947 = tpu.memref_squeeze %dma_start3A_946 : memref<1x8x1000000xf32, #tpu.memory_space<hbm>> -> memref<8x1000000xf32, #tpu.memory_space<hbm>>
        %dma_start3A_948 = arith.constant 0 : i32
        %dma_start3A_949 = tpu.memref_slice %dma_start3A_947[%dma_start3A_948, %mul3A_902] : memref<8x1000000xf32, #tpu.memory_space<hbm>> -> memref<8x16xf32, #tpu.memory_space<hbm>>
        %dma_start3A_950 = arith.constant 0 : i32
        %dma_start3A_951 = arith.constant 0 : i32
        %dma_start3A_952 = arith.constant 0 : i32
        %dma_start3A_953 = tpu.memref_slice %arg11[%dma_start3A_931, %dma_start3A_950, %dma_start3A_951, %dma_start3A_952] : memref<2x4x8x256xf32, #tpu.memory_space<vmem>> -> memref<1x4x8x256xf32, #tpu.memory_space<vmem>>
        %dma_start3A_954 = tpu.memref_squeeze %dma_start3A_953 : memref<1x4x8x256xf32, #tpu.memory_space<vmem>> -> memref<4x8x256xf32, #tpu.memory_space<vmem>>
        %dma_start3A_955 = arith.constant 0 : i32
        %dma_start3A_956 = arith.constant 0 : i32
        %dma_start3A_957 = tpu.memref_slice %dma_start3A_954[%dma_start3A_932, %dma_start3A_955, %dma_start3A_956] : memref<4x8x256xf32, #tpu.memory_space<vmem>> -> memref<1x8x256xf32, #tpu.memory_space<vmem>>
        %dma_start3A_958 = tpu.memref_squeeze %dma_start3A_957 : memref<1x8x256xf32, #tpu.memory_space<vmem>> -> memref<8x256xf32, #tpu.memory_space<vmem>>
        %dma_start3A_959 = arith.constant 0 : i32
        %dma_start3A_960 = tpu.memref_slice %dma_start3A_958[%dma_start3A_959, %mul3A_930] : memref<8x256xf32, #tpu.memory_space<vmem>> -> memref<8x16xf32, #tpu.memory_space<vmem>>
        %dma_start3A_961 = arith.constant 0 : i32
        %dma_start3A_962 = arith.constant 0 : i32
        %dma_start3A_963 = tpu.memref_slice %arg4[%dma_start3A, %dma_start3A_961, %dma_start3A_962] : memref<4x8x1000000xf32, #tpu.memory_space<hbm>> -> memref<1x8x1000000xf32, #tpu.memory_space<hbm>>
        %dma_start3A_964 = tpu.memref_squeeze %dma_start3A_963 : memref<1x8x1000000xf32, #tpu.memory_space<hbm>> -> memref<8x1000000xf32, #tpu.memory_space<hbm>>
        %dma_start3A_965 = arith.constant 0 : i32
        %dma_start3A_966 = tpu.memref_slice %dma_start3A_964[%dma_start3A_965, %mul3A_902] : memref<8x1000000xf32, #tpu.memory_space<hbm>> -> memref<8x16xf32, #tpu.memory_space<hbm>>
        tpu.enqueue_dma source(%dma_start3A_966 : memref<8x16xf32, #tpu.memory_space<hbm>>) target(%dma_start3A_960 : memref<8x16xf32, #tpu.memory_space<vmem>>) target_semaphore(%arg16 : memref<!tpu.dma_semaphore, #tpu.memory_space<semaphore_mem>>)
        %dma_start3A_967 = arith.constant 0 : i32
        %dma_start3A_968 = arith.constant 0 : i32
        %dma_start3A_969 = arith.constant 0 : i32
        %dma_start3A_970 = arith.constant 0 : i32
        %dma_start3A_971 = arith.constant 0 : i32
        %dma_start3A_972 = arith.constant 0 : i32
        %dma_start3A_973 = tpu.memref_slice %arg12[%dma_start3A_968, %dma_start3A_970, %dma_start3A_971, %dma_start3A_972] : memref<2x4x8x256xf32, #tpu.memory_space<vmem>> -> memref<1x4x8x256xf32, #tpu.memory_space<vmem>>
        %dma_start3A_974 = tpu.memref_squeeze %dma_start3A_973 : memref<1x4x8x256xf32, #tpu.memory_space<vmem>> -> memref<4x8x256xf32, #tpu.memory_space<vmem>>
        %dma_start3A_975 = arith.constant 0 : i32
        %dma_start3A_976 = arith.constant 0 : i32
        %dma_start3A_977 = tpu.memref_slice %dma_start3A_974[%dma_start3A_969, %dma_start3A_975, %dma_start3A_976] : memref<4x8x256xf32, #tpu.memory_space<vmem>> -> memref<1x8x256xf32, #tpu.memory_space<vmem>>
        %dma_start3A_978 = tpu.memref_squeeze %dma_start3A_977 : memref<1x8x256xf32, #tpu.memory_space<vmem>> -> memref<8x256xf32, #tpu.memory_space<vmem>>
        %dma_start3A_979 = arith.constant 0 : i32
        %dma_start3A_980 = tpu.memref_slice %dma_start3A_978[%dma_start3A_979, %mul3A_930] : memref<8x256xf32, #tpu.memory_space<vmem>> -> memref<8x16xf32, #tpu.memory_space<vmem>>
        %dma_start3A_981 = arith.constant 0 : i32
        %dma_start3A_982 = arith.constant 0 : i32
        %dma_start3A_983 = tpu.memref_slice %arg5[%dma_start3A_967, %dma_start3A_981, %dma_start3A_982] : memref<4x8x1000000xf32, #tpu.memory_space<hbm>> -> memref<1x8x1000000xf32, #tpu.memory_space<hbm>>
        %dma_start3A_984 = tpu.memref_squeeze %dma_start3A_983 : memref<1x8x1000000xf32, #tpu.memory_space<hbm>> -> memref<8x1000000xf32, #tpu.memory_space<hbm>>
        %dma_start3A_985 = arith.constant 0 : i32
        %dma_start3A_986 = tpu.memref_slice %dma_start3A_984[%dma_start3A_985, %mul3A_928] : memref<8x1000000xf32, #tpu.memory_space<hbm>> -> memref<8x16xf32, #tpu.memory_space<hbm>>
        %dma_start3A_987 = arith.constant 0 : i32
        %dma_start3A_988 = arith.constant 0 : i32
        %dma_start3A_989 = arith.constant 0 : i32
        %dma_start3A_990 = tpu.memref_slice %arg12[%dma_start3A_968, %dma_start3A_987, %dma_start3A_988, %dma_start3A_989] : memref<2x4x8x256xf32, #tpu.memory_space<vmem>> -> memref<1x4x8x256xf32, #tpu.memory_space<vmem>>
        %dma_start3A_991 = tpu.memref_squeeze %dma_start3A_990 : memref<1x4x8x256xf32, #tpu.memory_space<vmem>> -> memref<4x8x256xf32, #tpu.memory_space<vmem>>
        %dma_start3A_992 = arith.constant 0 : i32
        %dma_start3A_993 = arith.constant 0 : i32
        %dma_start3A_994 = tpu.memref_slice %dma_start3A_991[%dma_start3A_969, %dma_start3A_992, %dma_start3A_993] : memref<4x8x256xf32, #tpu.memory_space<vmem>> -> memref<1x8x256xf32, #tpu.memory_space<vmem>>
        %dma_start3A_995 = tpu.memref_squeeze %dma_start3A_994 : memref<1x8x256xf32, #tpu.memory_space<vmem>> -> memref<8x256xf32, #tpu.memory_space<vmem>>
        %dma_start3A_996 = arith.constant 0 : i32
        %dma_start3A_997 = tpu.memref_slice %dma_start3A_995[%dma_start3A_996, %mul3A_930] : memref<8x256xf32, #tpu.memory_space<vmem>> -> memref<8x16xf32, #tpu.memory_space<vmem>>
        %dma_start3A_998 = arith.constant 0 : i32
        %dma_start3A_999 = arith.constant 0 : i32
        %dma_start3A_1000 = tpu.memref_slice %arg5[%dma_start3A_967, %dma_start3A_998, %dma_start3A_999] : memref<4x8x1000000xf32, #tpu.memory_space<hbm>> -> memref<1x8x1000000xf32, #tpu.memory_space<hbm>>
        %dma_start3A_1001 = tpu.memref_squeeze %dma_start3A_1000 : memref<1x8x1000000xf32, #tpu.memory_space<hbm>> -> memref<8x1000000xf32, #tpu.memory_space<hbm>>
        %dma_start3A_1002 = arith.constant 0 : i32
        %dma_start3A_1003 = tpu.memref_slice %dma_start3A_1001[%dma_start3A_1002, %mul3A_928] : memref<8x1000000xf32, #tpu.memory_space<hbm>> -> memref<8x16xf32, #tpu.memory_space<hbm>>
        tpu.enqueue_dma source(%dma_start3A_1003 : memref<8x16xf32, #tpu.memory_space<hbm>>) target(%dma_start3A_997 : memref<8x16xf32, #tpu.memory_space<vmem>>) target_semaphore(%arg16 : memref<!tpu.dma_semaphore, #tpu.memory_space<semaphore_mem>>)
        %dma_start3A_1004 = arith.constant 1 : i32
        %dma_start3A_1005 = arith.constant 0 : i32
        %dma_start3A_1006 = arith.constant 1 : i32
        %dma_start3A_1007 = arith.constant 0 : i32
        %dma_start3A_1008 = arith.constant 0 : i32
        %dma_start3A_1009 = arith.constant 0 : i32
        %dma_start3A_1010 = tpu.memref_slice %arg11[%dma_start3A_1005, %dma_start3A_1007, %dma_start3A_1008, %dma_start3A_1009] : memref<2x4x8x256xf32, #tpu.memory_space<vmem>> -> memref<1x4x8x256xf32, #tpu.memory_space<vmem>>
        %dma_start3A_1011 = tpu.memref_squeeze %dma_start3A_1010 : memref<1x4x8x256xf32, #tpu.memory_space<vmem>> -> memref<4x8x256xf32, #tpu.memory_space<vmem>>
        %dma_start3A_1012 = arith.constant 0 : i32
        %dma_start3A_1013 = arith.constant 0 : i32
        %dma_start3A_1014 = tpu.memref_slice %dma_start3A_1011[%dma_start3A_1006, %dma_start3A_1012, %dma_start3A_1013] : memref<4x8x256xf32, #tpu.memory_space<vmem>> -> memref<1x8x256xf32, #tpu.memory_space<vmem>>
        %dma_start3A_1015 = tpu.memref_squeeze %dma_start3A_1014 : memref<1x8x256xf32, #tpu.memory_space<vmem>> -> memref<8x256xf32, #tpu.memory_space<vmem>>
        %dma_start3A_1016 = arith.constant 0 : i32
        %dma_start3A_1017 = tpu.memref_slice %dma_start3A_1015[%dma_start3A_1016, %mul3A_930] : memref<8x256xf32, #tpu.memory_space<vmem>> -> memref<8x16xf32, #tpu.memory_space<vmem>>
        %dma_start3A_1018 = arith.constant 0 : i32
        %dma_start3A_1019 = arith.constant 0 : i32
        %dma_start3A_1020 = tpu.memref_slice %arg4[%dma_start3A_1004, %dma_start3A_1018, %dma_start3A_1019] : memref<4x8x1000000xf32, #tpu.memory_space<hbm>> -> memref<1x8x1000000xf32, #tpu.memory_space<hbm>>
        %dma_start3A_1021 = tpu.memref_squeeze %dma_start3A_1020 : memref<1x8x1000000xf32, #tpu.memory_space<hbm>> -> memref<8x1000000xf32, #tpu.memory_space<hbm>>
        %dma_start3A_1022 = arith.constant 0 : i32
        %dma_start3A_1023 = tpu.memref_slice %dma_start3A_1021[%dma_start3A_1022, %mul3A_902] : memref<8x1000000xf32, #tpu.memory_space<hbm>> -> memref<8x16xf32, #tpu.memory_space<hbm>>
        %dma_start3A_1024 = arith.constant 0 : i32
        %dma_start3A_1025 = arith.constant 0 : i32
        %dma_start3A_1026 = arith.constant 0 : i32
        %dma_start3A_1027 = tpu.memref_slice %arg11[%dma_start3A_1005, %dma_start3A_1024, %dma_start3A_1025, %dma_start3A_1026] : memref<2x4x8x256xf32, #tpu.memory_space<vmem>> -> memref<1x4x8x256xf32, #tpu.memory_space<vmem>>
        %dma_start3A_1028 = tpu.memref_squeeze %dma_start3A_1027 : memref<1x4x8x256xf32, #tpu.memory_space<vmem>> -> memref<4x8x256xf32, #tpu.memory_space<vmem>>
        %dma_start3A_1029 = arith.constant 0 : i32
        %dma_start3A_1030 = arith.constant 0 : i32
        %dma_start3A_1031 = tpu.memref_slice %dma_start3A_1028[%dma_start3A_1006, %dma_start3A_1029, %dma_start3A_1030] : memref<4x8x256xf32, #tpu.memory_space<vmem>> -> memref<1x8x256xf32, #tpu.memory_space<vmem>>
        %dma_start3A_1032 = tpu.memref_squeeze %dma_start3A_1031 : memref<1x8x256xf32, #tpu.memory_space<vmem>> -> memref<8x256xf32, #tpu.memory_space<vmem>>
        %dma_start3A_1033 = arith.constant 0 : i32
        %dma_start3A_1034 = tpu.memref_slice %dma_start3A_1032[%dma_start3A_1033, %mul3A_930] : memref<8x256xf32, #tpu.memory_space<vmem>> -> memref<8x16xf32, #tpu.memory_space<vmem>>
        %dma_start3A_1035 = arith.constant 0 : i32
        %dma_start3A_1036 = arith.constant 0 : i32
        %dma_start3A_1037 = tpu.memref_slice %arg4[%dma_start3A_1004, %dma_start3A_1035, %dma_start3A_1036] : memref<4x8x1000000xf32, #tpu.memory_space<hbm>> -> memref<1x8x1000000xf32, #tpu.memory_space<hbm>>
        %dma_start3A_1038 = tpu.memref_squeeze %dma_start3A_1037 : memref<1x8x1000000xf32, #tpu.memory_space<hbm>> -> memref<8x1000000xf32, #tpu.memory_space<hbm>>
        %dma_start3A_1039 = arith.constant 0 : i32
        %dma_start3A_1040 = tpu.memref_slice %dma_start3A_1038[%dma_start3A_1039, %mul3A_902] : memref<8x1000000xf32, #tpu.memory_space<hbm>> -> memref<8x16xf32, #tpu.memory_space<hbm>>
        tpu.enqueue_dma source(%dma_start3A_1040 : memref<8x16xf32, #tpu.memory_space<hbm>>) target(%dma_start3A_1034 : memref<8x16xf32, #tpu.memory_space<vmem>>) target_semaphore(%arg16 : memref<!tpu.dma_semaphore, #tpu.memory_space<semaphore_mem>>)
        %dma_start3A_1041 = arith.constant 1 : i32
        %dma_start3A_1042 = arith.constant 0 : i32
        %dma_start3A_1043 = arith.constant 1 : i32
        %dma_start3A_1044 = arith.constant 0 : i32
        %dma_start3A_1045 = arith.constant 0 : i32
        %dma_start3A_1046 = arith.constant 0 : i32
        %dma_start3A_1047 = tpu.memref_slice %arg12[%dma_start3A_1042, %dma_start3A_1044, %dma_start3A_1045, %dma_start3A_1046] : memref<2x4x8x256xf32, #tpu.memory_space<vmem>> -> memref<1x4x8x256xf32, #tpu.memory_space<vmem>>
        %dma_start3A_1048 = tpu.memref_squeeze %dma_start3A_1047 : memref<1x4x8x256xf32, #tpu.memory_space<vmem>> -> memref<4x8x256xf32, #tpu.memory_space<vmem>>
        %dma_start3A_1049 = arith.constant 0 : i32
        %dma_start3A_1050 = arith.constant 0 : i32
        %dma_start3A_1051 = tpu.memref_slice %dma_start3A_1048[%dma_start3A_1043, %dma_start3A_1049, %dma_start3A_1050] : memref<4x8x256xf32, #tpu.memory_space<vmem>> -> memref<1x8x256xf32, #tpu.memory_space<vmem>>
        %dma_start3A_1052 = tpu.memref_squeeze %dma_start3A_1051 : memref<1x8x256xf32, #tpu.memory_space<vmem>> -> memref<8x256xf32, #tpu.memory_space<vmem>>
        %dma_start3A_1053 = arith.constant 0 : i32
        %dma_start3A_1054 = tpu.memref_slice %dma_start3A_1052[%dma_start3A_1053, %mul3A_930] : memref<8x256xf32, #tpu.memory_space<vmem>> -> memref<8x16xf32, #tpu.memory_space<vmem>>
        %dma_start3A_1055 = arith.constant 0 : i32
        %dma_start3A_1056 = arith.constant 0 : i32
        %dma_start3A_1057 = tpu.memref_slice %arg5[%dma_start3A_1041, %dma_start3A_1055, %dma_start3A_1056] : memref<4x8x1000000xf32, #tpu.memory_space<hbm>> -> memref<1x8x1000000xf32, #tpu.memory_space<hbm>>
        %dma_start3A_1058 = tpu.memref_squeeze %dma_start3A_1057 : memref<1x8x1000000xf32, #tpu.memory_space<hbm>> -> memref<8x1000000xf32, #tpu.memory_space<hbm>>
        %dma_start3A_1059 = arith.constant 0 : i32
        %dma_start3A_1060 = tpu.memref_slice %dma_start3A_1058[%dma_start3A_1059, %mul3A_928] : memref<8x1000000xf32, #tpu.memory_space<hbm>> -> memref<8x16xf32, #tpu.memory_space<hbm>>
        %dma_start3A_1061 = arith.constant 0 : i32
        %dma_start3A_1062 = arith.constant 0 : i32
        %dma_start3A_1063 = arith.constant 0 : i32
        %dma_start3A_1064 = tpu.memref_slice %arg12[%dma_start3A_1042, %dma_start3A_1061, %dma_start3A_1062, %dma_start3A_1063] : memref<2x4x8x256xf32, #tpu.memory_space<vmem>> -> memref<1x4x8x256xf32, #tpu.memory_space<vmem>>
        %dma_start3A_1065 = tpu.memref_squeeze %dma_start3A_1064 : memref<1x4x8x256xf32, #tpu.memory_space<vmem>> -> memref<4x8x256xf32, #tpu.memory_space<vmem>>
        %dma_start3A_1066 = arith.constant 0 : i32
        %dma_start3A_1067 = arith.constant 0 : i32
        %dma_start3A_1068 = tpu.memref_slice %dma_start3A_1065[%dma_start3A_1043, %dma_start3A_1066, %dma_start3A_1067] : memref<4x8x256xf32, #tpu.memory_space<vmem>> -> memref<1x8x256xf32, #tpu.memory_space<vmem>>
        %dma_start3A_1069 = tpu.memref_squeeze %dma_start3A_1068 : memref<1x8x256xf32, #tpu.memory_space<vmem>> -> memref<8x256xf32, #tpu.memory_space<vmem>>
        %dma_start3A_1070 = arith.constant 0 : i32
        %dma_start3A_1071 = tpu.memref_slice %dma_start3A_1069[%dma_start3A_1070, %mul3A_930] : memref<8x256xf32, #tpu.memory_space<vmem>> -> memref<8x16xf32, #tpu.memory_space<vmem>>
        %dma_start3A_1072 = arith.constant 0 : i32
        %dma_start3A_1073 = arith.constant 0 : i32
        %dma_start3A_1074 = tpu.memref_slice %arg5[%dma_start3A_1041, %dma_start3A_1072, %dma_start3A_1073] : memref<4x8x1000000xf32, #tpu.memory_space<hbm>> -> memref<1x8x1000000xf32, #tpu.memory_space<hbm>>
        %dma_start3A_1075 = tpu.memref_squeeze %dma_start3A_1074 : memref<1x8x1000000xf32, #tpu.memory_space<hbm>> -> memref<8x1000000xf32, #tpu.memory_space<hbm>>
        %dma_start3A_1076 = arith.constant 0 : i32
        %dma_start3A_1077 = tpu.memref_slice %dma_start3A_1075[%dma_start3A_1076, %mul3A_928] : memref<8x1000000xf32, #tpu.memory_space<hbm>> -> memref<8x16xf32, #tpu.memory_space<hbm>>
        tpu.enqueue_dma source(%dma_start3A_1077 : memref<8x16xf32, #tpu.memory_space<hbm>>) target(%dma_start3A_1071 : memref<8x16xf32, #tpu.memory_space<vmem>>) target_semaphore(%arg16 : memref<!tpu.dma_semaphore, #tpu.memory_space<semaphore_mem>>)
        %dma_start3A_1078 = arith.constant 2 : i32
        %dma_start3A_1079 = arith.constant 0 : i32
        %dma_start3A_1080 = arith.constant 2 : i32
        %dma_start3A_1081 = arith.constant 0 : i32
        %dma_start3A_1082 = arith.constant 0 : i32
        %dma_start3A_1083 = arith.constant 0 : i32
        %dma_start3A_1084 = tpu.memref_slice %arg11[%dma_start3A_1079, %dma_start3A_1081, %dma_start3A_1082, %dma_start3A_1083] : memref<2x4x8x256xf32, #tpu.memory_space<vmem>> -> memref<1x4x8x256xf32, #tpu.memory_space<vmem>>
        %dma_start3A_1085 = tpu.memref_squeeze %dma_start3A_1084 : memref<1x4x8x256xf32, #tpu.memory_space<vmem>> -> memref<4x8x256xf32, #tpu.memory_space<vmem>>
        %dma_start3A_1086 = arith.constant 0 : i32
        %dma_start3A_1087 = arith.constant 0 : i32
        %dma_start3A_1088 = tpu.memref_slice %dma_start3A_1085[%dma_start3A_1080, %dma_start3A_1086, %dma_start3A_1087] : memref<4x8x256xf32, #tpu.memory_space<vmem>> -> memref<1x8x256xf32, #tpu.memory_space<vmem>>
        %dma_start3A_1089 = tpu.memref_squeeze %dma_start3A_1088 : memref<1x8x256xf32, #tpu.memory_space<vmem>> -> memref<8x256xf32, #tpu.memory_space<vmem>>
        %dma_start3A_1090 = arith.constant 0 : i32
        %dma_start3A_1091 = tpu.memref_slice %dma_start3A_1089[%dma_start3A_1090, %mul3A_930] : memref<8x256xf32, #tpu.memory_space<vmem>> -> memref<8x16xf32, #tpu.memory_space<vmem>>
        %dma_start3A_1092 = arith.constant 0 : i32
        %dma_start3A_1093 = arith.constant 0 : i32
        %dma_start3A_1094 = tpu.memref_slice %arg4[%dma_start3A_1078, %dma_start3A_1092, %dma_start3A_1093] : memref<4x8x1000000xf32, #tpu.memory_space<hbm>> -> memref<1x8x1000000xf32, #tpu.memory_space<hbm>>
        %dma_start3A_1095 = tpu.memref_squeeze %dma_start3A_1094 : memref<1x8x1000000xf32, #tpu.memory_space<hbm>> -> memref<8x1000000xf32, #tpu.memory_space<hbm>>
        %dma_start3A_1096 = arith.constant 0 : i32
        %dma_start3A_1097 = tpu.memref_slice %dma_start3A_1095[%dma_start3A_1096, %mul3A_902] : memref<8x1000000xf32, #tpu.memory_space<hbm>> -> memref<8x16xf32, #tpu.memory_space<hbm>>
        %dma_start3A_1098 = arith.constant 0 : i32
        %dma_start3A_1099 = arith.constant 0 : i32
        %dma_start3A_1100 = arith.constant 0 : i32
        %dma_start3A_1101 = tpu.memref_slice %arg11[%dma_start3A_1079, %dma_start3A_1098, %dma_start3A_1099, %dma_start3A_1100] : memref<2x4x8x256xf32, #tpu.memory_space<vmem>> -> memref<1x4x8x256xf32, #tpu.memory_space<vmem>>
        %dma_start3A_1102 = tpu.memref_squeeze %dma_start3A_1101 : memref<1x4x8x256xf32, #tpu.memory_space<vmem>> -> memref<4x8x256xf32, #tpu.memory_space<vmem>>
        %dma_start3A_1103 = arith.constant 0 : i32
        %dma_start3A_1104 = arith.constant 0 : i32
        %dma_start3A_1105 = tpu.memref_slice %dma_start3A_1102[%dma_start3A_1080, %dma_start3A_1103, %dma_start3A_1104] : memref<4x8x256xf32, #tpu.memory_space<vmem>> -> memref<1x8x256xf32, #tpu.memory_space<vmem>>
        %dma_start3A_1106 = tpu.memref_squeeze %dma_start3A_1105 : memref<1x8x256xf32, #tpu.memory_space<vmem>> -> memref<8x256xf32, #tpu.memory_space<vmem>>
        %dma_start3A_1107 = arith.constant 0 : i32
        %dma_start3A_1108 = tpu.memref_slice %dma_start3A_1106[%dma_start3A_1107, %mul3A_930] : memref<8x256xf32, #tpu.memory_space<vmem>> -> memref<8x16xf32, #tpu.memory_space<vmem>>
        %dma_start3A_1109 = arith.constant 0 : i32
        %dma_start3A_1110 = arith.constant 0 : i32
        %dma_start3A_1111 = tpu.memref_slice %arg4[%dma_start3A_1078, %dma_start3A_1109, %dma_start3A_1110] : memref<4x8x1000000xf32, #tpu.memory_space<hbm>> -> memref<1x8x1000000xf32, #tpu.memory_space<hbm>>
        %dma_start3A_1112 = tpu.memref_squeeze %dma_start3A_1111 : memref<1x8x1000000xf32, #tpu.memory_space<hbm>> -> memref<8x1000000xf32, #tpu.memory_space<hbm>>
        %dma_start3A_1113 = arith.constant 0 : i32
        %dma_start3A_1114 = tpu.memref_slice %dma_start3A_1112[%dma_start3A_1113, %mul3A_902] : memref<8x1000000xf32, #tpu.memory_space<hbm>> -> memref<8x16xf32, #tpu.memory_space<hbm>>
        tpu.enqueue_dma source(%dma_start3A_1114 : memref<8x16xf32, #tpu.memory_space<hbm>>) target(%dma_start3A_1108 : memref<8x16xf32, #tpu.memory_space<vmem>>) target_semaphore(%arg16 : memref<!tpu.dma_semaphore, #tpu.memory_space<semaphore_mem>>)
        %dma_start3A_1115 = arith.constant 2 : i32
        %dma_start3A_1116 = arith.constant 0 : i32
        %dma_start3A_1117 = arith.constant 2 : i32
        %dma_start3A_1118 = arith.constant 0 : i32
        %dma_start3A_1119 = arith.constant 0 : i32
        %dma_start3A_1120 = arith.constant 0 : i32
        %dma_start3A_1121 = tpu.memref_slice %arg12[%dma_start3A_1116, %dma_start3A_1118, %dma_start3A_1119, %dma_start3A_1120] : memref<2x4x8x256xf32, #tpu.memory_space<vmem>> -> memref<1x4x8x256xf32, #tpu.memory_space<vmem>>
        %dma_start3A_1122 = tpu.memref_squeeze %dma_start3A_1121 : memref<1x4x8x256xf32, #tpu.memory_space<vmem>> -> memref<4x8x256xf32, #tpu.memory_space<vmem>>
        %dma_start3A_1123 = arith.constant 0 : i32
        %dma_start3A_1124 = arith.constant 0 : i32
        %dma_start3A_1125 = tpu.memref_slice %dma_start3A_1122[%dma_start3A_1117, %dma_start3A_1123, %dma_start3A_1124] : memref<4x8x256xf32, #tpu.memory_space<vmem>> -> memref<1x8x256xf32, #tpu.memory_space<vmem>>
        %dma_start3A_1126 = tpu.memref_squeeze %dma_start3A_1125 : memref<1x8x256xf32, #tpu.memory_space<vmem>> -> memref<8x256xf32, #tpu.memory_space<vmem>>
        %dma_start3A_1127 = arith.constant 0 : i32
        %dma_start3A_1128 = tpu.memref_slice %dma_start3A_1126[%dma_start3A_1127, %mul3A_930] : memref<8x256xf32, #tpu.memory_space<vmem>> -> memref<8x16xf32, #tpu.memory_space<vmem>>
        %dma_start3A_1129 = arith.constant 0 : i32
        %dma_start3A_1130 = arith.constant 0 : i32
        %dma_start3A_1131 = tpu.memref_slice %arg5[%dma_start3A_1115, %dma_start3A_1129, %dma_start3A_1130] : memref<4x8x1000000xf32, #tpu.memory_space<hbm>> -> memref<1x8x1000000xf32, #tpu.memory_space<hbm>>
        %dma_start3A_1132 = tpu.memref_squeeze %dma_start3A_1131 : memref<1x8x1000000xf32, #tpu.memory_space<hbm>> -> memref<8x1000000xf32, #tpu.memory_space<hbm>>
        %dma_start3A_1133 = arith.constant 0 : i32
        %dma_start3A_1134 = tpu.memref_slice %dma_start3A_1132[%dma_start3A_1133, %mul3A_928] : memref<8x1000000xf32, #tpu.memory_space<hbm>> -> memref<8x16xf32, #tpu.memory_space<hbm>>
        %dma_start3A_1135 = arith.constant 0 : i32
        %dma_start3A_1136 = arith.constant 0 : i32
        %dma_start3A_1137 = arith.constant 0 : i32
        %dma_start3A_1138 = tpu.memref_slice %arg12[%dma_start3A_1116, %dma_start3A_1135, %dma_start3A_1136, %dma_start3A_1137] : memref<2x4x8x256xf32, #tpu.memory_space<vmem>> -> memref<1x4x8x256xf32, #tpu.memory_space<vmem>>
        %dma_start3A_1139 = tpu.memref_squeeze %dma_start3A_1138 : memref<1x4x8x256xf32, #tpu.memory_space<vmem>> -> memref<4x8x256xf32, #tpu.memory_space<vmem>>
        %dma_start3A_1140 = arith.constant 0 : i32
        %dma_start3A_1141 = arith.constant 0 : i32
        %dma_start3A_1142 = tpu.memref_slice %dma_start3A_1139[%dma_start3A_1117, %dma_start3A_1140, %dma_start3A_1141] : memref<4x8x256xf32, #tpu.memory_space<vmem>> -> memref<1x8x256xf32, #tpu.memory_space<vmem>>
        %dma_start3A_1143 = tpu.memref_squeeze %dma_start3A_1142 : memref<1x8x256xf32, #tpu.memory_space<vmem>> -> memref<8x256xf32, #tpu.memory_space<vmem>>
        %dma_start3A_1144 = arith.constant 0 : i32
        %dma_start3A_1145 = tpu.memref_slice %dma_start3A_1143[%dma_start3A_1144, %mul3A_930] : memref<8x256xf32, #tpu.memory_space<vmem>> -> memref<8x16xf32, #tpu.memory_space<vmem>>
        %dma_start3A_1146 = arith.constant 0 : i32
        %dma_start3A_1147 = arith.constant 0 : i32
        %dma_start3A_1148 = tpu.memref_slice %arg5[%dma_start3A_1115, %dma_start3A_1146, %dma_start3A_1147] : memref<4x8x1000000xf32, #tpu.memory_space<hbm>> -> memref<1x8x1000000xf32, #tpu.memory_space<hbm>>
        %dma_start3A_1149 = tpu.memref_squeeze %dma_start3A_1148 : memref<1x8x1000000xf32, #tpu.memory_space<hbm>> -> memref<8x1000000xf32, #tpu.memory_space<hbm>>
        %dma_start3A_1150 = arith.constant 0 : i32
        %dma_start3A_1151 = tpu.memref_slice %dma_start3A_1149[%dma_start3A_1150, %mul3A_928] : memref<8x1000000xf32, #tpu.memory_space<hbm>> -> memref<8x16xf32, #tpu.memory_space<hbm>>
        tpu.enqueue_dma source(%dma_start3A_1151 : memref<8x16xf32, #tpu.memory_space<hbm>>) target(%dma_start3A_1145 : memref<8x16xf32, #tpu.memory_space<vmem>>) target_semaphore(%arg16 : memref<!tpu.dma_semaphore, #tpu.memory_space<semaphore_mem>>)
        %dma_start3A_1152 = arith.constant 3 : i32
        %dma_start3A_1153 = arith.constant 0 : i32
        %dma_start3A_1154 = arith.constant 3 : i32
        %dma_start3A_1155 = arith.constant 0 : i32
        %dma_start3A_1156 = arith.constant 0 : i32
        %dma_start3A_1157 = arith.constant 0 : i32
        %dma_start3A_1158 = tpu.memref_slice %arg11[%dma_start3A_1153, %dma_start3A_1155, %dma_start3A_1156, %dma_start3A_1157] : memref<2x4x8x256xf32, #tpu.memory_space<vmem>> -> memref<1x4x8x256xf32, #tpu.memory_space<vmem>>
        %dma_start3A_1159 = tpu.memref_squeeze %dma_start3A_1158 : memref<1x4x8x256xf32, #tpu.memory_space<vmem>> -> memref<4x8x256xf32, #tpu.memory_space<vmem>>
        %dma_start3A_1160 = arith.constant 0 : i32
        %dma_start3A_1161 = arith.constant 0 : i32
        %dma_start3A_1162 = tpu.memref_slice %dma_start3A_1159[%dma_start3A_1154, %dma_start3A_1160, %dma_start3A_1161] : memref<4x8x256xf32, #tpu.memory_space<vmem>> -> memref<1x8x256xf32, #tpu.memory_space<vmem>>
        %dma_start3A_1163 = tpu.memref_squeeze %dma_start3A_1162 : memref<1x8x256xf32, #tpu.memory_space<vmem>> -> memref<8x256xf32, #tpu.memory_space<vmem>>
        %dma_start3A_1164 = arith.constant 0 : i32
        %dma_start3A_1165 = tpu.memref_slice %dma_start3A_1163[%dma_start3A_1164, %mul3A_930] : memref<8x256xf32, #tpu.memory_space<vmem>> -> memref<8x16xf32, #tpu.memory_space<vmem>>
        %dma_start3A_1166 = arith.constant 0 : i32
        %dma_start3A_1167 = arith.constant 0 : i32
        %dma_start3A_1168 = tpu.memref_slice %arg4[%dma_start3A_1152, %dma_start3A_1166, %dma_start3A_1167] : memref<4x8x1000000xf32, #tpu.memory_space<hbm>> -> memref<1x8x1000000xf32, #tpu.memory_space<hbm>>
        %dma_start3A_1169 = tpu.memref_squeeze %dma_start3A_1168 : memref<1x8x1000000xf32, #tpu.memory_space<hbm>> -> memref<8x1000000xf32, #tpu.memory_space<hbm>>
        %dma_start3A_1170 = arith.constant 0 : i32
        %dma_start3A_1171 = tpu.memref_slice %dma_start3A_1169[%dma_start3A_1170, %mul3A_902] : memref<8x1000000xf32, #tpu.memory_space<hbm>> -> memref<8x16xf32, #tpu.memory_space<hbm>>
        %dma_start3A_1172 = arith.constant 0 : i32
        %dma_start3A_1173 = arith.constant 0 : i32
        %dma_start3A_1174 = arith.constant 0 : i32
        %dma_start3A_1175 = tpu.memref_slice %arg11[%dma_start3A_1153, %dma_start3A_1172, %dma_start3A_1173, %dma_start3A_1174] : memref<2x4x8x256xf32, #tpu.memory_space<vmem>> -> memref<1x4x8x256xf32, #tpu.memory_space<vmem>>
        %dma_start3A_1176 = tpu.memref_squeeze %dma_start3A_1175 : memref<1x4x8x256xf32, #tpu.memory_space<vmem>> -> memref<4x8x256xf32, #tpu.memory_space<vmem>>
        %dma_start3A_1177 = arith.constant 0 : i32
        %dma_start3A_1178 = arith.constant 0 : i32
        %dma_start3A_1179 = tpu.memref_slice %dma_start3A_1176[%dma_start3A_1154, %dma_start3A_1177, %dma_start3A_1178] : memref<4x8x256xf32, #tpu.memory_space<vmem>> -> memref<1x8x256xf32, #tpu.memory_space<vmem>>
        %dma_start3A_1180 = tpu.memref_squeeze %dma_start3A_1179 : memref<1x8x256xf32, #tpu.memory_space<vmem>> -> memref<8x256xf32, #tpu.memory_space<vmem>>
        %dma_start3A_1181 = arith.constant 0 : i32
        %dma_start3A_1182 = tpu.memref_slice %dma_start3A_1180[%dma_start3A_1181, %mul3A_930] : memref<8x256xf32, #tpu.memory_space<vmem>> -> memref<8x16xf32, #tpu.memory_space<vmem>>
        %dma_start3A_1183 = arith.constant 0 : i32
        %dma_start3A_1184 = arith.constant 0 : i32
        %dma_start3A_1185 = tpu.memref_slice %arg4[%dma_start3A_1152, %dma_start3A_1183, %dma_start3A_1184] : memref<4x8x1000000xf32, #tpu.memory_space<hbm>> -> memref<1x8x1000000xf32, #tpu.memory_space<hbm>>
        %dma_start3A_1186 = tpu.memref_squeeze %dma_start3A_1185 : memref<1x8x1000000xf32, #tpu.memory_space<hbm>> -> memref<8x1000000xf32, #tpu.memory_space<hbm>>
        %dma_start3A_1187 = arith.constant 0 : i32
        %dma_start3A_1188 = tpu.memref_slice %dma_start3A_1186[%dma_start3A_1187, %mul3A_902] : memref<8x1000000xf32, #tpu.memory_space<hbm>> -> memref<8x16xf32, #tpu.memory_space<hbm>>
        tpu.enqueue_dma source(%dma_start3A_1188 : memref<8x16xf32, #tpu.memory_space<hbm>>) target(%dma_start3A_1182 : memref<8x16xf32, #tpu.memory_space<vmem>>) target_semaphore(%arg16 : memref<!tpu.dma_semaphore, #tpu.memory_space<semaphore_mem>>)
        %dma_start3A_1189 = arith.constant 3 : i32
        %dma_start3A_1190 = arith.constant 0 : i32
        %dma_start3A_1191 = arith.constant 3 : i32
        %dma_start3A_1192 = arith.constant 0 : i32
        %dma_start3A_1193 = arith.constant 0 : i32
        %dma_start3A_1194 = arith.constant 0 : i32
        %dma_start3A_1195 = tpu.memref_slice %arg12[%dma_start3A_1190, %dma_start3A_1192, %dma_start3A_1193, %dma_start3A_1194] : memref<2x4x8x256xf32, #tpu.memory_space<vmem>> -> memref<1x4x8x256xf32, #tpu.memory_space<vmem>>
        %dma_start3A_1196 = tpu.memref_squeeze %dma_start3A_1195 : memref<1x4x8x256xf32, #tpu.memory_space<vmem>> -> memref<4x8x256xf32, #tpu.memory_space<vmem>>
        %dma_start3A_1197 = arith.constant 0 : i32
        %dma_start3A_1198 = arith.constant 0 : i32
        %dma_start3A_1199 = tpu.memref_slice %dma_start3A_1196[%dma_start3A_1191, %dma_start3A_1197, %dma_start3A_1198] : memref<4x8x256xf32, #tpu.memory_space<vmem>> -> memref<1x8x256xf32, #tpu.memory_space<vmem>>
        %dma_start3A_1200 = tpu.memref_squeeze %dma_start3A_1199 : memref<1x8x256xf32, #tpu.memory_space<vmem>> -> memref<8x256xf32, #tpu.memory_space<vmem>>
        %dma_start3A_1201 = arith.constant 0 : i32
        %dma_start3A_1202 = tpu.memref_slice %dma_start3A_1200[%dma_start3A_1201, %mul3A_930] : memref<8x256xf32, #tpu.memory_space<vmem>> -> memref<8x16xf32, #tpu.memory_space<vmem>>
        %dma_start3A_1203 = arith.constant 0 : i32
        %dma_start3A_1204 = arith.constant 0 : i32
        %dma_start3A_1205 = tpu.memref_slice %arg5[%dma_start3A_1189, %dma_start3A_1203, %dma_start3A_1204] : memref<4x8x1000000xf32, #tpu.memory_space<hbm>> -> memref<1x8x1000000xf32, #tpu.memory_space<hbm>>
        %dma_start3A_1206 = tpu.memref_squeeze %dma_start3A_1205 : memref<1x8x1000000xf32, #tpu.memory_space<hbm>> -> memref<8x1000000xf32, #tpu.memory_space<hbm>>
        %dma_start3A_1207 = arith.constant 0 : i32
        %dma_start3A_1208 = tpu.memref_slice %dma_start3A_1206[%dma_start3A_1207, %mul3A_928] : memref<8x1000000xf32, #tpu.memory_space<hbm>> -> memref<8x16xf32, #tpu.memory_space<hbm>>
        %dma_start3A_1209 = arith.constant 0 : i32
        %dma_start3A_1210 = arith.constant 0 : i32
        %dma_start3A_1211 = arith.constant 0 : i32
        %dma_start3A_1212 = tpu.memref_slice %arg12[%dma_start3A_1190, %dma_start3A_1209, %dma_start3A_1210, %dma_start3A_1211] : memref<2x4x8x256xf32, #tpu.memory_space<vmem>> -> memref<1x4x8x256xf32, #tpu.memory_space<vmem>>
        %dma_start3A_1213 = tpu.memref_squeeze %dma_start3A_1212 : memref<1x4x8x256xf32, #tpu.memory_space<vmem>> -> memref<4x8x256xf32, #tpu.memory_space<vmem>>
        %dma_start3A_1214 = arith.constant 0 : i32
        %dma_start3A_1215 = arith.constant 0 : i32
        %dma_start3A_1216 = tpu.memref_slice %dma_start3A_1213[%dma_start3A_1191, %dma_start3A_1214, %dma_start3A_1215] : memref<4x8x256xf32, #tpu.memory_space<vmem>> -> memref<1x8x256xf32, #tpu.memory_space<vmem>>
        %dma_start3A_1217 = tpu.memref_squeeze %dma_start3A_1216 : memref<1x8x256xf32, #tpu.memory_space<vmem>> -> memref<8x256xf32, #tpu.memory_space<vmem>>
        %dma_start3A_1218 = arith.constant 0 : i32
        %dma_start3A_1219 = tpu.memref_slice %dma_start3A_1217[%dma_start3A_1218, %mul3A_930] : memref<8x256xf32, #tpu.memory_space<vmem>> -> memref<8x16xf32, #tpu.memory_space<vmem>>
        %dma_start3A_1220 = arith.constant 0 : i32
        %dma_start3A_1221 = arith.constant 0 : i32
        %dma_start3A_1222 = tpu.memref_slice %arg5[%dma_start3A_1189, %dma_start3A_1220, %dma_start3A_1221] : memref<4x8x1000000xf32, #tpu.memory_space<hbm>> -> memref<1x8x1000000xf32, #tpu.memory_space<hbm>>
        %dma_start3A_1223 = tpu.memref_squeeze %dma_start3A_1222 : memref<1x8x1000000xf32, #tpu.memory_space<hbm>> -> memref<8x1000000xf32, #tpu.memory_space<hbm>>
        %dma_start3A_1224 = arith.constant 0 : i32
        %dma_start3A_1225 = tpu.memref_slice %dma_start3A_1223[%dma_start3A_1224, %mul3A_928] : memref<8x1000000xf32, #tpu.memory_space<hbm>> -> memref<8x16xf32, #tpu.memory_space<hbm>>
        tpu.enqueue_dma source(%dma_start3A_1225 : memref<8x16xf32, #tpu.memory_space<hbm>>) target(%dma_start3A_1219 : memref<8x16xf32, #tpu.memory_space<vmem>>) target_semaphore(%arg16 : memref<!tpu.dma_semaphore, #tpu.memory_space<semaphore_mem>>)
      }
      %scan3A_796 = arith.constant 16 : i32
      %dma_wait3A_797 = arith.constant 1 : i32
      %dma_wait3A_798 = arith.constant 0 : i32
      %dma_wait3A_799 = arith.constant 0 : i32
      %dma_wait3A_800 = arith.constant 0 : i32
      %dma_wait3A_801 = tpu.memref_slice %arg11[%dma_wait3A_797, %dma_wait3A_798, %dma_wait3A_799, %dma_wait3A_800] : memref<2x4x8x256xf32, #tpu.memory_space<vmem>> -> memref<1x4x8x256xf32, #tpu.memory_space<vmem>>
      %dma_wait3A_802 = tpu.memref_squeeze %dma_wait3A_801 : memref<1x4x8x256xf32, #tpu.memory_space<vmem>> -> memref<4x8x256xf32, #tpu.memory_space<vmem>>
      %dma_wait3A_803 = arith.constant 0 : i32
      %dma_wait3A_804 = arith.constant 0 : i32
      %dma_wait3A_805 = arith.constant 0 : i32
      %dma_wait3A_806 = tpu.memref_slice %arg4[%dma_wait3A_803, %dma_wait3A_804, %dma_wait3A_805] : memref<4x8x1000000xf32, #tpu.memory_space<hbm>> -> memref<4x8x256xf32, #tpu.memory_space<hbm>>
      %dma_wait3A_807 = arith.constant 0 : i32
      %dma_wait3A_808 = arith.constant 0 : i32
      %dma_wait3A_809 = arith.constant 0 : i32
      %dma_wait3A_810 = tpu.memref_slice %arg11[%dma_wait3A_797, %dma_wait3A_807, %dma_wait3A_808, %dma_wait3A_809] : memref<2x4x8x256xf32, #tpu.memory_space<vmem>> -> memref<1x4x8x256xf32, #tpu.memory_space<vmem>>
      %dma_wait3A_811 = tpu.memref_squeeze %dma_wait3A_810 : memref<1x4x8x256xf32, #tpu.memory_space<vmem>> -> memref<4x8x256xf32, #tpu.memory_space<vmem>>
      %dma_wait3A_812 = arith.constant 0 : i32
      %dma_wait3A_813 = arith.constant 0 : i32
      %dma_wait3A_814 = arith.constant 0 : i32
      %dma_wait3A_815 = tpu.memref_slice %arg4[%dma_wait3A_812, %dma_wait3A_813, %dma_wait3A_814] : memref<4x8x1000000xf32, #tpu.memory_space<hbm>> -> memref<4x8x256xf32, #tpu.memory_space<hbm>>
      tpu.wait_dma2 semaphore(%arg17 : memref<!tpu.dma_semaphore, #tpu.memory_space<semaphore_mem>>) src(%dma_wait3A_815 : memref<4x8x256xf32, #tpu.memory_space<hbm>>) dst(%dma_wait3A_811 : memref<4x8x256xf32, #tpu.memory_space<vmem>>)
      %dma_wait3A_816 = arith.constant 1 : i32
      %dma_wait3A_817 = arith.constant 0 : i32
      %dma_wait3A_818 = arith.constant 0 : i32
      %dma_wait3A_819 = arith.constant 0 : i32
      %dma_wait3A_820 = tpu.memref_slice %arg12[%dma_wait3A_816, %dma_wait3A_817, %dma_wait3A_818, %dma_wait3A_819] : memref<2x4x8x256xf32, #tpu.memory_space<vmem>> -> memref<1x4x8x256xf32, #tpu.memory_space<vmem>>
      %dma_wait3A_821 = tpu.memref_squeeze %dma_wait3A_820 : memref<1x4x8x256xf32, #tpu.memory_space<vmem>> -> memref<4x8x256xf32, #tpu.memory_space<vmem>>
      %dma_wait3A_822 = arith.constant 0 : i32
      %dma_wait3A_823 = arith.constant 0 : i32
      %dma_wait3A_824 = arith.constant 0 : i32
      %dma_wait3A_825 = tpu.memref_slice %arg4[%dma_wait3A_822, %dma_wait3A_823, %dma_wait3A_824] : memref<4x8x1000000xf32, #tpu.memory_space<hbm>> -> memref<4x8x256xf32, #tpu.memory_space<hbm>>
      %dma_wait3A_826 = arith.constant 0 : i32
      %dma_wait3A_827 = arith.constant 0 : i32
      %dma_wait3A_828 = arith.constant 0 : i32
      %dma_wait3A_829 = tpu.memref_slice %arg12[%dma_wait3A_816, %dma_wait3A_826, %dma_wait3A_827, %dma_wait3A_828] : memref<2x4x8x256xf32, #tpu.memory_space<vmem>> -> memref<1x4x8x256xf32, #tpu.memory_space<vmem>>
      %dma_wait3A_830 = tpu.memref_squeeze %dma_wait3A_829 : memref<1x4x8x256xf32, #tpu.memory_space<vmem>> -> memref<4x8x256xf32, #tpu.memory_space<vmem>>
      %dma_wait3A_831 = arith.constant 0 : i32
      %dma_wait3A_832 = arith.constant 0 : i32
      %dma_wait3A_833 = arith.constant 0 : i32
      %dma_wait3A_834 = tpu.memref_slice %arg4[%dma_wait3A_831, %dma_wait3A_832, %dma_wait3A_833] : memref<4x8x1000000xf32, #tpu.memory_space<hbm>> -> memref<4x8x256xf32, #tpu.memory_space<hbm>>
      tpu.wait_dma2 semaphore(%arg17 : memref<!tpu.dma_semaphore, #tpu.memory_space<semaphore_mem>>) src(%dma_wait3A_834 : memref<4x8x256xf32, #tpu.memory_space<hbm>>) dst(%dma_wait3A_830 : memref<4x8x256xf32, #tpu.memory_space<vmem>>)
      %add3A_835 = arith.constant 1 : i32
      %add3A_836 = arith.addi %mul3A_706, %add3A_835 : i32
      %mul3A_837 = arith.constant 16 : i32
      %mul3A_838 = arith.muli %add3A_836, %mul3A_837 : i32
      %get3A_839 = arith.index_cast %mul3A_838 : i32 to index
      %get3A_840 = tpu.vector_load %arg9[%get3A_839] {strides = array<i32>} : memref<528xi32, #tpu.memory_space<vmem>>, vector<16xi32>,
      %mul3A_841 = arith.constant 16 : i32
      %mul3A_842 = arith.muli %add3A_836, %mul3A_841 : i32
      %get3A_843 = arith.index_cast %mul3A_842 : i32 to index
      %get3A_844 = tpu.vector_load %arg10[%get3A_843] {strides = array<i32>} : memref<528xi32, #tpu.memory_space<vmem>>, vector<16xi32>,
      %mul3A_845 = arith.constant 16 : i32
      %mul3A_846 = vector.broadcast %mul3A_845 : i32 to vector<16xi32>
      %mul3A_847 = arith.muli %iota3A, %mul3A_846 : vector<16xi32>
      %and3A_848 = arith.constant 15 : i32
      %and3A_849 = vector.broadcast %and3A_848 : i32 to vector<16xi32>
      %and3A_850 = arith.andi %get3A_840, %and3A_849 : vector<16xi32>
      %add3A_851 = arith.addi %mul3A_847, %and3A_850 : vector<16xi32>
      %mul3A_852 = arith.constant 16 : i32
      %mul3A_853 = vector.broadcast %mul3A_852 : i32 to vector<16xi32>
      %mul3A_854 = arith.muli %iota3A, %mul3A_853 : vector<16xi32>
      %and3A_855 = arith.constant 15 : i32
      %and3A_856 = vector.broadcast %and3A_855 : i32 to vector<16xi32>
      %and3A_857 = arith.andi %get3A_844, %and3A_856 : vector<16xi32>
      %add3A_858 = arith.addi %mul3A_854, %and3A_857 : vector<16xi32>
      %broadcast_in_dim3A_859 = arith.constant 1 : i32
      %broadcast_in_dim3A_860 = vector.broadcast %broadcast_in_dim3A_859 : i32 to vector<16xi32>
      %mul3A_861 = arith.constant 16 : i32
      %mul3A_862 = arith.muli %add3A_836, %mul3A_861 : i32
      %get3A_863 = arith.index_cast %mul3A_862 : i32 to index
      %get3A_864 = tpu.vector_load %arg15[%get3A_863] {strides = array<i32>} : memref<512xf32, #tpu.memory_space<vmem>>, vector<16xf32>,
      %scan3A_865 = arith.constant 0 : i32
      %scan3A_866 = arith.constant 32 : i32
      %scan3A_867 = arith.addi %scan3A_865, %scan3A_866 : i32
      %scan3A_868 = arith.constant 1 : i32
      %scan3A_869 = scf.for %scan3A_873 = %scan3A_865 to %scan3A_867 step %scan3A_868 iter_args(%scan3A_874 = %get3A_864) -> (vector<16xf32>)  : i32 {
        %jit3A = arith.constant 8 : i32
        %div3A_875 = arith.divsi %scan3A_873, %jit3A : i32
        %sign3A = arith.constant 0 : i32
        %sign3A_876 = arith.cmpi sgt, %scan3A_873, %sign3A : i32
        %sign3A_877 = arith.extui %sign3A_876 : i1 to i32
        %sign3A_878 = arith.constant 0 : i32
        %sign3A_879 = arith.cmpi slt, %scan3A_873, %sign3A_878 : i32
        %sign3A_880 = arith.extui %sign3A_879 : i1 to i32
        %sign3A_881 = arith.subi %sign3A_877, %sign3A_880 : i32
        %sign3A_882 = arith.constant 0 : i32
        %sign3A_883 = arith.cmpi sgt, %jit3A, %sign3A_882 : i32
        %sign3A_884 = arith.extui %sign3A_883 : i1 to i32
        %sign3A_885 = arith.constant 0 : i32
        %sign3A_886 = arith.cmpi slt, %jit3A, %sign3A_885 : i32
        %sign3A_887 = arith.extui %sign3A_886 : i1 to i32
        %sign3A_888 = arith.subi %sign3A_884, %sign3A_887 : i32
        %ne3A = arith.cmpi ne, %sign3A_881, %sign3A_888 : i32
        %rem3A = arith.remsi %scan3A_873, %jit3A : i32
        %ne3A_889 = arith.constant 0 : i32
        %ne3A_890 = arith.cmpi ne, %rem3A, %ne3A_889 : i32
        %and3A_891 = arith.andi %ne3A, %ne3A_890 : i1
        %sub3A = arith.constant 1 : i32
        %sub3A_892 = arith.subi %div3A_875, %sub3A : i32
        %select_n3A = arith.select %and3A_891, %sub3A_892, %div3A_875 : i32
        %jit3A_893 = arith.constant 8 : i32
        %eq3A = arith.constant 0 : i32
        %eq3A_894 = arith.cmpi eq, %jit3A_893, %eq3A : i32
        %jit3A_895 = arith.constant 1 : i32
        %select_n3A_896 = arith.select %eq3A_894, %jit3A_895, %jit3A_893 : i32
        %rem3A_897 = arith.remsi %scan3A_873, %select_n3A_896 : i32
        %ne3A_898 = arith.constant 0 : i32
        %ne3A_899 = arith.cmpi ne, %rem3A_897, %ne3A_898 : i32
        %lt3A = arith.constant 0 : i32
        %lt3A_900 = arith.cmpi slt, %rem3A_897, %lt3A : i32
        %lt3A_901 = arith.constant 0 : i32
        %lt3A_902 = arith.cmpi slt, %select_n3A_896, %lt3A_901 : i32
        %ne3A_903 = arith.xori %lt3A_900, %lt3A_902 : i1
        %and3A_904 = arith.andi %ne3A_903, %ne3A_899 : i1
        %add3A_905 = arith.addi %rem3A_897, %select_n3A_896 : i32
        %select_n3A_906 = arith.select %and3A_904, %add3A_905, %rem3A_897 : i32
        %broadcast_in_dim3A_907 = vector.broadcast %select_n3A : i32 to vector<16xi32>
        %broadcast_in_dim3A_908 = vector.broadcast %select_n3A_906 : i32 to vector<16xi32>
        %mul3A_909 = arith.constant 16 : i32
        %mul3A_910 = arith.muli %scan3A_873, %mul3A_909 : i32
        %get3A_911 = arith.index_cast %mul3A_910 : i32 to index
        %get3A_912 = tpu.vector_load %arg13[%get3A_911] {strides = array<i32>} : memref<512xf32, #tpu.memory_space<vmem>>, vector<16xf32>,
        %gather3A = tpu.vector_load_idx %arg11[%broadcast_in_dim3A_860, %broadcast_in_dim3A_907, %broadcast_in_dim3A_908, %add3A_851] : memref<2x4x8x256xf32, #tpu.memory_space<vmem>>[vector<16xi32>, vector<16xi32>, vector<16xi32>, vector<16xi32>], vector<16xf32>,
        %gather3A_913 = tpu.vector_load_idx %arg12[%broadcast_in_dim3A_860, %broadcast_in_dim3A_907, %broadcast_in_dim3A_908, %add3A_858] : memref<2x4x8x256xf32, #tpu.memory_space<vmem>>[vector<16xi32>, vector<16xi32>, vector<16xi32>, vector<16xi32>], vector<16xf32>,
        %mul3A_914 = arith.mulf %gather3A, %gather3A_913 : vector<16xf32>
        %mul3A_915 = arith.mulf %mul3A_914, %get3A_912 : vector<16xf32>
        %add3A_916 = arith.addf %scan3A_874, %mul3A_915 : vector<16xf32>
        scf.yield %add3A_916 : vector<16xf32>
      }
      %scan3A_870 = arith.constant 32 : i32
      %swap3A_871 = arith.index_cast %mul3A_862 : i32 to index
      %swap3A_872 = tpu.vector_load %arg15[%swap3A_871] {strides = array<i32>} : memref<512xf32, #tpu.memory_space<vmem>>, vector<16xf32>,
      tpu.vector_store %arg15[%swap3A_871], %scan3A_869 {strides = array<i32>} : memref<512xf32, #tpu.memory_space<vmem>>, vector<16xf32>,
    }
    %scan3A_85 = arith.constant 15 : i32
    %scan3A_86 = arith.constant 0 : i32
    %scan3A_87 = arith.constant 0 : i32
    %scan3A_88 = arith.constant 16 : i32
    %scan3A_89 = arith.addi %scan3A_87, %scan3A_88 : i32
    %scan3A_90 = arith.constant 1 : i32
    scf.for %scan3A_704 = %scan3A_87 to %scan3A_89 step %scan3A_90  : i32 {
      %add3A_705 = arith.constant 496 : i32
      %add3A_706 = arith.addi %add3A_705, %scan3A_704 : i32
      %get3A_707 = arith.index_cast %add3A_706 : i32 to index
      %get3A_708 = tpu.vector_load %arg9[%get3A_707] {strides = array<i32>} : memref<528xi32, #tpu.memory_space<vmem>>, vector<16xi32>,
      %slice3A = vector.extract_strided_slice %get3A_708 {offsets = [0], sizes = [1], strides = [1]} : vector<16xi32> to vector<1xi32>
      %squeeze3A = vector.extract %slice3A[0] : i32 from vector<1xi32>
      %get3A_709 = arith.index_cast %add3A_706 : i32 to index
      %get3A_710 = tpu.vector_load %arg10[%get3A_709] {strides = array<i32>} : memref<528xi32, #tpu.memory_space<vmem>>, vector<16xi32>,
      %slice3A_711 = vector.extract_strided_slice %get3A_710 {offsets = [0], sizes = [1], strides = [1]} : vector<16xi32> to vector<1xi32>
      %squeeze3A_712 = vector.extract %slice3A_711[0] : i32 from vector<1xi32>
      %jit3A = arith.constant 16 : i32
      %div3A_713 = arith.divsi %squeeze3A, %jit3A : i32
      %sign3A = arith.constant 0 : i32
      %sign3A_714 = arith.cmpi sgt, %squeeze3A, %sign3A : i32
      %sign3A_715 = arith.extui %sign3A_714 : i1 to i32
      %sign3A_716 = arith.constant 0 : i32
      %sign3A_717 = arith.cmpi slt, %squeeze3A, %sign3A_716 : i32
      %sign3A_718 = arith.extui %sign3A_717 : i1 to i32
      %sign3A_719 = arith.subi %sign3A_715, %sign3A_718 : i32
      %sign3A_720 = arith.constant 0 : i32
      %sign3A_721 = arith.cmpi sgt, %jit3A, %sign3A_720 : i32
      %sign3A_722 = arith.extui %sign3A_721 : i1 to i32
      %sign3A_723 = arith.constant 0 : i32
      %sign3A_724 = arith.cmpi slt, %jit3A, %sign3A_723 : i32
      %sign3A_725 = arith.extui %sign3A_724 : i1 to i32
      %sign3A_726 = arith.subi %sign3A_722, %sign3A_725 : i32
      %ne3A = arith.cmpi ne, %sign3A_719, %sign3A_726 : i32
      %rem3A = arith.remsi %squeeze3A, %jit3A : i32
      %ne3A_727 = arith.constant 0 : i32
      %ne3A_728 = arith.cmpi ne, %rem3A, %ne3A_727 : i32
      %and3A_729 = arith.andi %ne3A, %ne3A_728 : i1
      %sub3A = arith.constant 1 : i32
      %sub3A_730 = arith.subi %div3A_713, %sub3A : i32
      %select_n3A = arith.select %and3A_729, %sub3A_730, %div3A_713 : i32
      %mul3A_731 = arith.constant 16 : i32
      %mul3A_732 = arith.muli %select_n3A, %mul3A_731 : i32
      %jit3A_733 = arith.constant 16 : i32
      %div3A_734 = arith.divsi %squeeze3A_712, %jit3A_733 : i32
      %sign3A_735 = arith.constant 0 : i32
      %sign3A_736 = arith.cmpi sgt, %squeeze3A_712, %sign3A_735 : i32
      %sign3A_737 = arith.extui %sign3A_736 : i1 to i32
      %sign3A_738 = arith.constant 0 : i32
      %sign3A_739 = arith.cmpi slt, %squeeze3A_712, %sign3A_738 : i32
      %sign3A_740 = arith.extui %sign3A_739 : i1 to i32
      %sign3A_741 = arith.subi %sign3A_737, %sign3A_740 : i32
      %sign3A_742 = arith.constant 0 : i32
      %sign3A_743 = arith.cmpi sgt, %jit3A_733, %sign3A_742 : i32
      %sign3A_744 = arith.extui %sign3A_743 : i1 to i32
      %sign3A_745 = arith.constant 0 : i32
      %sign3A_746 = arith.cmpi slt, %jit3A_733, %sign3A_745 : i32
      %sign3A_747 = arith.extui %sign3A_746 : i1 to i32
      %sign3A_748 = arith.subi %sign3A_744, %sign3A_747 : i32
      %ne3A_749 = arith.cmpi ne, %sign3A_741, %sign3A_748 : i32
      %rem3A_750 = arith.remsi %squeeze3A_712, %jit3A_733 : i32
      %ne3A_751 = arith.constant 0 : i32
      %ne3A_752 = arith.cmpi ne, %rem3A_750, %ne3A_751 : i32
      %and3A_753 = arith.andi %ne3A_749, %ne3A_752 : i1
      %sub3A_754 = arith.constant 1 : i32
      %sub3A_755 = arith.subi %div3A_734, %sub3A_754 : i32
      %select_n3A_756 = arith.select %and3A_753, %sub3A_755, %div3A_734 : i32
      %mul3A_757 = arith.constant 16 : i32
      %mul3A_758 = arith.muli %select_n3A_756, %mul3A_757 : i32
      %mul3A_759 = arith.constant 16 : i32
      %mul3A_760 = arith.muli %scan3A_704, %mul3A_759 : i32
      %dma_start3A = arith.constant 0 : i32
      %dma_start3A_761 = arith.constant 1 : i32
      %dma_start3A_762 = arith.constant 0 : i32
      %dma_start3A_763 = arith.constant 0 : i32
      %dma_start3A_764 = arith.constant 0 : i32
      %dma_start3A_765 = arith.constant 0 : i32
      %dma_start3A_766 = tpu.memref_slice %arg11[%dma_start3A_761, %dma_start3A_763, %dma_start3A_764, %dma_start3A_765] : memref<2x4x8x256xf32, #tpu.memory_space<vmem>> -> memref<1x4x8x256xf32, #tpu.memory_space<vmem>>
      %dma_start3A_767 = tpu.memref_squeeze %dma_start3A_766 : memref<1x4x8x256xf32, #tpu.memory_space<vmem>> -> memref<4x8x256xf32, #tpu.memory_space<vmem>>
      %dma_start3A_768 = arith.constant 0 : i32
      %dma_start3A_769 = arith.constant 0 : i32
      %dma_start3A_770 = tpu.memref_slice %dma_start3A_767[%dma_start3A_762, %dma_start3A_768, %dma_start3A_769] : memref<4x8x256xf32, #tpu.memory_space<vmem>> -> memref<1x8x256xf32, #tpu.memory_space<vmem>>
      %dma_start3A_771 = tpu.memref_squeeze %dma_start3A_770 : memref<1x8x256xf32, #tpu.memory_space<vmem>> -> memref<8x256xf32, #tpu.memory_space<vmem>>
      %dma_start3A_772 = arith.constant 0 : i32
      %dma_start3A_773 = tpu.memref_slice %dma_start3A_771[%dma_start3A_772, %mul3A_760] : memref<8x256xf32, #tpu.memory_space<vmem>> -> memref<8x16xf32, #tpu.memory_space<vmem>>
      %dma_start3A_774 = arith.constant 0 : i32
      %dma_start3A_775 = arith.constant 0 : i32
      %dma_start3A_776 = tpu.memref_slice %arg4[%dma_start3A, %dma_start3A_774, %dma_start3A_775] : memref<4x8x1000000xf32, #tpu.memory_space<hbm>> -> memref<1x8x1000000xf32, #tpu.memory_space<hbm>>
      %dma_start3A_777 = tpu.memref_squeeze %dma_start3A_776 : memref<1x8x1000000xf32, #tpu.memory_space<hbm>> -> memref<8x1000000xf32, #tpu.memory_space<hbm>>
      %dma_start3A_778 = arith.constant 0 : i32
      %dma_start3A_779 = tpu.memref_slice %dma_start3A_777[%dma_start3A_778, %mul3A_732] : memref<8x1000000xf32, #tpu.memory_space<hbm>> -> memref<8x16xf32, #tpu.memory_space<hbm>>
      %dma_start3A_780 = arith.constant 0 : i32
      %dma_start3A_781 = arith.constant 0 : i32
      %dma_start3A_782 = arith.constant 0 : i32
      %dma_start3A_783 = tpu.memref_slice %arg11[%dma_start3A_761, %dma_start3A_780, %dma_start3A_781, %dma_start3A_782] : memref<2x4x8x256xf32, #tpu.memory_space<vmem>> -> memref<1x4x8x256xf32, #tpu.memory_space<vmem>>
      %dma_start3A_784 = tpu.memref_squeeze %dma_start3A_783 : memref<1x4x8x256xf32, #tpu.memory_space<vmem>> -> memref<4x8x256xf32, #tpu.memory_space<vmem>>
      %dma_start3A_785 = arith.constant 0 : i32
      %dma_start3A_786 = arith.constant 0 : i32
      %dma_start3A_787 = tpu.memref_slice %dma_start3A_784[%dma_start3A_762, %dma_start3A_785, %dma_start3A_786] : memref<4x8x256xf32, #tpu.memory_space<vmem>> -> memref<1x8x256xf32, #tpu.memory_space<vmem>>
      %dma_start3A_788 = tpu.memref_squeeze %dma_start3A_787 : memref<1x8x256xf32, #tpu.memory_space<vmem>> -> memref<8x256xf32, #tpu.memory_space<vmem>>
      %dma_start3A_789 = arith.constant 0 : i32
      %dma_start3A_790 = tpu.memref_slice %dma_start3A_788[%dma_start3A_789, %mul3A_760] : memref<8x256xf32, #tpu.memory_space<vmem>> -> memref<8x16xf32, #tpu.memory_space<vmem>>
      %dma_start3A_791 = arith.constant 0 : i32
      %dma_start3A_792 = arith.constant 0 : i32
      %dma_start3A_793 = tpu.memref_slice %arg4[%dma_start3A, %dma_start3A_791, %dma_start3A_792] : memref<4x8x1000000xf32, #tpu.memory_space<hbm>> -> memref<1x8x1000000xf32, #tpu.memory_space<hbm>>
      %dma_start3A_794 = tpu.memref_squeeze %dma_start3A_793 : memref<1x8x1000000xf32, #tpu.memory_space<hbm>> -> memref<8x1000000xf32, #tpu.memory_space<hbm>>
      %dma_start3A_795 = arith.constant 0 : i32
      %dma_start3A_796 = tpu.memref_slice %dma_start3A_794[%dma_start3A_795, %mul3A_732] : memref<8x1000000xf32, #tpu.memory_space<hbm>> -> memref<8x16xf32, #tpu.memory_space<hbm>>
      tpu.enqueue_dma source(%dma_start3A_796 : memref<8x16xf32, #tpu.memory_space<hbm>>) target(%dma_start3A_790 : memref<8x16xf32, #tpu.memory_space<vmem>>) target_semaphore(%arg17 : memref<!tpu.dma_semaphore, #tpu.memory_space<semaphore_mem>>)
      %dma_start3A_797 = arith.constant 0 : i32
      %dma_start3A_798 = arith.constant 1 : i32
      %dma_start3A_799 = arith.constant 0 : i32
      %dma_start3A_800 = arith.constant 0 : i32
      %dma_start3A_801 = arith.constant 0 : i32
      %dma_start3A_802 = arith.constant 0 : i32
      %dma_start3A_803 = tpu.memref_slice %arg12[%dma_start3A_798, %dma_start3A_800, %dma_start3A_801, %dma_start3A_802] : memref<2x4x8x256xf32, #tpu.memory_space<vmem>> -> memref<1x4x8x256xf32, #tpu.memory_space<vmem>>
      %dma_start3A_804 = tpu.memref_squeeze %dma_start3A_803 : memref<1x4x8x256xf32, #tpu.memory_space<vmem>> -> memref<4x8x256xf32, #tpu.memory_space<vmem>>
      %dma_start3A_805 = arith.constant 0 : i32
      %dma_start3A_806 = arith.constant 0 : i32
      %dma_start3A_807 = tpu.memref_slice %dma_start3A_804[%dma_start3A_799, %dma_start3A_805, %dma_start3A_806] : memref<4x8x256xf32, #tpu.memory_space<vmem>> -> memref<1x8x256xf32, #tpu.memory_space<vmem>>
      %dma_start3A_808 = tpu.memref_squeeze %dma_start3A_807 : memref<1x8x256xf32, #tpu.memory_space<vmem>> -> memref<8x256xf32, #tpu.memory_space<vmem>>
      %dma_start3A_809 = arith.constant 0 : i32
      %dma_start3A_810 = tpu.memref_slice %dma_start3A_808[%dma_start3A_809, %mul3A_760] : memref<8x256xf32, #tpu.memory_space<vmem>> -> memref<8x16xf32, #tpu.memory_space<vmem>>
      %dma_start3A_811 = arith.constant 0 : i32
      %dma_start3A_812 = arith.constant 0 : i32
      %dma_start3A_813 = tpu.memref_slice %arg5[%dma_start3A_797, %dma_start3A_811, %dma_start3A_812] : memref<4x8x1000000xf32, #tpu.memory_space<hbm>> -> memref<1x8x1000000xf32, #tpu.memory_space<hbm>>
      %dma_start3A_814 = tpu.memref_squeeze %dma_start3A_813 : memref<1x8x1000000xf32, #tpu.memory_space<hbm>> -> memref<8x1000000xf32, #tpu.memory_space<hbm>>
      %dma_start3A_815 = arith.constant 0 : i32
      %dma_start3A_816 = tpu.memref_slice %dma_start3A_814[%dma_start3A_815, %mul3A_758] : memref<8x1000000xf32, #tpu.memory_space<hbm>> -> memref<8x16xf32, #tpu.memory_space<hbm>>
      %dma_start3A_817 = arith.constant 0 : i32
      %dma_start3A_818 = arith.constant 0 : i32
      %dma_start3A_819 = arith.constant 0 : i32
      %dma_start3A_820 = tpu.memref_slice %arg12[%dma_start3A_798, %dma_start3A_817, %dma_start3A_818, %dma_start3A_819] : memref<2x4x8x256xf32, #tpu.memory_space<vmem>> -> memref<1x4x8x256xf32, #tpu.memory_space<vmem>>
      %dma_start3A_821 = tpu.memref_squeeze %dma_start3A_820 : memref<1x4x8x256xf32, #tpu.memory_space<vmem>> -> memref<4x8x256xf32, #tpu.memory_space<vmem>>
      %dma_start3A_822 = arith.constant 0 : i32
      %dma_start3A_823 = arith.constant 0 : i32
      %dma_start3A_824 = tpu.memref_slice %dma_start3A_821[%dma_start3A_799, %dma_start3A_822, %dma_start3A_823] : memref<4x8x256xf32, #tpu.memory_space<vmem>> -> memref<1x8x256xf32, #tpu.memory_space<vmem>>
      %dma_start3A_825 = tpu.memref_squeeze %dma_start3A_824 : memref<1x8x256xf32, #tpu.memory_space<vmem>> -> memref<8x256xf32, #tpu.memory_space<vmem>>
      %dma_start3A_826 = arith.constant 0 : i32
      %dma_start3A_827 = tpu.memref_slice %dma_start3A_825[%dma_start3A_826, %mul3A_760] : memref<8x256xf32, #tpu.memory_space<vmem>> -> memref<8x16xf32, #tpu.memory_space<vmem>>
      %dma_start3A_828 = arith.constant 0 : i32
      %dma_start3A_829 = arith.constant 0 : i32
      %dma_start3A_830 = tpu.memref_slice %arg5[%dma_start3A_797, %dma_start3A_828, %dma_start3A_829] : memref<4x8x1000000xf32, #tpu.memory_space<hbm>> -> memref<1x8x1000000xf32, #tpu.memory_space<hbm>>
      %dma_start3A_831 = tpu.memref_squeeze %dma_start3A_830 : memref<1x8x1000000xf32, #tpu.memory_space<hbm>> -> memref<8x1000000xf32, #tpu.memory_space<hbm>>
      %dma_start3A_832 = arith.constant 0 : i32
      %dma_start3A_833 = tpu.memref_slice %dma_start3A_831[%dma_start3A_832, %mul3A_758] : memref<8x1000000xf32, #tpu.memory_space<hbm>> -> memref<8x16xf32, #tpu.memory_space<hbm>>
      tpu.enqueue_dma source(%dma_start3A_833 : memref<8x16xf32, #tpu.memory_space<hbm>>) target(%dma_start3A_827 : memref<8x16xf32, #tpu.memory_space<vmem>>) target_semaphore(%arg17 : memref<!tpu.dma_semaphore, #tpu.memory_space<semaphore_mem>>)
      %dma_start3A_834 = arith.constant 1 : i32
      %dma_start3A_835 = arith.constant 1 : i32
      %dma_start3A_836 = arith.constant 1 : i32
      %dma_start3A_837 = arith.constant 0 : i32
      %dma_start3A_838 = arith.constant 0 : i32
      %dma_start3A_839 = arith.constant 0 : i32
      %dma_start3A_840 = tpu.memref_slice %arg11[%dma_start3A_835, %dma_start3A_837, %dma_start3A_838, %dma_start3A_839] : memref<2x4x8x256xf32, #tpu.memory_space<vmem>> -> memref<1x4x8x256xf32, #tpu.memory_space<vmem>>
      %dma_start3A_841 = tpu.memref_squeeze %dma_start3A_840 : memref<1x4x8x256xf32, #tpu.memory_space<vmem>> -> memref<4x8x256xf32, #tpu.memory_space<vmem>>
      %dma_start3A_842 = arith.constant 0 : i32
      %dma_start3A_843 = arith.constant 0 : i32
      %dma_start3A_844 = tpu.memref_slice %dma_start3A_841[%dma_start3A_836, %dma_start3A_842, %dma_start3A_843] : memref<4x8x256xf32, #tpu.memory_space<vmem>> -> memref<1x8x256xf32, #tpu.memory_space<vmem>>
      %dma_start3A_845 = tpu.memref_squeeze %dma_start3A_844 : memref<1x8x256xf32, #tpu.memory_space<vmem>> -> memref<8x256xf32, #tpu.memory_space<vmem>>
      %dma_start3A_846 = arith.constant 0 : i32
      %dma_start3A_847 = tpu.memref_slice %dma_start3A_845[%dma_start3A_846, %mul3A_760] : memref<8x256xf32, #tpu.memory_space<vmem>> -> memref<8x16xf32, #tpu.memory_space<vmem>>
      %dma_start3A_848 = arith.constant 0 : i32
      %dma_start3A_849 = arith.constant 0 : i32
      %dma_start3A_850 = tpu.memref_slice %arg4[%dma_start3A_834, %dma_start3A_848, %dma_start3A_849] : memref<4x8x1000000xf32, #tpu.memory_space<hbm>> -> memref<1x8x1000000xf32, #tpu.memory_space<hbm>>
      %dma_start3A_851 = tpu.memref_squeeze %dma_start3A_850 : memref<1x8x1000000xf32, #tpu.memory_space<hbm>> -> memref<8x1000000xf32, #tpu.memory_space<hbm>>
      %dma_start3A_852 = arith.constant 0 : i32
      %dma_start3A_853 = tpu.memref_slice %dma_start3A_851[%dma_start3A_852, %mul3A_732] : memref<8x1000000xf32, #tpu.memory_space<hbm>> -> memref<8x16xf32, #tpu.memory_space<hbm>>
      %dma_start3A_854 = arith.constant 0 : i32
      %dma_start3A_855 = arith.constant 0 : i32
      %dma_start3A_856 = arith.constant 0 : i32
      %dma_start3A_857 = tpu.memref_slice %arg11[%dma_start3A_835, %dma_start3A_854, %dma_start3A_855, %dma_start3A_856] : memref<2x4x8x256xf32, #tpu.memory_space<vmem>> -> memref<1x4x8x256xf32, #tpu.memory_space<vmem>>
      %dma_start3A_858 = tpu.memref_squeeze %dma_start3A_857 : memref<1x4x8x256xf32, #tpu.memory_space<vmem>> -> memref<4x8x256xf32, #tpu.memory_space<vmem>>
      %dma_start3A_859 = arith.constant 0 : i32
      %dma_start3A_860 = arith.constant 0 : i32
      %dma_start3A_861 = tpu.memref_slice %dma_start3A_858[%dma_start3A_836, %dma_start3A_859, %dma_start3A_860] : memref<4x8x256xf32, #tpu.memory_space<vmem>> -> memref<1x8x256xf32, #tpu.memory_space<vmem>>
      %dma_start3A_862 = tpu.memref_squeeze %dma_start3A_861 : memref<1x8x256xf32, #tpu.memory_space<vmem>> -> memref<8x256xf32, #tpu.memory_space<vmem>>
      %dma_start3A_863 = arith.constant 0 : i32
      %dma_start3A_864 = tpu.memref_slice %dma_start3A_862[%dma_start3A_863, %mul3A_760] : memref<8x256xf32, #tpu.memory_space<vmem>> -> memref<8x16xf32, #tpu.memory_space<vmem>>
      %dma_start3A_865 = arith.constant 0 : i32
      %dma_start3A_866 = arith.constant 0 : i32
      %dma_start3A_867 = tpu.memref_slice %arg4[%dma_start3A_834, %dma_start3A_865, %dma_start3A_866] : memref<4x8x1000000xf32, #tpu.memory_space<hbm>> -> memref<1x8x1000000xf32, #tpu.memory_space<hbm>>
      %dma_start3A_868 = tpu.memref_squeeze %dma_start3A_867 : memref<1x8x1000000xf32, #tpu.memory_space<hbm>> -> memref<8x1000000xf32, #tpu.memory_space<hbm>>
      %dma_start3A_869 = arith.constant 0 : i32
      %dma_start3A_870 = tpu.memref_slice %dma_start3A_868[%dma_start3A_869, %mul3A_732] : memref<8x1000000xf32, #tpu.memory_space<hbm>> -> memref<8x16xf32, #tpu.memory_space<hbm>>
      tpu.enqueue_dma source(%dma_start3A_870 : memref<8x16xf32, #tpu.memory_space<hbm>>) target(%dma_start3A_864 : memref<8x16xf32, #tpu.memory_space<vmem>>) target_semaphore(%arg17 : memref<!tpu.dma_semaphore, #tpu.memory_space<semaphore_mem>>)
      %dma_start3A_871 = arith.constant 1 : i32
      %dma_start3A_872 = arith.constant 1 : i32
      %dma_start3A_873 = arith.constant 1 : i32
      %dma_start3A_874 = arith.constant 0 : i32
      %dma_start3A_875 = arith.constant 0 : i32
      %dma_start3A_876 = arith.constant 0 : i32
      %dma_start3A_877 = tpu.memref_slice %arg12[%dma_start3A_872, %dma_start3A_874, %dma_start3A_875, %dma_start3A_876] : memref<2x4x8x256xf32, #tpu.memory_space<vmem>> -> memref<1x4x8x256xf32, #tpu.memory_space<vmem>>
      %dma_start3A_878 = tpu.memref_squeeze %dma_start3A_877 : memref<1x4x8x256xf32, #tpu.memory_space<vmem>> -> memref<4x8x256xf32, #tpu.memory_space<vmem>>
      %dma_start3A_879 = arith.constant 0 : i32
      %dma_start3A_880 = arith.constant 0 : i32
      %dma_start3A_881 = tpu.memref_slice %dma_start3A_878[%dma_start3A_873, %dma_start3A_879, %dma_start3A_880] : memref<4x8x256xf32, #tpu.memory_space<vmem>> -> memref<1x8x256xf32, #tpu.memory_space<vmem>>
      %dma_start3A_882 = tpu.memref_squeeze %dma_start3A_881 : memref<1x8x256xf32, #tpu.memory_space<vmem>> -> memref<8x256xf32, #tpu.memory_space<vmem>>
      %dma_start3A_883 = arith.constant 0 : i32
      %dma_start3A_884 = tpu.memref_slice %dma_start3A_882[%dma_start3A_883, %mul3A_760] : memref<8x256xf32, #tpu.memory_space<vmem>> -> memref<8x16xf32, #tpu.memory_space<vmem>>
      %dma_start3A_885 = arith.constant 0 : i32
      %dma_start3A_886 = arith.constant 0 : i32
      %dma_start3A_887 = tpu.memref_slice %arg5[%dma_start3A_871, %dma_start3A_885, %dma_start3A_886] : memref<4x8x1000000xf32, #tpu.memory_space<hbm>> -> memref<1x8x1000000xf32, #tpu.memory_space<hbm>>
      %dma_start3A_888 = tpu.memref_squeeze %dma_start3A_887 : memref<1x8x1000000xf32, #tpu.memory_space<hbm>> -> memref<8x1000000xf32, #tpu.memory_space<hbm>>
      %dma_start3A_889 = arith.constant 0 : i32
      %dma_start3A_890 = tpu.memref_slice %dma_start3A_888[%dma_start3A_889, %mul3A_758] : memref<8x1000000xf32, #tpu.memory_space<hbm>> -> memref<8x16xf32, #tpu.memory_space<hbm>>
      %dma_start3A_891 = arith.constant 0 : i32
      %dma_start3A_892 = arith.constant 0 : i32
      %dma_start3A_893 = arith.constant 0 : i32
      %dma_start3A_894 = tpu.memref_slice %arg12[%dma_start3A_872, %dma_start3A_891, %dma_start3A_892, %dma_start3A_893] : memref<2x4x8x256xf32, #tpu.memory_space<vmem>> -> memref<1x4x8x256xf32, #tpu.memory_space<vmem>>
      %dma_start3A_895 = tpu.memref_squeeze %dma_start3A_894 : memref<1x4x8x256xf32, #tpu.memory_space<vmem>> -> memref<4x8x256xf32, #tpu.memory_space<vmem>>
      %dma_start3A_896 = arith.constant 0 : i32
      %dma_start3A_897 = arith.constant 0 : i32
      %dma_start3A_898 = tpu.memref_slice %dma_start3A_895[%dma_start3A_873, %dma_start3A_896, %dma_start3A_897] : memref<4x8x256xf32, #tpu.memory_space<vmem>> -> memref<1x8x256xf32, #tpu.memory_space<vmem>>
      %dma_start3A_899 = tpu.memref_squeeze %dma_start3A_898 : memref<1x8x256xf32, #tpu.memory_space<vmem>> -> memref<8x256xf32, #tpu.memory_space<vmem>>
      %dma_start3A_900 = arith.constant 0 : i32
      %dma_start3A_901 = tpu.memref_slice %dma_start3A_899[%dma_start3A_900, %mul3A_760] : memref<8x256xf32, #tpu.memory_space<vmem>> -> memref<8x16xf32, #tpu.memory_space<vmem>>
      %dma_start3A_902 = arith.constant 0 : i32
      %dma_start3A_903 = arith.constant 0 : i32
      %dma_start3A_904 = tpu.memref_slice %arg5[%dma_start3A_871, %dma_start3A_902, %dma_start3A_903] : memref<4x8x1000000xf32, #tpu.memory_space<hbm>> -> memref<1x8x1000000xf32, #tpu.memory_space<hbm>>
      %dma_start3A_905 = tpu.memref_squeeze %dma_start3A_904 : memref<1x8x1000000xf32, #tpu.memory_space<hbm>> -> memref<8x1000000xf32, #tpu.memory_space<hbm>>
      %dma_start3A_906 = arith.constant 0 : i32
      %dma_start3A_907 = tpu.memref_slice %dma_start3A_905[%dma_start3A_906, %mul3A_758] : memref<8x1000000xf32, #tpu.memory_space<hbm>> -> memref<8x16xf32, #tpu.memory_space<hbm>>
      tpu.enqueue_dma source(%dma_start3A_907 : memref<8x16xf32, #tpu.memory_space<hbm>>) target(%dma_start3A_901 : memref<8x16xf32, #tpu.memory_space<vmem>>) target_semaphore(%arg17 : memref<!tpu.dma_semaphore, #tpu.memory_space<semaphore_mem>>)
      %dma_start3A_908 = arith.constant 2 : i32
      %dma_start3A_909 = arith.constant 1 : i32
      %dma_start3A_910 = arith.constant 2 : i32
      %dma_start3A_911 = arith.constant 0 : i32
      %dma_start3A_912 = arith.constant 0 : i32
      %dma_start3A_913 = arith.constant 0 : i32
      %dma_start3A_914 = tpu.memref_slice %arg11[%dma_start3A_909, %dma_start3A_911, %dma_start3A_912, %dma_start3A_913] : memref<2x4x8x256xf32, #tpu.memory_space<vmem>> -> memref<1x4x8x256xf32, #tpu.memory_space<vmem>>
      %dma_start3A_915 = tpu.memref_squeeze %dma_start3A_914 : memref<1x4x8x256xf32, #tpu.memory_space<vmem>> -> memref<4x8x256xf32, #tpu.memory_space<vmem>>
      %dma_start3A_916 = arith.constant 0 : i32
      %dma_start3A_917 = arith.constant 0 : i32
      %dma_start3A_918 = tpu.memref_slice %dma_start3A_915[%dma_start3A_910, %dma_start3A_916, %dma_start3A_917] : memref<4x8x256xf32, #tpu.memory_space<vmem>> -> memref<1x8x256xf32, #tpu.memory_space<vmem>>
      %dma_start3A_919 = tpu.memref_squeeze %dma_start3A_918 : memref<1x8x256xf32, #tpu.memory_space<vmem>> -> memref<8x256xf32, #tpu.memory_space<vmem>>
      %dma_start3A_920 = arith.constant 0 : i32
      %dma_start3A_921 = tpu.memref_slice %dma_start3A_919[%dma_start3A_920, %mul3A_760] : memref<8x256xf32, #tpu.memory_space<vmem>> -> memref<8x16xf32, #tpu.memory_space<vmem>>
      %dma_start3A_922 = arith.constant 0 : i32
      %dma_start3A_923 = arith.constant 0 : i32
      %dma_start3A_924 = tpu.memref_slice %arg4[%dma_start3A_908, %dma_start3A_922, %dma_start3A_923] : memref<4x8x1000000xf32, #tpu.memory_space<hbm>> -> memref<1x8x1000000xf32, #tpu.memory_space<hbm>>
      %dma_start3A_925 = tpu.memref_squeeze %dma_start3A_924 : memref<1x8x1000000xf32, #tpu.memory_space<hbm>> -> memref<8x1000000xf32, #tpu.memory_space<hbm>>
      %dma_start3A_926 = arith.constant 0 : i32
      %dma_start3A_927 = tpu.memref_slice %dma_start3A_925[%dma_start3A_926, %mul3A_732] : memref<8x1000000xf32, #tpu.memory_space<hbm>> -> memref<8x16xf32, #tpu.memory_space<hbm>>
      %dma_start3A_928 = arith.constant 0 : i32
      %dma_start3A_929 = arith.constant 0 : i32
      %dma_start3A_930 = arith.constant 0 : i32
      %dma_start3A_931 = tpu.memref_slice %arg11[%dma_start3A_909, %dma_start3A_928, %dma_start3A_929, %dma_start3A_930] : memref<2x4x8x256xf32, #tpu.memory_space<vmem>> -> memref<1x4x8x256xf32, #tpu.memory_space<vmem>>
      %dma_start3A_932 = tpu.memref_squeeze %dma_start3A_931 : memref<1x4x8x256xf32, #tpu.memory_space<vmem>> -> memref<4x8x256xf32, #tpu.memory_space<vmem>>
      %dma_start3A_933 = arith.constant 0 : i32
      %dma_start3A_934 = arith.constant 0 : i32
      %dma_start3A_935 = tpu.memref_slice %dma_start3A_932[%dma_start3A_910, %dma_start3A_933, %dma_start3A_934] : memref<4x8x256xf32, #tpu.memory_space<vmem>> -> memref<1x8x256xf32, #tpu.memory_space<vmem>>
      %dma_start3A_936 = tpu.memref_squeeze %dma_start3A_935 : memref<1x8x256xf32, #tpu.memory_space<vmem>> -> memref<8x256xf32, #tpu.memory_space<vmem>>
      %dma_start3A_937 = arith.constant 0 : i32
      %dma_start3A_938 = tpu.memref_slice %dma_start3A_936[%dma_start3A_937, %mul3A_760] : memref<8x256xf32, #tpu.memory_space<vmem>> -> memref<8x16xf32, #tpu.memory_space<vmem>>
      %dma_start3A_939 = arith.constant 0 : i32
      %dma_start3A_940 = arith.constant 0 : i32
      %dma_start3A_941 = tpu.memref_slice %arg4[%dma_start3A_908, %dma_start3A_939, %dma_start3A_940] : memref<4x8x1000000xf32, #tpu.memory_space<hbm>> -> memref<1x8x1000000xf32, #tpu.memory_space<hbm>>
      %dma_start3A_942 = tpu.memref_squeeze %dma_start3A_941 : memref<1x8x1000000xf32, #tpu.memory_space<hbm>> -> memref<8x1000000xf32, #tpu.memory_space<hbm>>
      %dma_start3A_943 = arith.constant 0 : i32
      %dma_start3A_944 = tpu.memref_slice %dma_start3A_942[%dma_start3A_943, %mul3A_732] : memref<8x1000000xf32, #tpu.memory_space<hbm>> -> memref<8x16xf32, #tpu.memory_space<hbm>>
      tpu.enqueue_dma source(%dma_start3A_944 : memref<8x16xf32, #tpu.memory_space<hbm>>) target(%dma_start3A_938 : memref<8x16xf32, #tpu.memory_space<vmem>>) target_semaphore(%arg17 : memref<!tpu.dma_semaphore, #tpu.memory_space<semaphore_mem>>)
      %dma_start3A_945 = arith.constant 2 : i32
      %dma_start3A_946 = arith.constant 1 : i32
      %dma_start3A_947 = arith.constant 2 : i32
      %dma_start3A_948 = arith.constant 0 : i32
      %dma_start3A_949 = arith.constant 0 : i32
      %dma_start3A_950 = arith.constant 0 : i32
      %dma_start3A_951 = tpu.memref_slice %arg12[%dma_start3A_946, %dma_start3A_948, %dma_start3A_949, %dma_start3A_950] : memref<2x4x8x256xf32, #tpu.memory_space<vmem>> -> memref<1x4x8x256xf32, #tpu.memory_space<vmem>>
      %dma_start3A_952 = tpu.memref_squeeze %dma_start3A_951 : memref<1x4x8x256xf32, #tpu.memory_space<vmem>> -> memref<4x8x256xf32, #tpu.memory_space<vmem>>
      %dma_start3A_953 = arith.constant 0 : i32
      %dma_start3A_954 = arith.constant 0 : i32
      %dma_start3A_955 = tpu.memref_slice %dma_start3A_952[%dma_start3A_947, %dma_start3A_953, %dma_start3A_954] : memref<4x8x256xf32, #tpu.memory_space<vmem>> -> memref<1x8x256xf32, #tpu.memory_space<vmem>>
      %dma_start3A_956 = tpu.memref_squeeze %dma_start3A_955 : memref<1x8x256xf32, #tpu.memory_space<vmem>> -> memref<8x256xf32, #tpu.memory_space<vmem>>
      %dma_start3A_957 = arith.constant 0 : i32
      %dma_start3A_958 = tpu.memref_slice %dma_start3A_956[%dma_start3A_957, %mul3A_760] : memref<8x256xf32, #tpu.memory_space<vmem>> -> memref<8x16xf32, #tpu.memory_space<vmem>>
      %dma_start3A_959 = arith.constant 0 : i32
      %dma_start3A_960 = arith.constant 0 : i32
      %dma_start3A_961 = tpu.memref_slice %arg5[%dma_start3A_945, %dma_start3A_959, %dma_start3A_960] : memref<4x8x1000000xf32, #tpu.memory_space<hbm>> -> memref<1x8x1000000xf32, #tpu.memory_space<hbm>>
      %dma_start3A_962 = tpu.memref_squeeze %dma_start3A_961 : memref<1x8x1000000xf32, #tpu.memory_space<hbm>> -> memref<8x1000000xf32, #tpu.memory_space<hbm>>
      %dma_start3A_963 = arith.constant 0 : i32
      %dma_start3A_964 = tpu.memref_slice %dma_start3A_962[%dma_start3A_963, %mul3A_758] : memref<8x1000000xf32, #tpu.memory_space<hbm>> -> memref<8x16xf32, #tpu.memory_space<hbm>>
      %dma_start3A_965 = arith.constant 0 : i32
      %dma_start3A_966 = arith.constant 0 : i32
      %dma_start3A_967 = arith.constant 0 : i32
      %dma_start3A_968 = tpu.memref_slice %arg12[%dma_start3A_946, %dma_start3A_965, %dma_start3A_966, %dma_start3A_967] : memref<2x4x8x256xf32, #tpu.memory_space<vmem>> -> memref<1x4x8x256xf32, #tpu.memory_space<vmem>>
      %dma_start3A_969 = tpu.memref_squeeze %dma_start3A_968 : memref<1x4x8x256xf32, #tpu.memory_space<vmem>> -> memref<4x8x256xf32, #tpu.memory_space<vmem>>
      %dma_start3A_970 = arith.constant 0 : i32
      %dma_start3A_971 = arith.constant 0 : i32
      %dma_start3A_972 = tpu.memref_slice %dma_start3A_969[%dma_start3A_947, %dma_start3A_970, %dma_start3A_971] : memref<4x8x256xf32, #tpu.memory_space<vmem>> -> memref<1x8x256xf32, #tpu.memory_space<vmem>>
      %dma_start3A_973 = tpu.memref_squeeze %dma_start3A_972 : memref<1x8x256xf32, #tpu.memory_space<vmem>> -> memref<8x256xf32, #tpu.memory_space<vmem>>
      %dma_start3A_974 = arith.constant 0 : i32
      %dma_start3A_975 = tpu.memref_slice %dma_start3A_973[%dma_start3A_974, %mul3A_760] : memref<8x256xf32, #tpu.memory_space<vmem>> -> memref<8x16xf32, #tpu.memory_space<vmem>>
      %dma_start3A_976 = arith.constant 0 : i32
      %dma_start3A_977 = arith.constant 0 : i32
      %dma_start3A_978 = tpu.memref_slice %arg5[%dma_start3A_945, %dma_start3A_976, %dma_start3A_977] : memref<4x8x1000000xf32, #tpu.memory_space<hbm>> -> memref<1x8x1000000xf32, #tpu.memory_space<hbm>>
      %dma_start3A_979 = tpu.memref_squeeze %dma_start3A_978 : memref<1x8x1000000xf32, #tpu.memory_space<hbm>> -> memref<8x1000000xf32, #tpu.memory_space<hbm>>
      %dma_start3A_980 = arith.constant 0 : i32
      %dma_start3A_981 = tpu.memref_slice %dma_start3A_979[%dma_start3A_980, %mul3A_758] : memref<8x1000000xf32, #tpu.memory_space<hbm>> -> memref<8x16xf32, #tpu.memory_space<hbm>>
      tpu.enqueue_dma source(%dma_start3A_981 : memref<8x16xf32, #tpu.memory_space<hbm>>) target(%dma_start3A_975 : memref<8x16xf32, #tpu.memory_space<vmem>>) target_semaphore(%arg17 : memref<!tpu.dma_semaphore, #tpu.memory_space<semaphore_mem>>)
      %dma_start3A_982 = arith.constant 3 : i32
      %dma_start3A_983 = arith.constant 1 : i32
      %dma_start3A_984 = arith.constant 3 : i32
      %dma_start3A_985 = arith.constant 0 : i32
      %dma_start3A_986 = arith.constant 0 : i32
      %dma_start3A_987 = arith.constant 0 : i32
      %dma_start3A_988 = tpu.memref_slice %arg11[%dma_start3A_983, %dma_start3A_985, %dma_start3A_986, %dma_start3A_987] : memref<2x4x8x256xf32, #tpu.memory_space<vmem>> -> memref<1x4x8x256xf32, #tpu.memory_space<vmem>>
      %dma_start3A_989 = tpu.memref_squeeze %dma_start3A_988 : memref<1x4x8x256xf32, #tpu.memory_space<vmem>> -> memref<4x8x256xf32, #tpu.memory_space<vmem>>
      %dma_start3A_990 = arith.constant 0 : i32
      %dma_start3A_991 = arith.constant 0 : i32
      %dma_start3A_992 = tpu.memref_slice %dma_start3A_989[%dma_start3A_984, %dma_start3A_990, %dma_start3A_991] : memref<4x8x256xf32, #tpu.memory_space<vmem>> -> memref<1x8x256xf32, #tpu.memory_space<vmem>>
      %dma_start3A_993 = tpu.memref_squeeze %dma_start3A_992 : memref<1x8x256xf32, #tpu.memory_space<vmem>> -> memref<8x256xf32, #tpu.memory_space<vmem>>
      %dma_start3A_994 = arith.constant 0 : i32
      %dma_start3A_995 = tpu.memref_slice %dma_start3A_993[%dma_start3A_994, %mul3A_760] : memref<8x256xf32, #tpu.memory_space<vmem>> -> memref<8x16xf32, #tpu.memory_space<vmem>>
      %dma_start3A_996 = arith.constant 0 : i32
      %dma_start3A_997 = arith.constant 0 : i32
      %dma_start3A_998 = tpu.memref_slice %arg4[%dma_start3A_982, %dma_start3A_996, %dma_start3A_997] : memref<4x8x1000000xf32, #tpu.memory_space<hbm>> -> memref<1x8x1000000xf32, #tpu.memory_space<hbm>>
      %dma_start3A_999 = tpu.memref_squeeze %dma_start3A_998 : memref<1x8x1000000xf32, #tpu.memory_space<hbm>> -> memref<8x1000000xf32, #tpu.memory_space<hbm>>
      %dma_start3A_1000 = arith.constant 0 : i32
      %dma_start3A_1001 = tpu.memref_slice %dma_start3A_999[%dma_start3A_1000, %mul3A_732] : memref<8x1000000xf32, #tpu.memory_space<hbm>> -> memref<8x16xf32, #tpu.memory_space<hbm>>
      %dma_start3A_1002 = arith.constant 0 : i32
      %dma_start3A_1003 = arith.constant 0 : i32
      %dma_start3A_1004 = arith.constant 0 : i32
      %dma_start3A_1005 = tpu.memref_slice %arg11[%dma_start3A_983, %dma_start3A_1002, %dma_start3A_1003, %dma_start3A_1004] : memref<2x4x8x256xf32, #tpu.memory_space<vmem>> -> memref<1x4x8x256xf32, #tpu.memory_space<vmem>>
      %dma_start3A_1006 = tpu.memref_squeeze %dma_start3A_1005 : memref<1x4x8x256xf32, #tpu.memory_space<vmem>> -> memref<4x8x256xf32, #tpu.memory_space<vmem>>
      %dma_start3A_1007 = arith.constant 0 : i32
      %dma_start3A_1008 = arith.constant 0 : i32
      %dma_start3A_1009 = tpu.memref_slice %dma_start3A_1006[%dma_start3A_984, %dma_start3A_1007, %dma_start3A_1008] : memref<4x8x256xf32, #tpu.memory_space<vmem>> -> memref<1x8x256xf32, #tpu.memory_space<vmem>>
      %dma_start3A_1010 = tpu.memref_squeeze %dma_start3A_1009 : memref<1x8x256xf32, #tpu.memory_space<vmem>> -> memref<8x256xf32, #tpu.memory_space<vmem>>
      %dma_start3A_1011 = arith.constant 0 : i32
      %dma_start3A_1012 = tpu.memref_slice %dma_start3A_1010[%dma_start3A_1011, %mul3A_760] : memref<8x256xf32, #tpu.memory_space<vmem>> -> memref<8x16xf32, #tpu.memory_space<vmem>>
      %dma_start3A_1013 = arith.constant 0 : i32
      %dma_start3A_1014 = arith.constant 0 : i32
      %dma_start3A_1015 = tpu.memref_slice %arg4[%dma_start3A_982, %dma_start3A_1013, %dma_start3A_1014] : memref<4x8x1000000xf32, #tpu.memory_space<hbm>> -> memref<1x8x1000000xf32, #tpu.memory_space<hbm>>
      %dma_start3A_1016 = tpu.memref_squeeze %dma_start3A_1015 : memref<1x8x1000000xf32, #tpu.memory_space<hbm>> -> memref<8x1000000xf32, #tpu.memory_space<hbm>>
      %dma_start3A_1017 = arith.constant 0 : i32
      %dma_start3A_1018 = tpu.memref_slice %dma_start3A_1016[%dma_start3A_1017, %mul3A_732] : memref<8x1000000xf32, #tpu.memory_space<hbm>> -> memref<8x16xf32, #tpu.memory_space<hbm>>
      tpu.enqueue_dma source(%dma_start3A_1018 : memref<8x16xf32, #tpu.memory_space<hbm>>) target(%dma_start3A_1012 : memref<8x16xf32, #tpu.memory_space<vmem>>) target_semaphore(%arg17 : memref<!tpu.dma_semaphore, #tpu.memory_space<semaphore_mem>>)
      %dma_start3A_1019 = arith.constant 3 : i32
      %dma_start3A_1020 = arith.constant 1 : i32
      %dma_start3A_1021 = arith.constant 3 : i32
      %dma_start3A_1022 = arith.constant 0 : i32
      %dma_start3A_1023 = arith.constant 0 : i32
      %dma_start3A_1024 = arith.constant 0 : i32
      %dma_start3A_1025 = tpu.memref_slice %arg12[%dma_start3A_1020, %dma_start3A_1022, %dma_start3A_1023, %dma_start3A_1024] : memref<2x4x8x256xf32, #tpu.memory_space<vmem>> -> memref<1x4x8x256xf32, #tpu.memory_space<vmem>>
      %dma_start3A_1026 = tpu.memref_squeeze %dma_start3A_1025 : memref<1x4x8x256xf32, #tpu.memory_space<vmem>> -> memref<4x8x256xf32, #tpu.memory_space<vmem>>
      %dma_start3A_1027 = arith.constant 0 : i32
      %dma_start3A_1028 = arith.constant 0 : i32
      %dma_start3A_1029 = tpu.memref_slice %dma_start3A_1026[%dma_start3A_1021, %dma_start3A_1027, %dma_start3A_1028] : memref<4x8x256xf32, #tpu.memory_space<vmem>> -> memref<1x8x256xf32, #tpu.memory_space<vmem>>
      %dma_start3A_1030 = tpu.memref_squeeze %dma_start3A_1029 : memref<1x8x256xf32, #tpu.memory_space<vmem>> -> memref<8x256xf32, #tpu.memory_space<vmem>>
      %dma_start3A_1031 = arith.constant 0 : i32
      %dma_start3A_1032 = tpu.memref_slice %dma_start3A_1030[%dma_start3A_1031, %mul3A_760] : memref<8x256xf32, #tpu.memory_space<vmem>> -> memref<8x16xf32, #tpu.memory_space<vmem>>
      %dma_start3A_1033 = arith.constant 0 : i32
      %dma_start3A_1034 = arith.constant 0 : i32
      %dma_start3A_1035 = tpu.memref_slice %arg5[%dma_start3A_1019, %dma_start3A_1033, %dma_start3A_1034] : memref<4x8x1000000xf32, #tpu.memory_space<hbm>> -> memref<1x8x1000000xf32, #tpu.memory_space<hbm>>
      %dma_start3A_1036 = tpu.memref_squeeze %dma_start3A_1035 : memref<1x8x1000000xf32, #tpu.memory_space<hbm>> -> memref<8x1000000xf32, #tpu.memory_space<hbm>>
      %dma_start3A_1037 = arith.constant 0 : i32
      %dma_start3A_1038 = tpu.memref_slice %dma_start3A_1036[%dma_start3A_1037, %mul3A_758] : memref<8x1000000xf32, #tpu.memory_space<hbm>> -> memref<8x16xf32, #tpu.memory_space<hbm>>
      %dma_start3A_1039 = arith.constant 0 : i32
      %dma_start3A_1040 = arith.constant 0 : i32
      %dma_start3A_1041 = arith.constant 0 : i32
      %dma_start3A_1042 = tpu.memref_slice %arg12[%dma_start3A_1020, %dma_start3A_1039, %dma_start3A_1040, %dma_start3A_1041] : memref<2x4x8x256xf32, #tpu.memory_space<vmem>> -> memref<1x4x8x256xf32, #tpu.memory_space<vmem>>
      %dma_start3A_1043 = tpu.memref_squeeze %dma_start3A_1042 : memref<1x4x8x256xf32, #tpu.memory_space<vmem>> -> memref<4x8x256xf32, #tpu.memory_space<vmem>>
      %dma_start3A_1044 = arith.constant 0 : i32
      %dma_start3A_1045 = arith.constant 0 : i32
      %dma_start3A_1046 = tpu.memref_slice %dma_start3A_1043[%dma_start3A_1021, %dma_start3A_1044, %dma_start3A_1045] : memref<4x8x256xf32, #tpu.memory_space<vmem>> -> memref<1x8x256xf32, #tpu.memory_space<vmem>>
      %dma_start3A_1047 = tpu.memref_squeeze %dma_start3A_1046 : memref<1x8x256xf32, #tpu.memory_space<vmem>> -> memref<8x256xf32, #tpu.memory_space<vmem>>
      %dma_start3A_1048 = arith.constant 0 : i32
      %dma_start3A_1049 = tpu.memref_slice %dma_start3A_1047[%dma_start3A_1048, %mul3A_760] : memref<8x256xf32, #tpu.memory_space<vmem>> -> memref<8x16xf32, #tpu.memory_space<vmem>>
      %dma_start3A_1050 = arith.constant 0 : i32
      %dma_start3A_1051 = arith.constant 0 : i32
      %dma_start3A_1052 = tpu.memref_slice %arg5[%dma_start3A_1019, %dma_start3A_1050, %dma_start3A_1051] : memref<4x8x1000000xf32, #tpu.memory_space<hbm>> -> memref<1x8x1000000xf32, #tpu.memory_space<hbm>>
      %dma_start3A_1053 = tpu.memref_squeeze %dma_start3A_1052 : memref<1x8x1000000xf32, #tpu.memory_space<hbm>> -> memref<8x1000000xf32, #tpu.memory_space<hbm>>
      %dma_start3A_1054 = arith.constant 0 : i32
      %dma_start3A_1055 = tpu.memref_slice %dma_start3A_1053[%dma_start3A_1054, %mul3A_758] : memref<8x1000000xf32, #tpu.memory_space<hbm>> -> memref<8x16xf32, #tpu.memory_space<hbm>>
      tpu.enqueue_dma source(%dma_start3A_1055 : memref<8x16xf32, #tpu.memory_space<hbm>>) target(%dma_start3A_1049 : memref<8x16xf32, #tpu.memory_space<vmem>>) target_semaphore(%arg17 : memref<!tpu.dma_semaphore, #tpu.memory_space<semaphore_mem>>)
    }
    %scan3A_91 = arith.constant 16 : i32
    %dma_wait3A = arith.constant 0 : i32
    %dma_wait3A_92 = arith.constant 0 : i32
    %dma_wait3A_93 = arith.constant 0 : i32
    %dma_wait3A_94 = arith.constant 0 : i32
    %dma_wait3A_95 = tpu.memref_slice %arg11[%dma_wait3A, %dma_wait3A_92, %dma_wait3A_93, %dma_wait3A_94] : memref<2x4x8x256xf32, #tpu.memory_space<vmem>> -> memref<1x4x8x256xf32, #tpu.memory_space<vmem>>
    %dma_wait3A_96 = tpu.memref_squeeze %dma_wait3A_95 : memref<1x4x8x256xf32, #tpu.memory_space<vmem>> -> memref<4x8x256xf32, #tpu.memory_space<vmem>>
    %dma_wait3A_97 = arith.constant 0 : i32
    %dma_wait3A_98 = arith.constant 0 : i32
    %dma_wait3A_99 = arith.constant 0 : i32
    %dma_wait3A_100 = tpu.memref_slice %arg4[%dma_wait3A_97, %dma_wait3A_98, %dma_wait3A_99] : memref<4x8x1000000xf32, #tpu.memory_space<hbm>> -> memref<4x8x256xf32, #tpu.memory_space<hbm>>
    %dma_wait3A_101 = arith.constant 0 : i32
    %dma_wait3A_102 = arith.constant 0 : i32
    %dma_wait3A_103 = arith.constant 0 : i32
    %dma_wait3A_104 = tpu.memref_slice %arg11[%dma_wait3A, %dma_wait3A_101, %dma_wait3A_102, %dma_wait3A_103] : memref<2x4x8x256xf32, #tpu.memory_space<vmem>> -> memref<1x4x8x256xf32, #tpu.memory_space<vmem>>
    %dma_wait3A_105 = tpu.memref_squeeze %dma_wait3A_104 : memref<1x4x8x256xf32, #tpu.memory_space<vmem>> -> memref<4x8x256xf32, #tpu.memory_space<vmem>>
    %dma_wait3A_106 = arith.constant 0 : i32
    %dma_wait3A_107 = arith.constant 0 : i32
    %dma_wait3A_108 = arith.constant 0 : i32
    %dma_wait3A_109 = tpu.memref_slice %arg4[%dma_wait3A_106, %dma_wait3A_107, %dma_wait3A_108] : memref<4x8x1000000xf32, #tpu.memory_space<hbm>> -> memref<4x8x256xf32, #tpu.memory_space<hbm>>
    tpu.wait_dma2 semaphore(%arg16 : memref<!tpu.dma_semaphore, #tpu.memory_space<semaphore_mem>>) src(%dma_wait3A_109 : memref<4x8x256xf32, #tpu.memory_space<hbm>>) dst(%dma_wait3A_105 : memref<4x8x256xf32, #tpu.memory_space<vmem>>)
    %dma_wait3A_110 = arith.constant 0 : i32
    %dma_wait3A_111 = arith.constant 0 : i32
    %dma_wait3A_112 = arith.constant 0 : i32
    %dma_wait3A_113 = arith.constant 0 : i32
    %dma_wait3A_114 = tpu.memref_slice %arg12[%dma_wait3A_110, %dma_wait3A_111, %dma_wait3A_112, %dma_wait3A_113] : memref<2x4x8x256xf32, #tpu.memory_space<vmem>> -> memref<1x4x8x256xf32, #tpu.memory_space<vmem>>
    %dma_wait3A_115 = tpu.memref_squeeze %dma_wait3A_114 : memref<1x4x8x256xf32, #tpu.memory_space<vmem>> -> memref<4x8x256xf32, #tpu.memory_space<vmem>>
    %dma_wait3A_116 = arith.constant 0 : i32
    %dma_wait3A_117 = arith.constant 0 : i32
    %dma_wait3A_118 = arith.constant 0 : i32
    %dma_wait3A_119 = tpu.memref_slice %arg4[%dma_wait3A_116, %dma_wait3A_117, %dma_wait3A_118] : memref<4x8x1000000xf32, #tpu.memory_space<hbm>> -> memref<4x8x256xf32, #tpu.memory_space<hbm>>
    %dma_wait3A_120 = arith.constant 0 : i32
    %dma_wait3A_121 = arith.constant 0 : i32
    %dma_wait3A_122 = arith.constant 0 : i32
    %dma_wait3A_123 = tpu.memref_slice %arg12[%dma_wait3A_110, %dma_wait3A_120, %dma_wait3A_121, %dma_wait3A_122] : memref<2x4x8x256xf32, #tpu.memory_space<vmem>> -> memref<1x4x8x256xf32, #tpu.memory_space<vmem>>
    %dma_wait3A_124 = tpu.memref_squeeze %dma_wait3A_123 : memref<1x4x8x256xf32, #tpu.memory_space<vmem>> -> memref<4x8x256xf32, #tpu.memory_space<vmem>>
    %dma_wait3A_125 = arith.constant 0 : i32
    %dma_wait3A_126 = arith.constant 0 : i32
    %dma_wait3A_127 = arith.constant 0 : i32
    %dma_wait3A_128 = tpu.memref_slice %arg4[%dma_wait3A_125, %dma_wait3A_126, %dma_wait3A_127] : memref<4x8x1000000xf32, #tpu.memory_space<hbm>> -> memref<4x8x256xf32, #tpu.memory_space<hbm>>
    tpu.wait_dma2 semaphore(%arg16 : memref<!tpu.dma_semaphore, #tpu.memory_space<semaphore_mem>>) src(%dma_wait3A_128 : memref<4x8x256xf32, #tpu.memory_space<hbm>>) dst(%dma_wait3A_124 : memref<4x8x256xf32, #tpu.memory_space<vmem>>)
    %get3A = arith.constant 480 : index
    %get3A_129 = tpu.vector_load %arg9[%get3A] {strides = array<i32>} : memref<528xi32, #tpu.memory_space<vmem>>, vector<16xi32>,
    %get3A_130 = arith.constant 480 : index
    %get3A_131 = tpu.vector_load %arg10[%get3A_130] {strides = array<i32>} : memref<528xi32, #tpu.memory_space<vmem>>, vector<16xi32>,
    %mul3A_132 = arith.constant 16 : i32
    %mul3A_133 = vector.broadcast %mul3A_132 : i32 to vector<16xi32>
    %mul3A_134 = arith.muli %iota3A, %mul3A_133 : vector<16xi32>
    %and3A = arith.constant 15 : i32
    %and3A_135 = vector.broadcast %and3A : i32 to vector<16xi32>
    %and3A_136 = arith.andi %get3A_129, %and3A_135 : vector<16xi32>
    %add3A_137 = arith.addi %mul3A_134, %and3A_136 : vector<16xi32>
    %mul3A_138 = arith.constant 16 : i32
    %mul3A_139 = vector.broadcast %mul3A_138 : i32 to vector<16xi32>
    %mul3A_140 = arith.muli %iota3A, %mul3A_139 : vector<16xi32>
    %and3A_141 = arith.constant 15 : i32
    %and3A_142 = vector.broadcast %and3A_141 : i32 to vector<16xi32>
    %and3A_143 = arith.andi %get3A_131, %and3A_142 : vector<16xi32>
    %add3A_144 = arith.addi %mul3A_140, %and3A_143 : vector<16xi32>
    %broadcast_in_dim3A_145 = arith.constant 0 : i32
    %broadcast_in_dim3A_146 = vector.broadcast %broadcast_in_dim3A_145 : i32 to vector<16xi32>
    %get3A_147 = arith.constant 480 : index
    %get3A_148 = tpu.vector_load %arg15[%get3A_147] {strides = array<i32>} : memref<512xf32, #tpu.memory_space<vmem>>, vector<16xf32>,
    %scan3A_149 = arith.constant 0 : i32
    %scan3A_150 = arith.constant 32 : i32
    %scan3A_151 = arith.addi %scan3A_149, %scan3A_150 : i32
    %scan3A_152 = arith.constant 1 : i32
    %scan3A_153 = scf.for %scan3A_704 = %scan3A_149 to %scan3A_151 step %scan3A_152 iter_args(%scan3A_705 = %get3A_148) -> (vector<16xf32>)  : i32 {
      %jit3A = arith.constant 8 : i32
      %div3A_706 = arith.divsi %scan3A_704, %jit3A : i32
      %sign3A = arith.constant 0 : i32
      %sign3A_707 = arith.cmpi sgt, %scan3A_704, %sign3A : i32
      %sign3A_708 = arith.extui %sign3A_707 : i1 to i32
      %sign3A_709 = arith.constant 0 : i32
      %sign3A_710 = arith.cmpi slt, %scan3A_704, %sign3A_709 : i32
      %sign3A_711 = arith.extui %sign3A_710 : i1 to i32
      %sign3A_712 = arith.subi %sign3A_708, %sign3A_711 : i32
      %sign3A_713 = arith.constant 0 : i32
      %sign3A_714 = arith.cmpi sgt, %jit3A, %sign3A_713 : i32
      %sign3A_715 = arith.extui %sign3A_714 : i1 to i32
      %sign3A_716 = arith.constant 0 : i32
      %sign3A_717 = arith.cmpi slt, %jit3A, %sign3A_716 : i32
      %sign3A_718 = arith.extui %sign3A_717 : i1 to i32
      %sign3A_719 = arith.subi %sign3A_715, %sign3A_718 : i32
      %ne3A = arith.cmpi ne, %sign3A_712, %sign3A_719 : i32
      %rem3A = arith.remsi %scan3A_704, %jit3A : i32
      %ne3A_720 = arith.constant 0 : i32
      %ne3A_721 = arith.cmpi ne, %rem3A, %ne3A_720 : i32
      %and3A_722 = arith.andi %ne3A, %ne3A_721 : i1
      %sub3A = arith.constant 1 : i32
      %sub3A_723 = arith.subi %div3A_706, %sub3A : i32
      %select_n3A = arith.select %and3A_722, %sub3A_723, %div3A_706 : i32
      %jit3A_724 = arith.constant 8 : i32
      %eq3A = arith.constant 0 : i32
      %eq3A_725 = arith.cmpi eq, %jit3A_724, %eq3A : i32
      %jit3A_726 = arith.constant 1 : i32
      %select_n3A_727 = arith.select %eq3A_725, %jit3A_726, %jit3A_724 : i32
      %rem3A_728 = arith.remsi %scan3A_704, %select_n3A_727 : i32
      %ne3A_729 = arith.constant 0 : i32
      %ne3A_730 = arith.cmpi ne, %rem3A_728, %ne3A_729 : i32
      %lt3A = arith.constant 0 : i32
      %lt3A_731 = arith.cmpi slt, %rem3A_728, %lt3A : i32
      %lt3A_732 = arith.constant 0 : i32
      %lt3A_733 = arith.cmpi slt, %select_n3A_727, %lt3A_732 : i32
      %ne3A_734 = arith.xori %lt3A_731, %lt3A_733 : i1
      %and3A_735 = arith.andi %ne3A_734, %ne3A_730 : i1
      %add3A_736 = arith.addi %rem3A_728, %select_n3A_727 : i32
      %select_n3A_737 = arith.select %and3A_735, %add3A_736, %rem3A_728 : i32
      %broadcast_in_dim3A_738 = vector.broadcast %select_n3A : i32 to vector<16xi32>
      %broadcast_in_dim3A_739 = vector.broadcast %select_n3A_737 : i32 to vector<16xi32>
      %mul3A_740 = arith.constant 16 : i32
      %mul3A_741 = arith.muli %scan3A_704, %mul3A_740 : i32
      %get3A_742 = arith.index_cast %mul3A_741 : i32 to index
      %get3A_743 = tpu.vector_load %arg13[%get3A_742] {strides = array<i32>} : memref<512xf32, #tpu.memory_space<vmem>>, vector<16xf32>,
      %gather3A = tpu.vector_load_idx %arg11[%broadcast_in_dim3A_146, %broadcast_in_dim3A_738, %broadcast_in_dim3A_739, %add3A_137] : memref<2x4x8x256xf32, #tpu.memory_space<vmem>>[vector<16xi32>, vector<16xi32>, vector<16xi32>, vector<16xi32>], vector<16xf32>,
      %gather3A_744 = tpu.vector_load_idx %arg12[%broadcast_in_dim3A_146, %broadcast_in_dim3A_738, %broadcast_in_dim3A_739, %add3A_144] : memref<2x4x8x256xf32, #tpu.memory_space<vmem>>[vector<16xi32>, vector<16xi32>, vector<16xi32>, vector<16xi32>], vector<16xf32>,
      %mul3A_745 = arith.mulf %gather3A, %gather3A_744 : vector<16xf32>
      %mul3A_746 = arith.mulf %mul3A_745, %get3A_743 : vector<16xf32>
      %add3A_747 = arith.addf %scan3A_705, %mul3A_746 : vector<16xf32>
      scf.yield %add3A_747 : vector<16xf32>
    }
    %scan3A_154 = arith.constant 32 : i32
    %swap3A_155 = arith.constant 480 : index
    %swap3A_156 = tpu.vector_load %arg15[%swap3A_155] {strides = array<i32>} : memref<512xf32, #tpu.memory_space<vmem>>, vector<16xf32>,
    tpu.vector_store %arg15[%swap3A_155], %scan3A_153 {strides = array<i32>} : memref<512xf32, #tpu.memory_space<vmem>>, vector<16xf32>,
    %dma_wait3A_157 = arith.constant 1 : i32
    %dma_wait3A_158 = arith.constant 0 : i32
    %dma_wait3A_159 = arith.constant 0 : i32
    %dma_wait3A_160 = arith.constant 0 : i32
    %dma_wait3A_161 = tpu.memref_slice %arg11[%dma_wait3A_157, %dma_wait3A_158, %dma_wait3A_159, %dma_wait3A_160] : memref<2x4x8x256xf32, #tpu.memory_space<vmem>> -> memref<1x4x8x256xf32, #tpu.memory_space<vmem>>
    %dma_wait3A_162 = tpu.memref_squeeze %dma_wait3A_161 : memref<1x4x8x256xf32, #tpu.memory_space<vmem>> -> memref<4x8x256xf32, #tpu.memory_space<vmem>>
    %dma_wait3A_163 = arith.constant 0 : i32
    %dma_wait3A_164 = arith.constant 0 : i32
    %dma_wait3A_165 = arith.constant 0 : i32
    %dma_wait3A_166 = tpu.memref_slice %arg4[%dma_wait3A_163, %dma_wait3A_164, %dma_wait3A_165] : memref<4x8x1000000xf32, #tpu.memory_space<hbm>> -> memref<4x8x256xf32, #tpu.memory_space<hbm>>
    %dma_wait3A_167 = arith.constant 0 : i32
    %dma_wait3A_168 = arith.constant 0 : i32
    %dma_wait3A_169 = arith.constant 0 : i32
    %dma_wait3A_170 = tpu.memref_slice %arg11[%dma_wait3A_157, %dma_wait3A_167, %dma_wait3A_168, %dma_wait3A_169] : memref<2x4x8x256xf32, #tpu.memory_space<vmem>> -> memref<1x4x8x256xf32, #tpu.memory_space<vmem>>
    %dma_wait3A_171 = tpu.memref_squeeze %dma_wait3A_170 : memref<1x4x8x256xf32, #tpu.memory_space<vmem>> -> memref<4x8x256xf32, #tpu.memory_space<vmem>>
    %dma_wait3A_172 = arith.constant 0 : i32
    %dma_wait3A_173 = arith.constant 0 : i32
    %dma_wait3A_174 = arith.constant 0 : i32
    %dma_wait3A_175 = tpu.memref_slice %arg4[%dma_wait3A_172, %dma_wait3A_173, %dma_wait3A_174] : memref<4x8x1000000xf32, #tpu.memory_space<hbm>> -> memref<4x8x256xf32, #tpu.memory_space<hbm>>
    tpu.wait_dma2 semaphore(%arg17 : memref<!tpu.dma_semaphore, #tpu.memory_space<semaphore_mem>>) src(%dma_wait3A_175 : memref<4x8x256xf32, #tpu.memory_space<hbm>>) dst(%dma_wait3A_171 : memref<4x8x256xf32, #tpu.memory_space<vmem>>)
    %dma_wait3A_176 = arith.constant 1 : i32
    %dma_wait3A_177 = arith.constant 0 : i32
    %dma_wait3A_178 = arith.constant 0 : i32
    %dma_wait3A_179 = arith.constant 0 : i32
    %dma_wait3A_180 = tpu.memref_slice %arg12[%dma_wait3A_176, %dma_wait3A_177, %dma_wait3A_178, %dma_wait3A_179] : memref<2x4x8x256xf32, #tpu.memory_space<vmem>> -> memref<1x4x8x256xf32, #tpu.memory_space<vmem>>
    %dma_wait3A_181 = tpu.memref_squeeze %dma_wait3A_180 : memref<1x4x8x256xf32, #tpu.memory_space<vmem>> -> memref<4x8x256xf32, #tpu.memory_space<vmem>>
    %dma_wait3A_182 = arith.constant 0 : i32
    %dma_wait3A_183 = arith.constant 0 : i32
    %dma_wait3A_184 = arith.constant 0 : i32
    %dma_wait3A_185 = tpu.memref_slice %arg4[%dma_wait3A_182, %dma_wait3A_183, %dma_wait3A_184] : memref<4x8x1000000xf32, #tpu.memory_space<hbm>> -> memref<4x8x256xf32, #tpu.memory_space<hbm>>
    %dma_wait3A_186 = arith.constant 0 : i32
    %dma_wait3A_187 = arith.constant 0 : i32
    %dma_wait3A_188 = arith.constant 0 : i32
    %dma_wait3A_189 = tpu.memref_slice %arg12[%dma_wait3A_176, %dma_wait3A_186, %dma_wait3A_187, %dma_wait3A_188] : memref<2x4x8x256xf32, #tpu.memory_space<vmem>> -> memref<1x4x8x256xf32, #tpu.memory_space<vmem>>
    %dma_wait3A_190 = tpu.memref_squeeze %dma_wait3A_189 : memref<1x4x8x256xf32, #tpu.memory_space<vmem>> -> memref<4x8x256xf32, #tpu.memory_space<vmem>>
    %dma_wait3A_191 = arith.constant 0 : i32
    %dma_wait3A_192 = arith.constant 0 : i32
    %dma_wait3A_193 = arith.constant 0 : i32
    %dma_wait3A_194 = tpu.memref_slice %arg4[%dma_wait3A_191, %dma_wait3A_192, %dma_wait3A_193] : memref<4x8x1000000xf32, #tpu.memory_space<hbm>> -> memref<4x8x256xf32, #tpu.memory_space<hbm>>
    tpu.wait_dma2 semaphore(%arg17 : memref<!tpu.dma_semaphore, #tpu.memory_space<semaphore_mem>>) src(%dma_wait3A_194 : memref<4x8x256xf32, #tpu.memory_space<hbm>>) dst(%dma_wait3A_190 : memref<4x8x256xf32, #tpu.memory_space<vmem>>)
    %get3A_195 = arith.constant 496 : index
    %get3A_196 = tpu.vector_load %arg9[%get3A_195] {strides = array<i32>} : memref<528xi32, #tpu.memory_space<vmem>>, vector<16xi32>,
    %get3A_197 = arith.constant 496 : index
    %get3A_198 = tpu.vector_load %arg10[%get3A_197] {strides = array<i32>} : memref<528xi32, #tpu.memory_space<vmem>>, vector<16xi32>,
    %mul3A_199 = arith.constant 16 : i32
    %mul3A_200 = vector.broadcast %mul3A_199 : i32 to vector<16xi32>
    %mul3A_201 = arith.muli %iota3A, %mul3A_200 : vector<16xi32>
    %and3A_202 = arith.constant 15 : i32
    %and3A_203 = vector.broadcast %and3A_202 : i32 to vector<16xi32>
    %and3A_204 = arith.andi %get3A_196, %and3A_203 : vector<16xi32>
    %add3A_205 = arith.addi %mul3A_201, %and3A_204 : vector<16xi32>
    %mul3A_206 = arith.constant 16 : i32
    %mul3A_207 = vector.broadcast %mul3A_206 : i32 to vector<16xi32>
    %mul3A_208 = arith.muli %iota3A, %mul3A_207 : vector<16xi32>
    %and3A_209 = arith.constant 15 : i32
    %and3A_210 = vector.broadcast %and3A_209 : i32 to vector<16xi32>
    %and3A_211 = arith.andi %get3A_198, %and3A_210 : vector<16xi32>
    %add3A_212 = arith.addi %mul3A_208, %and3A_211 : vector<16xi32>
    %broadcast_in_dim3A_213 = arith.constant 1 : i32
    %broadcast_in_dim3A_214 = vector.broadcast %broadcast_in_dim3A_213 : i32 to vector<16xi32>
    %get3A_215 = arith.constant 496 : index
    %get3A_216 = tpu.vector_load %arg15[%get3A_215] {strides = array<i32>} : memref<512xf32, #tpu.memory_space<vmem>>, vector<16xf32>,
    %scan3A_217 = arith.constant 0 : i32
    %scan3A_218 = arith.constant 32 : i32
    %scan3A_219 = arith.addi %scan3A_217, %scan3A_218 : i32
    %scan3A_220 = arith.constant 1 : i32
    %scan3A_221 = scf.for %scan3A_704 = %scan3A_217 to %scan3A_219 step %scan3A_220 iter_args(%scan3A_705 = %get3A_216) -> (vector<16xf32>)  : i32 {
      %jit3A = arith.constant 8 : i32
      %div3A_706 = arith.divsi %scan3A_704, %jit3A : i32
      %sign3A = arith.constant 0 : i32
      %sign3A_707 = arith.cmpi sgt, %scan3A_704, %sign3A : i32
      %sign3A_708 = arith.extui %sign3A_707 : i1 to i32
      %sign3A_709 = arith.constant 0 : i32
      %sign3A_710 = arith.cmpi slt, %scan3A_704, %sign3A_709 : i32
      %sign3A_711 = arith.extui %sign3A_710 : i1 to i32
      %sign3A_712 = arith.subi %sign3A_708, %sign3A_711 : i32
      %sign3A_713 = arith.constant 0 : i32
      %sign3A_714 = arith.cmpi sgt, %jit3A, %sign3A_713 : i32
      %sign3A_715 = arith.extui %sign3A_714 : i1 to i32
      %sign3A_716 = arith.constant 0 : i32
      %sign3A_717 = arith.cmpi slt, %jit3A, %sign3A_716 : i32
      %sign3A_718 = arith.extui %sign3A_717 : i1 to i32
      %sign3A_719 = arith.subi %sign3A_715, %sign3A_718 : i32
      %ne3A = arith.cmpi ne, %sign3A_712, %sign3A_719 : i32
      %rem3A = arith.remsi %scan3A_704, %jit3A : i32
      %ne3A_720 = arith.constant 0 : i32
      %ne3A_721 = arith.cmpi ne, %rem3A, %ne3A_720 : i32
      %and3A_722 = arith.andi %ne3A, %ne3A_721 : i1
      %sub3A = arith.constant 1 : i32
      %sub3A_723 = arith.subi %div3A_706, %sub3A : i32
      %select_n3A = arith.select %and3A_722, %sub3A_723, %div3A_706 : i32
      %jit3A_724 = arith.constant 8 : i32
      %eq3A = arith.constant 0 : i32
      %eq3A_725 = arith.cmpi eq, %jit3A_724, %eq3A : i32
      %jit3A_726 = arith.constant 1 : i32
      %select_n3A_727 = arith.select %eq3A_725, %jit3A_726, %jit3A_724 : i32
      %rem3A_728 = arith.remsi %scan3A_704, %select_n3A_727 : i32
      %ne3A_729 = arith.constant 0 : i32
      %ne3A_730 = arith.cmpi ne, %rem3A_728, %ne3A_729 : i32
      %lt3A = arith.constant 0 : i32
      %lt3A_731 = arith.cmpi slt, %rem3A_728, %lt3A : i32
      %lt3A_732 = arith.constant 0 : i32
      %lt3A_733 = arith.cmpi slt, %select_n3A_727, %lt3A_732 : i32
      %ne3A_734 = arith.xori %lt3A_731, %lt3A_733 : i1
      %and3A_735 = arith.andi %ne3A_734, %ne3A_730 : i1
      %add3A_736 = arith.addi %rem3A_728, %select_n3A_727 : i32
      %select_n3A_737 = arith.select %and3A_735, %add3A_736, %rem3A_728 : i32
      %broadcast_in_dim3A_738 = vector.broadcast %select_n3A : i32 to vector<16xi32>
      %broadcast_in_dim3A_739 = vector.broadcast %select_n3A_737 : i32 to vector<16xi32>
      %mul3A_740 = arith.constant 16 : i32
      %mul3A_741 = arith.muli %scan3A_704, %mul3A_740 : i32
      %get3A_742 = arith.index_cast %mul3A_741 : i32 to index
      %get3A_743 = tpu.vector_load %arg13[%get3A_742] {strides = array<i32>} : memref<512xf32, #tpu.memory_space<vmem>>, vector<16xf32>,
      %gather3A = tpu.vector_load_idx %arg11[%broadcast_in_dim3A_214, %broadcast_in_dim3A_738, %broadcast_in_dim3A_739, %add3A_205] : memref<2x4x8x256xf32, #tpu.memory_space<vmem>>[vector<16xi32>, vector<16xi32>, vector<16xi32>, vector<16xi32>], vector<16xf32>,
      %gather3A_744 = tpu.vector_load_idx %arg12[%broadcast_in_dim3A_214, %broadcast_in_dim3A_738, %broadcast_in_dim3A_739, %add3A_212] : memref<2x4x8x256xf32, #tpu.memory_space<vmem>>[vector<16xi32>, vector<16xi32>, vector<16xi32>, vector<16xi32>], vector<16xf32>,
      %mul3A_745 = arith.mulf %gather3A, %gather3A_744 : vector<16xf32>
      %mul3A_746 = arith.mulf %mul3A_745, %get3A_743 : vector<16xf32>
      %add3A_747 = arith.addf %scan3A_705, %mul3A_746 : vector<16xf32>
      scf.yield %add3A_747 : vector<16xf32>
    }
    %scan3A_222 = arith.constant 32 : i32
    %swap3A_223 = arith.constant 496 : index
    %swap3A_224 = tpu.vector_load %arg15[%swap3A_223] {strides = array<i32>} : memref<512xf32, #tpu.memory_space<vmem>>, vector<16xf32>,
    tpu.vector_store %arg15[%swap3A_223], %scan3A_221 {strides = array<i32>} : memref<512xf32, #tpu.memory_space<vmem>>, vector<16xf32>,
    %get3A_225 = arith.constant 0 : index
    %get3A_226 = tpu.vector_load %arg14[%get3A_225] {strides = array<i32>} : memref<16xf32, #tpu.memory_space<vmem>>, vector<16xf32>,
    %get3A_227 = arith.constant 0 : index
    %get3A_228 = tpu.vector_load %arg15[%get3A_227] {strides = array<i32>} : memref<512xf32, #tpu.memory_space<vmem>>, vector<16xf32>,
    %add3A_229 = arith.addf %get3A_228, %get3A_226 : vector<16xf32>
    %neg3A = arith.constant 0.000000e+00 : f32
    %neg3A_230 = vector.broadcast %neg3A : f32 to vector<16xf32>
    %neg3A_231 = arith.subf %neg3A_230, %add3A_229 : vector<16xf32>
    %exp3A = math.exp %neg3A_231 : vector<16xf32>
    %add3A_232 = arith.constant 1.000000e+00 : f32
    %add3A_233 = vector.broadcast %add3A_232 : f32 to vector<16xf32>
    %add3A_234 = arith.addf %add3A_233, %exp3A : vector<16xf32>
    %div3A = arith.constant 1.000000e+00 : f32
    %div3A_235 = vector.broadcast %div3A : f32 to vector<16xf32>
    %div3A_236 = arith.divf %div3A_235, %add3A_234 : vector<16xf32>
    %swap3A_237 = arith.constant 0 : index
    %swap3A_238 = tpu.vector_load %arg15[%swap3A_237] {strides = array<i32>} : memref<512xf32, #tpu.memory_space<vmem>>, vector<16xf32>,
    tpu.vector_store %arg15[%swap3A_237], %div3A_236 {strides = array<i32>} : memref<512xf32, #tpu.memory_space<vmem>>, vector<16xf32>,
    %get3A_239 = arith.constant 16 : index
    %get3A_240 = tpu.vector_load %arg15[%get3A_239] {strides = array<i32>} : memref<512xf32, #tpu.memory_space<vmem>>, vector<16xf32>,
    %add3A_241 = arith.addf %get3A_240, %get3A_226 : vector<16xf32>
    %neg3A_242 = arith.constant 0.000000e+00 : f32
    %neg3A_243 = vector.broadcast %neg3A_242 : f32 to vector<16xf32>
    %neg3A_244 = arith.subf %neg3A_243, %add3A_241 : vector<16xf32>
    %exp3A_245 = math.exp %neg3A_244 : vector<16xf32>
    %add3A_246 = arith.constant 1.000000e+00 : f32
    %add3A_247 = vector.broadcast %add3A_246 : f32 to vector<16xf32>
    %add3A_248 = arith.addf %add3A_247, %exp3A_245 : vector<16xf32>
    %div3A_249 = arith.constant 1.000000e+00 : f32
    %div3A_250 = vector.broadcast %div3A_249 : f32 to vector<16xf32>
    %div3A_251 = arith.divf %div3A_250, %add3A_248 : vector<16xf32>
    %swap3A_252 = arith.constant 16 : index
    %swap3A_253 = tpu.vector_load %arg15[%swap3A_252] {strides = array<i32>} : memref<512xf32, #tpu.memory_space<vmem>>, vector<16xf32>,
    tpu.vector_store %arg15[%swap3A_252], %div3A_251 {strides = array<i32>} : memref<512xf32, #tpu.memory_space<vmem>>, vector<16xf32>,
    %get3A_254 = arith.constant 32 : index
    %get3A_255 = tpu.vector_load %arg15[%get3A_254] {strides = array<i32>} : memref<512xf32, #tpu.memory_space<vmem>>, vector<16xf32>,
    %add3A_256 = arith.addf %get3A_255, %get3A_226 : vector<16xf32>
    %neg3A_257 = arith.constant 0.000000e+00 : f32
    %neg3A_258 = vector.broadcast %neg3A_257 : f32 to vector<16xf32>
    %neg3A_259 = arith.subf %neg3A_258, %add3A_256 : vector<16xf32>
    %exp3A_260 = math.exp %neg3A_259 : vector<16xf32>
    %add3A_261 = arith.constant 1.000000e+00 : f32
    %add3A_262 = vector.broadcast %add3A_261 : f32 to vector<16xf32>
    %add3A_263 = arith.addf %add3A_262, %exp3A_260 : vector<16xf32>
    %div3A_264 = arith.constant 1.000000e+00 : f32
    %div3A_265 = vector.broadcast %div3A_264 : f32 to vector<16xf32>
    %div3A_266 = arith.divf %div3A_265, %add3A_263 : vector<16xf32>
    %swap3A_267 = arith.constant 32 : index
    %swap3A_268 = tpu.vector_load %arg15[%swap3A_267] {strides = array<i32>} : memref<512xf32, #tpu.memory_space<vmem>>, vector<16xf32>,
    tpu.vector_store %arg15[%swap3A_267], %div3A_266 {strides = array<i32>} : memref<512xf32, #tpu.memory_space<vmem>>, vector<16xf32>,
    %get3A_269 = arith.constant 48 : index
    %get3A_270 = tpu.vector_load %arg15[%get3A_269] {strides = array<i32>} : memref<512xf32, #tpu.memory_space<vmem>>, vector<16xf32>,
    %add3A_271 = arith.addf %get3A_270, %get3A_226 : vector<16xf32>
    %neg3A_272 = arith.constant 0.000000e+00 : f32
    %neg3A_273 = vector.broadcast %neg3A_272 : f32 to vector<16xf32>
    %neg3A_274 = arith.subf %neg3A_273, %add3A_271 : vector<16xf32>
    %exp3A_275 = math.exp %neg3A_274 : vector<16xf32>
    %add3A_276 = arith.constant 1.000000e+00 : f32
    %add3A_277 = vector.broadcast %add3A_276 : f32 to vector<16xf32>
    %add3A_278 = arith.addf %add3A_277, %exp3A_275 : vector<16xf32>
    %div3A_279 = arith.constant 1.000000e+00 : f32
    %div3A_280 = vector.broadcast %div3A_279 : f32 to vector<16xf32>
    %div3A_281 = arith.divf %div3A_280, %add3A_278 : vector<16xf32>
    %swap3A_282 = arith.constant 48 : index
    %swap3A_283 = tpu.vector_load %arg15[%swap3A_282] {strides = array<i32>} : memref<512xf32, #tpu.memory_space<vmem>>, vector<16xf32>,
    tpu.vector_store %arg15[%swap3A_282], %div3A_281 {strides = array<i32>} : memref<512xf32, #tpu.memory_space<vmem>>, vector<16xf32>,
    %get3A_284 = arith.constant 64 : index
    %get3A_285 = tpu.vector_load %arg15[%get3A_284] {strides = array<i32>} : memref<512xf32, #tpu.memory_space<vmem>>, vector<16xf32>,
    %add3A_286 = arith.addf %get3A_285, %get3A_226 : vector<16xf32>
    %neg3A_287 = arith.constant 0.000000e+00 : f32
    %neg3A_288 = vector.broadcast %neg3A_287 : f32 to vector<16xf32>
    %neg3A_289 = arith.subf %neg3A_288, %add3A_286 : vector<16xf32>
    %exp3A_290 = math.exp %neg3A_289 : vector<16xf32>
    %add3A_291 = arith.constant 1.000000e+00 : f32
    %add3A_292 = vector.broadcast %add3A_291 : f32 to vector<16xf32>
    %add3A_293 = arith.addf %add3A_292, %exp3A_290 : vector<16xf32>
    %div3A_294 = arith.constant 1.000000e+00 : f32
    %div3A_295 = vector.broadcast %div3A_294 : f32 to vector<16xf32>
    %div3A_296 = arith.divf %div3A_295, %add3A_293 : vector<16xf32>
    %swap3A_297 = arith.constant 64 : index
    %swap3A_298 = tpu.vector_load %arg15[%swap3A_297] {strides = array<i32>} : memref<512xf32, #tpu.memory_space<vmem>>, vector<16xf32>,
    tpu.vector_store %arg15[%swap3A_297], %div3A_296 {strides = array<i32>} : memref<512xf32, #tpu.memory_space<vmem>>, vector<16xf32>,
    %get3A_299 = arith.constant 80 : index
    %get3A_300 = tpu.vector_load %arg15[%get3A_299] {strides = array<i32>} : memref<512xf32, #tpu.memory_space<vmem>>, vector<16xf32>,
    %add3A_301 = arith.addf %get3A_300, %get3A_226 : vector<16xf32>
    %neg3A_302 = arith.constant 0.000000e+00 : f32
    %neg3A_303 = vector.broadcast %neg3A_302 : f32 to vector<16xf32>
    %neg3A_304 = arith.subf %neg3A_303, %add3A_301 : vector<16xf32>
    %exp3A_305 = math.exp %neg3A_304 : vector<16xf32>
    %add3A_306 = arith.constant 1.000000e+00 : f32
    %add3A_307 = vector.broadcast %add3A_306 : f32 to vector<16xf32>
    %add3A_308 = arith.addf %add3A_307, %exp3A_305 : vector<16xf32>
    %div3A_309 = arith.constant 1.000000e+00 : f32
    %div3A_310 = vector.broadcast %div3A_309 : f32 to vector<16xf32>
    %div3A_311 = arith.divf %div3A_310, %add3A_308 : vector<16xf32>
    %swap3A_312 = arith.constant 80 : index
    %swap3A_313 = tpu.vector_load %arg15[%swap3A_312] {strides = array<i32>} : memref<512xf32, #tpu.memory_space<vmem>>, vector<16xf32>,
    tpu.vector_store %arg15[%swap3A_312], %div3A_311 {strides = array<i32>} : memref<512xf32, #tpu.memory_space<vmem>>, vector<16xf32>,
    %get3A_314 = arith.constant 96 : index
    %get3A_315 = tpu.vector_load %arg15[%get3A_314] {strides = array<i32>} : memref<512xf32, #tpu.memory_space<vmem>>, vector<16xf32>,
    %add3A_316 = arith.addf %get3A_315, %get3A_226 : vector<16xf32>
    %neg3A_317 = arith.constant 0.000000e+00 : f32
    %neg3A_318 = vector.broadcast %neg3A_317 : f32 to vector<16xf32>
    %neg3A_319 = arith.subf %neg3A_318, %add3A_316 : vector<16xf32>
    %exp3A_320 = math.exp %neg3A_319 : vector<16xf32>
    %add3A_321 = arith.constant 1.000000e+00 : f32
    %add3A_322 = vector.broadcast %add3A_321 : f32 to vector<16xf32>
    %add3A_323 = arith.addf %add3A_322, %exp3A_320 : vector<16xf32>
    %div3A_324 = arith.constant 1.000000e+00 : f32
    %div3A_325 = vector.broadcast %div3A_324 : f32 to vector<16xf32>
    %div3A_326 = arith.divf %div3A_325, %add3A_323 : vector<16xf32>
    %swap3A_327 = arith.constant 96 : index
    %swap3A_328 = tpu.vector_load %arg15[%swap3A_327] {strides = array<i32>} : memref<512xf32, #tpu.memory_space<vmem>>, vector<16xf32>,
    tpu.vector_store %arg15[%swap3A_327], %div3A_326 {strides = array<i32>} : memref<512xf32, #tpu.memory_space<vmem>>, vector<16xf32>,
    %get3A_329 = arith.constant 112 : index
    %get3A_330 = tpu.vector_load %arg15[%get3A_329] {strides = array<i32>} : memref<512xf32, #tpu.memory_space<vmem>>, vector<16xf32>,
    %add3A_331 = arith.addf %get3A_330, %get3A_226 : vector<16xf32>
    %neg3A_332 = arith.constant 0.000000e+00 : f32
    %neg3A_333 = vector.broadcast %neg3A_332 : f32 to vector<16xf32>
    %neg3A_334 = arith.subf %neg3A_333, %add3A_331 : vector<16xf32>
    %exp3A_335 = math.exp %neg3A_334 : vector<16xf32>
    %add3A_336 = arith.constant 1.000000e+00 : f32
    %add3A_337 = vector.broadcast %add3A_336 : f32 to vector<16xf32>
    %add3A_338 = arith.addf %add3A_337, %exp3A_335 : vector<16xf32>
    %div3A_339 = arith.constant 1.000000e+00 : f32
    %div3A_340 = vector.broadcast %div3A_339 : f32 to vector<16xf32>
    %div3A_341 = arith.divf %div3A_340, %add3A_338 : vector<16xf32>
    %swap3A_342 = arith.constant 112 : index
    %swap3A_343 = tpu.vector_load %arg15[%swap3A_342] {strides = array<i32>} : memref<512xf32, #tpu.memory_space<vmem>>, vector<16xf32>,
    tpu.vector_store %arg15[%swap3A_342], %div3A_341 {strides = array<i32>} : memref<512xf32, #tpu.memory_space<vmem>>, vector<16xf32>,
    %get3A_344 = arith.constant 128 : index
    %get3A_345 = tpu.vector_load %arg15[%get3A_344] {strides = array<i32>} : memref<512xf32, #tpu.memory_space<vmem>>, vector<16xf32>,
    %add3A_346 = arith.addf %get3A_345, %get3A_226 : vector<16xf32>
    %neg3A_347 = arith.constant 0.000000e+00 : f32
    %neg3A_348 = vector.broadcast %neg3A_347 : f32 to vector<16xf32>
    %neg3A_349 = arith.subf %neg3A_348, %add3A_346 : vector<16xf32>
    %exp3A_350 = math.exp %neg3A_349 : vector<16xf32>
    %add3A_351 = arith.constant 1.000000e+00 : f32
    %add3A_352 = vector.broadcast %add3A_351 : f32 to vector<16xf32>
    %add3A_353 = arith.addf %add3A_352, %exp3A_350 : vector<16xf32>
    %div3A_354 = arith.constant 1.000000e+00 : f32
    %div3A_355 = vector.broadcast %div3A_354 : f32 to vector<16xf32>
    %div3A_356 = arith.divf %div3A_355, %add3A_353 : vector<16xf32>
    %swap3A_357 = arith.constant 128 : index
    %swap3A_358 = tpu.vector_load %arg15[%swap3A_357] {strides = array<i32>} : memref<512xf32, #tpu.memory_space<vmem>>, vector<16xf32>,
    tpu.vector_store %arg15[%swap3A_357], %div3A_356 {strides = array<i32>} : memref<512xf32, #tpu.memory_space<vmem>>, vector<16xf32>,
    %get3A_359 = arith.constant 144 : index
    %get3A_360 = tpu.vector_load %arg15[%get3A_359] {strides = array<i32>} : memref<512xf32, #tpu.memory_space<vmem>>, vector<16xf32>,
    %add3A_361 = arith.addf %get3A_360, %get3A_226 : vector<16xf32>
    %neg3A_362 = arith.constant 0.000000e+00 : f32
    %neg3A_363 = vector.broadcast %neg3A_362 : f32 to vector<16xf32>
    %neg3A_364 = arith.subf %neg3A_363, %add3A_361 : vector<16xf32>
    %exp3A_365 = math.exp %neg3A_364 : vector<16xf32>
    %add3A_366 = arith.constant 1.000000e+00 : f32
    %add3A_367 = vector.broadcast %add3A_366 : f32 to vector<16xf32>
    %add3A_368 = arith.addf %add3A_367, %exp3A_365 : vector<16xf32>
    %div3A_369 = arith.constant 1.000000e+00 : f32
    %div3A_370 = vector.broadcast %div3A_369 : f32 to vector<16xf32>
    %div3A_371 = arith.divf %div3A_370, %add3A_368 : vector<16xf32>
    %swap3A_372 = arith.constant 144 : index
    %swap3A_373 = tpu.vector_load %arg15[%swap3A_372] {strides = array<i32>} : memref<512xf32, #tpu.memory_space<vmem>>, vector<16xf32>,
    tpu.vector_store %arg15[%swap3A_372], %div3A_371 {strides = array<i32>} : memref<512xf32, #tpu.memory_space<vmem>>, vector<16xf32>,
    %get3A_374 = arith.constant 160 : index
    %get3A_375 = tpu.vector_load %arg15[%get3A_374] {strides = array<i32>} : memref<512xf32, #tpu.memory_space<vmem>>, vector<16xf32>,
    %add3A_376 = arith.addf %get3A_375, %get3A_226 : vector<16xf32>
    %neg3A_377 = arith.constant 0.000000e+00 : f32
    %neg3A_378 = vector.broadcast %neg3A_377 : f32 to vector<16xf32>
    %neg3A_379 = arith.subf %neg3A_378, %add3A_376 : vector<16xf32>
    %exp3A_380 = math.exp %neg3A_379 : vector<16xf32>
    %add3A_381 = arith.constant 1.000000e+00 : f32
    %add3A_382 = vector.broadcast %add3A_381 : f32 to vector<16xf32>
    %add3A_383 = arith.addf %add3A_382, %exp3A_380 : vector<16xf32>
    %div3A_384 = arith.constant 1.000000e+00 : f32
    %div3A_385 = vector.broadcast %div3A_384 : f32 to vector<16xf32>
    %div3A_386 = arith.divf %div3A_385, %add3A_383 : vector<16xf32>
    %swap3A_387 = arith.constant 160 : index
    %swap3A_388 = tpu.vector_load %arg15[%swap3A_387] {strides = array<i32>} : memref<512xf32, #tpu.memory_space<vmem>>, vector<16xf32>,
    tpu.vector_store %arg15[%swap3A_387], %div3A_386 {strides = array<i32>} : memref<512xf32, #tpu.memory_space<vmem>>, vector<16xf32>,
    %get3A_389 = arith.constant 176 : index
    %get3A_390 = tpu.vector_load %arg15[%get3A_389] {strides = array<i32>} : memref<512xf32, #tpu.memory_space<vmem>>, vector<16xf32>,
    %add3A_391 = arith.addf %get3A_390, %get3A_226 : vector<16xf32>
    %neg3A_392 = arith.constant 0.000000e+00 : f32
    %neg3A_393 = vector.broadcast %neg3A_392 : f32 to vector<16xf32>
    %neg3A_394 = arith.subf %neg3A_393, %add3A_391 : vector<16xf32>
    %exp3A_395 = math.exp %neg3A_394 : vector<16xf32>
    %add3A_396 = arith.constant 1.000000e+00 : f32
    %add3A_397 = vector.broadcast %add3A_396 : f32 to vector<16xf32>
    %add3A_398 = arith.addf %add3A_397, %exp3A_395 : vector<16xf32>
    %div3A_399 = arith.constant 1.000000e+00 : f32
    %div3A_400 = vector.broadcast %div3A_399 : f32 to vector<16xf32>
    %div3A_401 = arith.divf %div3A_400, %add3A_398 : vector<16xf32>
    %swap3A_402 = arith.constant 176 : index
    %swap3A_403 = tpu.vector_load %arg15[%swap3A_402] {strides = array<i32>} : memref<512xf32, #tpu.memory_space<vmem>>, vector<16xf32>,
    tpu.vector_store %arg15[%swap3A_402], %div3A_401 {strides = array<i32>} : memref<512xf32, #tpu.memory_space<vmem>>, vector<16xf32>,
    %get3A_404 = arith.constant 192 : index
    %get3A_405 = tpu.vector_load %arg15[%get3A_404] {strides = array<i32>} : memref<512xf32, #tpu.memory_space<vmem>>, vector<16xf32>,
    %add3A_406 = arith.addf %get3A_405, %get3A_226 : vector<16xf32>
    %neg3A_407 = arith.constant 0.000000e+00 : f32
    %neg3A_408 = vector.broadcast %neg3A_407 : f32 to vector<16xf32>
    %neg3A_409 = arith.subf %neg3A_408, %add3A_406 : vector<16xf32>
    %exp3A_410 = math.exp %neg3A_409 : vector<16xf32>
    %add3A_411 = arith.constant 1.000000e+00 : f32
    %add3A_412 = vector.broadcast %add3A_411 : f32 to vector<16xf32>
    %add3A_413 = arith.addf %add3A_412, %exp3A_410 : vector<16xf32>
    %div3A_414 = arith.constant 1.000000e+00 : f32
    %div3A_415 = vector.broadcast %div3A_414 : f32 to vector<16xf32>
    %div3A_416 = arith.divf %div3A_415, %add3A_413 : vector<16xf32>
    %swap3A_417 = arith.constant 192 : index
    %swap3A_418 = tpu.vector_load %arg15[%swap3A_417] {strides = array<i32>} : memref<512xf32, #tpu.memory_space<vmem>>, vector<16xf32>,
    tpu.vector_store %arg15[%swap3A_417], %div3A_416 {strides = array<i32>} : memref<512xf32, #tpu.memory_space<vmem>>, vector<16xf32>,
    %get3A_419 = arith.constant 208 : index
    %get3A_420 = tpu.vector_load %arg15[%get3A_419] {strides = array<i32>} : memref<512xf32, #tpu.memory_space<vmem>>, vector<16xf32>,
    %add3A_421 = arith.addf %get3A_420, %get3A_226 : vector<16xf32>
    %neg3A_422 = arith.constant 0.000000e+00 : f32
    %neg3A_423 = vector.broadcast %neg3A_422 : f32 to vector<16xf32>
    %neg3A_424 = arith.subf %neg3A_423, %add3A_421 : vector<16xf32>
    %exp3A_425 = math.exp %neg3A_424 : vector<16xf32>
    %add3A_426 = arith.constant 1.000000e+00 : f32
    %add3A_427 = vector.broadcast %add3A_426 : f32 to vector<16xf32>
    %add3A_428 = arith.addf %add3A_427, %exp3A_425 : vector<16xf32>
    %div3A_429 = arith.constant 1.000000e+00 : f32
    %div3A_430 = vector.broadcast %div3A_429 : f32 to vector<16xf32>
    %div3A_431 = arith.divf %div3A_430, %add3A_428 : vector<16xf32>
    %swap3A_432 = arith.constant 208 : index
    %swap3A_433 = tpu.vector_load %arg15[%swap3A_432] {strides = array<i32>} : memref<512xf32, #tpu.memory_space<vmem>>, vector<16xf32>,
    tpu.vector_store %arg15[%swap3A_432], %div3A_431 {strides = array<i32>} : memref<512xf32, #tpu.memory_space<vmem>>, vector<16xf32>,
    %get3A_434 = arith.constant 224 : index
    %get3A_435 = tpu.vector_load %arg15[%get3A_434] {strides = array<i32>} : memref<512xf32, #tpu.memory_space<vmem>>, vector<16xf32>,
    %add3A_436 = arith.addf %get3A_435, %get3A_226 : vector<16xf32>
    %neg3A_437 = arith.constant 0.000000e+00 : f32
    %neg3A_438 = vector.broadcast %neg3A_437 : f32 to vector<16xf32>
    %neg3A_439 = arith.subf %neg3A_438, %add3A_436 : vector<16xf32>
    %exp3A_440 = math.exp %neg3A_439 : vector<16xf32>
    %add3A_441 = arith.constant 1.000000e+00 : f32
    %add3A_442 = vector.broadcast %add3A_441 : f32 to vector<16xf32>
    %add3A_443 = arith.addf %add3A_442, %exp3A_440 : vector<16xf32>
    %div3A_444 = arith.constant 1.000000e+00 : f32
    %div3A_445 = vector.broadcast %div3A_444 : f32 to vector<16xf32>
    %div3A_446 = arith.divf %div3A_445, %add3A_443 : vector<16xf32>
    %swap3A_447 = arith.constant 224 : index
    %swap3A_448 = tpu.vector_load %arg15[%swap3A_447] {strides = array<i32>} : memref<512xf32, #tpu.memory_space<vmem>>, vector<16xf32>,
    tpu.vector_store %arg15[%swap3A_447], %div3A_446 {strides = array<i32>} : memref<512xf32, #tpu.memory_space<vmem>>, vector<16xf32>,
    %get3A_449 = arith.constant 240 : index
    %get3A_450 = tpu.vector_load %arg15[%get3A_449] {strides = array<i32>} : memref<512xf32, #tpu.memory_space<vmem>>, vector<16xf32>,
    %add3A_451 = arith.addf %get3A_450, %get3A_226 : vector<16xf32>
    %neg3A_452 = arith.constant 0.000000e+00 : f32
    %neg3A_453 = vector.broadcast %neg3A_452 : f32 to vector<16xf32>
    %neg3A_454 = arith.subf %neg3A_453, %add3A_451 : vector<16xf32>
    %exp3A_455 = math.exp %neg3A_454 : vector<16xf32>
    %add3A_456 = arith.constant 1.000000e+00 : f32
    %add3A_457 = vector.broadcast %add3A_456 : f32 to vector<16xf32>
    %add3A_458 = arith.addf %add3A_457, %exp3A_455 : vector<16xf32>
    %div3A_459 = arith.constant 1.000000e+00 : f32
    %div3A_460 = vector.broadcast %div3A_459 : f32 to vector<16xf32>
    %div3A_461 = arith.divf %div3A_460, %add3A_458 : vector<16xf32>
    %swap3A_462 = arith.constant 240 : index
    %swap3A_463 = tpu.vector_load %arg15[%swap3A_462] {strides = array<i32>} : memref<512xf32, #tpu.memory_space<vmem>>, vector<16xf32>,
    tpu.vector_store %arg15[%swap3A_462], %div3A_461 {strides = array<i32>} : memref<512xf32, #tpu.memory_space<vmem>>, vector<16xf32>,
    %get3A_464 = arith.constant 256 : index
    %get3A_465 = tpu.vector_load %arg15[%get3A_464] {strides = array<i32>} : memref<512xf32, #tpu.memory_space<vmem>>, vector<16xf32>,
    %add3A_466 = arith.addf %get3A_465, %get3A_226 : vector<16xf32>
    %neg3A_467 = arith.constant 0.000000e+00 : f32
    %neg3A_468 = vector.broadcast %neg3A_467 : f32 to vector<16xf32>
    %neg3A_469 = arith.subf %neg3A_468, %add3A_466 : vector<16xf32>
    %exp3A_470 = math.exp %neg3A_469 : vector<16xf32>
    %add3A_471 = arith.constant 1.000000e+00 : f32
    %add3A_472 = vector.broadcast %add3A_471 : f32 to vector<16xf32>
    %add3A_473 = arith.addf %add3A_472, %exp3A_470 : vector<16xf32>
    %div3A_474 = arith.constant 1.000000e+00 : f32
    %div3A_475 = vector.broadcast %div3A_474 : f32 to vector<16xf32>
    %div3A_476 = arith.divf %div3A_475, %add3A_473 : vector<16xf32>
    %swap3A_477 = arith.constant 256 : index
    %swap3A_478 = tpu.vector_load %arg15[%swap3A_477] {strides = array<i32>} : memref<512xf32, #tpu.memory_space<vmem>>, vector<16xf32>,
    tpu.vector_store %arg15[%swap3A_477], %div3A_476 {strides = array<i32>} : memref<512xf32, #tpu.memory_space<vmem>>, vector<16xf32>,
    %get3A_479 = arith.constant 272 : index
    %get3A_480 = tpu.vector_load %arg15[%get3A_479] {strides = array<i32>} : memref<512xf32, #tpu.memory_space<vmem>>, vector<16xf32>,
    %add3A_481 = arith.addf %get3A_480, %get3A_226 : vector<16xf32>
    %neg3A_482 = arith.constant 0.000000e+00 : f32
    %neg3A_483 = vector.broadcast %neg3A_482 : f32 to vector<16xf32>
    %neg3A_484 = arith.subf %neg3A_483, %add3A_481 : vector<16xf32>
    %exp3A_485 = math.exp %neg3A_484 : vector<16xf32>
    %add3A_486 = arith.constant 1.000000e+00 : f32
    %add3A_487 = vector.broadcast %add3A_486 : f32 to vector<16xf32>
    %add3A_488 = arith.addf %add3A_487, %exp3A_485 : vector<16xf32>
    %div3A_489 = arith.constant 1.000000e+00 : f32
    %div3A_490 = vector.broadcast %div3A_489 : f32 to vector<16xf32>
    %div3A_491 = arith.divf %div3A_490, %add3A_488 : vector<16xf32>
    %swap3A_492 = arith.constant 272 : index
    %swap3A_493 = tpu.vector_load %arg15[%swap3A_492] {strides = array<i32>} : memref<512xf32, #tpu.memory_space<vmem>>, vector<16xf32>,
    tpu.vector_store %arg15[%swap3A_492], %div3A_491 {strides = array<i32>} : memref<512xf32, #tpu.memory_space<vmem>>, vector<16xf32>,
    %get3A_494 = arith.constant 288 : index
    %get3A_495 = tpu.vector_load %arg15[%get3A_494] {strides = array<i32>} : memref<512xf32, #tpu.memory_space<vmem>>, vector<16xf32>,
    %add3A_496 = arith.addf %get3A_495, %get3A_226 : vector<16xf32>
    %neg3A_497 = arith.constant 0.000000e+00 : f32
    %neg3A_498 = vector.broadcast %neg3A_497 : f32 to vector<16xf32>
    %neg3A_499 = arith.subf %neg3A_498, %add3A_496 : vector<16xf32>
    %exp3A_500 = math.exp %neg3A_499 : vector<16xf32>
    %add3A_501 = arith.constant 1.000000e+00 : f32
    %add3A_502 = vector.broadcast %add3A_501 : f32 to vector<16xf32>
    %add3A_503 = arith.addf %add3A_502, %exp3A_500 : vector<16xf32>
    %div3A_504 = arith.constant 1.000000e+00 : f32
    %div3A_505 = vector.broadcast %div3A_504 : f32 to vector<16xf32>
    %div3A_506 = arith.divf %div3A_505, %add3A_503 : vector<16xf32>
    %swap3A_507 = arith.constant 288 : index
    %swap3A_508 = tpu.vector_load %arg15[%swap3A_507] {strides = array<i32>} : memref<512xf32, #tpu.memory_space<vmem>>, vector<16xf32>,
    tpu.vector_store %arg15[%swap3A_507], %div3A_506 {strides = array<i32>} : memref<512xf32, #tpu.memory_space<vmem>>, vector<16xf32>,
    %get3A_509 = arith.constant 304 : index
    %get3A_510 = tpu.vector_load %arg15[%get3A_509] {strides = array<i32>} : memref<512xf32, #tpu.memory_space<vmem>>, vector<16xf32>,
    %add3A_511 = arith.addf %get3A_510, %get3A_226 : vector<16xf32>
    %neg3A_512 = arith.constant 0.000000e+00 : f32
    %neg3A_513 = vector.broadcast %neg3A_512 : f32 to vector<16xf32>
    %neg3A_514 = arith.subf %neg3A_513, %add3A_511 : vector<16xf32>
    %exp3A_515 = math.exp %neg3A_514 : vector<16xf32>
    %add3A_516 = arith.constant 1.000000e+00 : f32
    %add3A_517 = vector.broadcast %add3A_516 : f32 to vector<16xf32>
    %add3A_518 = arith.addf %add3A_517, %exp3A_515 : vector<16xf32>
    %div3A_519 = arith.constant 1.000000e+00 : f32
    %div3A_520 = vector.broadcast %div3A_519 : f32 to vector<16xf32>
    %div3A_521 = arith.divf %div3A_520, %add3A_518 : vector<16xf32>
    %swap3A_522 = arith.constant 304 : index
    %swap3A_523 = tpu.vector_load %arg15[%swap3A_522] {strides = array<i32>} : memref<512xf32, #tpu.memory_space<vmem>>, vector<16xf32>,
    tpu.vector_store %arg15[%swap3A_522], %div3A_521 {strides = array<i32>} : memref<512xf32, #tpu.memory_space<vmem>>, vector<16xf32>,
    %get3A_524 = arith.constant 320 : index
    %get3A_525 = tpu.vector_load %arg15[%get3A_524] {strides = array<i32>} : memref<512xf32, #tpu.memory_space<vmem>>, vector<16xf32>,
    %add3A_526 = arith.addf %get3A_525, %get3A_226 : vector<16xf32>
    %neg3A_527 = arith.constant 0.000000e+00 : f32
    %neg3A_528 = vector.broadcast %neg3A_527 : f32 to vector<16xf32>
    %neg3A_529 = arith.subf %neg3A_528, %add3A_526 : vector<16xf32>
    %exp3A_530 = math.exp %neg3A_529 : vector<16xf32>
    %add3A_531 = arith.constant 1.000000e+00 : f32
    %add3A_532 = vector.broadcast %add3A_531 : f32 to vector<16xf32>
    %add3A_533 = arith.addf %add3A_532, %exp3A_530 : vector<16xf32>
    %div3A_534 = arith.constant 1.000000e+00 : f32
    %div3A_535 = vector.broadcast %div3A_534 : f32 to vector<16xf32>
    %div3A_536 = arith.divf %div3A_535, %add3A_533 : vector<16xf32>
    %swap3A_537 = arith.constant 320 : index
    %swap3A_538 = tpu.vector_load %arg15[%swap3A_537] {strides = array<i32>} : memref<512xf32, #tpu.memory_space<vmem>>, vector<16xf32>,
    tpu.vector_store %arg15[%swap3A_537], %div3A_536 {strides = array<i32>} : memref<512xf32, #tpu.memory_space<vmem>>, vector<16xf32>,
    %get3A_539 = arith.constant 336 : index
    %get3A_540 = tpu.vector_load %arg15[%get3A_539] {strides = array<i32>} : memref<512xf32, #tpu.memory_space<vmem>>, vector<16xf32>,
    %add3A_541 = arith.addf %get3A_540, %get3A_226 : vector<16xf32>
    %neg3A_542 = arith.constant 0.000000e+00 : f32
    %neg3A_543 = vector.broadcast %neg3A_542 : f32 to vector<16xf32>
    %neg3A_544 = arith.subf %neg3A_543, %add3A_541 : vector<16xf32>
    %exp3A_545 = math.exp %neg3A_544 : vector<16xf32>
    %add3A_546 = arith.constant 1.000000e+00 : f32
    %add3A_547 = vector.broadcast %add3A_546 : f32 to vector<16xf32>
    %add3A_548 = arith.addf %add3A_547, %exp3A_545 : vector<16xf32>
    %div3A_549 = arith.constant 1.000000e+00 : f32
    %div3A_550 = vector.broadcast %div3A_549 : f32 to vector<16xf32>
    %div3A_551 = arith.divf %div3A_550, %add3A_548 : vector<16xf32>
    %swap3A_552 = arith.constant 336 : index
    %swap3A_553 = tpu.vector_load %arg15[%swap3A_552] {strides = array<i32>} : memref<512xf32, #tpu.memory_space<vmem>>, vector<16xf32>,
    tpu.vector_store %arg15[%swap3A_552], %div3A_551 {strides = array<i32>} : memref<512xf32, #tpu.memory_space<vmem>>, vector<16xf32>,
    %get3A_554 = arith.constant 352 : index
    %get3A_555 = tpu.vector_load %arg15[%get3A_554] {strides = array<i32>} : memref<512xf32, #tpu.memory_space<vmem>>, vector<16xf32>,
    %add3A_556 = arith.addf %get3A_555, %get3A_226 : vector<16xf32>
    %neg3A_557 = arith.constant 0.000000e+00 : f32
    %neg3A_558 = vector.broadcast %neg3A_557 : f32 to vector<16xf32>
    %neg3A_559 = arith.subf %neg3A_558, %add3A_556 : vector<16xf32>
    %exp3A_560 = math.exp %neg3A_559 : vector<16xf32>
    %add3A_561 = arith.constant 1.000000e+00 : f32
    %add3A_562 = vector.broadcast %add3A_561 : f32 to vector<16xf32>
    %add3A_563 = arith.addf %add3A_562, %exp3A_560 : vector<16xf32>
    %div3A_564 = arith.constant 1.000000e+00 : f32
    %div3A_565 = vector.broadcast %div3A_564 : f32 to vector<16xf32>
    %div3A_566 = arith.divf %div3A_565, %add3A_563 : vector<16xf32>
    %swap3A_567 = arith.constant 352 : index
    %swap3A_568 = tpu.vector_load %arg15[%swap3A_567] {strides = array<i32>} : memref<512xf32, #tpu.memory_space<vmem>>, vector<16xf32>,
    tpu.vector_store %arg15[%swap3A_567], %div3A_566 {strides = array<i32>} : memref<512xf32, #tpu.memory_space<vmem>>, vector<16xf32>,
    %get3A_569 = arith.constant 368 : index
    %get3A_570 = tpu.vector_load %arg15[%get3A_569] {strides = array<i32>} : memref<512xf32, #tpu.memory_space<vmem>>, vector<16xf32>,
    %add3A_571 = arith.addf %get3A_570, %get3A_226 : vector<16xf32>
    %neg3A_572 = arith.constant 0.000000e+00 : f32
    %neg3A_573 = vector.broadcast %neg3A_572 : f32 to vector<16xf32>
    %neg3A_574 = arith.subf %neg3A_573, %add3A_571 : vector<16xf32>
    %exp3A_575 = math.exp %neg3A_574 : vector<16xf32>
    %add3A_576 = arith.constant 1.000000e+00 : f32
    %add3A_577 = vector.broadcast %add3A_576 : f32 to vector<16xf32>
    %add3A_578 = arith.addf %add3A_577, %exp3A_575 : vector<16xf32>
    %div3A_579 = arith.constant 1.000000e+00 : f32
    %div3A_580 = vector.broadcast %div3A_579 : f32 to vector<16xf32>
    %div3A_581 = arith.divf %div3A_580, %add3A_578 : vector<16xf32>
    %swap3A_582 = arith.constant 368 : index
    %swap3A_583 = tpu.vector_load %arg15[%swap3A_582] {strides = array<i32>} : memref<512xf32, #tpu.memory_space<vmem>>, vector<16xf32>,
    tpu.vector_store %arg15[%swap3A_582], %div3A_581 {strides = array<i32>} : memref<512xf32, #tpu.memory_space<vmem>>, vector<16xf32>,
    %get3A_584 = arith.constant 384 : index
    %get3A_585 = tpu.vector_load %arg15[%get3A_584] {strides = array<i32>} : memref<512xf32, #tpu.memory_space<vmem>>, vector<16xf32>,
    %add3A_586 = arith.addf %get3A_585, %get3A_226 : vector<16xf32>
    %neg3A_587 = arith.constant 0.000000e+00 : f32
    %neg3A_588 = vector.broadcast %neg3A_587 : f32 to vector<16xf32>
    %neg3A_589 = arith.subf %neg3A_588, %add3A_586 : vector<16xf32>
    %exp3A_590 = math.exp %neg3A_589 : vector<16xf32>
    %add3A_591 = arith.constant 1.000000e+00 : f32
    %add3A_592 = vector.broadcast %add3A_591 : f32 to vector<16xf32>
    %add3A_593 = arith.addf %add3A_592, %exp3A_590 : vector<16xf32>
    %div3A_594 = arith.constant 1.000000e+00 : f32
    %div3A_595 = vector.broadcast %div3A_594 : f32 to vector<16xf32>
    %div3A_596 = arith.divf %div3A_595, %add3A_593 : vector<16xf32>
    %swap3A_597 = arith.constant 384 : index
    %swap3A_598 = tpu.vector_load %arg15[%swap3A_597] {strides = array<i32>} : memref<512xf32, #tpu.memory_space<vmem>>, vector<16xf32>,
    tpu.vector_store %arg15[%swap3A_597], %div3A_596 {strides = array<i32>} : memref<512xf32, #tpu.memory_space<vmem>>, vector<16xf32>,
    %get3A_599 = arith.constant 400 : index
    %get3A_600 = tpu.vector_load %arg15[%get3A_599] {strides = array<i32>} : memref<512xf32, #tpu.memory_space<vmem>>, vector<16xf32>,
    %add3A_601 = arith.addf %get3A_600, %get3A_226 : vector<16xf32>
    %neg3A_602 = arith.constant 0.000000e+00 : f32
    %neg3A_603 = vector.broadcast %neg3A_602 : f32 to vector<16xf32>
    %neg3A_604 = arith.subf %neg3A_603, %add3A_601 : vector<16xf32>
    %exp3A_605 = math.exp %neg3A_604 : vector<16xf32>
    %add3A_606 = arith.constant 1.000000e+00 : f32
    %add3A_607 = vector.broadcast %add3A_606 : f32 to vector<16xf32>
    %add3A_608 = arith.addf %add3A_607, %exp3A_605 : vector<16xf32>
    %div3A_609 = arith.constant 1.000000e+00 : f32
    %div3A_610 = vector.broadcast %div3A_609 : f32 to vector<16xf32>
    %div3A_611 = arith.divf %div3A_610, %add3A_608 : vector<16xf32>
    %swap3A_612 = arith.constant 400 : index
    %swap3A_613 = tpu.vector_load %arg15[%swap3A_612] {strides = array<i32>} : memref<512xf32, #tpu.memory_space<vmem>>, vector<16xf32>,
    tpu.vector_store %arg15[%swap3A_612], %div3A_611 {strides = array<i32>} : memref<512xf32, #tpu.memory_space<vmem>>, vector<16xf32>,
    %get3A_614 = arith.constant 416 : index
    %get3A_615 = tpu.vector_load %arg15[%get3A_614] {strides = array<i32>} : memref<512xf32, #tpu.memory_space<vmem>>, vector<16xf32>,
    %add3A_616 = arith.addf %get3A_615, %get3A_226 : vector<16xf32>
    %neg3A_617 = arith.constant 0.000000e+00 : f32
    %neg3A_618 = vector.broadcast %neg3A_617 : f32 to vector<16xf32>
    %neg3A_619 = arith.subf %neg3A_618, %add3A_616 : vector<16xf32>
    %exp3A_620 = math.exp %neg3A_619 : vector<16xf32>
    %add3A_621 = arith.constant 1.000000e+00 : f32
    %add3A_622 = vector.broadcast %add3A_621 : f32 to vector<16xf32>
    %add3A_623 = arith.addf %add3A_622, %exp3A_620 : vector<16xf32>
    %div3A_624 = arith.constant 1.000000e+00 : f32
    %div3A_625 = vector.broadcast %div3A_624 : f32 to vector<16xf32>
    %div3A_626 = arith.divf %div3A_625, %add3A_623 : vector<16xf32>
    %swap3A_627 = arith.constant 416 : index
    %swap3A_628 = tpu.vector_load %arg15[%swap3A_627] {strides = array<i32>} : memref<512xf32, #tpu.memory_space<vmem>>, vector<16xf32>,
    tpu.vector_store %arg15[%swap3A_627], %div3A_626 {strides = array<i32>} : memref<512xf32, #tpu.memory_space<vmem>>, vector<16xf32>,
    %get3A_629 = arith.constant 432 : index
    %get3A_630 = tpu.vector_load %arg15[%get3A_629] {strides = array<i32>} : memref<512xf32, #tpu.memory_space<vmem>>, vector<16xf32>,
    %add3A_631 = arith.addf %get3A_630, %get3A_226 : vector<16xf32>
    %neg3A_632 = arith.constant 0.000000e+00 : f32
    %neg3A_633 = vector.broadcast %neg3A_632 : f32 to vector<16xf32>
    %neg3A_634 = arith.subf %neg3A_633, %add3A_631 : vector<16xf32>
    %exp3A_635 = math.exp %neg3A_634 : vector<16xf32>
    %add3A_636 = arith.constant 1.000000e+00 : f32
    %add3A_637 = vector.broadcast %add3A_636 : f32 to vector<16xf32>
    %add3A_638 = arith.addf %add3A_637, %exp3A_635 : vector<16xf32>
    %div3A_639 = arith.constant 1.000000e+00 : f32
    %div3A_640 = vector.broadcast %div3A_639 : f32 to vector<16xf32>
    %div3A_641 = arith.divf %div3A_640, %add3A_638 : vector<16xf32>
    %swap3A_642 = arith.constant 432 : index
    %swap3A_643 = tpu.vector_load %arg15[%swap3A_642] {strides = array<i32>} : memref<512xf32, #tpu.memory_space<vmem>>, vector<16xf32>,
    tpu.vector_store %arg15[%swap3A_642], %div3A_641 {strides = array<i32>} : memref<512xf32, #tpu.memory_space<vmem>>, vector<16xf32>,
    %get3A_644 = arith.constant 448 : index
    %get3A_645 = tpu.vector_load %arg15[%get3A_644] {strides = array<i32>} : memref<512xf32, #tpu.memory_space<vmem>>, vector<16xf32>,
    %add3A_646 = arith.addf %get3A_645, %get3A_226 : vector<16xf32>
    %neg3A_647 = arith.constant 0.000000e+00 : f32
    %neg3A_648 = vector.broadcast %neg3A_647 : f32 to vector<16xf32>
    %neg3A_649 = arith.subf %neg3A_648, %add3A_646 : vector<16xf32>
    %exp3A_650 = math.exp %neg3A_649 : vector<16xf32>
    %add3A_651 = arith.constant 1.000000e+00 : f32
    %add3A_652 = vector.broadcast %add3A_651 : f32 to vector<16xf32>
    %add3A_653 = arith.addf %add3A_652, %exp3A_650 : vector<16xf32>
    %div3A_654 = arith.constant 1.000000e+00 : f32
    %div3A_655 = vector.broadcast %div3A_654 : f32 to vector<16xf32>
    %div3A_656 = arith.divf %div3A_655, %add3A_653 : vector<16xf32>
    %swap3A_657 = arith.constant 448 : index
    %swap3A_658 = tpu.vector_load %arg15[%swap3A_657] {strides = array<i32>} : memref<512xf32, #tpu.memory_space<vmem>>, vector<16xf32>,
    tpu.vector_store %arg15[%swap3A_657], %div3A_656 {strides = array<i32>} : memref<512xf32, #tpu.memory_space<vmem>>, vector<16xf32>,
    %get3A_659 = arith.constant 464 : index
    %get3A_660 = tpu.vector_load %arg15[%get3A_659] {strides = array<i32>} : memref<512xf32, #tpu.memory_space<vmem>>, vector<16xf32>,
    %add3A_661 = arith.addf %get3A_660, %get3A_226 : vector<16xf32>
    %neg3A_662 = arith.constant 0.000000e+00 : f32
    %neg3A_663 = vector.broadcast %neg3A_662 : f32 to vector<16xf32>
    %neg3A_664 = arith.subf %neg3A_663, %add3A_661 : vector<16xf32>
    %exp3A_665 = math.exp %neg3A_664 : vector<16xf32>
    %add3A_666 = arith.constant 1.000000e+00 : f32
    %add3A_667 = vector.broadcast %add3A_666 : f32 to vector<16xf32>
    %add3A_668 = arith.addf %add3A_667, %exp3A_665 : vector<16xf32>
    %div3A_669 = arith.constant 1.000000e+00 : f32
    %div3A_670 = vector.broadcast %div3A_669 : f32 to vector<16xf32>
    %div3A_671 = arith.divf %div3A_670, %add3A_668 : vector<16xf32>
    %swap3A_672 = arith.constant 464 : index
    %swap3A_673 = tpu.vector_load %arg15[%swap3A_672] {strides = array<i32>} : memref<512xf32, #tpu.memory_space<vmem>>, vector<16xf32>,
    tpu.vector_store %arg15[%swap3A_672], %div3A_671 {strides = array<i32>} : memref<512xf32, #tpu.memory_space<vmem>>, vector<16xf32>,
    %get3A_674 = arith.constant 480 : index
    %get3A_675 = tpu.vector_load %arg15[%get3A_674] {strides = array<i32>} : memref<512xf32, #tpu.memory_space<vmem>>, vector<16xf32>,
    %add3A_676 = arith.addf %get3A_675, %get3A_226 : vector<16xf32>
    %neg3A_677 = arith.constant 0.000000e+00 : f32
    %neg3A_678 = vector.broadcast %neg3A_677 : f32 to vector<16xf32>
    %neg3A_679 = arith.subf %neg3A_678, %add3A_676 : vector<16xf32>
    %exp3A_680 = math.exp %neg3A_679 : vector<16xf32>
    %add3A_681 = arith.constant 1.000000e+00 : f32
    %add3A_682 = vector.broadcast %add3A_681 : f32 to vector<16xf32>
    %add3A_683 = arith.addf %add3A_682, %exp3A_680 : vector<16xf32>
    %div3A_684 = arith.constant 1.000000e+00 : f32
    %div3A_685 = vector.broadcast %div3A_684 : f32 to vector<16xf32>
    %div3A_686 = arith.divf %div3A_685, %add3A_683 : vector<16xf32>
    %swap3A_687 = arith.constant 480 : index
    %swap3A_688 = tpu.vector_load %arg15[%swap3A_687] {strides = array<i32>} : memref<512xf32, #tpu.memory_space<vmem>>, vector<16xf32>,
    tpu.vector_store %arg15[%swap3A_687], %div3A_686 {strides = array<i32>} : memref<512xf32, #tpu.memory_space<vmem>>, vector<16xf32>,
    %get3A_689 = arith.constant 496 : index
    %get3A_690 = tpu.vector_load %arg15[%get3A_689] {strides = array<i32>} : memref<512xf32, #tpu.memory_space<vmem>>, vector<16xf32>,
    %add3A_691 = arith.addf %get3A_690, %get3A_226 : vector<16xf32>
    %neg3A_692 = arith.constant 0.000000e+00 : f32
    %neg3A_693 = vector.broadcast %neg3A_692 : f32 to vector<16xf32>
    %neg3A_694 = arith.subf %neg3A_693, %add3A_691 : vector<16xf32>
    %exp3A_695 = math.exp %neg3A_694 : vector<16xf32>
    %add3A_696 = arith.constant 1.000000e+00 : f32
    %add3A_697 = vector.broadcast %add3A_696 : f32 to vector<16xf32>
    %add3A_698 = arith.addf %add3A_697, %exp3A_695 : vector<16xf32>
    %div3A_699 = arith.constant 1.000000e+00 : f32
    %div3A_700 = vector.broadcast %div3A_699 : f32 to vector<16xf32>
    %div3A_701 = arith.divf %div3A_700, %add3A_698 : vector<16xf32>
    %swap3A_702 = arith.constant 496 : index
    %swap3A_703 = tpu.vector_load %arg15[%swap3A_702] {strides = array<i32>} : memref<512xf32, #tpu.memory_space<vmem>>, vector<16xf32>,
    tpu.vector_store %arg15[%swap3A_702], %div3A_701 {strides = array<i32>} : memref<512xf32, #tpu.memory_space<vmem>>, vector<16xf32>,
    "tpu.region"() ({
      %run_scoped3A = tpu.sem_alloc : memref<!tpu.dma_semaphore, #tpu.memory_space<semaphore_mem>>
      %dma_start3A = tpu.memref_slice %arg8[%mul3A_2] : memref<16384xf32, #tpu.memory_space<hbm>> -> memref<512xf32, #tpu.memory_space<hbm>>
      %dma_start3A_704 = tpu.memref_slice %arg8[%mul3A_2] : memref<16384xf32, #tpu.memory_space<hbm>> -> memref<512xf32, #tpu.memory_space<hbm>>
      tpu.enqueue_dma source(%arg15 : memref<512xf32, #tpu.memory_space<vmem>>) target(%dma_start3A_704 : memref<512xf32, #tpu.memory_space<hbm>>) target_semaphore(%run_scoped3A : memref<!tpu.dma_semaphore, #tpu.memory_space<semaphore_mem>>)
      %dma_wait3A_705 = tpu.memref_slice %arg8[%mul3A_2] : memref<16384xf32, #tpu.memory_space<hbm>> -> memref<512xf32, #tpu.memory_space<hbm>>
      %dma_wait3A_706 = tpu.memref_slice %arg8[%mul3A_2] : memref<16384xf32, #tpu.memory_space<hbm>> -> memref<512xf32, #tpu.memory_space<hbm>>
      tpu.wait_dma2 semaphore(%run_scoped3A : memref<!tpu.dma_semaphore, #tpu.memory_space<semaphore_mem>>) src(%arg15 : memref<512xf32, #tpu.memory_space<vmem>>) dst(%dma_wait3A_706 : memref<512xf32, #tpu.memory_space<hbm>>)
      tpu.yield
    }) : () -> ()
    return
  }
}

</mosaic_0001>

<sc_bundles>
// kernel: kernel.3.cloned.1.call-start
scs
__scs_entry_jumppad:
0x0: {  	(pc) =	sbr.rel $0x88, $3  }
0x1: {  	(tag) =	ssettag $0x0;
	lr =	simm.s32 $0x1  }
0x2: {  	[smem:$0x3F9B] =	sst lr;
	_ =	strace $0xD0000000  }
0x3: {  	_ = 	snop  }
0x4: {  	_ = 	snop  }
0x5: {  	_ = 	snop  }
0x6: {  	_ = 	snop  }
0x7: {  	_ = 	snop  }
__scs_overlays_trampoline_lowered:
0x8: {  	[smem:$0x3FAA] =	sst s0  }
0x9: {  	[smem:$0x3FAB] =	sst s1  }
0xa: {  	[smem:$0x3FAC] =	sst s2  }
0xb: {  	[smem:$0x3FAD] =	sst s3  }
0xc: {  	[smem:$0x3FAE] =	sst s4  }
0xd: {  	[smem:$0x3FAF] =	sst s5  }
0xe: {  	[smem:$0x3FB0] =	sst s6  }
0xf: {  	[smem:$0x3FB1] =	sst s7  }
0x10: {  	[smem:$0x3FB2] =	sst s8  }
0x11: {  	[smem:$0x3FB3] =	sst s9;
	s0 =	simm.s32 @!p0 $0x0  }
0x12: {  	s1 =	sld [smem:$0x3F99];
	s0 =	simm.s32 @p0 $0x1  }
0x13: {  	[smem:$0x3FB4] =	sst s0;
	s0 =	simm.s32 @!p1 $0x0  }
0x14: {  	s2 =	sld [smem:$0x3F98];
	s0 =	simm.s32 @p1 $0x1  }
0x15: {  	[smem:$0x3FB5] =	sst s0;
	s0 =	simm.s32 @!p2 $0x0  }
0x16: {  	s3 =	sld [smem:$0x3FDB];
	s0 =	simm.s32 @p2 $0x1  }
0x17: {  	s4 =	simm.s32 $0x1BF5;
	[smem:$0x3FB7] =	sst s0  }
0x18: {  	s0 =	sld [smem:$0x3F9A];
	_ =	swait.ge [sflag:s4], $0x0  }
0x19: {  	s7 =	sld [smem:$0x3F9B]  }
0x1a: {  	s8 =	sadd.s32 $0xFFFFE003, lr  }
0x1b: {  	s9 =	sadd.s32 $0xFFFFFEF7, lr;
	s5 =	simm.s32 $0xFFFFFFFF;
	p2 =	slt.u32 s8, $0xFFFFF086  }
0x1c: {  	p1 =	slt.u32 s9, $0xF7A;
	s5 =	simm.s32 @!p2 $0x0  }
0x1d: {  	s5 =	simm.s32 @p1 $0x1;
	p0 =	seq.s32 s7, s2  }
0x1e: {  	s7 =	smul.u32 @!p0 $0xF7A, s2;
	p2 =	seq.s32 @!p0 s5, $0x0  }
0x1f: {  	s9 =	smul.u32 $0xF7A, s1;
	s8 =	simm.s32 @!p0 $0x1BF5;
	p2 =	por !p2, p0  }
0x20: {  	[sflag:s8] =	ssyncset.s32 @!p0 $0xFFFFF086;
	s6 =	sadd.s32 @!p0 s3, s7;
	s7 =	simm.s32 @!p0 $0x108  }
0x21: {  	s3 =	sadd.s32 s3, s9;
	s6 =	sadd.s32 @!p0 $0x88, s6;
	s7 =	simm.s32 @p2 $0x1082  }
0x22: {  	[simem:s7], [sflag:s8] =	dma.local @!p0 [hbm:s6], $0xF7A  }
0x23: {  	s9 =	sor.u32 $0xD0000000, s2;
	s6 =	simm.s32 $0x108;
	_ =	swait.ge @!p0 [sflag:s8], $0x0  }
0x24: {  	s3 =	sadd.s32 $0x88, s3;
	s6 =	simm.s32 @!p1 $0x1082;
	[sflag:s4] =	ssyncset.s32 $0xFFFFF086  }
0x25: {  	[simem:s6], [sflag:s4] =	dma.local [hbm:s3], $0xF7A  }
0x26: {  	[smem:$0x3F9B] =	sst s1;
	(tag) =	ssettag s2;
	_ =	strace s9  }
0x27: {  	s1 =	sld [smem:$0x3FAB]  }
0x28: {  	s2 =	sld [smem:$0x3FAC]  }
0x29: {  	s4 =	sld [smem:$0x3FAE]  }
0x2a: {  	p0 =	seq.s32 s5, $0x0;
	s5 =	sld [smem:$0x3FAF]  }
0x2b: {  	s6 =	sld [smem:$0x3FB0]  }
0x2c: {  	s7 =	sld [smem:$0x3FB1]  }
0x2d: {  	s3 =	simm.s32 $0x108;
	s8 =	sld [smem:$0x3FB2]  }
0x2e: {  	s3 =	simm.s32 @!p0 $0x1082;
	s9 =	sld [smem:$0x3FB3]  }
0x2f: {  	lr =	sadd.s32 s0, s3;
	s0 =	sld [smem:$0x3FAA]  }
0x30: {  	s3 =	sld [smem:$0x3FAD]  }
0x31: {  	[smem:$0x3FB6] =	sst s10  }
0x32: {  	s10 =	sld [smem:$0x3FB4];
	_ =	sdelay $0x3  }
0x33: {  	p0 =	seq.s32 s10, $0x1;
	s10 =	sld [smem:$0x3FB6];
	_ =	sdelay $0x3  }
0x34: {  	[smem:$0x3FB6] =	sst s10  }
0x35: {  	s10 =	sld [smem:$0x3FB5];
	_ =	sdelay $0x3  }
0x36: {  	p1 =	seq.s32 s10, $0x1;
	s10 =	sld [smem:$0x3FB6];
	_ =	sdelay $0x3  }
0x37: {  	[smem:$0x3FB6] =	sst s10  }
0x38: {  	s10 =	sld [smem:$0x3FB7]  }
0x39: {  	_ = 	snop;
	(pc) =	sbr.ind lr, $3  }
0x3a: {  	_ = 	snop  }
0x3b: {  	_ = 	snop  }
0x3c: {  	p2 =	seq.s32 s10, $0x1;
	s10 =	sld [smem:$0x3FB6]  }
0x3d: {  	_ =	shalt  }
0x3e: {  	_ =	shalt  }
0x3f: {  	_ =	shalt  }
0x40: {  	_ =	shalt  }
0x41: {  	_ =	shalt  }
0x42: {  	_ =	shalt  }
0x43: {  	_ =	shalt  }
0x44: {  	_ =	shalt  }
0x45: {  	_ =	shalt  }
0x46: {  	_ =	shalt  }
0x47: {  	_ =	shalt  }
0x48: {  	_ =	shalt  }
0x49: {  	_ =	shalt  }
0x4a: {  	_ =	shalt  }
0x4b: {  	_ =	shalt  }
0x4c: {  	_ =	shalt  }
0x4d: {  	_ =	shalt  }
0x4e: {  	_ =	shalt  }
0x4f: {  	_ =	shalt  }
0x50: {  	_ =	shalt  }
0x51: {  	_ =	shalt  }
0x52: {  	_ =	shalt  }
0x53: {  	_ =	shalt  }
0x54: {  	_ =	shalt  }
0x55: {  	_ =	shalt  }
0x56: {  	_ =	shalt  }
0x57: {  	_ =	shalt  }
0x58: {  	_ =	shalt  }
0x59: {  	_ =	shalt  }
0x5a: {  	_ =	shalt  }
0x5b: {  	_ =	shalt  }
0x5c: {  	_ =	shalt  }
0x5d: {  	_ =	shalt  }
0x5e: {  	_ =	shalt  }
0x5f: {  	_ =	shalt  }
0x60: {  	_ =	shalt  }
0x61: {  	_ =	shalt  }
0x62: {  	_ =	shalt  }
0x63: {  	_ =	shalt  }
0x64: {  	_ =	shalt  }
0x65: {  	_ =	shalt  }
0x66: {  	_ =	shalt  }
0x67: {  	_ =	shalt  }
0x68: {  	_ =	shalt  }
0x69: {  	_ =	shalt  }
0x6a: {  	_ =	shalt  }
0x6b: {  	_ =	shalt  }
0x6c: {  	_ =	shalt  }
0x6d: {  	_ =	shalt  }
0x6e: {  	_ =	shalt  }
0x6f: {  	_ =	shalt  }
0x70: {  	_ =	shalt  }
0x71: {  	_ =	shalt  }
0x72: {  	_ =	shalt  }
0x73: {  	_ =	shalt  }
0x74: {  	_ =	shalt  }
0x75: {  	_ =	shalt  }
0x76: {  	_ =	shalt  }
0x77: {  	_ =	shalt  }
0x78: {  	_ =	shalt  }
0x79: {  	_ =	shalt  }
0x7a: {  	_ =	shalt  }
0x7b: {  	_ =	shalt  }
0x7c: {  	_ =	shalt  }
0x7d: {  	_ =	shalt  }
0x7e: {  	_ =	shalt  }
0x7f: {  	_ =	shalt  }
0x80: {  	_ =	shalt  }
0x81: {  	_ =	shalt  }
0x82: {  	_ =	shalt  }
0x83: {  	_ =	shalt  }
0x84: {  	_ =	shalt  }
0x85: {  	_ =	shalt  }
0x86: {  	_ =	shalt  }
0x87: {  	_ =	shalt  }
.Lfunc_end0:
.L_simem_size_0:
called_computation_lowered:
.L_overlay_start_0:
0x88: {  	s2 =	sld [smem:$0x3FD9]  }
0x89: {  	s3 =	sld [smem:$0x3FFE];
	_ =	sdelay $0x1  }
0x8a: {  	s1 =	srdreg.scid  }
0x8b: {  	s0 =	sand.u32 $0x1, s1  }
0x8c: {  	s17 =	sshll.u32 s0, $0xA;
	s2 =	sadd.s32 s3, s2  }
0x8d: {  	s2 =	sadd.s32 s2, s17  }
0x8e: {  	[smem:$0x3FC2] =	sst s2  }
0x8f: {  	_ = 	snop  }
0x90: {  	s2 =	sld [smem:$0x3FC9]  }
0x91: {  	s18 =	sld [smem:$0x3FC8]  }
0x92: {  	s4 =	sld [smem:$0x3FC7]  }
0x93: {  	s5 =	sld [smem:$0x3FC6]  }
0x94: {  	s6 =	sld [smem:$0x3FD0];
	(tm) =	ssettm $0x1  }
0x95: {  	s7 =	sld [smem:$0x3FFB];
	_ =	sdelay $0x3  }
0x96: {  	_ =	strace s7  }
0x97: {  	s7 =	sld [smem:$0x3FFC];
	_ =	sdelay $0x3  }
0x98: {  	_ =	strace s7  }
0x99: {  	s7 =	sld [smem:$0x3FFD];
	_ =	sdelay $0x3  }
0x9a: {  	_ =	strace s7  }
0x9b: {  	_ =	strace $0x8FFFFFFF  }
0x9c: {  	s19 =	sld [smem:$0x3FDB];
	_ =	sdelay $0x1  }
0x9d: {  	s8 =	simm.s32 $_scs_section_size  }
0x9e: {  	s9 =	simm.s32 $_size__tile_overlayer_lowered;
	s10 =	simm.s32 $_tile_overlayer_lowered  }
0x9f: {  	s22 =	simm.s32 $0x1BFF;
	s21 =	sshll.u32 s10, $0x1;
	s7 =	sadd.s32 s8, s19  }
0xa0: {  	s11 =	simm.s32 $0x0;
	s20 =	sshll.u32 s9, $0x1;
	s9 =	sadd.s32 s21, s7  }
0xa1: {  	[timem:s11], [sflag:s22] =	dma.local [hbm:s9], s20  }
0xa2: {  	_ =	swait.ge [sflag:s22], s20  }
0xa3: {  	s8 =	ssub.s32 $0x0, s20;
	[sflag:s22] =	ssyncset.done $0x0  }
0xa4: {  	[sflag:s22] =	ssyncadd.s32 s8;
	_ =	sdelay $0x1  }
0xa5: {  	s23 =	simm.s32 $0x1B8B  }
0xa6: {  	_ =	swait.ge [sflag:s23], $0x1  }
0xa7: {  	[sflag:s23] =	ssyncset.done $0x0  }
0xa8: {  	s25 =	simm.s32 $0x1B8E;
	s24 =	sld [smem:$0x3FFE];
	[sflag:s23] =	ssyncadd.s32 $0xFFFFFFFF  }
0xa9: {  	s26 =	simm.s32 $execute0_lowered;
	[smem:$0x3FD2] =	sst s25  }
0xaa: {  	s9 =	sshll.u32 s26, $0x1;
	_ =	strace $0x80000046;
	[dreg:$0x1] =	wrdreg $0xFFFFFFFF  }
0xab: {  	s28 =	simm.s32 $_size_execute0_lowered;
	s7 =	sadd.s32 s7, s9;
	[dreg:$0x0] =	wrdreg $0x0  }
0xac: {  	s9 =	sshll.u32 s28, $0x1;
	[dreg:$0x2] =	wrdreg s7  }
0xad: {  	[dreg:$0x3] =	wrdreg s9  }
0xae: {  	[dreg:$0x4] =	wrdreg $0xC0  }
0xaf: {  	_ =	task [dreg:s11], $0x5FFFF  }
0xb0: {  	[dreg:$0x1] =	wrdreg $0xFFFFFFFF  }
0xb1: {  	[dreg:$0x0] =	wrdreg $0x60  }
0xb2: {  	[dreg:$0x2] =	wrdreg s2  }
0xb3: {  	[dreg:$0x3] =	wrdreg s18  }
0xb4: {  	[dreg:$0x4] =	wrdreg s4  }
0xb5: {  	[dreg:$0x5] =	wrdreg s5  }
0xb6: {  	[dreg:$0x6] =	wrdreg s24  }
0xb7: {  	[dreg:$0x7] =	wrdreg s6  }
0xb8: {  	[dreg:$0x8] =	wrdreg $0x9  }
0xb9: {  	_ =	task.clear_ibuf [dreg:s11], $0x9FFFF;
	_ =	strace $0x90000046  }
0xba: {  	s29 =	simm.s32 $0x9;
	_ =	strace $0x80000048  }
0xbb: {  	_ =	swait.ge [sflag:s29], $0x1  }
0xbc: {  	[sflag:s29] =	ssyncadd.s32 $0xFFFFFFFF  }
0xbd: {  	_ =	strace $0x90000048  }
0xbe: {  	_ =	sfence  }
0xbf: {  	s30 =	sld [smem:$0x0];
	_ =	sdelay $0x2  }
0xc0: {  	s31 =	sshll.u32 s1, $0xD;
	s1 =	sshrl.u32 s1, $0x2  }
0xc1: {  	s3 =	sand.u32 $0x4000, s31;
	s1 =	sadd.s32 s1, s30  }
0xc2: {  	s0 =	sor.u32 s3, s0;
	s1 =	sshll.u32 s1, $0x11  }
0xc3: {  	s0 =	sor.u32 s1, s0  }
0xc4: {  	s0 =	sadd.s32 $0x8F2B, s0  }
0xc5: {  	[sflag:s0] =	ssyncadd.remote.s32 $0x1  }
0xc6: {  	_ =	sfence.sel $0xFFFF  }
0xc7: {  	[dreg:$0x0] =	wrdreg $0xFFFFFFFF;
	(pc) =	sbr.abs _section_cstart, $3  }
0xc8: {  	[dreg:$0x1] =	wrdreg $0xFFFFFFFF  }
0xc9: {  	_ =	task.clear_ibuf [dreg:s11], $0x2FFFF;
	_ =	strace $0x9FFFFFFF  }
0xca: {  	(tm) =	ssettm $0x7FFFFFFF  }
0xcb: {  	_ =	shalt  }
tec
execute0_lowered:
.L_overlay_start_1:
0x0: {  	(tag) =	ssettag $0x1  }
0x1: {  	s0 =	rddreg [dreg:$0x0]  }
0x2: {  	s4 =	rddreg [dreg:$0x1]  }
0x3: {  	s1 =	rddreg [dreg:$0x2]  }
0x4: {  	s2 =	rddreg [dreg:$0x3]  }
0x5: {  	s5 =	rddreg [dreg:$0x4]  }
0x6: {  	s6 =	rddreg [dreg:$0x5];
	s3 =	simm.s32 $0x0;
	v0 =	vimm.s32 $0x30201000  }
0x7: {  	s7 =	srdreg.scid;
	v1 =	vimm.s32 $0x70605040;
	s9 =	stileid.u32;
	s21 =	simm.s32 $0x500;
	v0 =	vunpack.c.0.s8.s32 v0  }
0x8: {  	vm0 =	vcmask $0xF00;
	s22 =	simm.s32 $0x4500;
	[smem:$0x7FF] =	sst s3;
	s7 =	sand.u32 $0x1, s7;
	v1 =	vunpack.c.0.s8.s32 v1  }
0x9: {  	vm8 =	vcmask $0x1F10;
	s9 =	sshll.u32 s9, $0x7;
	s10 =	sadd.s32 $0x400, s5;
	s5 =	sadd.s32 $0x600, s5;
	v0 =	vnsel vm0, $0x470, v0  }
0xa: {  	vm9 =	vcmask $0x2320;
	s11 =	sadd.s32 $0x1E8500, s1;
	s12 =	sadd.s32 $0x1E8500, s2;
	s13 =	sadd.s32 $0x2DC780, s1;
	v0 =	vsel vm8, v1, v0  }
0xb: {  	vm10 =	vcmask $0x2724;
	s14 =	sadd.s32 $0x2DC780, s2;
	s8 =	ssub.s32 $0x2, s7;
	s7 =	sshll.u32 s7, $0x6;
	v0 =	vsel vm9, $0x400, v0  }
0xc: {  	vm11 =	vcmask $0x2B28;
	_ =	strace $0x80000047;
	[dreg:$0x7] =	wrdreg s10;
	s7 =	sor.u32 s7, s9;
	v0 =	vsel vm10, $0x410, v0  }
0xd: {  	vm12 =	vcmask $0x2F2C;
	[dreg:$0x8] =	wrdreg s5;
	s10 =	sadd.s32 $0xF4280, s2;
	s0 =	sadd.s32 s0, s7;
	v0 =	vsel vm11, $0x420, v0  }
0xe: {  	vm13 =	vcmask $0x3330;
	s26 =	sshrl.u32 s8, $0x1;
	s29 =	sadd.s32 s4, s7;
	[dreg:$0x9] =	wrdreg s0;
	v0 =	vsel vm12, $0x430, v0  }
0xf: {  	vm14 =	vcmask $0x3734;
	s28 =	ssub.s32 s8, s26;
	s30 =	sadd.s32 s6, s7;
	[dreg:$0xa] =	wrdreg s29;
	v0 =	vsel vm13, $0x440, v0  }
0x10: {  	vm15 =	vcmask $0x3B38;
	s5 =	simm.s32 $0x3;
	[dreg:$0xb] =	wrdreg s30;
	s31 =	smax.u32 s28, $0x1;
	v2 =	vsel vm14, $0x450, v0  }
0x11: {  	s9 =	sadd.s32 $0xF4280, s1;
	v1 =	vimm.s32 $0x0;
	s4 =	simm.s32 $0x0;
	[dreg:$0xc] =	wrdreg s31;
	v0 =	vimm.f32 $0.0e+00;
	v2 =	vsel vm15, $0x460, v2  }
.LBB2_1:
0x12: {  	[dreg:$0xd] =	wrdreg s4  }
0x13: {  	s0 =	rddreg [dreg:$0x9]  }
0x14: {  	[tilespmem:s3], [sflag:$0x3] =	stream.linear.gather [hbm4b:s0+s3], $0x200, $0x38;
	[tilespmem:$0x8980] =	vst v63  }
0x15: {  	_ =	swait.ge [sflag:s5], $0x200  }
0x16: {  	[sflag:s5] =	ssyncset.done $0x0  }
0x17: {  	s15 =	simm.s32 $0x280;
	s16 =	rddreg [dreg:$0xa];
	[sflag:s5] =	ssyncadd.s32 $0xFFFFFE00  }
0x18: {  	[tilespmem:s15], [sflag:$0x3] =	stream.linear.gather [hbm4b:s16+s3], $0x200, $0x38;
	[tilespmem:$0x8980] =	vst v63  }
0x19: {  	_ =	swait.ge [sflag:s5], $0x200  }
0x1a: {  	[sflag:s5] =	ssyncset.done $0x0  }
0x1b: {  	s6 =	simm.s32 $0x8500;
	s17 =	rddreg [dreg:$0x7];
	[sflag:s5] =	ssyncadd.s32 $0xFFFFFE00  }
0x1c: {  	[tilespmem:s6], [sflag:$0x3] =	stream.linear.gather [hbm4b:s17+s3], $0x200, $0x38;
	[tilespmem:$0x8980] =	vst v63  }
0x1d: {  	_ =	swait.ge [sflag:s5], $0x200  }
0x1e: {  	[sflag:s5] =	ssyncset.done $0x0  }
0x1f: {  	s19 =	simm.s32 $0x8700;
	s18 =	rddreg [dreg:$0x8];
	[sflag:s5] =	ssyncadd.s32 $0xFFFFFE00  }
0x20: {  	[tilespmem:s19], [sflag:$0x3] =	stream.linear.gather [hbm4b:s18+s3], $0x80, $0x38;
	[tilespmem:$0x8980] =	vst v63  }
0x21: {  	_ =	swait.ge [sflag:s5], $0x80  }
0x22: {  	[sflag:s5] =	ssyncset.done $0x0  }
0x23: {  	[sflag:s5] =	ssyncadd.s32 $0xFFFFFF80  }
0x24: {  	[tilespmem:$0x8780] =	vst v0  }
0x25: {  	[tilespmem:$0x8790] =	vst v0  }
0x26: {  	[tilespmem:$0x87A0] =	vst v0  }
0x27: {  	[tilespmem:$0x87B0] =	vst v0  }
0x28: {  	[tilespmem:$0x87C0] =	vst v0  }
0x29: {  	[tilespmem:$0x87D0] =	vst v0  }
0x2a: {  	[tilespmem:$0x87E0] =	vst v0  }
0x2b: {  	[tilespmem:$0x87F0] =	vst v0  }
0x2c: {  	[tilespmem:$0x8800] =	vst v0  }
0x2d: {  	[tilespmem:$0x8810] =	vst v0  }
0x2e: {  	[tilespmem:$0x8820] =	vst v0  }
0x2f: {  	[tilespmem:$0x8830] =	vst v0  }
0x30: {  	[tilespmem:$0x8840] =	vst v0  }
0x31: {  	[tilespmem:$0x8850] =	vst v0  }
0x32: {  	[tilespmem:$0x8860] =	vst v0  }
0x33: {  	[tilespmem:$0x8870] =	vst v0  }
0x34: {  	[tilespmem:$0x8880] =	vst v0  }
0x35: {  	[tilespmem:$0x8890] =	vst v0  }
0x36: {  	[tilespmem:$0x88A0] =	vst v0  }
0x37: {  	[tilespmem:$0x88B0] =	vst v0  }
0x38: {  	[tilespmem:$0x88C0] =	vst v0  }
0x39: {  	[tilespmem:$0x88D0] =	vst v0  }
0x3a: {  	[tilespmem:$0x88E0] =	vst v0  }
0x3b: {  	[tilespmem:$0x88F0] =	vst v0  }
0x3c: {  	[tilespmem:$0x8900] =	vst v0  }
0x3d: {  	[tilespmem:$0x8910] =	vst v0  }
0x3e: {  	[tilespmem:$0x8920] =	vst v0  }
0x3f: {  	[tilespmem:$0x8930] =	vst v0  }
0x40: {  	[tilespmem:$0x8940] =	vst v0  }
0x41: {  	[tilespmem:$0x8950] =	vst v0  }
0x42: {  	[tilespmem:$0x8960] =	vst v0  }
0x43: {  	[tilespmem:$0x8970] =	vst v0  }
0x44: {  	[tilespmem:$0x200] =	vst v1  }
0x45: {  	[tilespmem:$0x480] =	vst v1  }
0x46: {  	v3 =	vld [tilespmem:s3+$0x0];
	_ =	sdelay $0x1  }
0x47: {  	v4 =	vld [tilespmem:s15+$0x0];
	_ =	sdelay $0x2  }
0x48: {  	(v2sf) =	vpush v3, $0x0;
	_ =	sdelay $0x1  }
0x49: {  	(v2sf) =	vpush v4, $0x0;
	_ =	sdelay $0xc  }
0x4a: {  	s23 =	sand.u32 $0x400, s3;
	s26 =	sand.u32 $0x70, s3;
	s20 =	spop (v2sf)  }
0x4b: {  	s24 =	sand.u32 $0xF, s20;
	s25 =	sshra.s32 s20, $0x1F;
	p0 =	slt.s32 s20, $0x1  }
0x4c: {  	s7 =	spop (v2sf);
	p1 =	sne.s32 s24, $0x0;
	s6 =	sshrl.u32 s25, $0x1C  }
0x4d: {  	p5 =	slt.s32 s7, $0x1;
	s29 =	sshra.s32 s7, $0x1F;
	p0 =	por !p0, !p1  }
0x4e: {  	s0 =	sadd.s32 s6, s20;
	s6 =	simm.s32 $0x1;
	p0 =	por !p0, !p0  }
0x4f: {  	s30 =	sand.u32 $0xF, s7;
	s8 =	sshra.s32 s0, $0x4;
	s6 =	simm.s32 @!p0 $0x0  }
0x50: {  	s5 =	sshrl.u32 s29, $0x1C;
	p6 =	sne.s32 s30, $0x0;
	s28 =	ssub.s32 s8, s6  }
0x51: {  	s0 =	sor.u32 s26, s23;
	s6 =	sshll.u32 s28, $0x7;
	s4 =	sshll.u32 s28, $0x4  }
0x52: {  	s5 =	sadd.s32 s5, s7;
	s6 =	sand.u32 $0xFFFFFC00, s6;
	s4 =	sand.u32 $0x70, s4  }
0x53: {  	s15 =	sadd.s32 $0x500, s0;
	s31 =	sadd.s32 $0x580, s0;
	s4 =	sor.u32 s4, s6  }
0x54: {  	p0 =	por !p5, !p6;
	s5 =	sshra.s32 s5, $0x4;
	s4 =	sshrl.u32 s4, $0x3  }
0x55: {  	s17 =	sadd.s32 $0x700, s0;
	s19 =	sadd.s32 $0x600, s0;
	s7 =	sadd.s32 s1, s4  }
0x56: {  	[tilespmem:s15], [sflag:$0x1] =	stream.linear.gather [hbm4b:s7+s3], $0x10, $0x38;
	[tilespmem:$0x8980] =	vst v63  }
0x57: {  	p0 =	por !p0, !p0;
	s8 =	simm.s32 $0x1;
	s16 =	sadd.s32 $0x10, s7  }
0x58: {  	[tilespmem:s31], [sflag:$0x1] =	stream.linear.gather [hbm4b:s16+s3], $0x10, $0x38;
	[tilespmem:$0x8980] =	vst v63  }
0x59: {  	s20 =	sadd.s32 $0x680, s0;
	s8 =	simm.s32 @!p0 $0x0;
	s18 =	sadd.s32 $0x20, s7  }
0x5a: {  	[tilespmem:s19], [sflag:$0x1] =	stream.linear.gather [hbm4b:s18+s3], $0x10, $0x38;
	[tilespmem:$0x8980] =	vst v63  }
0x5b: {  	s29 =	sadd.s32 $0x780, s0;
	s5 =	ssub.s32 s5, s8;
	s23 =	sadd.s32 $0x30, s7  }
0x5c: {  	[tilespmem:s20], [sflag:$0x1] =	stream.linear.gather [hbm4b:s23+s3], $0x10, $0x38;
	[tilespmem:$0x8980] =	vst v63  }
0x5d: {  	s24 =	sshll.u32 s5, $0x7;
	s5 =	sshll.u32 s5, $0x4;
	s25 =	sadd.s32 $0x40, s7  }
0x5e: {  	[tilespmem:s17], [sflag:$0x1] =	stream.linear.gather [hbm4b:s25+s3], $0x10, $0x38;
	[tilespmem:$0x8980] =	vst v63  }
0x5f: {  	s26 =	sand.u32 $0xFFFFFC00, s24;
	s5 =	sand.u32 $0x70, s5;
	s28 =	sadd.s32 $0x50, s7  }
0x60: {  	[tilespmem:s29], [sflag:$0x1] =	stream.linear.gather [hbm4b:s28+s3], $0x10, $0x38;
	[tilespmem:$0x8980] =	vst v63  }
0x61: {  	s5 =	sor.u32 s5, s26;
	s30 =	sadd.s32 $0x60, s7;
	s31 =	sor.u32 $0x800, s0  }
0x62: {  	[tilespmem:s31], [sflag:$0x1] =	stream.linear.gather [hbm4b:s30+s3], $0x10, $0x38;
	[tilespmem:$0x8980] =	vst v63  }
0x63: {  	s5 =	sshrl.u32 s5, $0x3;
	s15 =	sadd.s32 $0x70, s7;
	s16 =	sor.u32 $0x880, s0  }
0x64: {  	[tilespmem:s16], [sflag:$0x1] =	stream.linear.gather [hbm4b:s15+s3], $0x10, $0x38;
	[tilespmem:$0x8980] =	vst v63  }
0x65: {  	s18 =	sadd.s32 s2, s5;
	s17 =	sadd.s32 $0x4500, s0  }
0x66: {  	[tilespmem:s17], [sflag:$0x1] =	stream.linear.gather [hbm4b:s18+s3], $0x10, $0x38;
	[tilespmem:$0x8980] =	vst v63  }
0x67: {  	s19 =	sadd.s32 $0x10, s18;
	s20 =	sadd.s32 $0x4580, s0  }
0x68: {  	[tilespmem:s20], [sflag:$0x1] =	stream.linear.gather [hbm4b:s19+s3], $0x10, $0x38;
	[tilespmem:$0x8980] =	vst v63  }
0x69: {  	s24 =	sadd.s32 $0x4600, s0;
	s23 =	sadd.s32 $0x20, s18  }
0x6a: {  	[tilespmem:s24], [sflag:$0x1] =	stream.linear.gather [hbm4b:s23+s3], $0x10, $0x38;
	[tilespmem:$0x8980] =	vst v63  }
0x6b: {  	s26 =	sadd.s32 $0x4680, s0;
	s25 =	sadd.s32 $0x30, s18  }
0x6c: {  	[tilespmem:s26], [sflag:$0x1] =	stream.linear.gather [hbm4b:s25+s3], $0x10, $0x38;
	[tilespmem:$0x8980] =	vst v63  }
0x6d: {  	s28 =	sadd.s32 $0x40, s18;
	s29 =	sadd.s32 $0x4700, s0  }
0x6e: {  	[tilespmem:s29], [sflag:$0x1] =	stream.linear.gather [hbm4b:s28+s3], $0x10, $0x38;
	[tilespmem:$0x8980] =	vst v63  }
0x6f: {  	s30 =	sadd.s32 $0x50, s18;
	s31 =	sadd.s32 $0x4780, s0  }
0x70: {  	[tilespmem:s31], [sflag:$0x1] =	stream.linear.gather [hbm4b:s30+s3], $0x10, $0x38;
	[tilespmem:$0x8980] =	vst v63  }
0x71: {  	s15 =	sadd.s32 $0x60, s18;
	s16 =	sor.u32 $0x4800, s0  }
0x72: {  	[tilespmem:s16], [sflag:$0x1] =	stream.linear.gather [hbm4b:s15+s3], $0x10, $0x38;
	[tilespmem:$0x8980] =	vst v63  }
0x73: {  	s17 =	sadd.s32 $0x70, s18;
	s18 =	sor.u32 $0x4880, s0  }
0x74: {  	[tilespmem:s18], [sflag:$0x1] =	stream.linear.gather [hbm4b:s17+s3], $0x10, $0x38;
	[tilespmem:$0x8980] =	vst v63  }
0x75: {  	s19 =	sadd.s32 $0xD00, s0;
	s20 =	sadd.s32 s4, s9  }
0x76: {  	[tilespmem:s19], [sflag:$0x1] =	stream.linear.gather [hbm4b:s20+s3], $0x10, $0x38;
	[tilespmem:$0x8980] =	vst v63  }
0x77: {  	s23 =	sadd.s32 $0x10, s20;
	s24 =	sadd.s32 $0xD80, s0  }
0x78: {  	[tilespmem:s24], [sflag:$0x1] =	stream.linear.gather [hbm4b:s23+s3], $0x10, $0x38;
	[tilespmem:$0x8980] =	vst v63  }
0x79: {  	s25 =	sadd.s32 $0x20, s20;
	s26 =	sadd.s32 $0xE00, s0  }
0x7a: {  	[tilespmem:s26], [sflag:$0x1] =	stream.linear.gather [hbm4b:s25+s3], $0x10, $0x38;
	[tilespmem:$0x8980] =	vst v63  }
0x7b: {  	s28 =	sadd.s32 $0x30, s20;
	s29 =	sadd.s32 $0xE80, s0  }
0x7c: {  	[tilespmem:s29], [sflag:$0x1] =	stream.linear.gather [hbm4b:s28+s3], $0x10, $0x38;
	[tilespmem:$0x8980] =	vst v63  }
0x7d: {  	s30 =	sadd.s32 $0x40, s20;
	s31 =	sadd.s32 $0xF00, s0  }
0x7e: {  	[tilespmem:s31], [sflag:$0x1] =	stream.linear.gather [hbm4b:s30+s3], $0x10, $0x38;
	[tilespmem:$0x8980] =	vst v63  }
0x7f: {  	s15 =	sadd.s32 $0x50, s20;
	s16 =	sadd.s32 $0xF80, s0  }
0x80: {  	[tilespmem:s16], [sflag:$0x1] =	stream.linear.gather [hbm4b:s15+s3], $0x10, $0x38;
	[tilespmem:$0x8980] =	vst v63  }
0x81: {  	s17 =	sadd.s32 $0x60, s20;
	s18 =	sor.u32 $0x1000, s0  }
0x82: {  	[tilespmem:s18], [sflag:$0x1] =	stream.linear.gather [hbm4b:s17+s3], $0x10, $0x38;
	[tilespmem:$0x8980] =	vst v63  }
0x83: {  	s19 =	sadd.s32 $0x70, s20;
	s20 =	sor.u32 $0x1080, s0  }
0x84: {  	[tilespmem:s20], [sflag:$0x1] =	stream.linear.gather [hbm4b:s19+s3], $0x10, $0x38;
	[tilespmem:$0x8980] =	vst v63  }
0x85: {  	s23 =	sadd.s32 $0x4D00, s0;
	s24 =	sadd.s32 s5, s10  }
0x86: {  	[tilespmem:s23], [sflag:$0x1] =	stream.linear.gather [hbm4b:s24+s3], $0x10, $0x38;
	[tilespmem:$0x8980] =	vst v63  }
0x87: {  	s25 =	sadd.s32 $0x10, s24;
	s26 =	sadd.s32 $0x4D80, s0  }
0x88: {  	[tilespmem:s26], [sflag:$0x1] =	stream.linear.gather [hbm4b:s25+s3], $0x10, $0x38;
	[tilespmem:$0x8980] =	vst v63  }
0x89: {  	s28 =	sadd.s32 $0x20, s24;
	s29 =	sadd.s32 $0x4E00, s0  }
0x8a: {  	[tilespmem:s29], [sflag:$0x1] =	stream.linear.gather [hbm4b:s28+s3], $0x10, $0x38;
	[tilespmem:$0x8980] =	vst v63  }
0x8b: {  	s30 =	sadd.s32 $0x30, s24;
	s31 =	sadd.s32 $0x4E80, s0  }
0x8c: {  	[tilespmem:s31], [sflag:$0x1] =	stream.linear.gather [hbm4b:s30+s3], $0x10, $0x38;
	[tilespmem:$0x8980] =	vst v63  }
0x8d: {  	s15 =	sadd.s32 $0x40, s24;
	s16 =	sadd.s32 $0x4F00, s0  }
0x8e: {  	[tilespmem:s16], [sflag:$0x1] =	stream.linear.gather [hbm4b:s15+s3], $0x10, $0x38;
	[tilespmem:$0x8980] =	vst v63  }
0x8f: {  	s17 =	sadd.s32 $0x50, s24;
	s18 =	sadd.s32 $0x4F80, s0  }
0x90: {  	[tilespmem:s18], [sflag:$0x1] =	stream.linear.gather [hbm4b:s17+s3], $0x10, $0x38;
	[tilespmem:$0x8980] =	vst v63  }
0x91: {  	s19 =	sadd.s32 $0x60, s24;
	s20 =	sor.u32 $0x5000, s0  }
0x92: {  	[tilespmem:s20], [sflag:$0x1] =	stream.linear.gather [hbm4b:s19+s3], $0x10, $0x38;
	[tilespmem:$0x8980] =	vst v63  }
0x93: {  	s23 =	sadd.s32 $0x70, s24;
	s24 =	sor.u32 $0x5080, s0  }
0x94: {  	[tilespmem:s24], [sflag:$0x1] =	stream.linear.gather [hbm4b:s23+s3], $0x10, $0x38;
	[tilespmem:$0x8980] =	vst v63  }
0x95: {  	s25 =	sadd.s32 $0x1500, s0;
	s26 =	sadd.s32 s4, s11  }
0x96: {  	[tilespmem:s25], [sflag:$0x1] =	stream.linear.gather [hbm4b:s26+s3], $0x10, $0x38;
	[tilespmem:$0x8980] =	vst v63  }
0x97: {  	s28 =	sadd.s32 $0x10, s26;
	s29 =	sadd.s32 $0x1580, s0  }
0x98: {  	[tilespmem:s29], [sflag:$0x1] =	stream.linear.gather [hbm4b:s28+s3], $0x10, $0x38;
	[tilespmem:$0x8980] =	vst v63  }
0x99: {  	s30 =	sadd.s32 $0x20, s26;
	s31 =	sadd.s32 $0x1600, s0  }
0x9a: {  	[tilespmem:s31], [sflag:$0x1] =	stream.linear.gather [hbm4b:s30+s3], $0x10, $0x38;
	[tilespmem:$0x8980] =	vst v63  }
0x9b: {  	s15 =	sadd.s32 $0x30, s26;
	s16 =	sadd.s32 $0x1680, s0  }
0x9c: {  	[tilespmem:s16], [sflag:$0x1] =	stream.linear.gather [hbm4b:s15+s3], $0x10, $0x38;
	[tilespmem:$0x8980] =	vst v63  }
0x9d: {  	s17 =	sadd.s32 $0x40, s26;
	s18 =	sadd.s32 $0x1700, s0  }
0x9e: {  	[tilespmem:s18], [sflag:$0x1] =	stream.linear.gather [hbm4b:s17+s3], $0x10, $0x38;
	[tilespmem:$0x8980] =	vst v63  }
0x9f: {  	s19 =	sadd.s32 $0x50, s26;
	s20 =	sadd.s32 $0x1780, s0  }
0xa0: {  	[tilespmem:s20], [sflag:$0x1] =	stream.linear.gather [hbm4b:s19+s3], $0x10, $0x38;
	[tilespmem:$0x8980] =	vst v63  }
0xa1: {  	s23 =	sadd.s32 $0x60, s26;
	s24 =	sor.u32 $0x1800, s0  }
0xa2: {  	[tilespmem:s24], [sflag:$0x1] =	stream.linear.gather [hbm4b:s23+s3], $0x10, $0x38;
	[tilespmem:$0x8980] =	vst v63  }
0xa3: {  	s25 =	sadd.s32 $0x70, s26;
	s26 =	sor.u32 $0x1880, s0  }
0xa4: {  	[tilespmem:s26], [sflag:$0x1] =	stream.linear.gather [hbm4b:s25+s3], $0x10, $0x38;
	[tilespmem:$0x8980] =	vst v63  }
0xa5: {  	s28 =	sadd.s32 $0x5500, s0;
	s29 =	sadd.s32 s5, s12  }
0xa6: {  	[tilespmem:s28], [sflag:$0x1] =	stream.linear.gather [hbm4b:s29+s3], $0x10, $0x38;
	[tilespmem:$0x8980] =	vst v63  }
0xa7: {  	s30 =	sadd.s32 $0x10, s29;
	s31 =	sadd.s32 $0x5580, s0  }
0xa8: {  	[tilespmem:s31], [sflag:$0x1] =	stream.linear.gather [hbm4b:s30+s3], $0x10, $0x38;
	[tilespmem:$0x8980] =	vst v63  }
0xa9: {  	s15 =	sadd.s32 $0x20, s29;
	s16 =	sadd.s32 $0x5600, s0  }
0xaa: {  	[tilespmem:s16], [sflag:$0x1] =	stream.linear.gather [hbm4b:s15+s3], $0x10, $0x38;
	[tilespmem:$0x8980] =	vst v63  }
0xab: {  	s17 =	sadd.s32 $0x30, s29;
	s18 =	sadd.s32 $0x5680, s0  }
0xac: {  	[tilespmem:s18], [sflag:$0x1] =	stream.linear.gather [hbm4b:s17+s3], $0x10, $0x38;
	[tilespmem:$0x8980] =	vst v63  }
0xad: {  	s19 =	sadd.s32 $0x40, s29;
	s20 =	sadd.s32 $0x5700, s0  }
0xae: {  	[tilespmem:s20], [sflag:$0x1] =	stream.linear.gather [hbm4b:s19+s3], $0x10, $0x38;
	[tilespmem:$0x8980] =	vst v63  }
0xaf: {  	s23 =	sadd.s32 $0x50, s29;
	s24 =	sadd.s32 $0x5780, s0  }
0xb0: {  	[tilespmem:s24], [sflag:$0x1] =	stream.linear.gather [hbm4b:s23+s3], $0x10, $0x38;
	[tilespmem:$0x8980] =	vst v63  }
0xb1: {  	s25 =	sadd.s32 $0x60, s29;
	s26 =	sor.u32 $0x5800, s0  }
0xb2: {  	[tilespmem:s26], [sflag:$0x1] =	stream.linear.gather [hbm4b:s25+s3], $0x10, $0x38;
	[tilespmem:$0x8980] =	vst v63  }
0xb3: {  	s8 =	sadd.s32 $0x5D00, s0;
	s28 =	sadd.s32 $0x70, s29;
	s29 =	sor.u32 $0x5880, s0  }
0xb4: {  	[tilespmem:s29], [sflag:$0x1] =	stream.linear.gather [hbm4b:s28+s3], $0x10, $0x38;
	[tilespmem:$0x8980] =	vst v63  }
0xb5: {  	s6 =	simm.s32 $0x281;
	s30 =	sadd.s32 $0x1D00, s0;
	s31 =	sadd.s32 s4, s13  }
0xb6: {  	[tilespmem:s30], [sflag:$0x1] =	stream.linear.gather [hbm4b:s31+s3], $0x10, $0x38;
	[tilespmem:$0x8980] =	vst v63  }
0xb7: {  	s7 =	sadd.s32 $0x5D80, s0;
	s4 =	sadd.s32 $0x10, s31;
	s16 =	sadd.s32 $0x1D80, s0  }
0xb8: {  	[tilespmem:s16], [sflag:$0x1] =	stream.linear.gather [hbm4b:s4+s3], $0x10, $0x38;
	[tilespmem:$0x8980] =	vst v63  }
0xb9: {  	s15 =	sadd.s32 s5, s14;
	s17 =	sadd.s32 $0x20, s31;
	s18 =	sadd.s32 $0x1E00, s0  }
0xba: {  	[tilespmem:s18], [sflag:$0x1] =	stream.linear.gather [hbm4b:s17+s3], $0x10, $0x38;
	[tilespmem:$0x8980] =	vst v63  }
0xbb: {  	s5 =	simm.s32 $0x1;
	s19 =	sadd.s32 $0x30, s31;
	s20 =	sadd.s32 $0x1E80, s0  }
0xbc: {  	[tilespmem:s20], [sflag:$0x1] =	stream.linear.gather [hbm4b:s19+s3], $0x10, $0x38;
	[tilespmem:$0x8980] =	vst v63  }
0xbd: {  	s23 =	sadd.s32 $0x40, s31;
	s24 =	sadd.s32 $0x1F00, s0;
	s25 =	sadd.s32 $0x50, s31  }
0xbe: {  	[tilespmem:s24], [sflag:$0x1] =	stream.linear.gather [hbm4b:s23+s3], $0x10, $0x38;
	[tilespmem:$0x8980] =	vst v63  }
0xbf: {  	s26 =	sadd.s32 $0x1F80, s0;
	s28 =	sadd.s32 $0x60, s31;
	s29 =	sor.u32 $0x2000, s0  }
0xc0: {  	[tilespmem:s26], [sflag:$0x1] =	stream.linear.gather [hbm4b:s25+s3], $0x10, $0x38;
	[tilespmem:$0x8980] =	vst v63  }
0xc1: {  	s30 =	sadd.s32 $0x70, s31;
	s31 =	sor.u32 $0x2080, s0;
	s4 =	simm.s32 $0x10  }
0xc2: {  	[tilespmem:s29], [sflag:$0x1] =	stream.linear.gather [hbm4b:s28+s3], $0x10, $0x38;
	[tilespmem:$0x8980] =	vst v63  }
0xc3: {  	s16 =	sadd.s32 $0x10, s15;
	s18 =	simm.s32 $0x80;
	s26 =	simm.s32 $0x0  }
0xc4: {  	[tilespmem:s31], [sflag:$0x1] =	stream.linear.gather [hbm4b:s30+s3], $0x10, $0x38;
	[tilespmem:$0x8980] =	vst v63  }
.LBB2_2:
0xc5: {  	[tilespmem:s8], [sflag:$0x1] =	stream.linear.gather [hbm4b:s15+s26], $0x10, $0x38;
	[tilespmem:$0x8980] =	vst v63  }
0xc6: {  	s8 =	smov.u32 s4  }
0xc7: {  	p0 =	sne.s32 s4, $0xF0;
	s17 =	sadd.s32 $0x20, s15;
	s19 =	sadd.s32 $0x5E00, s0  }
0xc8: {  	[tilespmem:s7], [sflag:$0x1] =	stream.linear.gather [hbm4b:s16+s26], $0x10, $0x38;
	[tilespmem:$0x8980] =	vst v63  }
0xc9: {  	s4 =	sadd.s32 $0x10, s4;
	s7 =	sadd.s32 $0x30, s15;
	s16 =	sadd.s32 $0x5E80, s0  }
0xca: {  	[tilespmem:s19], [sflag:$0x1] =	stream.linear.gather [hbm4b:s17+s26], $0x10, $0x38;
	[tilespmem:$0x8980] =	vst v63  }
0xcb: {  	s17 =	sadd.s32 $0x40, s15;
	s19 =	sadd.s32 $0x5F00, s0  }
0xcc: {  	[tilespmem:s16], [sflag:$0x1] =	stream.linear.gather [hbm4b:s7+s26], $0x10, $0x38;
	[tilespmem:$0x8980] =	vst v63  }
0xcd: {  	s7 =	sadd.s32 $0x50, s15;
	s16 =	sadd.s32 $0x5F80, s0  }
0xce: {  	[tilespmem:s19], [sflag:$0x1] =	stream.linear.gather [hbm4b:s17+s26], $0x10, $0x38;
	[tilespmem:$0x8980] =	vst v63  }
0xcf: {  	s17 =	sadd.s32 $0x60, s15;
	s19 =	sor.u32 $0x6000, s0  }
0xd0: {  	[tilespmem:s16], [sflag:$0x1] =	stream.linear.gather [hbm4b:s7+s26], $0x10, $0x38;
	[tilespmem:$0x8980] =	vst v63  }
0xd1: {  	s0 =	sor.u32 $0x6080, s0;
	s7 =	sadd.s32 $0x70, s15  }
0xd2: {  	[tilespmem:s19], [sflag:$0x1] =	stream.linear.gather [hbm4b:s17+s26], $0x10, $0x38;
	[tilespmem:$0x8980] =	vst v63  }
0xd3: {  	_ = 	snop  }
0xd4: {  	[tilespmem:s0], [sflag:$0x1] =	stream.linear.gather [hbm4b:s7+s26], $0x10, $0x38;
	[tilespmem:$0x8980] =	vst v63  }
0xd5: {  	v3 =	vld [tilespmem:s5+$0x0];
	_ =	sdelay $0x2  }
0xd6: {  	v4 =	vld [tilespmem:s6+$0x0];
	_ =	sdelay $0x1  }
0xd7: {  	(v2sf) =	vpush v3, $0x0;
	_ =	sdelay $0x2  }
0xd8: {  	(v2sf) =	vpush v4, $0x0;
	_ =	sdelay $0xa  }
0xd9: {  	s29 =	simm.s32 $0x1  }
0xda: {  	s8 =	sand.u32 $0x70, s8;
	s0 =	sand.u32 $0x400, s18;
	s7 =	spop (v2sf)  }
0xdb: {  	s15 =	sshra.s32 s7, $0x1F;
	p1 =	slt.s32 s7, $0x1;
	s16 =	sand.u32 $0xF, s7  }
0xdc: {  	s0 =	sor.u32 s8, s0;
	s15 =	sshrl.u32 s15, $0x1C;
	p2 =	sne.s32 s16, $0x0  }
0xdd: {  	s7 =	sadd.s32 s15, s7;
	p1 =	por !p1, !p2;
	s15 =	spop (v2sf)  }
0xde: {  	s16 =	simm.s32 $0x1;
	s8 =	sshra.s32 s7, $0x4;
	p1 =	por !p1, !p1  }
0xdf: {  	s7 =	sadd.s32 $0x5D80, s0;
	s16 =	simm.s32 @!p1 $0x0;
	p1 =	slt.s32 s15, $0x1  }
0xe0: {  	s26 =	simm.s32 $0x0;
	s8 =	ssub.s32 s8, s16;
	s16 =	sshra.s32 s15, $0x1F  }
0xe1: {  	s19 =	sand.u32 $0xF, s15;
	s17 =	sshll.u32 s8, $0x7;
	s16 =	sshrl.u32 s16, $0x1C  }
0xe2: {  	s24 =	sadd.s32 $0x500, s0;
	s8 =	sshll.u32 s8, $0x4;
	s15 =	sadd.s32 s16, s15  }
0xe3: {  	p2 =	sne.s32 s19, $0x0;
	s16 =	sand.u32 $0xFFFFFC00, s17;
	s8 =	sand.u32 $0x70, s8  }
0xe4: {  	s8 =	sor.u32 s8, s16;
	s16 =	sadd.s32 $0x580, s0;
	s15 =	sshra.s32 s15, $0x4  }
0xe5: {  	p1 =	por !p1, !p2;
	s17 =	sadd.s32 $0x4500, s0;
	s8 =	sshrl.u32 s8, $0x3  }
0xe6: {  	s25 =	sadd.s32 $0x700, s0;
	p1 =	por !p1, !p1;
	s19 =	sadd.s32 s1, s8  }
0xe7: {  	[tilespmem:s24], [sflag:$0x1] =	stream.linear.gather [hbm4b:s19+s26], $0x10, $0x38;
	[tilespmem:$0x8980] =	vst v63  }
0xe8: {  	s28 =	sadd.s32 $0x680, s0;
	s29 =	simm.s32 @!p1 $0x0;
	s24 =	sadd.s32 $0x10, s19  }
0xe9: {  	[tilespmem:s16], [sflag:$0x1] =	stream.linear.gather [hbm4b:s24+s26], $0x10, $0x38;
	[tilespmem:$0x8980] =	vst v63  }
0xea: {  	s15 =	ssub.s32 s15, s29;
	s16 =	sadd.s32 $0x20, s19;
	s24 =	sadd.s32 $0x600, s0  }
0xeb: {  	[tilespmem:s24], [sflag:$0x1] =	stream.linear.gather [hbm4b:s16+s26], $0x10, $0x38;
	[tilespmem:$0x8980] =	vst v63  }
0xec: {  	s16 =	sadd.s32 $0x30, s19;
	s24 =	sshll.u32 s15, $0x4;
	s15 =	sshll.u32 s15, $0x7  }
0xed: {  	[tilespmem:s28], [sflag:$0x1] =	stream.linear.gather [hbm4b:s16+s26], $0x10, $0x38;
	[tilespmem:$0x8980] =	vst v63  }
0xee: {  	s15 =	sand.u32 $0xFFFFFC00, s15;
	s24 =	sand.u32 $0x70, s24;
	s16 =	sadd.s32 $0x40, s19  }
0xef: {  	[tilespmem:s25], [sflag:$0x1] =	stream.linear.gather [hbm4b:s16+s26], $0x10, $0x38;
	[tilespmem:$0x8980] =	vst v63  }
0xf0: {  	s15 =	sor.u32 s24, s15;
	s16 =	sadd.s32 $0x50, s19;
	s25 =	sadd.s32 $0x780, s0  }
0xf1: {  	[tilespmem:s25], [sflag:$0x1] =	stream.linear.gather [hbm4b:s16+s26], $0x10, $0x38;
	[tilespmem:$0x8980] =	vst v63  }
0xf2: {  	s24 =	sor.u32 $0x800, s0;
	s15 =	sshrl.u32 s15, $0x3;
	s16 =	sadd.s32 $0x60, s19  }
0xf3: {  	[tilespmem:s24], [sflag:$0x1] =	stream.linear.gather [hbm4b:s16+s26], $0x10, $0x38;
	[tilespmem:$0x8980] =	vst v63  }
0xf4: {  	s16 =	sadd.s32 $0x70, s19;
	s19 =	sor.u32 $0x880, s0;
	s24 =	sadd.s32 s2, s15  }
0xf5: {  	[tilespmem:s19], [sflag:$0x1] =	stream.linear.gather [hbm4b:s16+s26], $0x10, $0x38;
	[tilespmem:$0x8980] =	vst v63  }
0xf6: {  	s16 =	sadd.s32 $0x10, s24;
	s19 =	sadd.s32 $0x4580, s0  }
0xf7: {  	[tilespmem:s17], [sflag:$0x1] =	stream.linear.gather [hbm4b:s24+s26], $0x10, $0x38;
	[tilespmem:$0x8980] =	vst v63  }
0xf8: {  	s25 =	sadd.s32 $0x4600, s0;
	s17 =	sadd.s32 $0x20, s24  }
0xf9: {  	[tilespmem:s19], [sflag:$0x1] =	stream.linear.gather [hbm4b:s16+s26], $0x10, $0x38;
	[tilespmem:$0x8980] =	vst v63  }
0xfa: {  	s16 =	sadd.s32 $0x30, s24;
	s19 =	sadd.s32 $0x4680, s0  }
0xfb: {  	[tilespmem:s25], [sflag:$0x1] =	stream.linear.gather [hbm4b:s17+s26], $0x10, $0x38;
	[tilespmem:$0x8980] =	vst v63  }
0xfc: {  	s17 =	sadd.s32 $0x40, s24;
	s25 =	sadd.s32 $0x4700, s0  }
0xfd: {  	[tilespmem:s19], [sflag:$0x1] =	stream.linear.gather [hbm4b:s16+s26], $0x10, $0x38;
	[tilespmem:$0x8980] =	vst v63  }
0xfe: {  	s16 =	sadd.s32 $0x50, s24;
	s19 =	sadd.s32 $0x4780, s0  }
0xff: {  	[tilespmem:s25], [sflag:$0x1] =	stream.linear.gather [hbm4b:s17+s26], $0x10, $0x38;
	[tilespmem:$0x8980] =	vst v63  }
0x100: {  	s17 =	sadd.s32 $0x60, s24;
	s25 =	sor.u32 $0x4800, s0  }
0x101: {  	[tilespmem:s19], [sflag:$0x1] =	stream.linear.gather [hbm4b:s16+s26], $0x10, $0x38;
	[tilespmem:$0x8980] =	vst v63  }
0x102: {  	s16 =	sadd.s32 $0x70, s24;
	s19 =	sor.u32 $0x4880, s0  }
0x103: {  	[tilespmem:s25], [sflag:$0x1] =	stream.linear.gather [hbm4b:s17+s26], $0x10, $0x38;
	[tilespmem:$0x8980] =	vst v63  }
0x104: {  	s24 =	sadd.s32 s8, s9;
	s17 =	sadd.s32 $0xD00, s0  }
0x105: {  	[tilespmem:s19], [sflag:$0x1] =	stream.linear.gather [hbm4b:s16+s26], $0x10, $0x38;
	[tilespmem:$0x8980] =	vst v63  }
0x106: {  	s16 =	sadd.s32 $0x10, s24;
	s19 =	sadd.s32 $0xD80, s0  }
0x107: {  	[tilespmem:s17], [sflag:$0x1] =	stream.linear.gather [hbm4b:s24+s26], $0x10, $0x38;
	[tilespmem:$0x8980] =	vst v63  }
0x108: {  	s25 =	sadd.s32 $0xE00, s0;
	s17 =	sadd.s32 $0x20, s24  }
0x109: {  	[tilespmem:s19], [sflag:$0x1] =	stream.linear.gather [hbm4b:s16+s26], $0x10, $0x38;
	[tilespmem:$0x8980] =	vst v63  }
0x10a: {  	s16 =	sadd.s32 $0x30, s24;
	s19 =	sadd.s32 $0xE80, s0  }
0x10b: {  	[tilespmem:s25], [sflag:$0x1] =	stream.linear.gather [hbm4b:s17+s26], $0x10, $0x38;
	[tilespmem:$0x8980] =	vst v63  }
0x10c: {  	s17 =	sadd.s32 $0x40, s24;
	s25 =	sadd.s32 $0xF00, s0  }
0x10d: {  	[tilespmem:s19], [sflag:$0x1] =	stream.linear.gather [hbm4b:s16+s26], $0x10, $0x38;
	[tilespmem:$0x8980] =	vst v63  }
0x10e: {  	s16 =	sadd.s32 $0x50, s24;
	s19 =	sadd.s32 $0xF80, s0  }
0x10f: {  	[tilespmem:s25], [sflag:$0x1] =	stream.linear.gather [hbm4b:s17+s26], $0x10, $0x38;
	[tilespmem:$0x8980] =	vst v63  }
0x110: {  	s17 =	sadd.s32 $0x60, s24;
	s25 =	sor.u32 $0x1000, s0  }
0x111: {  	[tilespmem:s19], [sflag:$0x1] =	stream.linear.gather [hbm4b:s16+s26], $0x10, $0x38;
	[tilespmem:$0x8980] =	vst v63  }
0x112: {  	s16 =	sadd.s32 $0x70, s24;
	s19 =	sor.u32 $0x1080, s0  }
0x113: {  	[tilespmem:s25], [sflag:$0x1] =	stream.linear.gather [hbm4b:s17+s26], $0x10, $0x38;
	[tilespmem:$0x8980] =	vst v63  }
0x114: {  	s24 =	sadd.s32 s15, s10;
	s17 =	sadd.s32 $0x4D00, s0  }
0x115: {  	[tilespmem:s19], [sflag:$0x1] =	stream.linear.gather [hbm4b:s16+s26], $0x10, $0x38;
	[tilespmem:$0x8980] =	vst v63  }
0x116: {  	s16 =	sadd.s32 $0x10, s24;
	s19 =	sadd.s32 $0x4D80, s0  }
0x117: {  	[tilespmem:s17], [sflag:$0x1] =	stream.linear.gather [hbm4b:s24+s26], $0x10, $0x38;
	[tilespmem:$0x8980] =	vst v63  }
0x118: {  	s25 =	sadd.s32 $0x4E00, s0;
	s17 =	sadd.s32 $0x20, s24  }
0x119: {  	[tilespmem:s19], [sflag:$0x1] =	stream.linear.gather [hbm4b:s16+s26], $0x10, $0x38;
	[tilespmem:$0x8980] =	vst v63  }
0x11a: {  	s16 =	sadd.s32 $0x30, s24;
	s19 =	sadd.s32 $0x4E80, s0  }
0x11b: {  	[tilespmem:s25], [sflag:$0x1] =	stream.linear.gather [hbm4b:s17+s26], $0x10, $0x38;
	[tilespmem:$0x8980] =	vst v63  }
0x11c: {  	s17 =	sadd.s32 $0x40, s24;
	s25 =	sadd.s32 $0x4F00, s0  }
0x11d: {  	[tilespmem:s19], [sflag:$0x1] =	stream.linear.gather [hbm4b:s16+s26], $0x10, $0x38;
	[tilespmem:$0x8980] =	vst v63  }
0x11e: {  	s16 =	sadd.s32 $0x50, s24;
	s19 =	sadd.s32 $0x4F80, s0  }
0x11f: {  	[tilespmem:s25], [sflag:$0x1] =	stream.linear.gather [hbm4b:s17+s26], $0x10, $0x38;
	[tilespmem:$0x8980] =	vst v63  }
0x120: {  	s17 =	sadd.s32 $0x60, s24;
	s25 =	sor.u32 $0x5000, s0  }
0x121: {  	[tilespmem:s19], [sflag:$0x1] =	stream.linear.gather [hbm4b:s16+s26], $0x10, $0x38;
	[tilespmem:$0x8980] =	vst v63  }
0x122: {  	s16 =	sadd.s32 $0x70, s24;
	s19 =	sor.u32 $0x5080, s0  }
0x123: {  	[tilespmem:s25], [sflag:$0x1] =	stream.linear.gather [hbm4b:s17+s26], $0x10, $0x38;
	[tilespmem:$0x8980] =	vst v63  }
0x124: {  	s24 =	sadd.s32 s8, s11;
	s17 =	sadd.s32 $0x1500, s0  }
0x125: {  	[tilespmem:s19], [sflag:$0x1] =	stream.linear.gather [hbm4b:s16+s26], $0x10, $0x38;
	[tilespmem:$0x8980] =	vst v63  }
0x126: {  	s16 =	sadd.s32 $0x10, s24;
	s19 =	sadd.s32 $0x1580, s0  }
0x127: {  	[tilespmem:s17], [sflag:$0x1] =	stream.linear.gather [hbm4b:s24+s26], $0x10, $0x38;
	[tilespmem:$0x8980] =	vst v63  }
0x128: {  	s25 =	sadd.s32 $0x1600, s0;
	s17 =	sadd.s32 $0x20, s24  }
0x129: {  	[tilespmem:s19], [sflag:$0x1] =	stream.linear.gather [hbm4b:s16+s26], $0x10, $0x38;
	[tilespmem:$0x8980] =	vst v63  }
0x12a: {  	s16 =	sadd.s32 $0x30, s24;
	s19 =	sadd.s32 $0x1680, s0  }
0x12b: {  	[tilespmem:s25], [sflag:$0x1] =	stream.linear.gather [hbm4b:s17+s26], $0x10, $0x38;
	[tilespmem:$0x8980] =	vst v63  }
0x12c: {  	s17 =	sadd.s32 $0x40, s24;
	s25 =	sadd.s32 $0x1700, s0  }
0x12d: {  	[tilespmem:s19], [sflag:$0x1] =	stream.linear.gather [hbm4b:s16+s26], $0x10, $0x38;
	[tilespmem:$0x8980] =	vst v63  }
0x12e: {  	s16 =	sadd.s32 $0x50, s24;
	s19 =	sadd.s32 $0x1780, s0  }
0x12f: {  	[tilespmem:s25], [sflag:$0x1] =	stream.linear.gather [hbm4b:s17+s26], $0x10, $0x38;
	[tilespmem:$0x8980] =	vst v63  }
0x130: {  	s17 =	sadd.s32 $0x60, s24;
	s25 =	sor.u32 $0x1800, s0  }
0x131: {  	[tilespmem:s19], [sflag:$0x1] =	stream.linear.gather [hbm4b:s16+s26], $0x10, $0x38;
	[tilespmem:$0x8980] =	vst v63  }
0x132: {  	s16 =	sadd.s32 $0x70, s24;
	s19 =	sor.u32 $0x1880, s0  }
0x133: {  	[tilespmem:s25], [sflag:$0x1] =	stream.linear.gather [hbm4b:s17+s26], $0x10, $0x38;
	[tilespmem:$0x8980] =	vst v63  }
0x134: {  	s24 =	sadd.s32 s15, s12;
	s17 =	sadd.s32 $0x5500, s0  }
0x135: {  	[tilespmem:s19], [sflag:$0x1] =	stream.linear.gather [hbm4b:s16+s26], $0x10, $0x38;
	[tilespmem:$0x8980] =	vst v63  }
0x136: {  	s16 =	sadd.s32 $0x10, s24;
	s19 =	sadd.s32 $0x5580, s0  }
0x137: {  	[tilespmem:s17], [sflag:$0x1] =	stream.linear.gather [hbm4b:s24+s26], $0x10, $0x38;
	[tilespmem:$0x8980] =	vst v63  }
0x138: {  	s25 =	sadd.s32 $0x5600, s0;
	s17 =	sadd.s32 $0x20, s24  }
0x139: {  	[tilespmem:s19], [sflag:$0x1] =	stream.linear.gather [hbm4b:s16+s26], $0x10, $0x38;
	[tilespmem:$0x8980] =	vst v63  }
0x13a: {  	s16 =	sadd.s32 $0x30, s24;
	s19 =	sadd.s32 $0x5680, s0  }
0x13b: {  	[tilespmem:s25], [sflag:$0x1] =	stream.linear.gather [hbm4b:s17+s26], $0x10, $0x38;
	[tilespmem:$0x8980] =	vst v63  }
0x13c: {  	s17 =	sadd.s32 $0x40, s24;
	s25 =	sadd.s32 $0x5700, s0  }
0x13d: {  	[tilespmem:s19], [sflag:$0x1] =	stream.linear.gather [hbm4b:s16+s26], $0x10, $0x38;
	[tilespmem:$0x8980] =	vst v63  }
0x13e: {  	s16 =	sadd.s32 $0x50, s24;
	s19 =	sadd.s32 $0x5780, s0  }
0x13f: {  	[tilespmem:s25], [sflag:$0x1] =	stream.linear.gather [hbm4b:s17+s26], $0x10, $0x38;
	[tilespmem:$0x8980] =	vst v63  }
0x140: {  	s17 =	sadd.s32 $0x60, s24;
	s25 =	sor.u32 $0x5800, s0  }
0x141: {  	[tilespmem:s19], [sflag:$0x1] =	stream.linear.gather [hbm4b:s16+s26], $0x10, $0x38;
	[tilespmem:$0x8980] =	vst v63  }
0x142: {  	s16 =	sadd.s32 $0x70, s24;
	s19 =	sor.u32 $0x5880, s0  }
0x143: {  	[tilespmem:s25], [sflag:$0x1] =	stream.linear.gather [hbm4b:s17+s26], $0x10, $0x38;
	[tilespmem:$0x8980] =	vst v63  }
0x144: {  	s8 =	sadd.s32 s8, s13;
	s17 =	sadd.s32 $0x1D00, s0  }
0x145: {  	[tilespmem:s19], [sflag:$0x1] =	stream.linear.gather [hbm4b:s16+s26], $0x10, $0x38;
	[tilespmem:$0x8980] =	vst v63  }
0x146: {  	s16 =	sadd.s32 $0x10, s8;
	s19 =	sadd.s32 $0x1D80, s0  }
0x147: {  	[tilespmem:s17], [sflag:$0x1] =	stream.linear.gather [hbm4b:s8+s26], $0x10, $0x38;
	[tilespmem:$0x8980] =	vst v63  }
0x148: {  	s24 =	sadd.s32 $0x1E00, s0;
	s17 =	sadd.s32 $0x20, s8  }
0x149: {  	[tilespmem:s19], [sflag:$0x1] =	stream.linear.gather [hbm4b:s16+s26], $0x10, $0x38;
	[tilespmem:$0x8980] =	vst v63  }
0x14a: {  	s16 =	sadd.s32 $0x30, s8;
	s19 =	sadd.s32 $0x1E80, s0  }
0x14b: {  	[tilespmem:s24], [sflag:$0x1] =	stream.linear.gather [hbm4b:s17+s26], $0x10, $0x38;
	[tilespmem:$0x8980] =	vst v63  }
0x14c: {  	s17 =	sadd.s32 $0x40, s8;
	s24 =	sadd.s32 $0x1F00, s0  }
0x14d: {  	[tilespmem:s19], [sflag:$0x1] =	stream.linear.gather [hbm4b:s16+s26], $0x10, $0x38;
	[tilespmem:$0x8980] =	vst v63  }
0x14e: {  	s16 =	sadd.s32 $0x50, s8;
	s19 =	sadd.s32 $0x1F80, s0  }
0x14f: {  	[tilespmem:s24], [sflag:$0x1] =	stream.linear.gather [hbm4b:s17+s26], $0x10, $0x38;
	[tilespmem:$0x8980] =	vst v63  }
0x150: {  	s17 =	sadd.s32 $0x60, s8;
	s24 =	sor.u32 $0x2000, s0  }
0x151: {  	[tilespmem:s19], [sflag:$0x1] =	stream.linear.gather [hbm4b:s16+s26], $0x10, $0x38;
	[tilespmem:$0x8980] =	vst v63  }
.Ltmp0:
0x152: {  	s16 =	sadd.s32 $0x70, s8;
	s19 =	sor.u32 $0x2080, s0;
	(pc) =	sbr.rel @p0 .LBB2_2-.Ltmp0, $4  }
0x153: {  	[tilespmem:s24], [sflag:$0x1] =	stream.linear.gather [hbm4b:s17+s26], $0x10, $0x38;
	[tilespmem:$0x8980] =	vst v63  }
0x154: {  	s5 =	sadd.s32 $0x1, s5;
	s15 =	sadd.s32 s15, s14;
	s8 =	sadd.s32 $0x5D00, s0  }
0x155: {  	[tilespmem:s19], [sflag:$0x1] =	stream.linear.gather [hbm4b:s16+s26], $0x10, $0x38;
	[tilespmem:$0x8980] =	vst v63  }
0x156: {  	s18 =	sadd.s32 $0x80, s18;
	s6 =	sadd.s32 $0x1, s6;
	s16 =	sadd.s32 $0x10, s15  }
0x157: {  	[tilespmem:s8], [sflag:$0x1] =	stream.linear.gather [hbm4b:s15+s26], $0x10, $0x38;
	[tilespmem:$0x8980] =	vst v63  }
0x158: {  	_ = 	snop  }
0x159: {  	[tilespmem:s7], [sflag:$0x1] =	stream.linear.gather [hbm4b:s16+s26], $0x10, $0x38;
	[tilespmem:$0x8980] =	vst v63  }
0x15a: {  	s4 =	sadd.s32 $0x20, s15;
	s5 =	sadd.s32 $0x5E00, s0  }
0x15b: {  	[tilespmem:s5], [sflag:$0x1] =	stream.linear.gather [hbm4b:s4+s26], $0x10, $0x38;
	[tilespmem:$0x8980] =	vst v63  }
0x15c: {  	s17 =	sadd.s32 $0x5E80, s0;
	s18 =	sadd.s32 $0x40, s15;
	s16 =	sadd.s32 $0x30, s15  }
0x15d: {  	[tilespmem:s17], [sflag:$0x1] =	stream.linear.gather [hbm4b:s16+s26], $0x10, $0x38;
	[tilespmem:$0x8980] =	vst v63  }
0x15e: {  	s19 =	sadd.s32 $0x5F00, s0;
	s20 =	sadd.s32 $0x50, s15;
	s23 =	sadd.s32 $0x5F80, s0  }
0x15f: {  	[tilespmem:s19], [sflag:$0x1] =	stream.linear.gather [hbm4b:s18+s26], $0x10, $0x38;
	[tilespmem:$0x8980] =	vst v63  }
0x160: {  	s24 =	sadd.s32 $0x60, s15;
	s25 =	sor.u32 $0x6000, s0;
	s28 =	sadd.s32 $0x70, s15  }
0x161: {  	[tilespmem:s23], [sflag:$0x1] =	stream.linear.gather [hbm4b:s20+s26], $0x10, $0x38;
	[tilespmem:$0x8980] =	vst v63  }
0x162: {  	s29 =	sor.u32 $0x6080, s0;
	s8 =	simm.s32 $0x290;
	s30 =	simm.s32 $0x20  }
0x163: {  	[tilespmem:s25], [sflag:$0x1] =	stream.linear.gather [hbm4b:s24+s26], $0x10, $0x38;
	[tilespmem:$0x8980] =	vst v63  }
0x164: {  	s31 =	simm.s32 $0x2A0;
	s0 =	simm.s32 $0x0;
	s7 =	simm.s32 $0x10  }
0x165: {  	[tilespmem:s29], [sflag:$0x1] =	stream.linear.gather [hbm4b:s28+s26], $0x10, $0x38;
	[tilespmem:$0x8980] =	vst v63  }
.LBB2_4:
0x166: {  	v3 =	vld [tilespmem:s7+$0x0];
	_ =	sdelay $0x2  }
0x167: {  	v4 =	vld [tilespmem:s8+$0x0];
	_ =	sdelay $0x1  }
0x168: {  	(v2sf) =	vpush v3, $0x0;
	_ =	sdelay $0x2  }
0x169: {  	(v2sf) =	vpush v4, $0x0;
	_ =	sdelay $0xa  }
0x16a: {  	s4 =	sand.u32 $0x70, s26;
	s5 =	sand.u32 $0x400, s26  }
0x16b: {  	s18 =	sor.u32 s4, s5;
	s17 =	spop (v2sf)  }
0x16c: {  	s5 =	sadd.s32 $0x2500, s18;
	s6 =	sand.u32 $0xF, s17  }
0x16d: {  	s15 =	sshra.s32 s17, $0x1F;
	p0 =	slt.s32 s17, $0x1;
	p1 =	sne.s32 s6, $0x0  }
0x16e: {  	s19 =	spop (v2sf);
	s15 =	sshrl.u32 s15, $0x1C;
	p0 =	por !p0, !p1  }
0x16f: {  	s4 =	sadd.s32 s15, s17;
	s15 =	simm.s32 $0x1;
	p0 =	por !p0, !p0  }
0x170: {  	s16 =	sshra.s32 s19, $0x1F;
	s4 =	sshra.s32 s4, $0x4;
	s15 =	simm.s32 @!p0 $0x0  }
0x171: {  	p5 =	slt.s32 s19, $0x1;
	s17 =	sand.u32 $0xF, s19;
	s4 =	ssub.s32 s4, s15  }
0x172: {  	s16 =	sshrl.u32 s16, $0x1C;
	s15 =	sshll.u32 s4, $0x7;
	s4 =	sshll.u32 s4, $0x4  }
0x173: {  	p6 =	sne.s32 s17, $0x0;
	s15 =	sand.u32 $0xFFFFFC00, s15;
	s4 =	sand.u32 $0x70, s4  }
0x174: {  	s6 =	sadd.s32 s16, s19;
	p0 =	por !p5, !p6;
	s4 =	sor.u32 s4, s15  }
0x175: {  	p0 =	por !p0, !p0;
	s15 =	simm.s32 $0x1;
	s4 =	sshrl.u32 s4, $0x3  }
0x176: {  	s6 =	sshra.s32 s6, $0x4;
	s15 =	simm.s32 @!p0 $0x0;
	s16 =	sadd.s32 s1, s4  }
0x177: {  	[tilespmem:s5], [sflag:$0x2] =	stream.linear.gather [hbm4b:s16+s3], $0x10, $0x38;
	[tilespmem:$0x8980] =	vst v63  }
0x178: {  	s20 =	sadd.s32 $0x2580, s18;
	s6 =	ssub.s32 s6, s15;
	s23 =	sadd.s32 $0x10, s16  }
0x179: {  	[tilespmem:s20], [sflag:$0x2] =	stream.linear.gather [hbm4b:s23+s3], $0x10, $0x38;
	[tilespmem:$0x8980] =	vst v63  }
0x17a: {  	s24 =	sadd.s32 $0x2600, s18;
	s15 =	sshll.u32 s6, $0x4;
	s25 =	sadd.s32 $0x20, s16  }
0x17b: {  	[tilespmem:s24], [sflag:$0x2] =	stream.linear.gather [hbm4b:s25+s3], $0x10, $0x38;
	[tilespmem:$0x8980] =	vst v63  }
0x17c: {  	s19 =	sshll.u32 s6, $0x7;
	s20 =	sadd.s32 $0x30, s16;
	s23 =	sadd.s32 $0x2680, s18  }
0x17d: {  	[tilespmem:s23], [sflag:$0x2] =	stream.linear.gather [hbm4b:s20+s3], $0x10, $0x38;
	[tilespmem:$0x8980] =	vst v63  }
0x17e: {  	s5 =	sand.u32 $0xFFFFFC00, s19;
	s24 =	sadd.s32 $0x40, s16;
	s25 =	sadd.s32 $0x2700, s18  }
0x17f: {  	[tilespmem:s25], [sflag:$0x2] =	stream.linear.gather [hbm4b:s24+s3], $0x10, $0x38;
	[tilespmem:$0x8980] =	vst v63  }
0x180: {  	s19 =	sand.u32 $0x70, s15;
	s20 =	sadd.s32 $0x50, s16;
	s23 =	sadd.s32 $0x2780, s18  }
0x181: {  	[tilespmem:s23], [sflag:$0x2] =	stream.linear.gather [hbm4b:s20+s3], $0x10, $0x38;
	[tilespmem:$0x8980] =	vst v63  }
0x182: {  	s5 =	sor.u32 s19, s5;
	s24 =	sadd.s32 $0x60, s16;
	s25 =	sor.u32 $0x2800, s18  }
0x183: {  	[tilespmem:s25], [sflag:$0x2] =	stream.linear.gather [hbm4b:s24+s3], $0x10, $0x38;
	[tilespmem:$0x8980] =	vst v63  }
0x184: {  	s17 =	sadd.s32 $0x70, s16;
	s19 =	sor.u32 $0x2880, s18;
	s24 =	sshrl.u32 s5, $0x3  }
0x185: {  	[tilespmem:s19], [sflag:$0x2] =	stream.linear.gather [hbm4b:s17+s3], $0x10, $0x38;
	[tilespmem:$0x8980] =	vst v63  }
0x186: {  	s20 =	sadd.s32 $0x6500, s18;
	s6 =	sadd.s32 s2, s24  }
0x187: {  	[tilespmem:s20], [sflag:$0x2] =	stream.linear.gather [hbm4b:s6+s3], $0x10, $0x38;
	[tilespmem:$0x8980] =	vst v63  }
0x188: {  	s25 =	sadd.s32 $0x6580, s18;
	s23 =	sadd.s32 $0x10, s6  }
0x189: {  	[tilespmem:s25], [sflag:$0x2] =	stream.linear.gather [hbm4b:s23+s3], $0x10, $0x38;
	[tilespmem:$0x8980] =	vst v63  }
0x18a: {  	s16 =	sadd.s32 $0x20, s6;
	s17 =	sadd.s32 $0x6600, s18  }
0x18b: {  	[tilespmem:s17], [sflag:$0x2] =	stream.linear.gather [hbm4b:s16+s3], $0x10, $0x38;
	[tilespmem:$0x8980] =	vst v63  }
0x18c: {  	s19 =	sadd.s32 $0x30, s6;
	s20 =	sadd.s32 $0x6680, s18  }
0x18d: {  	[tilespmem:s20], [sflag:$0x2] =	stream.linear.gather [hbm4b:s19+s3], $0x10, $0x38;
	[tilespmem:$0x8980] =	vst v63  }
0x18e: {  	s23 =	sadd.s32 $0x40, s6;
	s25 =	sadd.s32 $0x6700, s18  }
0x18f: {  	[tilespmem:s25], [sflag:$0x2] =	stream.linear.gather [hbm4b:s23+s3], $0x10, $0x38;
	[tilespmem:$0x8980] =	vst v63  }
0x190: {  	s16 =	sadd.s32 $0x50, s6;
	s17 =	sadd.s32 $0x6780, s18  }
0x191: {  	[tilespmem:s17], [sflag:$0x2] =	stream.linear.gather [hbm4b:s16+s3], $0x10, $0x38;
	[tilespmem:$0x8980] =	vst v63  }
0x192: {  	s19 =	sadd.s32 $0x60, s6;
	s20 =	sor.u32 $0x6800, s18  }
0x193: {  	[tilespmem:s20], [sflag:$0x2] =	stream.linear.gather [hbm4b:s19+s3], $0x10, $0x38;
	[tilespmem:$0x8980] =	vst v63  }
0x194: {  	s23 =	sadd.s32 $0x70, s6;
	s25 =	sor.u32 $0x6880, s18  }
0x195: {  	[tilespmem:s25], [sflag:$0x2] =	stream.linear.gather [hbm4b:s23+s3], $0x10, $0x38;
	[tilespmem:$0x8980] =	vst v63  }
0x196: {  	s15 =	sadd.s32 $0x2D00, s18;
	s6 =	sadd.s32 s4, s9  }
0x197: {  	[tilespmem:s15], [sflag:$0x2] =	stream.linear.gather [hbm4b:s6+s3], $0x10, $0x38;
	[tilespmem:$0x8980] =	vst v63  }
0x198: {  	s16 =	sadd.s32 $0x10, s6;
	s17 =	sadd.s32 $0x2D80, s18  }
0x199: {  	[tilespmem:s17], [sflag:$0x2] =	stream.linear.gather [hbm4b:s16+s3], $0x10, $0x38;
	[tilespmem:$0x8980] =	vst v63  }
0x19a: {  	s19 =	sadd.s32 $0x20, s6;
	s20 =	sadd.s32 $0x2E00, s18  }
0x19b: {  	[tilespmem:s20], [sflag:$0x2] =	stream.linear.gather [hbm4b:s19+s3], $0x10, $0x38;
	[tilespmem:$0x8980] =	vst v63  }
0x19c: {  	s23 =	sadd.s32 $0x30, s6;
	s25 =	sadd.s32 $0x2E80, s18  }
0x19d: {  	[tilespmem:s25], [sflag:$0x2] =	stream.linear.gather [hbm4b:s23+s3], $0x10, $0x38;
	[tilespmem:$0x8980] =	vst v63  }
0x19e: {  	s16 =	sadd.s32 $0x40, s6;
	s17 =	sadd.s32 $0x2F00, s18  }
0x19f: {  	[tilespmem:s17], [sflag:$0x2] =	stream.linear.gather [hbm4b:s16+s3], $0x10, $0x38;
	[tilespmem:$0x8980] =	vst v63  }
0x1a0: {  	s19 =	sadd.s32 $0x50, s6;
	s20 =	sadd.s32 $0x2F80, s18  }
0x1a1: {  	[tilespmem:s20], [sflag:$0x2] =	stream.linear.gather [hbm4b:s19+s3], $0x10, $0x38;
	[tilespmem:$0x8980] =	vst v63  }
0x1a2: {  	s23 =	sadd.s32 $0x60, s6;
	s25 =	sor.u32 $0x3000, s18  }
0x1a3: {  	[tilespmem:s25], [sflag:$0x2] =	stream.linear.gather [hbm4b:s23+s3], $0x10, $0x38;
	[tilespmem:$0x8980] =	vst v63  }
0x1a4: {  	s15 =	sadd.s32 $0x70, s6;
	s16 =	sor.u32 $0x3080, s18  }
0x1a5: {  	[tilespmem:s16], [sflag:$0x2] =	stream.linear.gather [hbm4b:s15+s3], $0x10, $0x38;
	[tilespmem:$0x8980] =	vst v63  }
0x1a6: {  	s6 =	sadd.s32 s24, s10;
	s17 =	sadd.s32 $0x6D00, s18  }
0x1a7: {  	[tilespmem:s17], [sflag:$0x2] =	stream.linear.gather [hbm4b:s6+s3], $0x10, $0x38;
	[tilespmem:$0x8980] =	vst v63  }
0x1a8: {  	s19 =	sadd.s32 $0x10, s6;
	s20 =	sadd.s32 $0x6D80, s18  }
0x1a9: {  	[tilespmem:s20], [sflag:$0x2] =	stream.linear.gather [hbm4b:s19+s3], $0x10, $0x38;
	[tilespmem:$0x8980] =	vst v63  }
0x1aa: {  	s23 =	sadd.s32 $0x20, s6;
	s25 =	sadd.s32 $0x6E00, s18  }
0x1ab: {  	[tilespmem:s25], [sflag:$0x2] =	stream.linear.gather [hbm4b:s23+s3], $0x10, $0x38;
	[tilespmem:$0x8980] =	vst v63  }
0x1ac: {  	s16 =	sadd.s32 $0x30, s6;
	s17 =	sadd.s32 $0x6E80, s18  }
0x1ad: {  	[tilespmem:s17], [sflag:$0x2] =	stream.linear.gather [hbm4b:s16+s3], $0x10, $0x38;
	[tilespmem:$0x8980] =	vst v63  }
0x1ae: {  	s19 =	sadd.s32 $0x40, s6;
	s20 =	sadd.s32 $0x6F00, s18  }
0x1af: {  	[tilespmem:s20], [sflag:$0x2] =	stream.linear.gather [hbm4b:s19+s3], $0x10, $0x38;
	[tilespmem:$0x8980] =	vst v63  }
0x1b0: {  	s23 =	sadd.s32 $0x50, s6;
	s25 =	sadd.s32 $0x6F80, s18  }
0x1b1: {  	[tilespmem:s25], [sflag:$0x2] =	stream.linear.gather [hbm4b:s23+s3], $0x10, $0x38;
	[tilespmem:$0x8980] =	vst v63  }
0x1b2: {  	s15 =	sadd.s32 $0x60, s6;
	s16 =	sor.u32 $0x7000, s18  }
0x1b3: {  	[tilespmem:s16], [sflag:$0x2] =	stream.linear.gather [hbm4b:s15+s3], $0x10, $0x38;
	[tilespmem:$0x8980] =	vst v63  }
0x1b4: {  	s17 =	sadd.s32 $0x70, s6;
	s19 =	sor.u32 $0x7080, s18  }
0x1b5: {  	[tilespmem:s19], [sflag:$0x2] =	stream.linear.gather [hbm4b:s17+s3], $0x10, $0x38;
	[tilespmem:$0x8980] =	vst v63  }
0x1b6: {  	s6 =	sadd.s32 s4, s11;
	s20 =	sadd.s32 $0x3500, s18  }
0x1b7: {  	[tilespmem:s20], [sflag:$0x2] =	stream.linear.gather [hbm4b:s6+s3], $0x10, $0x38;
	[tilespmem:$0x8980] =	vst v63  }
0x1b8: {  	s23 =	sadd.s32 $0x10, s6;
	s25 =	sadd.s32 $0x3580, s18  }
0x1b9: {  	[tilespmem:s25], [sflag:$0x2] =	stream.linear.gather [hbm4b:s23+s3], $0x10, $0x38;
	[tilespmem:$0x8980] =	vst v63  }
0x1ba: {  	s16 =	sadd.s32 $0x20, s6;
	s17 =	sadd.s32 $0x3600, s18  }
0x1bb: {  	[tilespmem:s17], [sflag:$0x2] =	stream.linear.gather [hbm4b:s16+s3], $0x10, $0x38;
	[tilespmem:$0x8980] =	vst v63  }
0x1bc: {  	s19 =	sadd.s32 $0x30, s6;
	s20 =	sadd.s32 $0x3680, s18  }
0x1bd: {  	[tilespmem:s20], [sflag:$0x2] =	stream.linear.gather [hbm4b:s19+s3], $0x10, $0x38;
	[tilespmem:$0x8980] =	vst v63  }
0x1be: {  	s23 =	sadd.s32 $0x40, s6;
	s25 =	sadd.s32 $0x3700, s18  }
0x1bf: {  	[tilespmem:s25], [sflag:$0x2] =	stream.linear.gather [hbm4b:s23+s3], $0x10, $0x38;
	[tilespmem:$0x8980] =	vst v63  }
0x1c0: {  	s16 =	sadd.s32 $0x50, s6;
	s17 =	sadd.s32 $0x3780, s18  }
0x1c1: {  	[tilespmem:s17], [sflag:$0x2] =	stream.linear.gather [hbm4b:s16+s3], $0x10, $0x38;
	[tilespmem:$0x8980] =	vst v63  }
0x1c2: {  	s19 =	sadd.s32 $0x60, s6;
	s20 =	sor.u32 $0x3800, s18  }
0x1c3: {  	[tilespmem:s20], [sflag:$0x2] =	stream.linear.gather [hbm4b:s19+s3], $0x10, $0x38;
	[tilespmem:$0x8980] =	vst v63  }
0x1c4: {  	s23 =	sadd.s32 $0x70, s6;
	s25 =	sor.u32 $0x3880, s18  }
0x1c5: {  	[tilespmem:s25], [sflag:$0x2] =	stream.linear.gather [hbm4b:s23+s3], $0x10, $0x38;
	[tilespmem:$0x8980] =	vst v63  }
0x1c6: {  	s15 =	sadd.s32 $0x7500, s18;
	s6 =	sadd.s32 s24, s12  }
0x1c7: {  	[tilespmem:s15], [sflag:$0x2] =	stream.linear.gather [hbm4b:s6+s3], $0x10, $0x38;
	[tilespmem:$0x8980] =	vst v63  }
0x1c8: {  	s16 =	sadd.s32 $0x10, s6;
	s17 =	sadd.s32 $0x7580, s18  }
0x1c9: {  	[tilespmem:s17], [sflag:$0x2] =	stream.linear.gather [hbm4b:s16+s3], $0x10, $0x38;
	[tilespmem:$0x8980] =	vst v63  }
0x1ca: {  	s19 =	sadd.s32 $0x20, s6;
	s20 =	sadd.s32 $0x7600, s18  }
0x1cb: {  	[tilespmem:s20], [sflag:$0x2] =	stream.linear.gather [hbm4b:s19+s3], $0x10, $0x38;
	[tilespmem:$0x8980] =	vst v63  }
0x1cc: {  	s23 =	sadd.s32 $0x30, s6;
	s25 =	sadd.s32 $0x7680, s18  }
0x1cd: {  	[tilespmem:s25], [sflag:$0x2] =	stream.linear.gather [hbm4b:s23+s3], $0x10, $0x38;
	[tilespmem:$0x8980] =	vst v63  }
0x1ce: {  	s16 =	sadd.s32 $0x40, s6;
	s17 =	sadd.s32 $0x7700, s18  }
0x1cf: {  	[tilespmem:s17], [sflag:$0x2] =	stream.linear.gather [hbm4b:s16+s3], $0x10, $0x38;
	[tilespmem:$0x8980] =	vst v63  }
0x1d0: {  	s19 =	sadd.s32 $0x50, s6;
	s20 =	sadd.s32 $0x7780, s18  }
0x1d1: {  	[tilespmem:s20], [sflag:$0x2] =	stream.linear.gather [hbm4b:s19+s3], $0x10, $0x38;
	[tilespmem:$0x8980] =	vst v63  }
0x1d2: {  	s23 =	sadd.s32 $0x60, s6;
	s25 =	sor.u32 $0x7800, s18  }
0x1d3: {  	[tilespmem:s25], [sflag:$0x2] =	stream.linear.gather [hbm4b:s23+s3], $0x10, $0x38;
	[tilespmem:$0x8980] =	vst v63  }
0x1d4: {  	s15 =	sadd.s32 $0x70, s6;
	s16 =	sor.u32 $0x7880, s18  }
0x1d5: {  	[tilespmem:s16], [sflag:$0x2] =	stream.linear.gather [hbm4b:s15+s3], $0x10, $0x38;
	[tilespmem:$0x8980] =	vst v63  }
0x1d6: {  	s28 =	smov.u32 s7;
	s17 =	sadd.s32 $0x3D00, s18;
	s25 =	sadd.s32 s4, s13  }
0x1d7: {  	[tilespmem:s17], [sflag:$0x2] =	stream.linear.gather [hbm4b:s25+s3], $0x10, $0x38;
	[tilespmem:$0x8980] =	vst v63  }
0x1d8: {  	s29 =	smov.u32 s8;
	s19 =	sadd.s32 $0x3D80, s18;
	s4 =	sadd.s32 $0x10, s25  }
0x1d9: {  	[tilespmem:s19], [sflag:$0x2] =	stream.linear.gather [hbm4b:s4+s3], $0x10, $0x38;
	[tilespmem:$0x8980] =	vst v63  }
0x1da: {  	s6 =	sadd.s32 $0x3E80, s18;
	s23 =	sadd.s32 $0x3E00, s18;
	s20 =	sadd.s32 $0x20, s25  }
0x1db: {  	[tilespmem:s23], [sflag:$0x2] =	stream.linear.gather [hbm4b:s20+s3], $0x10, $0x38;
	[tilespmem:$0x8980] =	vst v63  }
0x1dc: {  	s5 =	sadd.s32 $0x30, s25;
	s15 =	sadd.s32 $0x40, s25;
	s19 =	sshll.u32 s0, $0x5  }
0x1dd: {  	[tilespmem:s6], [sflag:$0x2] =	stream.linear.gather [hbm4b:s5+s3], $0x10, $0x38;
	[tilespmem:$0x8980] =	vst v63  }
0x1de: {  	s16 =	sadd.s32 $0x3F00, s18;
	s17 =	sadd.s32 $0x50, s25;
	s23 =	sor.u32 $0x10, s19  }
0x1df: {  	[tilespmem:s16], [sflag:$0x2] =	stream.linear.gather [hbm4b:s15+s3], $0x10, $0x38;
	[tilespmem:$0x8980] =	vst v63  }
0x1e0: {  	s20 =	sadd.s32 $0x3F80, s18;
	[dreg:$0xe] =	wrdreg s23;
	s5 =	simm.s32 $0x10  }
0x1e1: {  	[tilespmem:s20], [sflag:$0x2] =	stream.linear.gather [hbm4b:s17+s3], $0x10, $0x38;
	[tilespmem:$0x8980] =	vst v63  }
0x1e2: {  	s6 =	simm.s32 $0x0;
	s15 =	sor.u32 $0x4000, s18;
	s17 =	sadd.s32 $0x60, s25  }
.LBB2_5:
0x1e3: {  	s6 =	sadd.s32 $0x80, s6  }
0x1e4: {  	s28 =	sadd.s32 $0x1, s28;
	s29 =	sadd.s32 $0x1, s29;
	s16 =	smov.u32 s5  }
0x1e5: {  	[tilespmem:s15], [sflag:$0x2] =	stream.linear.gather [hbm4b:s17+s3], $0x10, $0x38;
	[tilespmem:$0x8980] =	vst v63  }
0x1e6: {  	p0 =	sne.s32 s5, $0xF0;
	s15 =	sadd.s32 $0x70, s25;
	s17 =	sor.u32 $0x4080, s18  }
0x1e7: {  	[tilespmem:s17], [sflag:$0x2] =	stream.linear.gather [hbm4b:s15+s3], $0x10, $0x38;
	[tilespmem:$0x8980] =	vst v63  }
0x1e8: {  	s5 =	sadd.s32 $0x10, s5;
	s15 =	sadd.s32 $0x7D00, s18;
	s17 =	sadd.s32 s24, s14  }
0x1e9: {  	[tilespmem:s15], [sflag:$0x2] =	stream.linear.gather [hbm4b:s17+s3], $0x10, $0x38;
	[tilespmem:$0x8980] =	vst v63  }
0x1ea: {  	s24 =	sadd.s32 $0x7D80, s18;
	s15 =	sadd.s32 $0x10, s17  }
0x1eb: {  	[tilespmem:s24], [sflag:$0x2] =	stream.linear.gather [hbm4b:s15+s3], $0x10, $0x38;
	[tilespmem:$0x8980] =	vst v63  }
0x1ec: {  	s15 =	sadd.s32 $0x20, s17;
	s24 =	sadd.s32 $0x7E00, s18  }
0x1ed: {  	[tilespmem:s24], [sflag:$0x2] =	stream.linear.gather [hbm4b:s15+s3], $0x10, $0x38;
	[tilespmem:$0x8980] =	vst v63  }
0x1ee: {  	s15 =	sadd.s32 $0x30, s17;
	s24 =	sadd.s32 $0x7E80, s18  }
0x1ef: {  	[tilespmem:s24], [sflag:$0x2] =	stream.linear.gather [hbm4b:s15+s3], $0x10, $0x38;
	[tilespmem:$0x8980] =	vst v63  }
0x1f0: {  	s15 =	sadd.s32 $0x40, s17;
	s24 =	sadd.s32 $0x7F00, s18  }
0x1f1: {  	[tilespmem:s24], [sflag:$0x2] =	stream.linear.gather [hbm4b:s15+s3], $0x10, $0x38;
	[tilespmem:$0x8980] =	vst v63  }
0x1f2: {  	s15 =	sadd.s32 $0x50, s17;
	s24 =	sadd.s32 $0x7F80, s18  }
0x1f3: {  	[tilespmem:s24], [sflag:$0x2] =	stream.linear.gather [hbm4b:s15+s3], $0x10, $0x38;
	[tilespmem:$0x8980] =	vst v63  }
0x1f4: {  	s15 =	sadd.s32 $0x60, s17;
	s24 =	sor.u32 $0x8000, s18  }
0x1f5: {  	[tilespmem:s24], [sflag:$0x2] =	stream.linear.gather [hbm4b:s15+s3], $0x10, $0x38;
	[tilespmem:$0x8980] =	vst v63  }
0x1f6: {  	s15 =	sadd.s32 $0x70, s17;
	s17 =	sor.u32 $0x8080, s18  }
0x1f7: {  	[tilespmem:s17], [sflag:$0x2] =	stream.linear.gather [hbm4b:s15+s3], $0x10, $0x38;
	[tilespmem:$0x8980] =	vst v63  }
0x1f8: {  	v3 =	vld [tilespmem:s28+$0x0]  }
0x1f9: {  	v4 =	vld [tilespmem:s29+$0x0];
	_ =	sdelay $0x3  }
0x1fa: {  	(v2sf) =	vpush v3, $0x0  }
0x1fb: {  	(v2sf) =	vpush v4, $0x0;
	_ =	sdelay $0xb  }
0x1fc: {  	s15 =	sand.u32 $0x70, s16;
	s16 =	sand.u32 $0x400, s6  }
0x1fd: {  	s18 =	sor.u32 s15, s16  }
0x1fe: {  	s23 =	simm.s32 $0x1;
	s17 =	sadd.s32 $0x2500, s18;
	s15 =	spop (v2sf)  }
0x1ff: {  	s16 =	sand.u32 $0xF, s15;
	s24 =	spop (v2sf);
	s25 =	sshra.s32 s15, $0x1F  }
0x200: {  	s20 =	sadd.s32 $0x2600, s18;
	p1 =	slt.s32 s15, $0x1;
	s25 =	sshrl.u32 s25, $0x1C  }
0x201: {  	p2 =	sne.s32 s16, $0x0;
	s16 =	sand.u32 $0xF, s24;
	s15 =	sadd.s32 s25, s15  }
0x202: {  	p1 =	por !p1, !p2;
	s25 =	sshra.s32 s24, $0x1F;
	p2 =	slt.s32 s24, $0x1  }
0x203: {  	p1 =	por !p1, !p1;
	s25 =	sshrl.u32 s25, $0x1C;
	s15 =	sshra.s32 s15, $0x4  }
0x204: {  	s23 =	simm.s32 @!p1 $0x0;
	p1 =	sne.s32 s16, $0x0;
	s16 =	sadd.s32 s25, s24  }
0x205: {  	s24 =	simm.s32 $0x1;
	s15 =	ssub.s32 s15, s23;
	p1 =	por !p2, !p1  }
0x206: {  	s23 =	sshll.u32 s15, $0x7;
	s15 =	sshll.u32 s15, $0x4;
	p1 =	por !p1, !p1  }
0x207: {  	s23 =	sand.u32 $0xFFFFFC00, s23;
	s15 =	sand.u32 $0x70, s15;
	s24 =	simm.s32 @!p1 $0x0  }
0x208: {  	s25 =	sshra.s32 s16, $0x4;
	s15 =	sor.u32 s15, s23;
	s23 =	sadd.s32 $0x2580, s18  }
0x209: {  	s24 =	ssub.s32 s25, s24;
	s16 =	sshrl.u32 s15, $0x3;
	s15 =	sor.u32 $0x4000, s18  }
0x20a: {  	s4 =	sshll.u32 s24, $0x4;
	s24 =	sshll.u32 s24, $0x7;
	s25 =	sadd.s32 s1, s16  }
0x20b: {  	[tilespmem:s17], [sflag:$0x2] =	stream.linear.gather [hbm4b:s25+s3], $0x10, $0x38;
	[tilespmem:$0x8980] =	vst v63  }
0x20c: {  	s24 =	sand.u32 $0xFFFFFC00, s24;
	s4 =	sand.u32 $0x70, s4;
	s17 =	sadd.s32 $0x10, s25  }
0x20d: {  	[tilespmem:s23], [sflag:$0x2] =	stream.linear.gather [hbm4b:s17+s3], $0x10, $0x38;
	[tilespmem:$0x8980] =	vst v63  }
0x20e: {  	s4 =	sor.u32 s4, s24;
	s17 =	sadd.s32 $0x20, s25  }
0x20f: {  	[tilespmem:s20], [sflag:$0x2] =	stream.linear.gather [hbm4b:s17+s3], $0x10, $0x38;
	[tilespmem:$0x8980] =	vst v63  }
0x210: {  	s24 =	sshrl.u32 s4, $0x3;
	s17 =	sadd.s32 $0x30, s25;
	s20 =	sadd.s32 $0x2680, s18  }
0x211: {  	[tilespmem:s20], [sflag:$0x2] =	stream.linear.gather [hbm4b:s17+s3], $0x10, $0x38;
	[tilespmem:$0x8980] =	vst v63  }
0x212: {  	s4 =	sadd.s32 $0x40, s25;
	s17 =	sadd.s32 $0x2700, s18  }
0x213: {  	[tilespmem:s17], [sflag:$0x2] =	stream.linear.gather [hbm4b:s4+s3], $0x10, $0x38;
	[tilespmem:$0x8980] =	vst v63  }
0x214: {  	s4 =	sadd.s32 $0x50, s25;
	s17 =	sadd.s32 $0x2780, s18  }
0x215: {  	[tilespmem:s17], [sflag:$0x2] =	stream.linear.gather [hbm4b:s4+s3], $0x10, $0x38;
	[tilespmem:$0x8980] =	vst v63  }
0x216: {  	s4 =	sadd.s32 $0x60, s25;
	s17 =	sor.u32 $0x2800, s18  }
0x217: {  	[tilespmem:s17], [sflag:$0x2] =	stream.linear.gather [hbm4b:s4+s3], $0x10, $0x38;
	[tilespmem:$0x8980] =	vst v63  }
0x218: {  	s4 =	sadd.s32 $0x70, s25;
	s17 =	sor.u32 $0x2880, s18  }
0x219: {  	[tilespmem:s17], [sflag:$0x2] =	stream.linear.gather [hbm4b:s4+s3], $0x10, $0x38;
	[tilespmem:$0x8980] =	vst v63  }
0x21a: {  	s4 =	sadd.s32 $0x6500, s18;
	s17 =	sadd.s32 s2, s24  }
0x21b: {  	[tilespmem:s4], [sflag:$0x2] =	stream.linear.gather [hbm4b:s17+s3], $0x10, $0x38;
	[tilespmem:$0x8980] =	vst v63  }
0x21c: {  	s20 =	sadd.s32 $0x6580, s18;
	s4 =	sadd.s32 $0x10, s17  }
0x21d: {  	[tilespmem:s20], [sflag:$0x2] =	stream.linear.gather [hbm4b:s4+s3], $0x10, $0x38;
	[tilespmem:$0x8980] =	vst v63  }
0x21e: {  	s4 =	sadd.s32 $0x20, s17;
	s20 =	sadd.s32 $0x6600, s18  }
0x21f: {  	[tilespmem:s20], [sflag:$0x2] =	stream.linear.gather [hbm4b:s4+s3], $0x10, $0x38;
	[tilespmem:$0x8980] =	vst v63  }
0x220: {  	s4 =	sadd.s32 $0x30, s17;
	s20 =	sadd.s32 $0x6680, s18  }
0x221: {  	[tilespmem:s20], [sflag:$0x2] =	stream.linear.gather [hbm4b:s4+s3], $0x10, $0x38;
	[tilespmem:$0x8980] =	vst v63  }
0x222: {  	s4 =	sadd.s32 $0x40, s17;
	s20 =	sadd.s32 $0x6700, s18  }
0x223: {  	[tilespmem:s20], [sflag:$0x2] =	stream.linear.gather [hbm4b:s4+s3], $0x10, $0x38;
	[tilespmem:$0x8980] =	vst v63  }
0x224: {  	s4 =	sadd.s32 $0x50, s17;
	s20 =	sadd.s32 $0x6780, s18  }
0x225: {  	[tilespmem:s20], [sflag:$0x2] =	stream.linear.gather [hbm4b:s4+s3], $0x10, $0x38;
	[tilespmem:$0x8980] =	vst v63  }
0x226: {  	s4 =	sadd.s32 $0x60, s17;
	s20 =	sor.u32 $0x6800, s18  }
0x227: {  	[tilespmem:s20], [sflag:$0x2] =	stream.linear.gather [hbm4b:s4+s3], $0x10, $0x38;
	[tilespmem:$0x8980] =	vst v63  }
0x228: {  	s4 =	sadd.s32 $0x70, s17;
	s17 =	sor.u32 $0x6880, s18  }
0x229: {  	[tilespmem:s17], [sflag:$0x2] =	stream.linear.gather [hbm4b:s4+s3], $0x10, $0x38;
	[tilespmem:$0x8980] =	vst v63  }
0x22a: {  	s4 =	sadd.s32 $0x2D00, s18;
	s17 =	sadd.s32 s16, s9  }
0x22b: {  	[tilespmem:s4], [sflag:$0x2] =	stream.linear.gather [hbm4b:s17+s3], $0x10, $0x38;
	[tilespmem:$0x8980] =	vst v63  }
0x22c: {  	s20 =	sadd.s32 $0x2D80, s18;
	s4 =	sadd.s32 $0x10, s17  }
0x22d: {  	[tilespmem:s20], [sflag:$0x2] =	stream.linear.gather [hbm4b:s4+s3], $0x10, $0x38;
	[tilespmem:$0x8980] =	vst v63  }
0x22e: {  	s4 =	sadd.s32 $0x20, s17;
	s20 =	sadd.s32 $0x2E00, s18  }
0x22f: {  	[tilespmem:s20], [sflag:$0x2] =	stream.linear.gather [hbm4b:s4+s3], $0x10, $0x38;
	[tilespmem:$0x8980] =	vst v63  }
0x230: {  	s4 =	sadd.s32 $0x30, s17;
	s20 =	sadd.s32 $0x2E80, s18  }
0x231: {  	[tilespmem:s20], [sflag:$0x2] =	stream.linear.gather [hbm4b:s4+s3], $0x10, $0x38;
	[tilespmem:$0x8980] =	vst v63  }
0x232: {  	s4 =	sadd.s32 $0x40, s17;
	s20 =	sadd.s32 $0x2F00, s18  }
0x233: {  	[tilespmem:s20], [sflag:$0x2] =	stream.linear.gather [hbm4b:s4+s3], $0x10, $0x38;
	[tilespmem:$0x8980] =	vst v63  }
0x234: {  	s4 =	sadd.s32 $0x50, s17;
	s20 =	sadd.s32 $0x2F80, s18  }
0x235: {  	[tilespmem:s20], [sflag:$0x2] =	stream.linear.gather [hbm4b:s4+s3], $0x10, $0x38;
	[tilespmem:$0x8980] =	vst v63  }
0x236: {  	s4 =	sadd.s32 $0x60, s17;
	s20 =	sor.u32 $0x3000, s18  }
0x237: {  	[tilespmem:s20], [sflag:$0x2] =	stream.linear.gather [hbm4b:s4+s3], $0x10, $0x38;
	[tilespmem:$0x8980] =	vst v63  }
0x238: {  	s4 =	sadd.s32 $0x70, s17;
	s17 =	sor.u32 $0x3080, s18  }
0x239: {  	[tilespmem:s17], [sflag:$0x2] =	stream.linear.gather [hbm4b:s4+s3], $0x10, $0x38;
	[tilespmem:$0x8980] =	vst v63  }
0x23a: {  	s4 =	sadd.s32 $0x6D00, s18;
	s17 =	sadd.s32 s24, s10  }
0x23b: {  	[tilespmem:s4], [sflag:$0x2] =	stream.linear.gather [hbm4b:s17+s3], $0x10, $0x38;
	[tilespmem:$0x8980] =	vst v63  }
0x23c: {  	s20 =	sadd.s32 $0x6D80, s18;
	s4 =	sadd.s32 $0x10, s17  }
0x23d: {  	[tilespmem:s20], [sflag:$0x2] =	stream.linear.gather [hbm4b:s4+s3], $0x10, $0x38;
	[tilespmem:$0x8980] =	vst v63  }
0x23e: {  	s4 =	sadd.s32 $0x20, s17;
	s20 =	sadd.s32 $0x6E00, s18  }
0x23f: {  	[tilespmem:s20], [sflag:$0x2] =	stream.linear.gather [hbm4b:s4+s3], $0x10, $0x38;
	[tilespmem:$0x8980] =	vst v63  }
0x240: {  	s4 =	sadd.s32 $0x30, s17;
	s20 =	sadd.s32 $0x6E80, s18  }
0x241: {  	[tilespmem:s20], [sflag:$0x2] =	stream.linear.gather [hbm4b:s4+s3], $0x10, $0x38;
	[tilespmem:$0x8980] =	vst v63  }
0x242: {  	s4 =	sadd.s32 $0x40, s17;
	s20 =	sadd.s32 $0x6F00, s18  }
0x243: {  	[tilespmem:s20], [sflag:$0x2] =	stream.linear.gather [hbm4b:s4+s3], $0x10, $0x38;
	[tilespmem:$0x8980] =	vst v63  }
0x244: {  	s4 =	sadd.s32 $0x50, s17;
	s20 =	sadd.s32 $0x6F80, s18  }
0x245: {  	[tilespmem:s20], [sflag:$0x2] =	stream.linear.gather [hbm4b:s4+s3], $0x10, $0x38;
	[tilespmem:$0x8980] =	vst v63  }
0x246: {  	s4 =	sadd.s32 $0x60, s17;
	s20 =	sor.u32 $0x7000, s18  }
0x247: {  	[tilespmem:s20], [sflag:$0x2] =	stream.linear.gather [hbm4b:s4+s3], $0x10, $0x38;
	[tilespmem:$0x8980] =	vst v63  }
0x248: {  	s4 =	sadd.s32 $0x70, s17;
	s17 =	sor.u32 $0x7080, s18  }
0x249: {  	[tilespmem:s17], [sflag:$0x2] =	stream.linear.gather [hbm4b:s4+s3], $0x10, $0x38;
	[tilespmem:$0x8980] =	vst v63  }
0x24a: {  	s4 =	sadd.s32 $0x3500, s18;
	s17 =	sadd.s32 s16, s11  }
0x24b: {  	[tilespmem:s4], [sflag:$0x2] =	stream.linear.gather [hbm4b:s17+s3], $0x10, $0x38;
	[tilespmem:$0x8980] =	vst v63  }
0x24c: {  	s20 =	sadd.s32 $0x3580, s18;
	s4 =	sadd.s32 $0x10, s17  }
0x24d: {  	[tilespmem:s20], [sflag:$0x2] =	stream.linear.gather [hbm4b:s4+s3], $0x10, $0x38;
	[tilespmem:$0x8980] =	vst v63  }
0x24e: {  	s4 =	sadd.s32 $0x20, s17;
	s20 =	sadd.s32 $0x3600, s18  }
0x24f: {  	[tilespmem:s20], [sflag:$0x2] =	stream.linear.gather [hbm4b:s4+s3], $0x10, $0x38;
	[tilespmem:$0x8980] =	vst v63  }
0x250: {  	s4 =	sadd.s32 $0x30, s17;
	s20 =	sadd.s32 $0x3680, s18  }
0x251: {  	[tilespmem:s20], [sflag:$0x2] =	stream.linear.gather [hbm4b:s4+s3], $0x10, $0x38;
	[tilespmem:$0x8980] =	vst v63  }
0x252: {  	s4 =	sadd.s32 $0x40, s17;
	s20 =	sadd.s32 $0x3700, s18  }
0x253: {  	[tilespmem:s20], [sflag:$0x2] =	stream.linear.gather [hbm4b:s4+s3], $0x10, $0x38;
	[tilespmem:$0x8980] =	vst v63  }
0x254: {  	s4 =	sadd.s32 $0x50, s17;
	s20 =	sadd.s32 $0x3780, s18  }
0x255: {  	[tilespmem:s20], [sflag:$0x2] =	stream.linear.gather [hbm4b:s4+s3], $0x10, $0x38;
	[tilespmem:$0x8980] =	vst v63  }
0x256: {  	s4 =	sadd.s32 $0x60, s17;
	s20 =	sor.u32 $0x3800, s18  }
0x257: {  	[tilespmem:s20], [sflag:$0x2] =	stream.linear.gather [hbm4b:s4+s3], $0x10, $0x38;
	[tilespmem:$0x8980] =	vst v63  }
0x258: {  	s4 =	sadd.s32 $0x70, s17;
	s17 =	sor.u32 $0x3880, s18  }
0x259: {  	[tilespmem:s17], [sflag:$0x2] =	stream.linear.gather [hbm4b:s4+s3], $0x10, $0x38;
	[tilespmem:$0x8980] =	vst v63  }
0x25a: {  	s4 =	sadd.s32 $0x7500, s18;
	s17 =	sadd.s32 s24, s12  }
0x25b: {  	[tilespmem:s4], [sflag:$0x2] =	stream.linear.gather [hbm4b:s17+s3], $0x10, $0x38;
	[tilespmem:$0x8980] =	vst v63  }
0x25c: {  	s20 =	sadd.s32 $0x7580, s18;
	s4 =	sadd.s32 $0x10, s17  }
0x25d: {  	[tilespmem:s20], [sflag:$0x2] =	stream.linear.gather [hbm4b:s4+s3], $0x10, $0x38;
	[tilespmem:$0x8980] =	vst v63  }
0x25e: {  	s4 =	sadd.s32 $0x20, s17;
	s20 =	sadd.s32 $0x7600, s18  }
0x25f: {  	[tilespmem:s20], [sflag:$0x2] =	stream.linear.gather [hbm4b:s4+s3], $0x10, $0x38;
	[tilespmem:$0x8980] =	vst v63  }
0x260: {  	s4 =	sadd.s32 $0x30, s17;
	s20 =	sadd.s32 $0x7680, s18  }
0x261: {  	[tilespmem:s20], [sflag:$0x2] =	stream.linear.gather [hbm4b:s4+s3], $0x10, $0x38;
	[tilespmem:$0x8980] =	vst v63  }
0x262: {  	s4 =	sadd.s32 $0x40, s17;
	s20 =	sadd.s32 $0x7700, s18  }
0x263: {  	[tilespmem:s20], [sflag:$0x2] =	stream.linear.gather [hbm4b:s4+s3], $0x10, $0x38;
	[tilespmem:$0x8980] =	vst v63  }
0x264: {  	s4 =	sadd.s32 $0x50, s17;
	s20 =	sadd.s32 $0x7780, s18  }
0x265: {  	[tilespmem:s20], [sflag:$0x2] =	stream.linear.gather [hbm4b:s4+s3], $0x10, $0x38;
	[tilespmem:$0x8980] =	vst v63  }
0x266: {  	s4 =	sadd.s32 $0x60, s17;
	s20 =	sor.u32 $0x7800, s18  }
0x267: {  	[tilespmem:s20], [sflag:$0x2] =	stream.linear.gather [hbm4b:s4+s3], $0x10, $0x38;
	[tilespmem:$0x8980] =	vst v63  }
0x268: {  	s4 =	sadd.s32 $0x70, s17;
	s17 =	sor.u32 $0x7880, s18  }
0x269: {  	[tilespmem:s17], [sflag:$0x2] =	stream.linear.gather [hbm4b:s4+s3], $0x10, $0x38;
	[tilespmem:$0x8980] =	vst v63  }
0x26a: {  	s25 =	sadd.s32 s16, s13;
	s4 =	sadd.s32 $0x3D00, s18  }
0x26b: {  	[tilespmem:s4], [sflag:$0x2] =	stream.linear.gather [hbm4b:s25+s3], $0x10, $0x38;
	[tilespmem:$0x8980] =	vst v63  }
0x26c: {  	s16 =	sadd.s32 $0x3D80, s18;
	s17 =	sadd.s32 $0x60, s25;
	s4 =	sadd.s32 $0x10, s25  }
0x26d: {  	[tilespmem:s16], [sflag:$0x2] =	stream.linear.gather [hbm4b:s4+s3], $0x10, $0x38;
	[tilespmem:$0x8980] =	vst v63  }
0x26e: {  	s4 =	sadd.s32 $0x20, s25;
	s16 =	sadd.s32 $0x3E00, s18  }
0x26f: {  	[tilespmem:s16], [sflag:$0x2] =	stream.linear.gather [hbm4b:s4+s3], $0x10, $0x38;
	[tilespmem:$0x8980] =	vst v63  }
0x270: {  	s4 =	sadd.s32 $0x30, s25;
	s16 =	sadd.s32 $0x3E80, s18  }
0x271: {  	[tilespmem:s16], [sflag:$0x2] =	stream.linear.gather [hbm4b:s4+s3], $0x10, $0x38;
	[tilespmem:$0x8980] =	vst v63  }
.Ltmp1:
0x272: {  	_ = 	snop;
	(pc) =	sbr.rel @p0 .LBB2_5-.Ltmp1, $4  }
0x273: {  	s4 =	sadd.s32 $0x40, s25;
	s16 =	sadd.s32 $0x3F00, s18  }
0x274: {  	[tilespmem:s16], [sflag:$0x2] =	stream.linear.gather [hbm4b:s4+s3], $0x10, $0x38;
	[tilespmem:$0x8980] =	vst v63  }
0x275: {  	s4 =	sadd.s32 $0x50, s25;
	s16 =	sadd.s32 $0x3F80, s18  }
0x276: {  	[tilespmem:s16], [sflag:$0x2] =	stream.linear.gather [hbm4b:s4+s3], $0x10, $0x38;
	[tilespmem:$0x8980] =	vst v63  }
0x277: {  	[tilespmem:s15], [sflag:$0x2] =	stream.linear.gather [hbm4b:s17+s3], $0x10, $0x38;
	[tilespmem:$0x8980] =	vst v63  }
0x278: {  	s4 =	sadd.s32 $0x70, s25;
	s5 =	sor.u32 $0x4080, s18  }
0x279: {  	[tilespmem:s5], [sflag:$0x2] =	stream.linear.gather [hbm4b:s4+s3], $0x10, $0x38;
	[tilespmem:$0x8980] =	vst v63  }
0x27a: {  	s28 =	sadd.s32 $0x7D00, s18;
	s5 =	sadd.s32 s24, s14  }
0x27b: {  	[tilespmem:s28], [sflag:$0x2] =	stream.linear.gather [hbm4b:s5+s3], $0x10, $0x38;
	[tilespmem:$0x8980] =	vst v63  }
0x27c: {  	s6 =	sadd.s32 $0x7D80, s18;
	s29 =	sadd.s32 $0x10, s5  }
0x27d: {  	[tilespmem:s6], [sflag:$0x2] =	stream.linear.gather [hbm4b:s29+s3], $0x10, $0x38;
	[tilespmem:$0x8980] =	vst v63  }
0x27e: {  	s15 =	sadd.s32 $0x7E00, s18;
	s6 =	sadd.s32 $0x20, s5  }
0x27f: {  	[tilespmem:s15], [sflag:$0x2] =	stream.linear.gather [hbm4b:s6+s3], $0x10, $0x38;
	[tilespmem:$0x8980] =	vst v63  }
0x280: {  	s17 =	sadd.s32 $0x7E80, s18;
	s16 =	sadd.s32 $0x30, s5  }
0x281: {  	[tilespmem:s17], [sflag:$0x2] =	stream.linear.gather [hbm4b:s16+s3], $0x10, $0x38;
	[tilespmem:$0x8980] =	vst v63  }
0x282: {  	s23 =	sadd.s32 $0x7F00, s18;
	s20 =	sadd.s32 $0x40, s5  }
0x283: {  	[tilespmem:s23], [sflag:$0x2] =	stream.linear.gather [hbm4b:s20+s3], $0x10, $0x38;
	[tilespmem:$0x8980] =	vst v63  }
0x284: {  	s25 =	sadd.s32 $0x7F80, s18;
	s24 =	sadd.s32 $0x50, s5  }
0x285: {  	[tilespmem:s25], [sflag:$0x2] =	stream.linear.gather [hbm4b:s24+s3], $0x10, $0x38;
	[tilespmem:$0x8980] =	vst v63  }
0x286: {  	s28 =	sadd.s32 $0x60, s5;
	s29 =	sor.u32 $0x8000, s18  }
0x287: {  	[tilespmem:s29], [sflag:$0x2] =	stream.linear.gather [hbm4b:s28+s3], $0x10, $0x38;
	[tilespmem:$0x8980] =	vst v63  }
0x288: {  	s15 =	sadd.s32 $0x70, s5;
	s16 =	sor.u32 $0x8080, s18;
	s17 =	simm.s32 $0x1  }
0x289: {  	[tilespmem:s16], [sflag:$0x2] =	stream.linear.gather [hbm4b:s15+s3], $0x10, $0x38;
	[tilespmem:$0x8980] =	vst v63  }
0x28a: {  	_ =	swait.ge [sflag:s17], $0x2000  }
0x28b: {  	[sflag:s17] =	ssyncset.done $0x0  }
0x28c: {  	[sflag:s17] =	ssyncadd.s32 $0xFFFFE000  }
0x28d: {  	_ =	swait.ge [sflag:s17], $0x2000  }
0x28e: {  	[sflag:s17] =	ssyncset.done $0x0  }
0x28f: {  	[sflag:s17] =	ssyncadd.s32 $0xFFFFE000  }
0x290: {  	v3 =	vld [tilespmem:s19+$0x0]  }
0x291: {  	v4 =	vld [tilespmem:s19+$0x280];
	_ =	sdelay $0x3  }
0x292: {  	s18 =	simm.s32 $0x0;
	s20 =	simm.s32 $0x0;
	v3 =	vand.u32 $0xF, v3  }
0x293: {  	s4 =	sand.u32 $0x7, s18;
	s5 =	sand.u32 $0xFFFFF800, s20;
	v4 =	vand.u32 $0xF, v4;
	v3 =	vor.u32 v2, v3  }
0x294: {  	s4 =	sshll.u32 s4, $0x7;
	v4 =	vor.u32 v2, v4;
	v5 =	vor.u32 s5, v3  }
0x295: {  	v6 =	vor.u32 s5, v4;
	v5 =	vor.u32 s4, v5  }
0x296: {  	v6 =	vor.u32 s4, v6;
	_ =	sdelay $0x2  }
0x297: {  	s23 =	simm.s32 $0x1;
	s24 =	simm.s32 $0x100  }
0x298: {  	s5 =	sand.u32 $0xFFFFF800, s24;
	s4 =	sand.u32 $0x7, s23;
	v7 =	vld.idx.msk [tilespmem:v5+s21+$0x0], $0xffff  }
0x299: {  	s4 =	sshll.u32 s4, $0x7;
	v5 =	vor.u32 s5, v3;
	v6 =	vld.idx.msk [tilespmem:v6+s22+$0x0], $0xffff  }
0x29a: {  	v8 =	vor.u32 s4, v5;
	v5 =	vor.u32 s5, v4  }
0x29b: {  	s25 =	simm.s32 $0x8500;
	v9 =	vor.u32 s4, v5  }
0x29c: {  	s28 =	simm.s32 $0x2;
	s29 =	simm.s32 $0x200;
	v10 =	vld [tilespmem:s25+$0x0]  }
0x29d: {  	s5 =	sand.u32 $0xFFFFF800, s29;
	s4 =	sand.u32 $0x7, s28  }
0x29e: {  	v5 =	vld [tilespmem:s19+$0x8780];
	s4 =	sshll.u32 s4, $0x7;
	v11 =	vmul.f32 v6, v7;
	v7 =	vor.u32 s5, v3  }
0x29f: {  	v12 =	vor.u32 s5, v4;
	v6 =	vld.idx.msk [tilespmem:v8+s21+$0x0], $0xffff;
	v8 =	vor.u32 s4, v7  }
0x2a0: {  	v7 =	vld.idx.msk [tilespmem:v9+s22+$0x0], $0xffff;
	v9 =	vor.u32 s4, v12  }
0x2a1: {  	s6 =	simm.s32 $0x8510;
	s5 =	simm.s32 $0x3;
	v10 =	vmul.f32 v11, v10  }
.LBB2_7:
0x2a2: {  	s4 =	sand.u32 $0x7, s5;
	s15 =	sshll.u32 s5, $0x8;
	v11 =	vld [tilespmem:s6+$0x0];
	p0 =	sne.s32 s5, $0x1F  }
.Ltmp2:
0x2a3: {  	s5 =	sadd.s32 $0x1, s5;
	s15 =	sand.u32 $0xFFFFF800, s15;
	v5 =	vadd.f32 v10, v5;
	(pc) =	sbr.rel @p0 .LBB2_7-.Ltmp2, $4  }
0x2a4: {  	s4 =	sshll.u32 s4, $0x7;
	v12 =	vmov v6;
	v10 =	vor.u32 s15, v3;
	v6 =	vld.idx.msk [tilespmem:v8+s21+$0x0], $0xffff  }
0x2a5: {  	v12 =	vmul.f32 v7, v12;
	v8 =	vor.u32 s4, v10;
	v10 =	vor.u32 s15, v4;
	v7 =	vld.idx.msk [tilespmem:v9+s22+$0x0], $0xffff  }
0x2a6: {  	v9 =	vor.u32 s4, v10  }
0x2a7: {  	s6 =	sadd.s32 $0x10, s6;
	v10 =	vmul.f32 v12, v11  }
0x2a8: {  	_ =	sdelay $0x2  }
0x2a9: {  	v3 =	vld [tilespmem:s6+$0x0]  }
0x2aa: {  	v4 =	vld.idx.msk [tilespmem:v8+s21+$0x0], $0xffff  }
0x2ab: {  	v61 =	vld.idx.msk [tilespmem:v9+s22+$0x0], $0xffff  }
0x2ac: {  	s4 =	sadd.s32 $0x10, s6  }
0x2ad: {  	v62 =	vld [tilespmem:s4+$0x0]  }
0x2ae: {  	v6 =	vmul.f32 v7, v6;
	_ =	sdelay $0x1  }
0x2af: {  	v5 =	vadd.f32 v10, v5;
	v3 =	vmul.f32 v6, v3;
	v4 =	vmul.f32 v61, v4;
	_ =	sdelay $0x1  }
0x2b0: {  	v3 =	vadd.f32 v3, v5;
	v4 =	vmul.f32 v4, v62;
	_ =	sdelay $0x1  }
0x2b1: {  	v3 =	vadd.f32 v4, v3;
	_ =	sdelay $0x1  }
0x2b2: {  	[tilespmem:s19+$0x8780] =	vst v3  }
0x2b3: {  	v3 =	vld [tilespmem:s30+$0x0];
	_ =	sdelay $0x2  }
0x2b4: {  	v63 =	vld [tilespmem:s31+$0x0];
	_ =	sdelay $0x1  }
0x2b5: {  	(v2sf) =	vpush v3, $0x0;
	_ =	sdelay $0x2  }
0x2b6: {  	(v2sf) =	vpush v63, $0x0;
	_ =	sdelay $0x9  }
0x2b7: {  	s18 =	simm.s32 $0x0  }
0x2b8: {  	s24 =	sand.u32 $0x70, s18;
	s5 =	sand.u32 $0x400, s18  }
0x2b9: {  	s19 =	sor.u32 s24, s5;
	s25 =	spop (v2sf)  }
0x2ba: {  	s29 =	sadd.s32 $0x500, s19;
	s20 =	sand.u32 $0xF, s25  }
0x2bb: {  	s15 =	sshra.s32 s25, $0x1F;
	p0 =	slt.s32 s25, $0x1;
	p1 =	sne.s32 s20, $0x0  }
0x2bc: {  	s23 =	spop (v2sf);
	s15 =	sshrl.u32 s15, $0x1C;
	p0 =	por !p0, !p1  }
0x2bd: {  	s4 =	sadd.s32 s15, s25;
	s15 =	simm.s32 $0x1;
	p0 =	por !p0, !p0  }
0x2be: {  	s16 =	sshra.s32 s23, $0x1F;
	s4 =	sshra.s32 s4, $0x4;
	s15 =	simm.s32 @!p0 $0x0  }
0x2bf: {  	s17 =	sand.u32 $0xF, s23;
	p5 =	slt.s32 s23, $0x1;
	s4 =	ssub.s32 s4, s15  }
0x2c0: {  	s16 =	sshrl.u32 s16, $0x1C;
	s15 =	sshll.u32 s4, $0x7;
	s4 =	sshll.u32 s4, $0x4  }
0x2c1: {  	p6 =	sne.s32 s17, $0x0;
	s15 =	sand.u32 $0xFFFFFC00, s15;
	s4 =	sand.u32 $0x70, s4  }
0x2c2: {  	s25 =	sadd.s32 $0x580, s19;
	s16 =	sadd.s32 s16, s23;
	s4 =	sor.u32 s4, s15  }
0x2c3: {  	p0 =	por !p5, !p6;
	s24 =	sshra.s32 s16, $0x4;
	s5 =	sshrl.u32 s4, $0x3  }
0x2c4: {  	p0 =	por !p0, !p0;
	s15 =	simm.s32 $0x1;
	s16 =	sadd.s32 s1, s5  }
0x2c5: {  	[tilespmem:s29], [sflag:$0x1] =	stream.linear.gather [hbm4b:s16+s3], $0x10, $0x38;
	[tilespmem:$0x8980] =	vst v63  }
0x2c6: {  	s17 =	sadd.s32 $0x600, s19;
	s15 =	simm.s32 @!p0 $0x0;
	s29 =	sadd.s32 $0x10, s16  }
0x2c7: {  	[tilespmem:s25], [sflag:$0x1] =	stream.linear.gather [hbm4b:s29+s3], $0x10, $0x38;
	[tilespmem:$0x8980] =	vst v63  }
0x2c8: {  	s4 =	ssub.s32 s24, s15;
	s24 =	sadd.s32 $0x680, s19;
	s20 =	sadd.s32 $0x20, s16  }
0x2c9: {  	[tilespmem:s17], [sflag:$0x1] =	stream.linear.gather [hbm4b:s20+s3], $0x10, $0x38;
	[tilespmem:$0x8980] =	vst v63  }
0x2ca: {  	s15 =	sshll.u32 s4, $0x4;
	s4 =	sshll.u32 s4, $0x7;
	s23 =	sadd.s32 $0x30, s16  }
0x2cb: {  	[tilespmem:s24], [sflag:$0x1] =	stream.linear.gather [hbm4b:s23+s3], $0x10, $0x38;
	[tilespmem:$0x8980] =	vst v63  }
0x2cc: {  	s4 =	sand.u32 $0xFFFFFC00, s4;
	s25 =	sadd.s32 $0x40, s16;
	s29 =	sadd.s32 $0x700, s19  }
0x2cd: {  	[tilespmem:s29], [sflag:$0x1] =	stream.linear.gather [hbm4b:s25+s3], $0x10, $0x38;
	[tilespmem:$0x8980] =	vst v63  }
0x2ce: {  	s20 =	sand.u32 $0x70, s15;
	s23 =	sadd.s32 $0x50, s16;
	s24 =	sadd.s32 $0x780, s19  }
0x2cf: {  	[tilespmem:s24], [sflag:$0x1] =	stream.linear.gather [hbm4b:s23+s3], $0x10, $0x38;
	[tilespmem:$0x8980] =	vst v63  }
0x2d0: {  	s4 =	sor.u32 s20, s4;
	s25 =	sadd.s32 $0x60, s16;
	s29 =	sor.u32 $0x800, s19  }
0x2d1: {  	[tilespmem:s29], [sflag:$0x1] =	stream.linear.gather [hbm4b:s25+s3], $0x10, $0x38;
	[tilespmem:$0x8980] =	vst v63  }
0x2d2: {  	s17 =	sadd.s32 $0x70, s16;
	s20 =	sor.u32 $0x880, s19;
	s24 =	sshrl.u32 s4, $0x3  }
0x2d3: {  	[tilespmem:s20], [sflag:$0x1] =	stream.linear.gather [hbm4b:s17+s3], $0x10, $0x38;
	[tilespmem:$0x8980] =	vst v63  }
0x2d4: {  	s23 =	sadd.s32 $0x4500, s19;
	s6 =	sadd.s32 s2, s24  }
0x2d5: {  	[tilespmem:s23], [sflag:$0x1] =	stream.linear.gather [hbm4b:s6+s3], $0x10, $0x38;
	[tilespmem:$0x8980] =	vst v63  }
0x2d6: {  	s25 =	sadd.s32 $0x10, s6;
	s29 =	sadd.s32 $0x4580, s19  }
0x2d7: {  	[tilespmem:s29], [sflag:$0x1] =	stream.linear.gather [hbm4b:s25+s3], $0x10, $0x38;
	[tilespmem:$0x8980] =	vst v63  }
0x2d8: {  	s16 =	sadd.s32 $0x20, s6;
	s17 =	sadd.s32 $0x4600, s19  }
0x2d9: {  	[tilespmem:s17], [sflag:$0x1] =	stream.linear.gather [hbm4b:s16+s3], $0x10, $0x38;
	[tilespmem:$0x8980] =	vst v63  }
0x2da: {  	s20 =	sadd.s32 $0x30, s6;
	s23 =	sadd.s32 $0x4680, s19  }
0x2db: {  	[tilespmem:s23], [sflag:$0x1] =	stream.linear.gather [hbm4b:s20+s3], $0x10, $0x38;
	[tilespmem:$0x8980] =	vst v63  }
0x2dc: {  	s25 =	sadd.s32 $0x40, s6;
	s29 =	sadd.s32 $0x4700, s19  }
0x2dd: {  	[tilespmem:s29], [sflag:$0x1] =	stream.linear.gather [hbm4b:s25+s3], $0x10, $0x38;
	[tilespmem:$0x8980] =	vst v63  }
0x2de: {  	s16 =	sadd.s32 $0x50, s6;
	s17 =	sadd.s32 $0x4780, s19  }
0x2df: {  	[tilespmem:s17], [sflag:$0x1] =	stream.linear.gather [hbm4b:s16+s3], $0x10, $0x38;
	[tilespmem:$0x8980] =	vst v63  }
0x2e0: {  	s20 =	sadd.s32 $0x60, s6;
	s23 =	sor.u32 $0x4800, s19  }
0x2e1: {  	[tilespmem:s23], [sflag:$0x1] =	stream.linear.gather [hbm4b:s20+s3], $0x10, $0x38;
	[tilespmem:$0x8980] =	vst v63  }
0x2e2: {  	s25 =	sadd.s32 $0x70, s6;
	s29 =	sor.u32 $0x4880, s19  }
0x2e3: {  	[tilespmem:s29], [sflag:$0x1] =	stream.linear.gather [hbm4b:s25+s3], $0x10, $0x38;
	[tilespmem:$0x8980] =	vst v63  }
0x2e4: {  	s15 =	sadd.s32 $0xD00, s19;
	s6 =	sadd.s32 s5, s9  }
0x2e5: {  	[tilespmem:s15], [sflag:$0x1] =	stream.linear.gather [hbm4b:s6+s3], $0x10, $0x38;
	[tilespmem:$0x8980] =	vst v63  }
0x2e6: {  	s16 =	sadd.s32 $0x10, s6;
	s17 =	sadd.s32 $0xD80, s19  }
0x2e7: {  	[tilespmem:s17], [sflag:$0x1] =	stream.linear.gather [hbm4b:s16+s3], $0x10, $0x38;
	[tilespmem:$0x8980] =	vst v63  }
0x2e8: {  	s20 =	sadd.s32 $0x20, s6;
	s23 =	sadd.s32 $0xE00, s19  }
0x2e9: {  	[tilespmem:s23], [sflag:$0x1] =	stream.linear.gather [hbm4b:s20+s3], $0x10, $0x38;
	[tilespmem:$0x8980] =	vst v63  }
0x2ea: {  	s25 =	sadd.s32 $0x30, s6;
	s29 =	sadd.s32 $0xE80, s19  }
0x2eb: {  	[tilespmem:s29], [sflag:$0x1] =	stream.linear.gather [hbm4b:s25+s3], $0x10, $0x38;
	[tilespmem:$0x8980] =	vst v63  }
0x2ec: {  	s16 =	sadd.s32 $0x40, s6;
	s17 =	sadd.s32 $0xF00, s19  }
0x2ed: {  	[tilespmem:s17], [sflag:$0x1] =	stream.linear.gather [hbm4b:s16+s3], $0x10, $0x38;
	[tilespmem:$0x8980] =	vst v63  }
0x2ee: {  	s20 =	sadd.s32 $0x50, s6;
	s23 =	sadd.s32 $0xF80, s19  }
0x2ef: {  	[tilespmem:s23], [sflag:$0x1] =	stream.linear.gather [hbm4b:s20+s3], $0x10, $0x38;
	[tilespmem:$0x8980] =	vst v63  }
0x2f0: {  	s25 =	sadd.s32 $0x60, s6;
	s29 =	sor.u32 $0x1000, s19  }
0x2f1: {  	[tilespmem:s29], [sflag:$0x1] =	stream.linear.gather [hbm4b:s25+s3], $0x10, $0x38;
	[tilespmem:$0x8980] =	vst v63  }
0x2f2: {  	s15 =	sadd.s32 $0x70, s6;
	s16 =	sor.u32 $0x1080, s19  }
0x2f3: {  	[tilespmem:s16], [sflag:$0x1] =	stream.linear.gather [hbm4b:s15+s3], $0x10, $0x38;
	[tilespmem:$0x8980] =	vst v63  }
0x2f4: {  	s6 =	sadd.s32 s24, s10;
	s17 =	sadd.s32 $0x4D00, s19  }
0x2f5: {  	[tilespmem:s17], [sflag:$0x1] =	stream.linear.gather [hbm4b:s6+s3], $0x10, $0x38;
	[tilespmem:$0x8980] =	vst v63  }
0x2f6: {  	s20 =	sadd.s32 $0x10, s6;
	s23 =	sadd.s32 $0x4D80, s19  }
0x2f7: {  	[tilespmem:s23], [sflag:$0x1] =	stream.linear.gather [hbm4b:s20+s3], $0x10, $0x38;
	[tilespmem:$0x8980] =	vst v63  }
0x2f8: {  	s25 =	sadd.s32 $0x20, s6;
	s29 =	sadd.s32 $0x4E00, s19  }
0x2f9: {  	[tilespmem:s29], [sflag:$0x1] =	stream.linear.gather [hbm4b:s25+s3], $0x10, $0x38;
	[tilespmem:$0x8980] =	vst v63  }
0x2fa: {  	s16 =	sadd.s32 $0x30, s6;
	s17 =	sadd.s32 $0x4E80, s19  }
0x2fb: {  	[tilespmem:s17], [sflag:$0x1] =	stream.linear.gather [hbm4b:s16+s3], $0x10, $0x38;
	[tilespmem:$0x8980] =	vst v63  }
0x2fc: {  	s20 =	sadd.s32 $0x40, s6;
	s23 =	sadd.s32 $0x4F00, s19  }
0x2fd: {  	[tilespmem:s23], [sflag:$0x1] =	stream.linear.gather [hbm4b:s20+s3], $0x10, $0x38;
	[tilespmem:$0x8980] =	vst v63  }
0x2fe: {  	s25 =	sadd.s32 $0x50, s6;
	s29 =	sadd.s32 $0x4F80, s19  }
0x2ff: {  	[tilespmem:s29], [sflag:$0x1] =	stream.linear.gather [hbm4b:s25+s3], $0x10, $0x38;
	[tilespmem:$0x8980] =	vst v63  }
0x300: {  	s15 =	sadd.s32 $0x60, s6;
	s16 =	sor.u32 $0x5000, s19  }
0x301: {  	[tilespmem:s16], [sflag:$0x1] =	stream.linear.gather [hbm4b:s15+s3], $0x10, $0x38;
	[tilespmem:$0x8980] =	vst v63  }
0x302: {  	s17 =	sadd.s32 $0x70, s6;
	s20 =	sor.u32 $0x5080, s19  }
0x303: {  	[tilespmem:s20], [sflag:$0x1] =	stream.linear.gather [hbm4b:s17+s3], $0x10, $0x38;
	[tilespmem:$0x8980] =	vst v63  }
0x304: {  	s6 =	sadd.s32 s5, s11;
	s23 =	sadd.s32 $0x1500, s19  }
0x305: {  	[tilespmem:s23], [sflag:$0x1] =	stream.linear.gather [hbm4b:s6+s3], $0x10, $0x38;
	[tilespmem:$0x8980] =	vst v63  }
0x306: {  	s25 =	sadd.s32 $0x10, s6;
	s29 =	sadd.s32 $0x1580, s19  }
0x307: {  	[tilespmem:s29], [sflag:$0x1] =	stream.linear.gather [hbm4b:s25+s3], $0x10, $0x38;
	[tilespmem:$0x8980] =	vst v63  }
0x308: {  	s16 =	sadd.s32 $0x20, s6;
	s17 =	sadd.s32 $0x1600, s19  }
0x309: {  	[tilespmem:s17], [sflag:$0x1] =	stream.linear.gather [hbm4b:s16+s3], $0x10, $0x38;
	[tilespmem:$0x8980] =	vst v63  }
0x30a: {  	s20 =	sadd.s32 $0x30, s6;
	s23 =	sadd.s32 $0x1680, s19  }
0x30b: {  	[tilespmem:s23], [sflag:$0x1] =	stream.linear.gather [hbm4b:s20+s3], $0x10, $0x38;
	[tilespmem:$0x8980] =	vst v63  }
0x30c: {  	s25 =	sadd.s32 $0x40, s6;
	s29 =	sadd.s32 $0x1700, s19  }
0x30d: {  	[tilespmem:s29], [sflag:$0x1] =	stream.linear.gather [hbm4b:s25+s3], $0x10, $0x38;
	[tilespmem:$0x8980] =	vst v63  }
0x30e: {  	s16 =	sadd.s32 $0x50, s6;
	s17 =	sadd.s32 $0x1780, s19  }
0x30f: {  	[tilespmem:s17], [sflag:$0x1] =	stream.linear.gather [hbm4b:s16+s3], $0x10, $0x38;
	[tilespmem:$0x8980] =	vst v63  }
0x310: {  	s20 =	sadd.s32 $0x60, s6;
	s23 =	sor.u32 $0x1800, s19  }
0x311: {  	[tilespmem:s23], [sflag:$0x1] =	stream.linear.gather [hbm4b:s20+s3], $0x10, $0x38;
	[tilespmem:$0x8980] =	vst v63  }
0x312: {  	s25 =	sadd.s32 $0x70, s6;
	s29 =	sor.u32 $0x1880, s19  }
0x313: {  	[tilespmem:s29], [sflag:$0x1] =	stream.linear.gather [hbm4b:s25+s3], $0x10, $0x38;
	[tilespmem:$0x8980] =	vst v63  }
0x314: {  	s15 =	sadd.s32 $0x5500, s19;
	s6 =	sadd.s32 s24, s12  }
0x315: {  	[tilespmem:s15], [sflag:$0x1] =	stream.linear.gather [hbm4b:s6+s3], $0x10, $0x38;
	[tilespmem:$0x8980] =	vst v63  }
0x316: {  	s16 =	sadd.s32 $0x10, s6;
	s17 =	sadd.s32 $0x5580, s19  }
0x317: {  	[tilespmem:s17], [sflag:$0x1] =	stream.linear.gather [hbm4b:s16+s3], $0x10, $0x38;
	[tilespmem:$0x8980] =	vst v63  }
0x318: {  	s20 =	sadd.s32 $0x20, s6;
	s23 =	sadd.s32 $0x5600, s19  }
0x319: {  	[tilespmem:s23], [sflag:$0x1] =	stream.linear.gather [hbm4b:s20+s3], $0x10, $0x38;
	[tilespmem:$0x8980] =	vst v63  }
0x31a: {  	s25 =	sadd.s32 $0x30, s6;
	s29 =	sadd.s32 $0x5680, s19  }
0x31b: {  	[tilespmem:s29], [sflag:$0x1] =	stream.linear.gather [hbm4b:s25+s3], $0x10, $0x38;
	[tilespmem:$0x8980] =	vst v63  }
0x31c: {  	s16 =	sadd.s32 $0x40, s6;
	s17 =	sadd.s32 $0x5700, s19  }
0x31d: {  	[tilespmem:s17], [sflag:$0x1] =	stream.linear.gather [hbm4b:s16+s3], $0x10, $0x38;
	[tilespmem:$0x8980] =	vst v63  }
0x31e: {  	s20 =	sadd.s32 $0x50, s6;
	s23 =	sadd.s32 $0x5780, s19  }
0x31f: {  	[tilespmem:s23], [sflag:$0x1] =	stream.linear.gather [hbm4b:s20+s3], $0x10, $0x38;
	[tilespmem:$0x8980] =	vst v63  }
0x320: {  	s25 =	sadd.s32 $0x60, s6;
	s29 =	sor.u32 $0x5800, s19  }
0x321: {  	[tilespmem:s29], [sflag:$0x1] =	stream.linear.gather [hbm4b:s25+s3], $0x10, $0x38;
	[tilespmem:$0x8980] =	vst v63  }
0x322: {  	s16 =	sadd.s32 $0x70, s6;
	s17 =	sor.u32 $0x5880, s19  }
0x323: {  	[tilespmem:s17], [sflag:$0x1] =	stream.linear.gather [hbm4b:s16+s3], $0x10, $0x38;
	[tilespmem:$0x8980] =	vst v63  }
0x324: {  	s20 =	sadd.s32 $0x1D00, s19;
	s25 =	sadd.s32 s5, s13  }
0x325: {  	[tilespmem:s20], [sflag:$0x1] =	stream.linear.gather [hbm4b:s25+s3], $0x10, $0x38;
	[tilespmem:$0x8980] =	vst v63  }
0x326: {  	s28 =	smov.u32 s31;
	s29 =	sadd.s32 $0x1D80, s19;
	s23 =	sadd.s32 $0x10, s25  }
0x327: {  	[tilespmem:s29], [sflag:$0x1] =	stream.linear.gather [hbm4b:s23+s3], $0x10, $0x38;
	[tilespmem:$0x8980] =	vst v63  }
0x328: {  	s6 =	sadd.s32 $0x1E00, s19;
	s5 =	sadd.s32 $0x20, s25;
	s15 =	sadd.s32 $0x30, s25  }
0x329: {  	[tilespmem:s6], [sflag:$0x1] =	stream.linear.gather [hbm4b:s5+s3], $0x10, $0x38;
	[tilespmem:$0x8980] =	vst v63  }
0x32a: {  	s16 =	sadd.s32 $0x1E80, s19;
	s17 =	sadd.s32 $0x40, s25;
	s20 =	sadd.s32 $0x1F00, s19  }
0x32b: {  	[tilespmem:s16], [sflag:$0x1] =	stream.linear.gather [hbm4b:s15+s3], $0x10, $0x38;
	[tilespmem:$0x8980] =	vst v63  }
0x32c: {  	s23 =	sadd.s32 $0x50, s25;
	s29 =	sadd.s32 $0x1F80, s19;
	s5 =	simm.s32 $0x10  }
0x32d: {  	[tilespmem:s20], [sflag:$0x1] =	stream.linear.gather [hbm4b:s17+s3], $0x10, $0x38;
	[tilespmem:$0x8980] =	vst v63  }
0x32e: {  	s6 =	smov.u32 s30;
	s15 =	sor.u32 $0x2000, s19;
	s17 =	sadd.s32 $0x60, s25  }
0x32f: {  	[tilespmem:s29], [sflag:$0x1] =	stream.linear.gather [hbm4b:s23+s3], $0x10, $0x38;
	[tilespmem:$0x8980] =	vst v63  }
.LBB2_9:
0x330: {  	s18 =	sadd.s32 $0x80, s18  }
0x331: {  	s6 =	sadd.s32 $0x1, s6;
	s28 =	sadd.s32 $0x1, s28;
	s16 =	smov.u32 s5  }
0x332: {  	[tilespmem:s15], [sflag:$0x1] =	stream.linear.gather [hbm4b:s17+s3], $0x10, $0x38;
	[tilespmem:$0x8980] =	vst v63  }
0x333: {  	p0 =	sne.s32 s5, $0xF0;
	s4 =	sadd.s32 $0x70, s25;
	s15 =	sor.u32 $0x2080, s19  }
0x334: {  	[tilespmem:s15], [sflag:$0x1] =	stream.linear.gather [hbm4b:s4+s3], $0x10, $0x38;
	[tilespmem:$0x8980] =	vst v63  }
0x335: {  	s5 =	sadd.s32 $0x10, s5;
	s4 =	sadd.s32 $0x5D00, s19;
	s15 =	sadd.s32 s24, s14  }
0x336: {  	[tilespmem:s4], [sflag:$0x1] =	stream.linear.gather [hbm4b:s15+s3], $0x10, $0x38;
	[tilespmem:$0x8980] =	vst v63  }
0x337: {  	s17 =	sadd.s32 $0x5D80, s19;
	s4 =	sadd.s32 $0x10, s15  }
0x338: {  	[tilespmem:s17], [sflag:$0x1] =	stream.linear.gather [hbm4b:s4+s3], $0x10, $0x38;
	[tilespmem:$0x8980] =	vst v63  }
0x339: {  	s4 =	sadd.s32 $0x20, s15;
	s17 =	sadd.s32 $0x5E00, s19  }
0x33a: {  	[tilespmem:s17], [sflag:$0x1] =	stream.linear.gather [hbm4b:s4+s3], $0x10, $0x38;
	[tilespmem:$0x8980] =	vst v63  }
0x33b: {  	s4 =	sadd.s32 $0x30, s15;
	s17 =	sadd.s32 $0x5E80, s19  }
0x33c: {  	[tilespmem:s17], [sflag:$0x1] =	stream.linear.gather [hbm4b:s4+s3], $0x10, $0x38;
	[tilespmem:$0x8980] =	vst v63  }
0x33d: {  	s4 =	sadd.s32 $0x40, s15;
	s17 =	sadd.s32 $0x5F00, s19  }
0x33e: {  	[tilespmem:s17], [sflag:$0x1] =	stream.linear.gather [hbm4b:s4+s3], $0x10, $0x38;
	[tilespmem:$0x8980] =	vst v63  }
0x33f: {  	s4 =	sadd.s32 $0x50, s15;
	s17 =	sadd.s32 $0x5F80, s19  }
0x340: {  	[tilespmem:s17], [sflag:$0x1] =	stream.linear.gather [hbm4b:s4+s3], $0x10, $0x38;
	[tilespmem:$0x8980] =	vst v63  }
0x341: {  	s4 =	sadd.s32 $0x60, s15;
	s17 =	sor.u32 $0x6000, s19  }
0x342: {  	[tilespmem:s17], [sflag:$0x1] =	stream.linear.gather [hbm4b:s4+s3], $0x10, $0x38;
	[tilespmem:$0x8980] =	vst v63  }
0x343: {  	s4 =	sadd.s32 $0x70, s15;
	s15 =	sor.u32 $0x6080, s19  }
0x344: {  	[tilespmem:s15], [sflag:$0x1] =	stream.linear.gather [hbm4b:s4+s3], $0x10, $0x38;
	[tilespmem:$0x8980] =	vst v63  }
0x345: {  	v3 =	vld [tilespmem:s6+$0x0]  }
0x346: {  	v4 =	vld [tilespmem:s28+$0x0];
	_ =	sdelay $0x3  }
0x347: {  	(v2sf) =	vpush v3, $0x0  }
0x348: {  	(v2sf) =	vpush v4, $0x0;
	_ =	sdelay $0xb  }
0x349: {  	s4 =	sand.u32 $0x70, s16;
	s15 =	sand.u32 $0x400, s18  }
0x34a: {  	s19 =	sor.u32 s4, s15  }
0x34b: {  	s24 =	simm.s32 $0x1;
	s17 =	sadd.s32 $0x500, s19;
	s4 =	spop (v2sf)  }
0x34c: {  	s15 =	sand.u32 $0xF, s4;
	s16 =	spop (v2sf);
	s20 =	sshra.s32 s4, $0x1F  }
0x34d: {  	s23 =	sadd.s32 $0x600, s19;
	p1 =	slt.s32 s4, $0x1;
	s20 =	sshrl.u32 s20, $0x1C  }
0x34e: {  	p2 =	sne.s32 s15, $0x0;
	s15 =	sand.u32 $0xF, s16;
	s4 =	sadd.s32 s20, s4  }
0x34f: {  	p1 =	por !p1, !p2;
	s20 =	sshra.s32 s16, $0x1F;
	p2 =	slt.s32 s16, $0x1  }
0x350: {  	p1 =	por !p1, !p1;
	s20 =	sshrl.u32 s20, $0x1C;
	s4 =	sshra.s32 s4, $0x4  }
0x351: {  	s24 =	simm.s32 @!p1 $0x0;
	p1 =	sne.s32 s15, $0x0;
	s15 =	sadd.s32 s20, s16  }
0x352: {  	s20 =	simm.s32 $0x1;
	s4 =	ssub.s32 s4, s24;
	p1 =	por !p2, !p1  }
0x353: {  	s16 =	sshll.u32 s4, $0x7;
	s4 =	sshll.u32 s4, $0x4;
	p1 =	por !p1, !p1  }
0x354: {  	s16 =	sand.u32 $0xFFFFFC00, s16;
	s4 =	sand.u32 $0x70, s4;
	s20 =	simm.s32 @!p1 $0x0  }
0x355: {  	s24 =	sadd.s32 $0x580, s19;
	s15 =	sshra.s32 s15, $0x4;
	s4 =	sor.u32 s4, s16  }
0x356: {  	s16 =	sshrl.u32 s4, $0x3;
	s4 =	ssub.s32 s15, s20;
	s15 =	sor.u32 $0x2000, s19  }
0x357: {  	s20 =	sadd.s32 s1, s16;
	s25 =	sshll.u32 s4, $0x4;
	s4 =	sshll.u32 s4, $0x7  }
0x358: {  	[tilespmem:s17], [sflag:$0x1] =	stream.linear.gather [hbm4b:s20+s3], $0x10, $0x38;
	[tilespmem:$0x8980] =	vst v63  }
0x359: {  	s4 =	sand.u32 $0xFFFFFC00, s4;
	s25 =	sand.u32 $0x70, s25;
	s17 =	sadd.s32 $0x10, s20  }
0x35a: {  	[tilespmem:s24], [sflag:$0x1] =	stream.linear.gather [hbm4b:s17+s3], $0x10, $0x38;
	[tilespmem:$0x8980] =	vst v63  }
0x35b: {  	s4 =	sor.u32 s25, s4;
	s17 =	sadd.s32 $0x20, s20  }
0x35c: {  	[tilespmem:s23], [sflag:$0x1] =	stream.linear.gather [hbm4b:s17+s3], $0x10, $0x38;
	[tilespmem:$0x8980] =	vst v63  }
0x35d: {  	s24 =	sshrl.u32 s4, $0x3;
	s17 =	sadd.s32 $0x30, s20;
	s23 =	sadd.s32 $0x680, s19  }
0x35e: {  	[tilespmem:s23], [sflag:$0x1] =	stream.linear.gather [hbm4b:s17+s3], $0x10, $0x38;
	[tilespmem:$0x8980] =	vst v63  }
0x35f: {  	s4 =	sadd.s32 $0x40, s20;
	s17 =	sadd.s32 $0x700, s19  }
0x360: {  	[tilespmem:s17], [sflag:$0x1] =	stream.linear.gather [hbm4b:s4+s3], $0x10, $0x38;
	[tilespmem:$0x8980] =	vst v63  }
0x361: {  	s4 =	sadd.s32 $0x50, s20;
	s17 =	sadd.s32 $0x780, s19  }
0x362: {  	[tilespmem:s17], [sflag:$0x1] =	stream.linear.gather [hbm4b:s4+s3], $0x10, $0x38;
	[tilespmem:$0x8980] =	vst v63  }
0x363: {  	s4 =	sadd.s32 $0x60, s20;
	s17 =	sor.u32 $0x800, s19  }
0x364: {  	[tilespmem:s17], [sflag:$0x1] =	stream.linear.gather [hbm4b:s4+s3], $0x10, $0x38;
	[tilespmem:$0x8980] =	vst v63  }
0x365: {  	s4 =	sadd.s32 $0x70, s20;
	s17 =	sor.u32 $0x880, s19  }
0x366: {  	[tilespmem:s17], [sflag:$0x1] =	stream.linear.gather [hbm4b:s4+s3], $0x10, $0x38;
	[tilespmem:$0x8980] =	vst v63  }
0x367: {  	s4 =	sadd.s32 $0x4500, s19;
	s17 =	sadd.s32 s2, s24  }
0x368: {  	[tilespmem:s4], [sflag:$0x1] =	stream.linear.gather [hbm4b:s17+s3], $0x10, $0x38;
	[tilespmem:$0x8980] =	vst v63  }
0x369: {  	s20 =	sadd.s32 $0x4580, s19;
	s4 =	sadd.s32 $0x10, s17  }
0x36a: {  	[tilespmem:s20], [sflag:$0x1] =	stream.linear.gather [hbm4b:s4+s3], $0x10, $0x38;
	[tilespmem:$0x8980] =	vst v63  }
0x36b: {  	s4 =	sadd.s32 $0x20, s17;
	s20 =	sadd.s32 $0x4600, s19  }
0x36c: {  	[tilespmem:s20], [sflag:$0x1] =	stream.linear.gather [hbm4b:s4+s3], $0x10, $0x38;
	[tilespmem:$0x8980] =	vst v63  }
0x36d: {  	s4 =	sadd.s32 $0x30, s17;
	s20 =	sadd.s32 $0x4680, s19  }
0x36e: {  	[tilespmem:s20], [sflag:$0x1] =	stream.linear.gather [hbm4b:s4+s3], $0x10, $0x38;
	[tilespmem:$0x8980] =	vst v63  }
0x36f: {  	s4 =	sadd.s32 $0x40, s17;
	s20 =	sadd.s32 $0x4700, s19  }
0x370: {  	[tilespmem:s20], [sflag:$0x1] =	stream.linear.gather [hbm4b:s4+s3], $0x10, $0x38;
	[tilespmem:$0x8980] =	vst v63  }
0x371: {  	s4 =	sadd.s32 $0x50, s17;
	s20 =	sadd.s32 $0x4780, s19  }
0x372: {  	[tilespmem:s20], [sflag:$0x1] =	stream.linear.gather [hbm4b:s4+s3], $0x10, $0x38;
	[tilespmem:$0x8980] =	vst v63  }
0x373: {  	s4 =	sadd.s32 $0x60, s17;
	s20 =	sor.u32 $0x4800, s19  }
0x374: {  	[tilespmem:s20], [sflag:$0x1] =	stream.linear.gather [hbm4b:s4+s3], $0x10, $0x38;
	[tilespmem:$0x8980] =	vst v63  }
0x375: {  	s4 =	sadd.s32 $0x70, s17;
	s17 =	sor.u32 $0x4880, s19  }
0x376: {  	[tilespmem:s17], [sflag:$0x1] =	stream.linear.gather [hbm4b:s4+s3], $0x10, $0x38;
	[tilespmem:$0x8980] =	vst v63  }
0x377: {  	s4 =	sadd.s32 $0xD00, s19;
	s17 =	sadd.s32 s16, s9  }
0x378: {  	[tilespmem:s4], [sflag:$0x1] =	stream.linear.gather [hbm4b:s17+s3], $0x10, $0x38;
	[tilespmem:$0x8980] =	vst v63  }
0x379: {  	s20 =	sadd.s32 $0xD80, s19;
	s4 =	sadd.s32 $0x10, s17  }
0x37a: {  	[tilespmem:s20], [sflag:$0x1] =	stream.linear.gather [hbm4b:s4+s3], $0x10, $0x38;
	[tilespmem:$0x8980] =	vst v63  }
0x37b: {  	s4 =	sadd.s32 $0x20, s17;
	s20 =	sadd.s32 $0xE00, s19  }
0x37c: {  	[tilespmem:s20], [sflag:$0x1] =	stream.linear.gather [hbm4b:s4+s3], $0x10, $0x38;
	[tilespmem:$0x8980] =	vst v63  }
0x37d: {  	s4 =	sadd.s32 $0x30, s17;
	s20 =	sadd.s32 $0xE80, s19  }
0x37e: {  	[tilespmem:s20], [sflag:$0x1] =	stream.linear.gather [hbm4b:s4+s3], $0x10, $0x38;
	[tilespmem:$0x8980] =	vst v63  }
0x37f: {  	s4 =	sadd.s32 $0x40, s17;
	s20 =	sadd.s32 $0xF00, s19  }
0x380: {  	[tilespmem:s20], [sflag:$0x1] =	stream.linear.gather [hbm4b:s4+s3], $0x10, $0x38;
	[tilespmem:$0x8980] =	vst v63  }
0x381: {  	s4 =	sadd.s32 $0x50, s17;
	s20 =	sadd.s32 $0xF80, s19  }
0x382: {  	[tilespmem:s20], [sflag:$0x1] =	stream.linear.gather [hbm4b:s4+s3], $0x10, $0x38;
	[tilespmem:$0x8980] =	vst v63  }
0x383: {  	s4 =	sadd.s32 $0x60, s17;
	s20 =	sor.u32 $0x1000, s19  }
0x384: {  	[tilespmem:s20], [sflag:$0x1] =	stream.linear.gather [hbm4b:s4+s3], $0x10, $0x38;
	[tilespmem:$0x8980] =	vst v63  }
0x385: {  	s4 =	sadd.s32 $0x70, s17;
	s17 =	sor.u32 $0x1080, s19  }
0x386: {  	[tilespmem:s17], [sflag:$0x1] =	stream.linear.gather [hbm4b:s4+s3], $0x10, $0x38;
	[tilespmem:$0x8980] =	vst v63  }
0x387: {  	s4 =	sadd.s32 $0x4D00, s19;
	s17 =	sadd.s32 s24, s10  }
0x388: {  	[tilespmem:s4], [sflag:$0x1] =	stream.linear.gather [hbm4b:s17+s3], $0x10, $0x38;
	[tilespmem:$0x8980] =	vst v63  }
0x389: {  	s20 =	sadd.s32 $0x4D80, s19;
	s4 =	sadd.s32 $0x10, s17  }
0x38a: {  	[tilespmem:s20], [sflag:$0x1] =	stream.linear.gather [hbm4b:s4+s3], $0x10, $0x38;
	[tilespmem:$0x8980] =	vst v63  }
0x38b: {  	s4 =	sadd.s32 $0x20, s17;
	s20 =	sadd.s32 $0x4E00, s19  }
0x38c: {  	[tilespmem:s20], [sflag:$0x1] =	stream.linear.gather [hbm4b:s4+s3], $0x10, $0x38;
	[tilespmem:$0x8980] =	vst v63  }
0x38d: {  	s4 =	sadd.s32 $0x30, s17;
	s20 =	sadd.s32 $0x4E80, s19  }
0x38e: {  	[tilespmem:s20], [sflag:$0x1] =	stream.linear.gather [hbm4b:s4+s3], $0x10, $0x38;
	[tilespmem:$0x8980] =	vst v63  }
0x38f: {  	s4 =	sadd.s32 $0x40, s17;
	s20 =	sadd.s32 $0x4F00, s19  }
0x390: {  	[tilespmem:s20], [sflag:$0x1] =	stream.linear.gather [hbm4b:s4+s3], $0x10, $0x38;
	[tilespmem:$0x8980] =	vst v63  }
0x391: {  	s4 =	sadd.s32 $0x50, s17;
	s20 =	sadd.s32 $0x4F80, s19  }
0x392: {  	[tilespmem:s20], [sflag:$0x1] =	stream.linear.gather [hbm4b:s4+s3], $0x10, $0x38;
	[tilespmem:$0x8980] =	vst v63  }
0x393: {  	s4 =	sadd.s32 $0x60, s17;
	s20 =	sor.u32 $0x5000, s19  }
0x394: {  	[tilespmem:s20], [sflag:$0x1] =	stream.linear.gather [hbm4b:s4+s3], $0x10, $0x38;
	[tilespmem:$0x8980] =	vst v63  }
0x395: {  	s4 =	sadd.s32 $0x70, s17;
	s17 =	sor.u32 $0x5080, s19  }
0x396: {  	[tilespmem:s17], [sflag:$0x1] =	stream.linear.gather [hbm4b:s4+s3], $0x10, $0x38;
	[tilespmem:$0x8980] =	vst v63  }
0x397: {  	s4 =	sadd.s32 $0x1500, s19;
	s17 =	sadd.s32 s16, s11  }
0x398: {  	[tilespmem:s4], [sflag:$0x1] =	stream.linear.gather [hbm4b:s17+s3], $0x10, $0x38;
	[tilespmem:$0x8980] =	vst v63  }
0x399: {  	s20 =	sadd.s32 $0x1580, s19;
	s4 =	sadd.s32 $0x10, s17  }
0x39a: {  	[tilespmem:s20], [sflag:$0x1] =	stream.linear.gather [hbm4b:s4+s3], $0x10, $0x38;
	[tilespmem:$0x8980] =	vst v63  }
0x39b: {  	s4 =	sadd.s32 $0x20, s17;
	s20 =	sadd.s32 $0x1600, s19  }
0x39c: {  	[tilespmem:s20], [sflag:$0x1] =	stream.linear.gather [hbm4b:s4+s3], $0x10, $0x38;
	[tilespmem:$0x8980] =	vst v63  }
0x39d: {  	s4 =	sadd.s32 $0x30, s17;
	s20 =	sadd.s32 $0x1680, s19  }
0x39e: {  	[tilespmem:s20], [sflag:$0x1] =	stream.linear.gather [hbm4b:s4+s3], $0x10, $0x38;
	[tilespmem:$0x8980] =	vst v63  }
0x39f: {  	s4 =	sadd.s32 $0x40, s17;
	s20 =	sadd.s32 $0x1700, s19  }
0x3a0: {  	[tilespmem:s20], [sflag:$0x1] =	stream.linear.gather [hbm4b:s4+s3], $0x10, $0x38;
	[tilespmem:$0x8980] =	vst v63  }
0x3a1: {  	s4 =	sadd.s32 $0x50, s17;
	s20 =	sadd.s32 $0x1780, s19  }
0x3a2: {  	[tilespmem:s20], [sflag:$0x1] =	stream.linear.gather [hbm4b:s4+s3], $0x10, $0x38;
	[tilespmem:$0x8980] =	vst v63  }
0x3a3: {  	s4 =	sadd.s32 $0x60, s17;
	s20 =	sor.u32 $0x1800, s19  }
0x3a4: {  	[tilespmem:s20], [sflag:$0x1] =	stream.linear.gather [hbm4b:s4+s3], $0x10, $0x38;
	[tilespmem:$0x8980] =	vst v63  }
0x3a5: {  	s4 =	sadd.s32 $0x70, s17;
	s17 =	sor.u32 $0x1880, s19  }
0x3a6: {  	[tilespmem:s17], [sflag:$0x1] =	stream.linear.gather [hbm4b:s4+s3], $0x10, $0x38;
	[tilespmem:$0x8980] =	vst v63  }
0x3a7: {  	s4 =	sadd.s32 $0x5500, s19;
	s17 =	sadd.s32 s24, s12  }
0x3a8: {  	[tilespmem:s4], [sflag:$0x1] =	stream.linear.gather [hbm4b:s17+s3], $0x10, $0x38;
	[tilespmem:$0x8980] =	vst v63  }
0x3a9: {  	s20 =	sadd.s32 $0x5580, s19;
	s4 =	sadd.s32 $0x10, s17  }
0x3aa: {  	[tilespmem:s20], [sflag:$0x1] =	stream.linear.gather [hbm4b:s4+s3], $0x10, $0x38;
	[tilespmem:$0x8980] =	vst v63  }
0x3ab: {  	s4 =	sadd.s32 $0x20, s17;
	s20 =	sadd.s32 $0x5600, s19  }
0x3ac: {  	[tilespmem:s20], [sflag:$0x1] =	stream.linear.gather [hbm4b:s4+s3], $0x10, $0x38;
	[tilespmem:$0x8980] =	vst v63  }
0x3ad: {  	s4 =	sadd.s32 $0x30, s17;
	s20 =	sadd.s32 $0x5680, s19  }
0x3ae: {  	[tilespmem:s20], [sflag:$0x1] =	stream.linear.gather [hbm4b:s4+s3], $0x10, $0x38;
	[tilespmem:$0x8980] =	vst v63  }
0x3af: {  	s4 =	sadd.s32 $0x40, s17;
	s20 =	sadd.s32 $0x5700, s19  }
0x3b0: {  	[tilespmem:s20], [sflag:$0x1] =	stream.linear.gather [hbm4b:s4+s3], $0x10, $0x38;
	[tilespmem:$0x8980] =	vst v63  }
0x3b1: {  	s4 =	sadd.s32 $0x50, s17;
	s20 =	sadd.s32 $0x5780, s19  }
0x3b2: {  	[tilespmem:s20], [sflag:$0x1] =	stream.linear.gather [hbm4b:s4+s3], $0x10, $0x38;
	[tilespmem:$0x8980] =	vst v63  }
0x3b3: {  	s4 =	sadd.s32 $0x60, s17;
	s20 =	sor.u32 $0x5800, s19  }
0x3b4: {  	[tilespmem:s20], [sflag:$0x1] =	stream.linear.gather [hbm4b:s4+s3], $0x10, $0x38;
	[tilespmem:$0x8980] =	vst v63  }
0x3b5: {  	s4 =	sadd.s32 $0x70, s17;
	s17 =	sor.u32 $0x5880, s19  }
0x3b6: {  	[tilespmem:s17], [sflag:$0x1] =	stream.linear.gather [hbm4b:s4+s3], $0x10, $0x38;
	[tilespmem:$0x8980] =	vst v63  }
0x3b7: {  	s25 =	sadd.s32 s16, s13;
	s4 =	sadd.s32 $0x1D00, s19  }
0x3b8: {  	[tilespmem:s4], [sflag:$0x1] =	stream.linear.gather [hbm4b:s25+s3], $0x10, $0x38;
	[tilespmem:$0x8980] =	vst v63  }
0x3b9: {  	s16 =	sadd.s32 $0x1D80, s19;
	s17 =	sadd.s32 $0x60, s25;
	s4 =	sadd.s32 $0x10, s25  }
0x3ba: {  	[tilespmem:s16], [sflag:$0x1] =	stream.linear.gather [hbm4b:s4+s3], $0x10, $0x38;
	[tilespmem:$0x8980] =	vst v63  }
0x3bb: {  	s4 =	sadd.s32 $0x20, s25;
	s16 =	sadd.s32 $0x1E00, s19  }
0x3bc: {  	[tilespmem:s16], [sflag:$0x1] =	stream.linear.gather [hbm4b:s4+s3], $0x10, $0x38;
	[tilespmem:$0x8980] =	vst v63  }
0x3bd: {  	s4 =	sadd.s32 $0x30, s25;
	s16 =	sadd.s32 $0x1E80, s19  }
0x3be: {  	[tilespmem:s16], [sflag:$0x1] =	stream.linear.gather [hbm4b:s4+s3], $0x10, $0x38;
	[tilespmem:$0x8980] =	vst v63  }
.Ltmp3:
0x3bf: {  	_ = 	snop;
	(pc) =	sbr.rel @p0 .LBB2_9-.Ltmp3, $4  }
0x3c0: {  	s4 =	sadd.s32 $0x40, s25;
	s16 =	sadd.s32 $0x1F00, s19  }
0x3c1: {  	[tilespmem:s16], [sflag:$0x1] =	stream.linear.gather [hbm4b:s4+s3], $0x10, $0x38;
	[tilespmem:$0x8980] =	vst v63  }
0x3c2: {  	s4 =	sadd.s32 $0x50, s25;
	s16 =	sadd.s32 $0x1F80, s19  }
0x3c3: {  	[tilespmem:s16], [sflag:$0x1] =	stream.linear.gather [hbm4b:s4+s3], $0x10, $0x38;
	[tilespmem:$0x8980] =	vst v63  }
0x3c4: {  	[tilespmem:s15], [sflag:$0x1] =	stream.linear.gather [hbm4b:s17+s3], $0x10, $0x38;
	[tilespmem:$0x8980] =	vst v63  }
0x3c5: {  	s4 =	sadd.s32 $0x70, s25;
	s5 =	sor.u32 $0x2080, s19  }
0x3c6: {  	[tilespmem:s5], [sflag:$0x1] =	stream.linear.gather [hbm4b:s4+s3], $0x10, $0x38;
	[tilespmem:$0x8980] =	vst v63  }
0x3c7: {  	s28 =	sadd.s32 $0x5D00, s19;
	s5 =	sadd.s32 s24, s14  }
0x3c8: {  	[tilespmem:s28], [sflag:$0x1] =	stream.linear.gather [hbm4b:s5+s3], $0x10, $0x38;
	[tilespmem:$0x8980] =	vst v63  }
0x3c9: {  	s6 =	sadd.s32 $0x5D80, s19;
	s29 =	sadd.s32 $0x10, s5  }
0x3ca: {  	[tilespmem:s6], [sflag:$0x1] =	stream.linear.gather [hbm4b:s29+s3], $0x10, $0x38;
	[tilespmem:$0x8980] =	vst v63  }
0x3cb: {  	s16 =	sadd.s32 $0x5E00, s19;
	s15 =	sadd.s32 $0x20, s5  }
0x3cc: {  	[tilespmem:s16], [sflag:$0x1] =	stream.linear.gather [hbm4b:s15+s3], $0x10, $0x38;
	[tilespmem:$0x8980] =	vst v63  }
0x3cd: {  	s18 =	sadd.s32 $0x5E80, s19;
	s17 =	sadd.s32 $0x30, s5  }
0x3ce: {  	[tilespmem:s18], [sflag:$0x1] =	stream.linear.gather [hbm4b:s17+s3], $0x10, $0x38;
	[tilespmem:$0x8980] =	vst v63  }
0x3cf: {  	s23 =	sadd.s32 $0x5F00, s19;
	s20 =	sadd.s32 $0x40, s5  }
0x3d0: {  	[tilespmem:s23], [sflag:$0x1] =	stream.linear.gather [hbm4b:s20+s3], $0x10, $0x38;
	[tilespmem:$0x8980] =	vst v63  }
0x3d1: {  	s25 =	sadd.s32 $0x5F80, s19;
	s24 =	sadd.s32 $0x50, s5  }
0x3d2: {  	[tilespmem:s25], [sflag:$0x1] =	stream.linear.gather [hbm4b:s24+s3], $0x10, $0x38;
	[tilespmem:$0x8980] =	vst v63  }
0x3d3: {  	s28 =	sadd.s32 $0x60, s5;
	s29 =	sor.u32 $0x6000, s19  }
0x3d4: {  	[tilespmem:s29], [sflag:$0x1] =	stream.linear.gather [hbm4b:s28+s3], $0x10, $0x38;
	[tilespmem:$0x8980] =	vst v63  }
0x3d5: {  	s6 =	sadd.s32 $0x70, s5;
	s15 =	sor.u32 $0x6080, s19;
	s16 =	simm.s32 $0x2  }
0x3d6: {  	[tilespmem:s15], [sflag:$0x1] =	stream.linear.gather [hbm4b:s6+s3], $0x10, $0x38;
	[tilespmem:$0x8980] =	vst v63  }
0x3d7: {  	_ =	swait.ge [sflag:s16], $0x2000  }
0x3d8: {  	[sflag:s16] =	ssyncset.done $0x0  }
0x3d9: {  	[sflag:s16] =	ssyncadd.s32 $0xFFFFE000  }
0x3da: {  	_ =	swait.ge [sflag:s16], $0x2000  }
0x3db: {  	[sflag:s16] =	ssyncset.done $0x0  }
0x3dc: {  	[sflag:s16] =	ssyncadd.s32 $0xFFFFE000;
	s16 =	rddreg [dreg:$0xe]  }
0x3dd: {  	v3 =	vld [tilespmem:s16+$0x0]  }
0x3de: {  	v4 =	vld [tilespmem:s16+$0x280]  }
0x3df: {  	s17 =	simm.s32 $0x0  }
0x3e0: {  	s4 =	sand.u32 $0xFFFFF800, s17  }
0x3e1: {  	s18 =	simm.s32 $0x0;
	v5 =	vmov s4  }
0x3e2: {  	s19 =	sand.u32 $0x7, s18;
	v5 =	vadd.s32 $0x2000, v5;
	v3 =	vand.u32 $0xF, v3  }
0x3e3: {  	s4 =	sshll.u32 s19, $0x7;
	v5 =	vbroadcast v5, $0x0;
	v4 =	vand.u32 $0xF, v4;
	v3 =	vor.u32 v2, v3  }
0x3e4: {  	v4 =	vor.u32 v2, v4;
	v6 =	vor.u32 s4, v3  }
0x3e5: {  	s20 =	simm.s32 $0x100;
	v8 =	vor.u32 s4, v4;
	v6 =	vor.u32 v5, v6  }
0x3e6: {  	s5 =	sand.u32 $0xFFFFF800, s20;
	v8 =	vor.u32 v5, v8  }
0x3e7: {  	s23 =	simm.s32 $0x1;
	v7 =	vmov s5  }
0x3e8: {  	s24 =	sand.u32 $0x7, s23;
	v7 =	vadd.s32 $0x2000, v7  }
0x3e9: {  	v10 =	vbroadcast v7, $0x0;
	s4 =	sshll.u32 s24, $0x7  }
0x3ea: {  	v5 =	vor.u32 s4, v3;
	v9 =	vld.idx.msk [tilespmem:v6+s21+$0x0], $0xffff  }
0x3eb: {  	s25 =	simm.s32 $0x200;
	v13 =	vor.u32 v10, v5;
	v6 =	vld.idx.msk [tilespmem:v8+s22+$0x0], $0xffff;
	v8 =	vor.u32 s4, v4  }
0x3ec: {  	s29 =	sand.u32 $0xFFFFF800, s25;
	v10 =	vor.u32 v10, v8  }
0x3ed: {  	s5 =	simm.s32 $0x8500;
	s28 =	simm.s32 $0x2;
	v7 =	vmov s29  }
0x3ee: {  	s6 =	sand.u32 $0x7, s28;
	v11 =	vadd.s32 $0x2000, v7;
	v7 =	vld [tilespmem:s5+$0x0]  }
0x3ef: {  	s15 =	sshll.u32 s6, $0x7;
	v11 =	vbroadcast v11, $0x0;
	v5 =	vld [tilespmem:s16+$0x8780]  }
0x3f0: {  	s6 =	simm.s32 $0x3;
	v12 =	vor.u32 s15, v3;
	v8 =	vld.idx.msk [tilespmem:v13+s21+$0x0], $0xffff  }
.LBB2_11:
0x3f1: {  	s4 =	sshll.u32 s6, $0x8;
	v13 =	vor.u32 v11, v12;
	v12 =	vor.u32 s15, v4;
	v9 =	vmul.f32 v6, v9;
	v6 =	vld.idx.msk [tilespmem:v10+s22+$0x0], $0xffff;
	s15 =	smov.u32 s6;
	p0 =	sne.s32 s6, $0x1F  }
.Ltmp4:
0x3f2: {  	s6 =	sadd.s32 $0x1, s6;
	s4 =	sand.u32 $0xFFFFF800, s4;
	v10 =	vor.u32 v11, v12;
	(pc) =	sbr.rel @p0 .LBB2_11-.Ltmp4, $4  }
0x3f3: {  	s5 =	sadd.s32 $0x10, s5;
	v11 =	vmov s4;
	v14 =	vmul.f32 v9, v7  }
0x3f4: {  	s4 =	sand.u32 $0x7, s15;
	v11 =	vadd.s32 $0x2000, v11;
	v7 =	vld [tilespmem:s5+$0x0]  }
0x3f5: {  	s15 =	sshll.u32 s4, $0x7;
	v11 =	vbroadcast v11, $0x0;
	v5 =	vadd.f32 v14, v5  }
0x3f6: {  	v12 =	vor.u32 s15, v3;
	v9 =	vmov v8;
	v8 =	vld.idx.msk [tilespmem:v13+s21+$0x0], $0xffff  }
0x3f7: {  	_ = 	snop  }
0x3f8: {  	v3 =	vor.u32 v11, v12;
	v4 =	vor.u32 s15, v4  }
0x3f9: {  	v4 =	vor.u32 v11, v4;
	_ =	sdelay $0x1  }
0x3fa: {  	v10 =	vld.idx.msk [tilespmem:v10+s22+$0x0], $0xffff;
	s4 =	sadd.s32 $0x10, s5  }
0x3fb: {  	v59 =	vld [tilespmem:s4+$0x0]  }
0x3fc: {  	v3 =	vld.idx.msk [tilespmem:v3+s21+$0x0], $0xffff  }
0x3fd: {  	v4 =	vld.idx.msk [tilespmem:v4+s22+$0x0], $0xffff  }
0x3fe: {  	v6 =	vmul.f32 v6, v9;
	s4 =	sadd.s32 $0x10, s4  }
0x3ff: {  	v60 =	vld [tilespmem:s4+$0x0]  }
0x400: {  	v6 =	vmul.f32 v6, v7;
	v61 =	vmul.f32 v10, v8;
	_ =	sdelay $0x1  }
0x401: {  	s0 =	sadd.s32 $0x1, s0;
	v5 =	vadd.f32 v6, v5;
	v62 =	vmul.f32 v61, v59;
	v3 =	vmul.f32 v4, v3  }
0x402: {  	p0 =	sne.s32 s0, $0xF  }
.Ltmp5:
0x403: {  	v63 =	vadd.f32 v62, v5;
	v3 =	vmul.f32 v3, v60;
	(pc) =	sbr.rel @p0 .LBB2_4-.Ltmp5, $4  }
0x404: {  	_ = 	snop  }
0x405: {  	v3 =	vadd.f32 v3, v63  }
0x406: {  	s7 =	sadd.s32 $0x20, s7  }
0x407: {  	s8 =	sadd.s32 $0x20, s8;
	s30 =	sadd.s32 $0x20, s30;
	s31 =	sadd.s32 $0x20, s31;
	[tilespmem:s16+$0x8780] =	vst v3  }
0x408: {  	s0 =	simm.s32 $0x1F0  }
0x409: {  	v3 =	vld [tilespmem:s0+$0x0];
	_ =	sdelay $0x3  }
0x40a: {  	s4 =	simm.s32 $0x470  }
0x40b: {  	v4 =	vld [tilespmem:s4+$0x0];
	(v2sf) =	vpush v3, $0x0;
	_ =	sdelay $0x4  }
0x40c: {  	(v2sf) =	vpush v4, $0x0;
	_ =	sdelay $0x7  }
0x40d: {  	s18 =	simm.s32 $0x0  }
0x40e: {  	s5 =	sand.u32 $0x70, s18;
	s6 =	sand.u32 $0x400, s18  }
0x40f: {  	s19 =	sor.u32 s5, s6;
	s28 =	spop (v2sf)  }
0x410: {  	s6 =	sadd.s32 $0x2500, s19;
	s7 =	sand.u32 $0xF, s28  }
0x411: {  	s8 =	sshra.s32 s28, $0x1F;
	p0 =	slt.s32 s28, $0x1;
	p1 =	sne.s32 s7, $0x0  }
0x412: {  	s30 =	sadd.s32 $0x2580, s19;
	s8 =	sshrl.u32 s8, $0x1C;
	p0 =	por !p0, !p1  }
0x413: {  	s5 =	sadd.s32 s8, s28;
	s8 =	simm.s32 $0x1;
	p0 =	por !p0, !p0  }
0x414: {  	s29 =	spop (v2sf);
	s5 =	sshra.s32 s5, $0x4;
	s8 =	simm.s32 @!p0 $0x0  }
0x415: {  	s25 =	sadd.s32 $0x2680, s19;
	s15 =	sshra.s32 s29, $0x1F;
	s5 =	ssub.s32 s5, s8  }
0x416: {  	s16 =	sand.u32 $0xF, s29;
	s8 =	sshll.u32 s5, $0x7;
	s5 =	sshll.u32 s5, $0x4  }
0x417: {  	p5 =	slt.s32 s29, $0x1;
	s8 =	sand.u32 $0xFFFFFC00, s8;
	s5 =	sand.u32 $0x70, s5  }
0x418: {  	s15 =	sshrl.u32 s15, $0x1C;
	p6 =	sne.s32 s16, $0x0;
	s5 =	sor.u32 s5, s8  }
0x419: {  	s7 =	sadd.s32 s15, s29;
	p0 =	por !p5, !p6;
	s5 =	sshrl.u32 s5, $0x3  }
0x41a: {  	p0 =	por !p0, !p0;
	s8 =	simm.s32 $0x1;
	s15 =	sadd.s32 s1, s5  }
0x41b: {  	[tilespmem:s6], [sflag:$0x2] =	stream.linear.gather [hbm4b:s15+s3], $0x10, $0x38;
	[tilespmem:$0x8980] =	vst v63  }
0x41c: {  	s7 =	sshra.s32 s7, $0x4;
	s8 =	simm.s32 @!p0 $0x0;
	s31 =	sadd.s32 $0x10, s15  }
0x41d: {  	[tilespmem:s30], [sflag:$0x2] =	stream.linear.gather [hbm4b:s31+s3], $0x10, $0x38;
	[tilespmem:$0x8980] =	vst v63  }
0x41e: {  	s16 =	sadd.s32 $0x2600, s19;
	s7 =	ssub.s32 s7, s8;
	s20 =	sadd.s32 $0x20, s15  }
0x41f: {  	[tilespmem:s16], [sflag:$0x2] =	stream.linear.gather [hbm4b:s20+s3], $0x10, $0x38;
	[tilespmem:$0x8980] =	vst v63  }
0x420: {  	s28 =	sadd.s32 $0x2700, s19;
	s23 =	sshll.u32 s7, $0x7;
	s24 =	sadd.s32 $0x30, s15  }
0x421: {  	[tilespmem:s25], [sflag:$0x2] =	stream.linear.gather [hbm4b:s24+s3], $0x10, $0x38;
	[tilespmem:$0x8980] =	vst v63  }
0x422: {  	s17 =	sshll.u32 s7, $0x4;
	s26 =	sadd.s32 $0x40, s15;
	s6 =	sand.u32 $0xFFFFFC00, s23  }
0x423: {  	[tilespmem:s28], [sflag:$0x2] =	stream.linear.gather [hbm4b:s26+s3], $0x10, $0x38;
	[tilespmem:$0x8980] =	vst v63  }
0x424: {  	s29 =	sand.u32 $0x70, s17;
	s30 =	sadd.s32 $0x50, s15;
	s31 =	sadd.s32 $0x2780, s19  }
0x425: {  	[tilespmem:s31], [sflag:$0x2] =	stream.linear.gather [hbm4b:s30+s3], $0x10, $0x38;
	[tilespmem:$0x8980] =	vst v63  }
0x426: {  	s17 =	sadd.s32 $0x60, s15;
	s6 =	sor.u32 s29, s6;
	s20 =	sor.u32 $0x2800, s19  }
0x427: {  	[tilespmem:s20], [sflag:$0x2] =	stream.linear.gather [hbm4b:s17+s3], $0x10, $0x38;
	[tilespmem:$0x8980] =	vst v63  }
0x428: {  	s23 =	sadd.s32 $0x70, s15;
	s24 =	sshrl.u32 s6, $0x3;
	s25 =	sor.u32 $0x2880, s19  }
0x429: {  	[tilespmem:s25], [sflag:$0x2] =	stream.linear.gather [hbm4b:s23+s3], $0x10, $0x38;
	[tilespmem:$0x8980] =	vst v63  }
0x42a: {  	s7 =	sadd.s32 s2, s24;
	s26 =	sadd.s32 $0x6500, s19  }
0x42b: {  	[tilespmem:s26], [sflag:$0x2] =	stream.linear.gather [hbm4b:s7+s3], $0x10, $0x38;
	[tilespmem:$0x8980] =	vst v63  }
0x42c: {  	s29 =	sadd.s32 $0x6580, s19;
	s28 =	sadd.s32 $0x10, s7  }
0x42d: {  	[tilespmem:s29], [sflag:$0x2] =	stream.linear.gather [hbm4b:s28+s3], $0x10, $0x38;
	[tilespmem:$0x8980] =	vst v63  }
0x42e: {  	s30 =	sadd.s32 $0x20, s7;
	s31 =	sadd.s32 $0x6600, s19  }
0x42f: {  	[tilespmem:s31], [sflag:$0x2] =	stream.linear.gather [hbm4b:s30+s3], $0x10, $0x38;
	[tilespmem:$0x8980] =	vst v63  }
0x430: {  	s16 =	sadd.s32 $0x6680, s19;
	s15 =	sadd.s32 $0x30, s7  }
0x431: {  	[tilespmem:s16], [sflag:$0x2] =	stream.linear.gather [hbm4b:s15+s3], $0x10, $0x38;
	[tilespmem:$0x8980] =	vst v63  }
0x432: {  	s17 =	sadd.s32 $0x40, s7;
	s20 =	sadd.s32 $0x6700, s19  }
0x433: {  	[tilespmem:s20], [sflag:$0x2] =	stream.linear.gather [hbm4b:s17+s3], $0x10, $0x38;
	[tilespmem:$0x8980] =	vst v63  }
0x434: {  	s23 =	sadd.s32 $0x50, s7;
	s25 =	sadd.s32 $0x6780, s19  }
0x435: {  	[tilespmem:s25], [sflag:$0x2] =	stream.linear.gather [hbm4b:s23+s3], $0x10, $0x38;
	[tilespmem:$0x8980] =	vst v63  }
0x436: {  	s26 =	sadd.s32 $0x60, s7;
	s28 =	sor.u32 $0x6800, s19  }
0x437: {  	[tilespmem:s28], [sflag:$0x2] =	stream.linear.gather [hbm4b:s26+s3], $0x10, $0x38;
	[tilespmem:$0x8980] =	vst v63  }
0x438: {  	s29 =	sadd.s32 $0x70, s7;
	s30 =	sor.u32 $0x6880, s19  }
0x439: {  	[tilespmem:s30], [sflag:$0x2] =	stream.linear.gather [hbm4b:s29+s3], $0x10, $0x38;
	[tilespmem:$0x8980] =	vst v63  }
0x43a: {  	s7 =	sadd.s32 s5, s9;
	s31 =	sadd.s32 $0x2D00, s19  }
0x43b: {  	[tilespmem:s31], [sflag:$0x2] =	stream.linear.gather [hbm4b:s7+s3], $0x10, $0x38;
	[tilespmem:$0x8980] =	vst v63  }
0x43c: {  	s8 =	sadd.s32 $0x10, s7;
	s15 =	sadd.s32 $0x2D80, s19  }
0x43d: {  	[tilespmem:s15], [sflag:$0x2] =	stream.linear.gather [hbm4b:s8+s3], $0x10, $0x38;
	[tilespmem:$0x8980] =	vst v63  }
0x43e: {  	s16 =	sadd.s32 $0x20, s7;
	s17 =	sadd.s32 $0x2E00, s19  }
0x43f: {  	[tilespmem:s17], [sflag:$0x2] =	stream.linear.gather [hbm4b:s16+s3], $0x10, $0x38;
	[tilespmem:$0x8980] =	vst v63  }
0x440: {  	s20 =	sadd.s32 $0x30, s7;
	s23 =	sadd.s32 $0x2E80, s19  }
0x441: {  	[tilespmem:s23], [sflag:$0x2] =	stream.linear.gather [hbm4b:s20+s3], $0x10, $0x38;
	[tilespmem:$0x8980] =	vst v63  }
0x442: {  	s25 =	sadd.s32 $0x40, s7;
	s26 =	sadd.s32 $0x2F00, s19  }
0x443: {  	[tilespmem:s26], [sflag:$0x2] =	stream.linear.gather [hbm4b:s25+s3], $0x10, $0x38;
	[tilespmem:$0x8980] =	vst v63  }
0x444: {  	s28 =	sadd.s32 $0x50, s7;
	s29 =	sadd.s32 $0x2F80, s19  }
0x445: {  	[tilespmem:s29], [sflag:$0x2] =	stream.linear.gather [hbm4b:s28+s3], $0x10, $0x38;
	[tilespmem:$0x8980] =	vst v63  }
0x446: {  	s30 =	sadd.s32 $0x60, s7;
	s31 =	sor.u32 $0x3000, s19  }
0x447: {  	[tilespmem:s31], [sflag:$0x2] =	stream.linear.gather [hbm4b:s30+s3], $0x10, $0x38;
	[tilespmem:$0x8980] =	vst v63  }
0x448: {  	s15 =	sadd.s32 $0x70, s7;
	s16 =	sor.u32 $0x3080, s19  }
0x449: {  	[tilespmem:s16], [sflag:$0x2] =	stream.linear.gather [hbm4b:s15+s3], $0x10, $0x38;
	[tilespmem:$0x8980] =	vst v63  }
0x44a: {  	s7 =	sadd.s32 s24, s10;
	s17 =	sadd.s32 $0x6D00, s19  }
0x44b: {  	[tilespmem:s17], [sflag:$0x2] =	stream.linear.gather [hbm4b:s7+s3], $0x10, $0x38;
	[tilespmem:$0x8980] =	vst v63  }
0x44c: {  	s20 =	sadd.s32 $0x10, s7;
	s23 =	sadd.s32 $0x6D80, s19  }
0x44d: {  	[tilespmem:s23], [sflag:$0x2] =	stream.linear.gather [hbm4b:s20+s3], $0x10, $0x38;
	[tilespmem:$0x8980] =	vst v63  }
0x44e: {  	s25 =	sadd.s32 $0x20, s7;
	s26 =	sadd.s32 $0x6E00, s19  }
0x44f: {  	[tilespmem:s26], [sflag:$0x2] =	stream.linear.gather [hbm4b:s25+s3], $0x10, $0x38;
	[tilespmem:$0x8980] =	vst v63  }
0x450: {  	s28 =	sadd.s32 $0x30, s7;
	s29 =	sadd.s32 $0x6E80, s19  }
0x451: {  	[tilespmem:s29], [sflag:$0x2] =	stream.linear.gather [hbm4b:s28+s3], $0x10, $0x38;
	[tilespmem:$0x8980] =	vst v63  }
0x452: {  	s30 =	sadd.s32 $0x40, s7;
	s31 =	sadd.s32 $0x6F00, s19  }
0x453: {  	[tilespmem:s31], [sflag:$0x2] =	stream.linear.gather [hbm4b:s30+s3], $0x10, $0x38;
	[tilespmem:$0x8980] =	vst v63  }
0x454: {  	s15 =	sadd.s32 $0x50, s7;
	s16 =	sadd.s32 $0x6F80, s19  }
0x455: {  	[tilespmem:s16], [sflag:$0x2] =	stream.linear.gather [hbm4b:s15+s3], $0x10, $0x38;
	[tilespmem:$0x8980] =	vst v63  }
0x456: {  	s17 =	sadd.s32 $0x60, s7;
	s20 =	sor.u32 $0x7000, s19  }
0x457: {  	[tilespmem:s20], [sflag:$0x2] =	stream.linear.gather [hbm4b:s17+s3], $0x10, $0x38;
	[tilespmem:$0x8980] =	vst v63  }
0x458: {  	s23 =	sadd.s32 $0x70, s7;
	s25 =	sor.u32 $0x7080, s19  }
0x459: {  	[tilespmem:s25], [sflag:$0x2] =	stream.linear.gather [hbm4b:s23+s3], $0x10, $0x38;
	[tilespmem:$0x8980] =	vst v63  }
0x45a: {  	s7 =	sadd.s32 s5, s11;
	s26 =	sadd.s32 $0x3500, s19  }
0x45b: {  	[tilespmem:s26], [sflag:$0x2] =	stream.linear.gather [hbm4b:s7+s3], $0x10, $0x38;
	[tilespmem:$0x8980] =	vst v63  }
0x45c: {  	s28 =	sadd.s32 $0x10, s7;
	s29 =	sadd.s32 $0x3580, s19  }
0x45d: {  	[tilespmem:s29], [sflag:$0x2] =	stream.linear.gather [hbm4b:s28+s3], $0x10, $0x38;
	[tilespmem:$0x8980] =	vst v63  }
0x45e: {  	s30 =	sadd.s32 $0x20, s7;
	s31 =	sadd.s32 $0x3600, s19  }
0x45f: {  	[tilespmem:s31], [sflag:$0x2] =	stream.linear.gather [hbm4b:s30+s3], $0x10, $0x38;
	[tilespmem:$0x8980] =	vst v63  }
0x460: {  	s15 =	sadd.s32 $0x30, s7;
	s16 =	sadd.s32 $0x3680, s19  }
0x461: {  	[tilespmem:s16], [sflag:$0x2] =	stream.linear.gather [hbm4b:s15+s3], $0x10, $0x38;
	[tilespmem:$0x8980] =	vst v63  }
0x462: {  	s17 =	sadd.s32 $0x40, s7;
	s20 =	sadd.s32 $0x3700, s19  }
0x463: {  	[tilespmem:s20], [sflag:$0x2] =	stream.linear.gather [hbm4b:s17+s3], $0x10, $0x38;
	[tilespmem:$0x8980] =	vst v63  }
0x464: {  	s23 =	sadd.s32 $0x50, s7;
	s25 =	sadd.s32 $0x3780, s19  }
0x465: {  	[tilespmem:s25], [sflag:$0x2] =	stream.linear.gather [hbm4b:s23+s3], $0x10, $0x38;
	[tilespmem:$0x8980] =	vst v63  }
0x466: {  	s26 =	sadd.s32 $0x60, s7;
	s28 =	sor.u32 $0x3800, s19  }
0x467: {  	[tilespmem:s28], [sflag:$0x2] =	stream.linear.gather [hbm4b:s26+s3], $0x10, $0x38;
	[tilespmem:$0x8980] =	vst v63  }
0x468: {  	s29 =	sadd.s32 $0x70, s7;
	s30 =	sor.u32 $0x3880, s19  }
0x469: {  	[tilespmem:s30], [sflag:$0x2] =	stream.linear.gather [hbm4b:s29+s3], $0x10, $0x38;
	[tilespmem:$0x8980] =	vst v63  }
0x46a: {  	s7 =	sadd.s32 s24, s12;
	s31 =	sadd.s32 $0x7500, s19  }
0x46b: {  	[tilespmem:s31], [sflag:$0x2] =	stream.linear.gather [hbm4b:s7+s3], $0x10, $0x38;
	[tilespmem:$0x8980] =	vst v63  }
0x46c: {  	s8 =	sadd.s32 $0x10, s7;
	s15 =	sadd.s32 $0x7580, s19  }
0x46d: {  	[tilespmem:s15], [sflag:$0x2] =	stream.linear.gather [hbm4b:s8+s3], $0x10, $0x38;
	[tilespmem:$0x8980] =	vst v63  }
0x46e: {  	s16 =	sadd.s32 $0x20, s7;
	s17 =	sadd.s32 $0x7600, s19  }
0x46f: {  	[tilespmem:s17], [sflag:$0x2] =	stream.linear.gather [hbm4b:s16+s3], $0x10, $0x38;
	[tilespmem:$0x8980] =	vst v63  }
0x470: {  	s20 =	sadd.s32 $0x30, s7;
	s23 =	sadd.s32 $0x7680, s19  }
0x471: {  	[tilespmem:s23], [sflag:$0x2] =	stream.linear.gather [hbm4b:s20+s3], $0x10, $0x38;
	[tilespmem:$0x8980] =	vst v63  }
0x472: {  	s25 =	sadd.s32 $0x40, s7;
	s26 =	sadd.s32 $0x7700, s19  }
0x473: {  	[tilespmem:s26], [sflag:$0x2] =	stream.linear.gather [hbm4b:s25+s3], $0x10, $0x38;
	[tilespmem:$0x8980] =	vst v63  }
0x474: {  	s28 =	sadd.s32 $0x50, s7;
	s29 =	sadd.s32 $0x7780, s19  }
0x475: {  	[tilespmem:s29], [sflag:$0x2] =	stream.linear.gather [hbm4b:s28+s3], $0x10, $0x38;
	[tilespmem:$0x8980] =	vst v63  }
0x476: {  	s30 =	sadd.s32 $0x60, s7;
	s31 =	sor.u32 $0x7800, s19  }
0x477: {  	[tilespmem:s31], [sflag:$0x2] =	stream.linear.gather [hbm4b:s30+s3], $0x10, $0x38;
	[tilespmem:$0x8980] =	vst v63  }
0x478: {  	s8 =	sadd.s32 $0x70, s7;
	s15 =	sor.u32 $0x7880, s19  }
0x479: {  	[tilespmem:s15], [sflag:$0x2] =	stream.linear.gather [hbm4b:s8+s3], $0x10, $0x38;
	[tilespmem:$0x8980] =	vst v63  }
0x47a: {  	s16 =	sadd.s32 $0x3D00, s19;
	s8 =	sadd.s32 s5, s13  }
0x47b: {  	[tilespmem:s16], [sflag:$0x2] =	stream.linear.gather [hbm4b:s8+s3], $0x10, $0x38;
	[tilespmem:$0x8980] =	vst v63  }
0x47c: {  	s17 =	sadd.s32 $0x3D80, s19;
	s5 =	sadd.s32 $0x10, s8  }
0x47d: {  	[tilespmem:s17], [sflag:$0x2] =	stream.linear.gather [hbm4b:s5+s3], $0x10, $0x38;
	[tilespmem:$0x8980] =	vst v63  }
0x47e: {  	s23 =	sadd.s32 $0x3E00, s19;
	s20 =	sadd.s32 $0x20, s8  }
0x47f: {  	[tilespmem:s23], [sflag:$0x2] =	stream.linear.gather [hbm4b:s20+s3], $0x10, $0x38;
	[tilespmem:$0x8980] =	vst v63  }
0x480: {  	s6 =	sor.u32 $0x4000, s19;
	s26 =	sadd.s32 $0x3E80, s19;
	s25 =	sadd.s32 $0x30, s8  }
0x481: {  	[tilespmem:s26], [sflag:$0x2] =	stream.linear.gather [hbm4b:s25+s3], $0x10, $0x38;
	[tilespmem:$0x8980] =	vst v63  }
0x482: {  	s29 =	sadd.s32 $0x3F00, s19;
	s31 =	sadd.s32 $0x3F80, s19;
	s28 =	sadd.s32 $0x40, s8  }
0x483: {  	[tilespmem:s29], [sflag:$0x2] =	stream.linear.gather [hbm4b:s28+s3], $0x10, $0x38;
	[tilespmem:$0x8980] =	vst v63  }
0x484: {  	s30 =	sadd.s32 $0x50, s8;
	s15 =	sadd.s32 $0x60, s8;
	s5 =	simm.s32 $0x10  }
0x485: {  	[tilespmem:s31], [sflag:$0x2] =	stream.linear.gather [hbm4b:s30+s3], $0x10, $0x38;
	[tilespmem:$0x8980] =	vst v63  }
.LBB2_14:
0x486: {  	s18 =	sadd.s32 $0x80, s18  }
0x487: {  	s4 =	sadd.s32 $0x1, s4;
	s0 =	sadd.s32 $0x1, s0;
	s7 =	smov.u32 s5  }
0x488: {  	[tilespmem:s6], [sflag:$0x2] =	stream.linear.gather [hbm4b:s15+s3], $0x10, $0x38;
	[tilespmem:$0x8980] =	vst v63  }
0x489: {  	p0 =	sne.s32 s5, $0xF0;
	s6 =	sadd.s32 $0x70, s8;
	s8 =	sor.u32 $0x4080, s19  }
0x48a: {  	[tilespmem:s8], [sflag:$0x2] =	stream.linear.gather [hbm4b:s6+s3], $0x10, $0x38;
	[tilespmem:$0x8980] =	vst v63  }
0x48b: {  	s5 =	sadd.s32 $0x10, s5;
	s6 =	sadd.s32 $0x7D00, s19;
	s8 =	sadd.s32 s24, s14  }
0x48c: {  	[tilespmem:s6], [sflag:$0x2] =	stream.linear.gather [hbm4b:s8+s3], $0x10, $0x38;
	[tilespmem:$0x8980] =	vst v63  }
0x48d: {  	s15 =	sadd.s32 $0x7D80, s19;
	s6 =	sadd.s32 $0x10, s8  }
0x48e: {  	[tilespmem:s15], [sflag:$0x2] =	stream.linear.gather [hbm4b:s6+s3], $0x10, $0x38;
	[tilespmem:$0x8980] =	vst v63  }
0x48f: {  	s6 =	sadd.s32 $0x20, s8;
	s15 =	sadd.s32 $0x7E00, s19  }
0x490: {  	[tilespmem:s15], [sflag:$0x2] =	stream.linear.gather [hbm4b:s6+s3], $0x10, $0x38;
	[tilespmem:$0x8980] =	vst v63  }
0x491: {  	s6 =	sadd.s32 $0x30, s8;
	s15 =	sadd.s32 $0x7E80, s19  }
0x492: {  	[tilespmem:s15], [sflag:$0x2] =	stream.linear.gather [hbm4b:s6+s3], $0x10, $0x38;
	[tilespmem:$0x8980] =	vst v63  }
0x493: {  	s6 =	sadd.s32 $0x40, s8;
	s15 =	sadd.s32 $0x7F00, s19  }
0x494: {  	[tilespmem:s15], [sflag:$0x2] =	stream.linear.gather [hbm4b:s6+s3], $0x10, $0x38;
	[tilespmem:$0x8980] =	vst v63  }
0x495: {  	s6 =	sadd.s32 $0x50, s8;
	s15 =	sadd.s32 $0x7F80, s19  }
0x496: {  	[tilespmem:s15], [sflag:$0x2] =	stream.linear.gather [hbm4b:s6+s3], $0x10, $0x38;
	[tilespmem:$0x8980] =	vst v63  }
0x497: {  	s6 =	sadd.s32 $0x60, s8;
	s15 =	sor.u32 $0x8000, s19  }
0x498: {  	[tilespmem:s15], [sflag:$0x2] =	stream.linear.gather [hbm4b:s6+s3], $0x10, $0x38;
	[tilespmem:$0x8980] =	vst v63  }
0x499: {  	s6 =	sadd.s32 $0x70, s8;
	s8 =	sor.u32 $0x8080, s19  }
0x49a: {  	[tilespmem:s8], [sflag:$0x2] =	stream.linear.gather [hbm4b:s6+s3], $0x10, $0x38;
	[tilespmem:$0x8980] =	vst v63  }
0x49b: {  	v3 =	vld [tilespmem:s0+$0x0]  }
0x49c: {  	v4 =	vld [tilespmem:s4+$0x0];
	_ =	sdelay $0x3  }
0x49d: {  	(v2sf) =	vpush v3, $0x0  }
0x49e: {  	(v2sf) =	vpush v4, $0x0;
	_ =	sdelay $0xb  }
0x49f: {  	s6 =	sand.u32 $0x70, s7;
	s7 =	sand.u32 $0x400, s18  }
0x4a0: {  	s19 =	sor.u32 s6, s7  }
0x4a1: {  	s20 =	simm.s32 $0x1;
	s8 =	sadd.s32 $0x2500, s19;
	s6 =	spop (v2sf)  }
0x4a2: {  	s7 =	sand.u32 $0xF, s6;
	s15 =	spop (v2sf);
	s16 =	sshra.s32 s6, $0x1F  }
0x4a3: {  	s17 =	sadd.s32 $0x2600, s19;
	p1 =	slt.s32 s6, $0x1;
	s16 =	sshrl.u32 s16, $0x1C  }
0x4a4: {  	p2 =	sne.s32 s7, $0x0;
	s7 =	sand.u32 $0xF, s15;
	s6 =	sadd.s32 s16, s6  }
0x4a5: {  	p1 =	por !p1, !p2;
	s16 =	sshra.s32 s15, $0x1F;
	p2 =	slt.s32 s15, $0x1  }
0x4a6: {  	p1 =	por !p1, !p1;
	s16 =	sshrl.u32 s16, $0x1C;
	s6 =	sshra.s32 s6, $0x4  }
0x4a7: {  	s20 =	simm.s32 @!p1 $0x0;
	p1 =	sne.s32 s7, $0x0;
	s7 =	sadd.s32 s16, s15  }
0x4a8: {  	s16 =	simm.s32 $0x1;
	s6 =	ssub.s32 s6, s20;
	p1 =	por !p2, !p1  }
0x4a9: {  	s15 =	sshll.u32 s6, $0x7;
	s6 =	sshll.u32 s6, $0x4;
	p1 =	por !p1, !p1  }
0x4aa: {  	s15 =	sand.u32 $0xFFFFFC00, s15;
	s6 =	sand.u32 $0x70, s6;
	s16 =	simm.s32 @!p1 $0x0  }
0x4ab: {  	s20 =	sshra.s32 s7, $0x4;
	s6 =	sor.u32 s6, s15;
	s15 =	sadd.s32 $0x2580, s19  }
0x4ac: {  	s16 =	ssub.s32 s20, s16;
	s7 =	sshrl.u32 s6, $0x3;
	s6 =	sor.u32 $0x4000, s19  }
0x4ad: {  	s23 =	sshll.u32 s16, $0x4;
	s16 =	sshll.u32 s16, $0x7;
	s20 =	sadd.s32 s1, s7  }
0x4ae: {  	[tilespmem:s8], [sflag:$0x2] =	stream.linear.gather [hbm4b:s20+s3], $0x10, $0x38;
	[tilespmem:$0x8980] =	vst v63  }
0x4af: {  	s16 =	sand.u32 $0xFFFFFC00, s16;
	s23 =	sand.u32 $0x70, s23;
	s8 =	sadd.s32 $0x10, s20  }
0x4b0: {  	[tilespmem:s15], [sflag:$0x2] =	stream.linear.gather [hbm4b:s8+s3], $0x10, $0x38;
	[tilespmem:$0x8980] =	vst v63  }
0x4b1: {  	s8 =	sadd.s32 $0x20, s20;
	s15 =	sor.u32 s23, s16  }
0x4b2: {  	[tilespmem:s17], [sflag:$0x2] =	stream.linear.gather [hbm4b:s8+s3], $0x10, $0x38;
	[tilespmem:$0x8980] =	vst v63  }
0x4b3: {  	s16 =	sadd.s32 $0x2680, s19;
	s24 =	sshrl.u32 s15, $0x3;
	s8 =	sadd.s32 $0x30, s20  }
0x4b4: {  	[tilespmem:s16], [sflag:$0x2] =	stream.linear.gather [hbm4b:s8+s3], $0x10, $0x38;
	[tilespmem:$0x8980] =	vst v63  }
0x4b5: {  	s15 =	sadd.s32 $0x2700, s19;
	s8 =	sadd.s32 $0x40, s20  }
0x4b6: {  	[tilespmem:s15], [sflag:$0x2] =	stream.linear.gather [hbm4b:s8+s3], $0x10, $0x38;
	[tilespmem:$0x8980] =	vst v63  }
0x4b7: {  	s8 =	sadd.s32 $0x50, s20;
	s15 =	sadd.s32 $0x2780, s19  }
0x4b8: {  	[tilespmem:s15], [sflag:$0x2] =	stream.linear.gather [hbm4b:s8+s3], $0x10, $0x38;
	[tilespmem:$0x8980] =	vst v63  }
0x4b9: {  	s8 =	sadd.s32 $0x60, s20;
	s15 =	sor.u32 $0x2800, s19  }
0x4ba: {  	[tilespmem:s15], [sflag:$0x2] =	stream.linear.gather [hbm4b:s8+s3], $0x10, $0x38;
	[tilespmem:$0x8980] =	vst v63  }
0x4bb: {  	s8 =	sadd.s32 $0x70, s20;
	s15 =	sor.u32 $0x2880, s19  }
0x4bc: {  	[tilespmem:s15], [sflag:$0x2] =	stream.linear.gather [hbm4b:s8+s3], $0x10, $0x38;
	[tilespmem:$0x8980] =	vst v63  }
0x4bd: {  	s8 =	sadd.s32 $0x6500, s19;
	s15 =	sadd.s32 s2, s24  }
0x4be: {  	[tilespmem:s8], [sflag:$0x2] =	stream.linear.gather [hbm4b:s15+s3], $0x10, $0x38;
	[tilespmem:$0x8980] =	vst v63  }
0x4bf: {  	s16 =	sadd.s32 $0x6580, s19;
	s8 =	sadd.s32 $0x10, s15  }
0x4c0: {  	[tilespmem:s16], [sflag:$0x2] =	stream.linear.gather [hbm4b:s8+s3], $0x10, $0x38;
	[tilespmem:$0x8980] =	vst v63  }
0x4c1: {  	s8 =	sadd.s32 $0x20, s15;
	s16 =	sadd.s32 $0x6600, s19  }
0x4c2: {  	[tilespmem:s16], [sflag:$0x2] =	stream.linear.gather [hbm4b:s8+s3], $0x10, $0x38;
	[tilespmem:$0x8980] =	vst v63  }
0x4c3: {  	s8 =	sadd.s32 $0x30, s15;
	s16 =	sadd.s32 $0x6680, s19  }
0x4c4: {  	[tilespmem:s16], [sflag:$0x2] =	stream.linear.gather [hbm4b:s8+s3], $0x10, $0x38;
	[tilespmem:$0x8980] =	vst v63  }
0x4c5: {  	s8 =	sadd.s32 $0x40, s15;
	s16 =	sadd.s32 $0x6700, s19  }
0x4c6: {  	[tilespmem:s16], [sflag:$0x2] =	stream.linear.gather [hbm4b:s8+s3], $0x10, $0x38;
	[tilespmem:$0x8980] =	vst v63  }
0x4c7: {  	s8 =	sadd.s32 $0x50, s15;
	s16 =	sadd.s32 $0x6780, s19  }
0x4c8: {  	[tilespmem:s16], [sflag:$0x2] =	stream.linear.gather [hbm4b:s8+s3], $0x10, $0x38;
	[tilespmem:$0x8980] =	vst v63  }
0x4c9: {  	s8 =	sadd.s32 $0x60, s15;
	s16 =	sor.u32 $0x6800, s19  }
0x4ca: {  	[tilespmem:s16], [sflag:$0x2] =	stream.linear.gather [hbm4b:s8+s3], $0x10, $0x38;
	[tilespmem:$0x8980] =	vst v63  }
0x4cb: {  	s8 =	sadd.s32 $0x70, s15;
	s15 =	sor.u32 $0x6880, s19  }
0x4cc: {  	[tilespmem:s15], [sflag:$0x2] =	stream.linear.gather [hbm4b:s8+s3], $0x10, $0x38;
	[tilespmem:$0x8980] =	vst v63  }
0x4cd: {  	s8 =	sadd.s32 $0x2D00, s19;
	s15 =	sadd.s32 s7, s9  }
0x4ce: {  	[tilespmem:s8], [sflag:$0x2] =	stream.linear.gather [hbm4b:s15+s3], $0x10, $0x38;
	[tilespmem:$0x8980] =	vst v63  }
0x4cf: {  	s16 =	sadd.s32 $0x2D80, s19;
	s8 =	sadd.s32 $0x10, s15  }
0x4d0: {  	[tilespmem:s16], [sflag:$0x2] =	stream.linear.gather [hbm4b:s8+s3], $0x10, $0x38;
	[tilespmem:$0x8980] =	vst v63  }
0x4d1: {  	s8 =	sadd.s32 $0x20, s15;
	s16 =	sadd.s32 $0x2E00, s19  }
0x4d2: {  	[tilespmem:s16], [sflag:$0x2] =	stream.linear.gather [hbm4b:s8+s3], $0x10, $0x38;
	[tilespmem:$0x8980] =	vst v63  }
0x4d3: {  	s8 =	sadd.s32 $0x30, s15;
	s16 =	sadd.s32 $0x2E80, s19  }
0x4d4: {  	[tilespmem:s16], [sflag:$0x2] =	stream.linear.gather [hbm4b:s8+s3], $0x10, $0x38;
	[tilespmem:$0x8980] =	vst v63  }
0x4d5: {  	s8 =	sadd.s32 $0x40, s15;
	s16 =	sadd.s32 $0x2F00, s19  }
0x4d6: {  	[tilespmem:s16], [sflag:$0x2] =	stream.linear.gather [hbm4b:s8+s3], $0x10, $0x38;
	[tilespmem:$0x8980] =	vst v63  }
0x4d7: {  	s8 =	sadd.s32 $0x50, s15;
	s16 =	sadd.s32 $0x2F80, s19  }
0x4d8: {  	[tilespmem:s16], [sflag:$0x2] =	stream.linear.gather [hbm4b:s8+s3], $0x10, $0x38;
	[tilespmem:$0x8980] =	vst v63  }
0x4d9: {  	s8 =	sadd.s32 $0x60, s15;
	s16 =	sor.u32 $0x3000, s19  }
0x4da: {  	[tilespmem:s16], [sflag:$0x2] =	stream.linear.gather [hbm4b:s8+s3], $0x10, $0x38;
	[tilespmem:$0x8980] =	vst v63  }
0x4db: {  	s8 =	sadd.s32 $0x70, s15;
	s15 =	sor.u32 $0x3080, s19  }
0x4dc: {  	[tilespmem:s15], [sflag:$0x2] =	stream.linear.gather [hbm4b:s8+s3], $0x10, $0x38;
	[tilespmem:$0x8980] =	vst v63  }
0x4dd: {  	s8 =	sadd.s32 $0x6D00, s19;
	s15 =	sadd.s32 s24, s10  }
0x4de: {  	[tilespmem:s8], [sflag:$0x2] =	stream.linear.gather [hbm4b:s15+s3], $0x10, $0x38;
	[tilespmem:$0x8980] =	vst v63  }
0x4df: {  	s16 =	sadd.s32 $0x6D80, s19;
	s8 =	sadd.s32 $0x10, s15  }
0x4e0: {  	[tilespmem:s16], [sflag:$0x2] =	stream.linear.gather [hbm4b:s8+s3], $0x10, $0x38;
	[tilespmem:$0x8980] =	vst v63  }
0x4e1: {  	s8 =	sadd.s32 $0x20, s15;
	s16 =	sadd.s32 $0x6E00, s19  }
0x4e2: {  	[tilespmem:s16], [sflag:$0x2] =	stream.linear.gather [hbm4b:s8+s3], $0x10, $0x38;
	[tilespmem:$0x8980] =	vst v63  }
0x4e3: {  	s8 =	sadd.s32 $0x30, s15;
	s16 =	sadd.s32 $0x6E80, s19  }
0x4e4: {  	[tilespmem:s16], [sflag:$0x2] =	stream.linear.gather [hbm4b:s8+s3], $0x10, $0x38;
	[tilespmem:$0x8980] =	vst v63  }
0x4e5: {  	s8 =	sadd.s32 $0x40, s15;
	s16 =	sadd.s32 $0x6F00, s19  }
0x4e6: {  	[tilespmem:s16], [sflag:$0x2] =	stream.linear.gather [hbm4b:s8+s3], $0x10, $0x38;
	[tilespmem:$0x8980] =	vst v63  }
0x4e7: {  	s8 =	sadd.s32 $0x50, s15;
	s16 =	sadd.s32 $0x6F80, s19  }
0x4e8: {  	[tilespmem:s16], [sflag:$0x2] =	stream.linear.gather [hbm4b:s8+s3], $0x10, $0x38;
	[tilespmem:$0x8980] =	vst v63  }
0x4e9: {  	s8 =	sadd.s32 $0x60, s15;
	s16 =	sor.u32 $0x7000, s19  }
0x4ea: {  	[tilespmem:s16], [sflag:$0x2] =	stream.linear.gather [hbm4b:s8+s3], $0x10, $0x38;
	[tilespmem:$0x8980] =	vst v63  }
0x4eb: {  	s8 =	sadd.s32 $0x70, s15;
	s15 =	sor.u32 $0x7080, s19  }
0x4ec: {  	[tilespmem:s15], [sflag:$0x2] =	stream.linear.gather [hbm4b:s8+s3], $0x10, $0x38;
	[tilespmem:$0x8980] =	vst v63  }
0x4ed: {  	s8 =	sadd.s32 $0x3500, s19;
	s15 =	sadd.s32 s7, s11  }
0x4ee: {  	[tilespmem:s8], [sflag:$0x2] =	stream.linear.gather [hbm4b:s15+s3], $0x10, $0x38;
	[tilespmem:$0x8980] =	vst v63  }
0x4ef: {  	s16 =	sadd.s32 $0x3580, s19;
	s8 =	sadd.s32 $0x10, s15  }
0x4f0: {  	[tilespmem:s16], [sflag:$0x2] =	stream.linear.gather [hbm4b:s8+s3], $0x10, $0x38;
	[tilespmem:$0x8980] =	vst v63  }
0x4f1: {  	s8 =	sadd.s32 $0x20, s15;
	s16 =	sadd.s32 $0x3600, s19  }
0x4f2: {  	[tilespmem:s16], [sflag:$0x2] =	stream.linear.gather [hbm4b:s8+s3], $0x10, $0x38;
	[tilespmem:$0x8980] =	vst v63  }
0x4f3: {  	s8 =	sadd.s32 $0x30, s15;
	s16 =	sadd.s32 $0x3680, s19  }
0x4f4: {  	[tilespmem:s16], [sflag:$0x2] =	stream.linear.gather [hbm4b:s8+s3], $0x10, $0x38;
	[tilespmem:$0x8980] =	vst v63  }
0x4f5: {  	s8 =	sadd.s32 $0x40, s15;
	s16 =	sadd.s32 $0x3700, s19  }
0x4f6: {  	[tilespmem:s16], [sflag:$0x2] =	stream.linear.gather [hbm4b:s8+s3], $0x10, $0x38;
	[tilespmem:$0x8980] =	vst v63  }
0x4f7: {  	s8 =	sadd.s32 $0x50, s15;
	s16 =	sadd.s32 $0x3780, s19  }
0x4f8: {  	[tilespmem:s16], [sflag:$0x2] =	stream.linear.gather [hbm4b:s8+s3], $0x10, $0x38;
	[tilespmem:$0x8980] =	vst v63  }
0x4f9: {  	s8 =	sadd.s32 $0x60, s15;
	s16 =	sor.u32 $0x3800, s19  }
0x4fa: {  	[tilespmem:s16], [sflag:$0x2] =	stream.linear.gather [hbm4b:s8+s3], $0x10, $0x38;
	[tilespmem:$0x8980] =	vst v63  }
0x4fb: {  	s8 =	sadd.s32 $0x70, s15;
	s15 =	sor.u32 $0x3880, s19  }
0x4fc: {  	[tilespmem:s15], [sflag:$0x2] =	stream.linear.gather [hbm4b:s8+s3], $0x10, $0x38;
	[tilespmem:$0x8980] =	vst v63  }
0x4fd: {  	s8 =	sadd.s32 $0x7500, s19;
	s15 =	sadd.s32 s24, s12  }
0x4fe: {  	[tilespmem:s8], [sflag:$0x2] =	stream.linear.gather [hbm4b:s15+s3], $0x10, $0x38;
	[tilespmem:$0x8980] =	vst v63  }
0x4ff: {  	s16 =	sadd.s32 $0x7580, s19;
	s8 =	sadd.s32 $0x10, s15  }
0x500: {  	[tilespmem:s16], [sflag:$0x2] =	stream.linear.gather [hbm4b:s8+s3], $0x10, $0x38;
	[tilespmem:$0x8980] =	vst v63  }
0x501: {  	s8 =	sadd.s32 $0x20, s15;
	s16 =	sadd.s32 $0x7600, s19  }
0x502: {  	[tilespmem:s16], [sflag:$0x2] =	stream.linear.gather [hbm4b:s8+s3], $0x10, $0x38;
	[tilespmem:$0x8980] =	vst v63  }
0x503: {  	s8 =	sadd.s32 $0x30, s15;
	s16 =	sadd.s32 $0x7680, s19  }
0x504: {  	[tilespmem:s16], [sflag:$0x2] =	stream.linear.gather [hbm4b:s8+s3], $0x10, $0x38;
	[tilespmem:$0x8980] =	vst v63  }
0x505: {  	s8 =	sadd.s32 $0x40, s15;
	s16 =	sadd.s32 $0x7700, s19  }
0x506: {  	[tilespmem:s16], [sflag:$0x2] =	stream.linear.gather [hbm4b:s8+s3], $0x10, $0x38;
	[tilespmem:$0x8980] =	vst v63  }
0x507: {  	s8 =	sadd.s32 $0x50, s15;
	s16 =	sadd.s32 $0x7780, s19  }
0x508: {  	[tilespmem:s16], [sflag:$0x2] =	stream.linear.gather [hbm4b:s8+s3], $0x10, $0x38;
	[tilespmem:$0x8980] =	vst v63  }
0x509: {  	s8 =	sadd.s32 $0x60, s15;
	s16 =	sor.u32 $0x7800, s19  }
0x50a: {  	[tilespmem:s16], [sflag:$0x2] =	stream.linear.gather [hbm4b:s8+s3], $0x10, $0x38;
	[tilespmem:$0x8980] =	vst v63  }
0x50b: {  	s8 =	sadd.s32 $0x70, s15;
	s15 =	sor.u32 $0x7880, s19  }
0x50c: {  	[tilespmem:s15], [sflag:$0x2] =	stream.linear.gather [hbm4b:s8+s3], $0x10, $0x38;
	[tilespmem:$0x8980] =	vst v63  }
0x50d: {  	s15 =	sadd.s32 $0x3D00, s19;
	s8 =	sadd.s32 s7, s13  }
0x50e: {  	[tilespmem:s15], [sflag:$0x2] =	stream.linear.gather [hbm4b:s8+s3], $0x10, $0x38;
	[tilespmem:$0x8980] =	vst v63  }
0x50f: {  	s16 =	sadd.s32 $0x3D80, s19;
	s7 =	sadd.s32 $0x10, s8;
	s15 =	sadd.s32 $0x60, s8  }
0x510: {  	[tilespmem:s16], [sflag:$0x2] =	stream.linear.gather [hbm4b:s7+s3], $0x10, $0x38;
	[tilespmem:$0x8980] =	vst v63  }
0x511: {  	s7 =	sadd.s32 $0x20, s8;
	s16 =	sadd.s32 $0x3E00, s19  }
0x512: {  	[tilespmem:s16], [sflag:$0x2] =	stream.linear.gather [hbm4b:s7+s3], $0x10, $0x38;
	[tilespmem:$0x8980] =	vst v63  }
0x513: {  	s7 =	sadd.s32 $0x30, s8;
	s16 =	sadd.s32 $0x3E80, s19  }
0x514: {  	[tilespmem:s16], [sflag:$0x2] =	stream.linear.gather [hbm4b:s7+s3], $0x10, $0x38;
	[tilespmem:$0x8980] =	vst v63  }
.Ltmp6:
0x515: {  	_ = 	snop;
	(pc) =	sbr.rel @p0 .LBB2_14-.Ltmp6, $4  }
0x516: {  	s7 =	sadd.s32 $0x40, s8;
	s16 =	sadd.s32 $0x3F00, s19  }
0x517: {  	[tilespmem:s16], [sflag:$0x2] =	stream.linear.gather [hbm4b:s7+s3], $0x10, $0x38;
	[tilespmem:$0x8980] =	vst v63  }
0x518: {  	s7 =	sadd.s32 $0x50, s8;
	s16 =	sadd.s32 $0x3F80, s19  }
0x519: {  	[tilespmem:s16], [sflag:$0x2] =	stream.linear.gather [hbm4b:s7+s3], $0x10, $0x38;
	[tilespmem:$0x8980] =	vst v63  }
0x51a: {  	[tilespmem:s6], [sflag:$0x2] =	stream.linear.gather [hbm4b:s15+s3], $0x10, $0x38;
	[tilespmem:$0x8980] =	vst v63  }
0x51b: {  	s0 =	sadd.s32 $0x70, s8;
	s4 =	sor.u32 $0x4080, s19  }
0x51c: {  	[tilespmem:s4], [sflag:$0x2] =	stream.linear.gather [hbm4b:s0+s3], $0x10, $0x38;
	[tilespmem:$0x8980] =	vst v63  }
0x51d: {  	s23 =	sadd.s32 $0x7D00, s19;
	s25 =	sadd.s32 s24, s14  }
0x51e: {  	[tilespmem:s23], [sflag:$0x2] =	stream.linear.gather [hbm4b:s25+s3], $0x10, $0x38;
	[tilespmem:$0x8980] =	vst v63  }
0x51f: {  	s5 =	sadd.s32 $0x7D80, s19;
	s26 =	sadd.s32 $0x10, s25  }
0x520: {  	[tilespmem:s5], [sflag:$0x2] =	stream.linear.gather [hbm4b:s26+s3], $0x10, $0x38;
	[tilespmem:$0x8980] =	vst v63  }
0x521: {  	s29 =	sadd.s32 $0x7E00, s19;
	s28 =	sadd.s32 $0x20, s25  }
0x522: {  	[tilespmem:s29], [sflag:$0x2] =	stream.linear.gather [hbm4b:s28+s3], $0x10, $0x38;
	[tilespmem:$0x8980] =	vst v63  }
0x523: {  	s31 =	sadd.s32 $0x7E80, s19;
	s30 =	sadd.s32 $0x30, s25  }
0x524: {  	[tilespmem:s31], [sflag:$0x2] =	stream.linear.gather [hbm4b:s30+s3], $0x10, $0x38;
	[tilespmem:$0x8980] =	vst v63  }
0x525: {  	s7 =	sadd.s32 $0x7F00, s19;
	s6 =	sadd.s32 $0x40, s25  }
0x526: {  	[tilespmem:s7], [sflag:$0x2] =	stream.linear.gather [hbm4b:s6+s3], $0x10, $0x38;
	[tilespmem:$0x8980] =	vst v63  }
0x527: {  	s15 =	sadd.s32 $0x7F80, s19;
	s8 =	sadd.s32 $0x50, s25  }
0x528: {  	[tilespmem:s15], [sflag:$0x2] =	stream.linear.gather [hbm4b:s8+s3], $0x10, $0x38;
	[tilespmem:$0x8980] =	vst v63  }
0x529: {  	s17 =	sor.u32 $0x8000, s19;
	s16 =	sadd.s32 $0x60, s25  }
0x52a: {  	[tilespmem:s17], [sflag:$0x2] =	stream.linear.gather [hbm4b:s16+s3], $0x10, $0x38;
	[tilespmem:$0x8980] =	vst v63  }
0x52b: {  	s19 =	sor.u32 $0x8080, s19;
	s20 =	simm.s32 $0x1;
	s18 =	sadd.s32 $0x70, s25  }
0x52c: {  	[tilespmem:s19], [sflag:$0x2] =	stream.linear.gather [hbm4b:s18+s3], $0x10, $0x38;
	[tilespmem:$0x8980] =	vst v63  }
0x52d: {  	_ =	swait.ge [sflag:s20], $0x2000  }
0x52e: {  	[sflag:s20] =	ssyncset.done $0x0  }
0x52f: {  	[sflag:s20] =	ssyncadd.s32 $0xFFFFE000  }
0x530: {  	_ =	swait.ge [sflag:s20], $0x2000  }
0x531: {  	[sflag:s20] =	ssyncset.done $0x0  }
0x532: {  	[sflag:s20] =	ssyncadd.s32 $0xFFFFE000  }
0x533: {  	v3 =	vld [tilespmem:$0x1E0]  }
0x534: {  	v4 =	vld [tilespmem:$0x460];
	_ =	sdelay $0x3  }
0x535: {  	s24 =	simm.s32 $0x0;
	s23 =	simm.s32 $0x0;
	v3 =	vand.u32 $0xF, v3  }
0x536: {  	s4 =	sand.u32 $0xFFFFF800, s24;
	s0 =	sand.u32 $0x7, s23;
	v4 =	vand.u32 $0xF, v4;
	v3 =	vor.u32 v2, v3  }
0x537: {  	s0 =	sshll.u32 s0, $0x7;
	v4 =	vor.u32 v2, v4;
	v5 =	vor.u32 s4, v3  }
0x538: {  	v6 =	vor.u32 s4, v4;
	v5 =	vor.u32 s0, v5  }
0x539: {  	v6 =	vor.u32 s0, v6;
	_ =	sdelay $0x2  }
0x53a: {  	s25 =	simm.s32 $0x1;
	s26 =	simm.s32 $0x100  }
0x53b: {  	s4 =	sand.u32 $0xFFFFF800, s26;
	s0 =	sand.u32 $0x7, s25;
	v7 =	vld.idx.msk [tilespmem:v5+s21+$0x0], $0xffff  }
0x53c: {  	s0 =	sshll.u32 s0, $0x7;
	v5 =	vor.u32 s4, v3;
	v6 =	vld.idx.msk [tilespmem:v6+s22+$0x0], $0xffff  }
0x53d: {  	v8 =	vor.u32 s0, v5;
	v5 =	vor.u32 s4, v4  }
0x53e: {  	s28 =	simm.s32 $0x8500;
	v9 =	vor.u32 s0, v5  }
0x53f: {  	s29 =	simm.s32 $0x2;
	s30 =	simm.s32 $0x200;
	v10 =	vld [tilespmem:s28+$0x0]  }
0x540: {  	s4 =	sand.u32 $0xFFFFF800, s30;
	s0 =	sand.u32 $0x7, s29  }
0x541: {  	v5 =	vld [tilespmem:$0x8960];
	s31 =	sshll.u32 s0, $0x7;
	v11 =	vmul.f32 v6, v7;
	v7 =	vor.u32 s4, v3  }
0x542: {  	v12 =	vor.u32 s4, v4;
	v6 =	vld.idx.msk [tilespmem:v8+s21+$0x0], $0xffff;
	v8 =	vor.u32 s31, v7  }
0x543: {  	v7 =	vld.idx.msk [tilespmem:v9+s22+$0x0], $0xffff;
	v9 =	vor.u32 s31, v12  }
0x544: {  	s0 =	simm.s32 $0x3;
	s4 =	simm.s32 $0x8510;
	v10 =	vmul.f32 v11, v10  }
.LBB2_16:
0x545: {  	s5 =	sand.u32 $0x7, s0;
	s6 =	sshll.u32 s0, $0x8;
	v11 =	vld [tilespmem:s4+$0x0];
	p0 =	sne.s32 s0, $0x1F  }
.Ltmp7:
0x546: {  	s0 =	sadd.s32 $0x1, s0;
	s6 =	sand.u32 $0xFFFFF800, s6;
	v5 =	vadd.f32 v10, v5;
	(pc) =	sbr.rel @p0 .LBB2_16-.Ltmp7, $4  }
0x547: {  	s5 =	sshll.u32 s5, $0x7;
	v12 =	vmov v6;
	v10 =	vor.u32 s6, v3;
	v6 =	vld.idx.msk [tilespmem:v8+s21+$0x0], $0xffff  }
0x548: {  	v12 =	vmul.f32 v7, v12;
	v8 =	vor.u32 s5, v10;
	v10 =	vor.u32 s6, v4;
	v7 =	vld.idx.msk [tilespmem:v9+s22+$0x0], $0xffff  }
0x549: {  	v9 =	vor.u32 s5, v10  }
0x54a: {  	s4 =	sadd.s32 $0x10, s4;
	v10 =	vmul.f32 v12, v11  }
0x54b: {  	_ =	sdelay $0x2  }
0x54c: {  	v3 =	vld [tilespmem:s4+$0x0]  }
0x54d: {  	v4 =	vld.idx.msk [tilespmem:v8+s21+$0x0], $0xffff  }
0x54e: {  	v8 =	vld.idx.msk [tilespmem:v9+s22+$0x0], $0xffff  }
0x54f: {  	s0 =	sadd.s32 $0x10, s4  }
0x550: {  	v9 =	vld [tilespmem:s0+$0x0]  }
0x551: {  	v6 =	vmul.f32 v7, v6;
	_ =	sdelay $0x1  }
0x552: {  	v5 =	vadd.f32 v10, v5;
	v3 =	vmul.f32 v6, v3;
	v4 =	vmul.f32 v8, v4;
	_ =	sdelay $0x1  }
0x553: {  	v3 =	vadd.f32 v3, v5;
	v4 =	vmul.f32 v4, v9;
	_ =	sdelay $0x1  }
0x554: {  	v3 =	vadd.f32 v4, v3;
	_ =	sdelay $0x1  }
0x555: {  	s20 =	simm.s32 $0x2;
	[tilespmem:$0x8960] =	vst v3  }
0x556: {  	_ =	swait.ge [sflag:s20], $0x2000  }
0x557: {  	[sflag:s20] =	ssyncset.done $0x0  }
0x558: {  	[sflag:s20] =	ssyncadd.s32 $0xFFFFE000  }
0x559: {  	_ =	swait.ge [sflag:s20], $0x2000  }
0x55a: {  	[sflag:s20] =	ssyncset.done $0x0  }
0x55b: {  	[sflag:s20] =	ssyncadd.s32 $0xFFFFE000  }
0x55c: {  	v4 =	vld [tilespmem:$0x1F0]  }
0x55d: {  	v5 =	vld [tilespmem:$0x470]  }
0x55e: {  	s23 =	simm.s32 $0x0  }
0x55f: {  	s0 =	sand.u32 $0xFFFFF800, s23  }
0x560: {  	s24 =	simm.s32 $0x0;
	v6 =	vmov s0  }
0x561: {  	s25 =	sand.u32 $0x7, s24;
	v6 =	vadd.s32 $0x2000, v6;
	v4 =	vand.u32 $0xF, v4  }
0x562: {  	s0 =	sshll.u32 s25, $0x7;
	v5 =	vand.u32 $0xF, v5;
	v11 =	vor.u32 v2, v4;
	v4 =	vbroadcast v6, $0x0  }
0x563: {  	s26 =	simm.s32 $0x100;
	v5 =	vor.u32 v2, v5;
	v6 =	vor.u32 s0, v11  }
0x564: {  	s4 =	sand.u32 $0xFFFFF800, s26;
	v8 =	vor.u32 s0, v5;
	v6 =	vor.u32 v4, v6  }
0x565: {  	s5 =	simm.s32 $0x1;
	v7 =	vmov s4;
	v8 =	vor.u32 v4, v8  }
0x566: {  	s28 =	sand.u32 $0x7, s5;
	v7 =	vadd.s32 $0x2000, v7  }
0x567: {  	s29 =	sshll.u32 s28, $0x7;
	v7 =	vbroadcast v7, $0x0  }
0x568: {  	v4 =	vor.u32 s29, v11  }
0x569: {  	s30 =	simm.s32 $0x200;
	v10 =	vor.u32 s29, v5;
	v14 =	vor.u32 v7, v4;
	v9 =	vld.idx.msk [tilespmem:v6+s21+$0x0], $0xffff  }
0x56a: {  	s6 =	sand.u32 $0xFFFFF800, s30;
	v10 =	vor.u32 v7, v10;
	v6 =	vld.idx.msk [tilespmem:v8+s22+$0x0], $0xffff  }
0x56b: {  	s31 =	simm.s32 $0x2;
	s0 =	simm.s32 $0x8500;
	v8 =	vmov s6  }
0x56c: {  	s5 =	sand.u32 $0x7, s31;
	v12 =	vadd.s32 $0x2000, v8;
	v8 =	vld [tilespmem:s0+$0x0]  }
0x56d: {  	s4 =	sshll.u32 s5, $0x7;
	v4 =	vld [tilespmem:$0x8970];
	v12 =	vbroadcast v12, $0x0  }
0x56e: {  	s5 =	simm.s32 $0x3;
	v13 =	vor.u32 s4, v11;
	v7 =	vld.idx.msk [tilespmem:v14+s21+$0x0], $0xffff  }
.LBB2_18:
0x56f: {  	s6 =	sshll.u32 s5, $0x8;
	v14 =	vor.u32 v12, v13;
	v13 =	vor.u32 s4, v5;
	v9 =	vmul.f32 v6, v9;
	v6 =	vld.idx.msk [tilespmem:v10+s22+$0x0], $0xffff;
	s4 =	smov.u32 s5;
	p0 =	sne.s32 s5, $0x1F  }
.Ltmp8:
0x570: {  	s5 =	sadd.s32 $0x1, s5;
	s6 =	sand.u32 $0xFFFFF800, s6;
	v10 =	vor.u32 v12, v13;
	(pc) =	sbr.rel @p0 .LBB2_18-.Ltmp8, $4  }
0x571: {  	s0 =	sadd.s32 $0x10, s0;
	v12 =	vmov s6;
	v15 =	vmul.f32 v9, v8  }
0x572: {  	s4 =	sand.u32 $0x7, s4;
	v12 =	vadd.s32 $0x2000, v12;
	v8 =	vld [tilespmem:s0+$0x0]  }
0x573: {  	s4 =	sshll.u32 s4, $0x7;
	v12 =	vbroadcast v12, $0x0;
	v4 =	vadd.f32 v15, v4  }
0x574: {  	v13 =	vor.u32 s4, v11;
	v9 =	vmov v7;
	v7 =	vld.idx.msk [tilespmem:v14+s21+$0x0], $0xffff  }
0x575: {  	v11 =	vld [tilespmem:$0x8700]  }
0x576: {  	v14 =	vld [tilespmem:$0x8780];
	_ =	sdelay $0x4  }
0x577: {  	v14 =	vadd.f32 v14, v11;
	_ =	sdelay $0x1  }
0x578: {  	v14 =	vsub.f32 $0.0e+00, v14;
	_ =	sdelay $0x1  }
0x579: {  	v14 =	vmul.f32 $1.442695020e+00, v14;
	_ =	sdelay $0x1  }
0x57a: {  	(erf) = vpow2.f32 v14;
	_ =	sdelay $0x1  }
0x57b: {  	v24 =	vld [tilespmem:$0x8790];
	_ =	sdelay $0x4  }
0x57c: {  	v14 =	vadd.f32 v24, v11;
	_ =	sdelay $0x1  }
0x57d: {  	v14 =	vsub.f32 $0.0e+00, v14;
	v15 =	vpop (erf)  }
0x57e: {  	v15 =	vadd.f32 $1.000000000e+00, v15  }
0x57f: {  	v14 =	vmul.f32 $1.442695020e+00, v14  }
0x580: {  	(erf) = vrcp.f32 v15  }
0x581: {  	(erf) = vpow2.f32 v14;
	_ =	sdelay $0x1  }
0x582: {  	v25 =	vld [tilespmem:$0x87A0];
	_ =	sdelay $0x4  }
0x583: {  	v26 =	vadd.f32 v25, v11  }
0x584: {  	v14 =	vpop (erf)  }
0x585: {  	v15 =	vsub.f32 $0.0e+00, v26;
	v16 =	vpop (erf)  }
0x586: {  	v16 =	vadd.f32 $1.000000000e+00, v16  }
0x587: {  	v15 =	vmul.f32 $1.442695020e+00, v15  }
0x588: {  	(erf) = vrcp.f32 v16  }
0x589: {  	(erf) = vpow2.f32 v15;
	_ =	sdelay $0x1  }
0x58a: {  	v27 =	vld [tilespmem:$0x87B0];
	_ =	sdelay $0x4  }
0x58b: {  	v28 =	vadd.f32 v27, v11  }
0x58c: {  	v15 =	vpop (erf)  }
0x58d: {  	v16 =	vsub.f32 $0.0e+00, v28;
	v17 =	vpop (erf)  }
0x58e: {  	v17 =	vadd.f32 $1.000000000e+00, v17  }
0x58f: {  	v16 =	vmul.f32 $1.442695020e+00, v16  }
0x590: {  	(erf) = vrcp.f32 v17  }
0x591: {  	(erf) = vpow2.f32 v16;
	_ =	sdelay $0x1  }
0x592: {  	v29 =	vld [tilespmem:$0x87C0];
	_ =	sdelay $0x4  }
0x593: {  	v30 =	vadd.f32 v29, v11  }
0x594: {  	v16 =	vpop (erf)  }
0x595: {  	v17 =	vsub.f32 $0.0e+00, v30;
	v18 =	vpop (erf)  }
0x596: {  	v18 =	vadd.f32 $1.000000000e+00, v18  }
0x597: {  	v17 =	vmul.f32 $1.442695020e+00, v17  }
0x598: {  	(erf) = vrcp.f32 v18  }
0x599: {  	(erf) = vpow2.f32 v17;
	_ =	sdelay $0x1  }
0x59a: {  	v31 =	vld [tilespmem:$0x87D0];
	_ =	sdelay $0x4  }
0x59b: {  	v32 =	vadd.f32 v31, v11  }
0x59c: {  	v17 =	vpop (erf)  }
0x59d: {  	v18 =	vsub.f32 $0.0e+00, v32;
	v19 =	vpop (erf)  }
0x59e: {  	v19 =	vadd.f32 $1.000000000e+00, v19  }
0x59f: {  	v18 =	vmul.f32 $1.442695020e+00, v18  }
0x5a0: {  	(erf) = vrcp.f32 v19  }
0x5a1: {  	(erf) = vpow2.f32 v18;
	_ =	sdelay $0x1  }
0x5a2: {  	v33 =	vld [tilespmem:$0x87E0];
	_ =	sdelay $0x4  }
0x5a3: {  	v34 =	vadd.f32 v33, v11  }
0x5a4: {  	v18 =	vpop (erf)  }
0x5a5: {  	v19 =	vsub.f32 $0.0e+00, v34;
	v20 =	vpop (erf)  }
0x5a6: {  	v20 =	vadd.f32 $1.000000000e+00, v20  }
0x5a7: {  	v19 =	vmul.f32 $1.442695020e+00, v19  }
0x5a8: {  	(erf) = vrcp.f32 v20  }
0x5a9: {  	(erf) = vpow2.f32 v19;
	_ =	sdelay $0x1  }
0x5aa: {  	v35 =	vld [tilespmem:$0x87F0];
	_ =	sdelay $0x4  }
0x5ab: {  	v36 =	vadd.f32 v35, v11  }
0x5ac: {  	v19 =	vpop (erf)  }
0x5ad: {  	v20 =	vsub.f32 $0.0e+00, v36;
	v21 =	vpop (erf)  }
0x5ae: {  	v21 =	vadd.f32 $1.000000000e+00, v21  }
0x5af: {  	v20 =	vmul.f32 $1.442695020e+00, v20  }
0x5b0: {  	(erf) = vrcp.f32 v21  }
0x5b1: {  	(erf) = vpow2.f32 v20;
	_ =	sdelay $0x1  }
0x5b2: {  	v37 =	vld [tilespmem:$0x8800];
	_ =	sdelay $0x4  }
0x5b3: {  	v38 =	vadd.f32 v37, v11  }
0x5b4: {  	v20 =	vpop (erf)  }
0x5b5: {  	v21 =	vsub.f32 $0.0e+00, v38;
	v22 =	vpop (erf)  }
0x5b6: {  	v22 =	vadd.f32 $1.000000000e+00, v22  }
0x5b7: {  	v21 =	vmul.f32 $1.442695020e+00, v21  }
0x5b8: {  	(erf) = vrcp.f32 v22  }
0x5b9: {  	(erf) = vpow2.f32 v21;
	_ =	sdelay $0x1  }
0x5ba: {  	v39 =	vld [tilespmem:$0x8810];
	_ =	sdelay $0x4  }
0x5bb: {  	v40 =	vadd.f32 v39, v11  }
0x5bc: {  	v21 =	vpop (erf)  }
0x5bd: {  	v22 =	vsub.f32 $0.0e+00, v40;
	v23 =	vpop (erf)  }
0x5be: {  	v23 =	vadd.f32 $1.000000000e+00, v23  }
0x5bf: {  	v22 =	vmul.f32 $1.442695020e+00, v22  }
0x5c0: {  	(erf) = vrcp.f32 v23  }
0x5c1: {  	(erf) = vpow2.f32 v22;
	_ =	sdelay $0x1  }
0x5c2: {  	v41 =	vld [tilespmem:$0x8820];
	_ =	sdelay $0x4  }
0x5c3: {  	v42 =	vadd.f32 v41, v11  }
0x5c4: {  	v22 =	vpop (erf)  }
0x5c5: {  	v23 =	vsub.f32 $0.0e+00, v42;
	v24 =	vpop (erf)  }
0x5c6: {  	v24 =	vadd.f32 $1.000000000e+00, v24  }
0x5c7: {  	v23 =	vmul.f32 $1.442695020e+00, v23  }
0x5c8: {  	(erf) = vrcp.f32 v24  }
0x5c9: {  	(erf) = vpow2.f32 v23;
	_ =	sdelay $0x1  }
0x5ca: {  	v43 =	vld [tilespmem:$0x8830];
	_ =	sdelay $0x4  }
0x5cb: {  	v44 =	vadd.f32 v43, v11  }
0x5cc: {  	v23 =	vpop (erf)  }
0x5cd: {  	v24 =	vsub.f32 $0.0e+00, v44;
	v25 =	vpop (erf)  }
0x5ce: {  	v25 =	vadd.f32 $1.000000000e+00, v25  }
0x5cf: {  	v24 =	vmul.f32 $1.442695020e+00, v24  }
0x5d0: {  	(erf) = vrcp.f32 v25  }
0x5d1: {  	(erf) = vpow2.f32 v24;
	_ =	sdelay $0x1  }
0x5d2: {  	v45 =	vld [tilespmem:$0x8840];
	_ =	sdelay $0x4  }
0x5d3: {  	v46 =	vadd.f32 v45, v11  }
0x5d4: {  	v24 =	vpop (erf)  }
0x5d5: {  	v25 =	vsub.f32 $0.0e+00, v46;
	v26 =	vpop (erf)  }
0x5d6: {  	v26 =	vadd.f32 $1.000000000e+00, v26  }
0x5d7: {  	v25 =	vmul.f32 $1.442695020e+00, v25  }
0x5d8: {  	(erf) = vrcp.f32 v26  }
0x5d9: {  	(erf) = vpow2.f32 v25;
	_ =	sdelay $0x1  }
0x5da: {  	v47 =	vld [tilespmem:$0x8850];
	_ =	sdelay $0x4  }
0x5db: {  	v48 =	vadd.f32 v47, v11  }
0x5dc: {  	v25 =	vpop (erf)  }
0x5dd: {  	v26 =	vsub.f32 $0.0e+00, v48;
	v27 =	vpop (erf)  }
0x5de: {  	v27 =	vadd.f32 $1.000000000e+00, v27  }
0x5df: {  	v26 =	vmul.f32 $1.442695020e+00, v26  }
0x5e0: {  	(erf) = vrcp.f32 v27  }
0x5e1: {  	(erf) = vpow2.f32 v26;
	_ =	sdelay $0x1  }
0x5e2: {  	v49 =	vld [tilespmem:$0x8860];
	_ =	sdelay $0x4  }
0x5e3: {  	v50 =	vadd.f32 v49, v11  }
0x5e4: {  	v26 =	vpop (erf)  }
0x5e5: {  	v27 =	vsub.f32 $0.0e+00, v50;
	v28 =	vpop (erf)  }
0x5e6: {  	v28 =	vadd.f32 $1.000000000e+00, v28  }
0x5e7: {  	v27 =	vmul.f32 $1.442695020e+00, v27  }
0x5e8: {  	(erf) = vrcp.f32 v28  }
0x5e9: {  	(erf) = vpow2.f32 v27;
	_ =	sdelay $0x1  }
0x5ea: {  	v51 =	vld [tilespmem:$0x8870];
	_ =	sdelay $0x4  }
0x5eb: {  	v52 =	vadd.f32 v51, v11  }
0x5ec: {  	v27 =	vpop (erf)  }
0x5ed: {  	v28 =	vsub.f32 $0.0e+00, v52;
	v29 =	vpop (erf)  }
0x5ee: {  	v29 =	vadd.f32 $1.000000000e+00, v29  }
0x5ef: {  	v28 =	vmul.f32 $1.442695020e+00, v28  }
0x5f0: {  	(erf) = vrcp.f32 v29  }
0x5f1: {  	(erf) = vpow2.f32 v28;
	_ =	sdelay $0x1  }
0x5f2: {  	v53 =	vld [tilespmem:$0x8880];
	_ =	sdelay $0x4  }
0x5f3: {  	v54 =	vadd.f32 v53, v11  }
0x5f4: {  	v28 =	vpop (erf)  }
0x5f5: {  	v29 =	vsub.f32 $0.0e+00, v54;
	v30 =	vpop (erf)  }
0x5f6: {  	v30 =	vadd.f32 $1.000000000e+00, v30  }
0x5f7: {  	v29 =	vmul.f32 $1.442695020e+00, v29  }
0x5f8: {  	(erf) = vrcp.f32 v30  }
0x5f9: {  	(erf) = vpow2.f32 v29;
	_ =	sdelay $0x1  }
0x5fa: {  	v55 =	vld [tilespmem:$0x8890];
	_ =	sdelay $0x4  }
0x5fb: {  	v56 =	vadd.f32 v55, v11  }
0x5fc: {  	v29 =	vpop (erf)  }
0x5fd: {  	v30 =	vsub.f32 $0.0e+00, v56;
	v31 =	vpop (erf)  }
0x5fe: {  	v31 =	vadd.f32 $1.000000000e+00, v31  }
0x5ff: {  	v30 =	vmul.f32 $1.442695020e+00, v30  }
0x600: {  	(erf) = vrcp.f32 v31  }
0x601: {  	(erf) = vpow2.f32 v30;
	_ =	sdelay $0x1  }
0x602: {  	v57 =	vld [tilespmem:$0x88A0];
	_ =	sdelay $0x4  }
0x603: {  	v58 =	vadd.f32 v57, v11  }
0x604: {  	v30 =	vpop (erf)  }
0x605: {  	v31 =	vsub.f32 $0.0e+00, v58;
	v32 =	vpop (erf)  }
0x606: {  	v32 =	vadd.f32 $1.000000000e+00, v32  }
0x607: {  	v31 =	vmul.f32 $1.442695020e+00, v31  }
0x608: {  	(erf) = vrcp.f32 v32  }
0x609: {  	(erf) = vpow2.f32 v31;
	_ =	sdelay $0x1  }
0x60a: {  	v59 =	vld [tilespmem:$0x88B0];
	_ =	sdelay $0x4  }
0x60b: {  	v60 =	vadd.f32 v59, v11  }
0x60c: {  	v31 =	vpop (erf)  }
0x60d: {  	v32 =	vsub.f32 $0.0e+00, v60;
	v33 =	vpop (erf)  }
0x60e: {  	v33 =	vadd.f32 $1.000000000e+00, v33  }
0x60f: {  	v32 =	vmul.f32 $1.442695020e+00, v32  }
0x610: {  	(erf) = vrcp.f32 v33  }
0x611: {  	(erf) = vpow2.f32 v32;
	_ =	sdelay $0x1  }
0x612: {  	v61 =	vld [tilespmem:$0x88C0];
	_ =	sdelay $0x4  }
0x613: {  	v62 =	vadd.f32 v61, v11  }
0x614: {  	v63 =	vpop (erf)  }
0x615: {  	v33 =	vsub.f32 $0.0e+00, v62;
	v34 =	vpop (erf)  }
0x616: {  	v34 =	vadd.f32 $1.000000000e+00, v34  }
0x617: {  	v33 =	vmul.f32 $1.442695020e+00, v33  }
0x618: {  	(erf) = vrcp.f32 v34  }
0x619: {  	(erf) = vpow2.f32 v33;
	_ =	sdelay $0x1  }
0x61a: {  	v43 =	vld [tilespmem:$0x88D0];
	_ =	sdelay $0x4  }
0x61b: {  	v44 =	vadd.f32 v43, v11  }
0x61c: {  	v33 =	vpop (erf)  }
0x61d: {  	v34 =	vsub.f32 $0.0e+00, v44;
	v35 =	vpop (erf)  }
0x61e: {  	v35 =	vadd.f32 $1.000000000e+00, v35  }
0x61f: {  	v34 =	vmul.f32 $1.442695020e+00, v34  }
0x620: {  	(erf) = vrcp.f32 v35  }
0x621: {  	(erf) = vpow2.f32 v34;
	_ =	sdelay $0x1  }
0x622: {  	v45 =	vld [tilespmem:$0x88E0];
	_ =	sdelay $0x4  }
0x623: {  	v46 =	vadd.f32 v45, v11  }
0x624: {  	v47 =	vpop (erf)  }
0x625: {  	v35 =	vsub.f32 $0.0e+00, v46;
	v36 =	vpop (erf)  }
0x626: {  	v36 =	vadd.f32 $1.000000000e+00, v36  }
0x627: {  	v35 =	vmul.f32 $1.442695020e+00, v35  }
0x628: {  	(erf) = vrcp.f32 v36  }
0x629: {  	(erf) = vpow2.f32 v35;
	_ =	sdelay $0x1  }
0x62a: {  	v48 =	vld [tilespmem:$0x88F0];
	_ =	sdelay $0x4  }
0x62b: {  	v35 =	vadd.f32 v48, v11  }
0x62c: {  	v36 =	vpop (erf)  }
0x62d: {  	v35 =	vsub.f32 $0.0e+00, v35;
	v37 =	vpop (erf)  }
0x62e: {  	v37 =	vadd.f32 $1.000000000e+00, v37  }
0x62f: {  	v35 =	vmul.f32 $1.442695020e+00, v35  }
0x630: {  	(erf) = vrcp.f32 v37  }
0x631: {  	(erf) = vpow2.f32 v35;
	_ =	sdelay $0x1  }
0x632: {  	v49 =	vld [tilespmem:$0x8900];
	_ =	sdelay $0x4  }
0x633: {  	v35 =	vadd.f32 v49, v11  }
0x634: {  	v37 =	vpop (erf)  }
0x635: {  	v35 =	vsub.f32 $0.0e+00, v35;
	v38 =	vpop (erf)  }
0x636: {  	v38 =	vadd.f32 $1.000000000e+00, v38  }
0x637: {  	v35 =	vmul.f32 $1.442695020e+00, v35  }
0x638: {  	(erf) = vrcp.f32 v38  }
0x639: {  	(erf) = vpow2.f32 v35;
	_ =	sdelay $0x1  }
0x63a: {  	v50 =	vld [tilespmem:$0x8910];
	_ =	sdelay $0x4  }
0x63b: {  	v35 =	vadd.f32 v50, v11  }
0x63c: {  	v38 =	vpop (erf)  }
0x63d: {  	v35 =	vsub.f32 $0.0e+00, v35;
	v39 =	vpop (erf)  }
0x63e: {  	v39 =	vadd.f32 $1.000000000e+00, v39  }
0x63f: {  	v35 =	vmul.f32 $1.442695020e+00, v35  }
0x640: {  	(erf) = vrcp.f32 v39  }
0x641: {  	(erf) = vpow2.f32 v35;
	_ =	sdelay $0x1  }
0x642: {  	v51 =	vld [tilespmem:$0x8920];
	_ =	sdelay $0x4  }
0x643: {  	v35 =	vadd.f32 v51, v11  }
0x644: {  	v39 =	vpop (erf)  }
0x645: {  	v35 =	vsub.f32 $0.0e+00, v35;
	v40 =	vpop (erf)  }
0x646: {  	v40 =	vadd.f32 $1.000000000e+00, v40  }
0x647: {  	v35 =	vmul.f32 $1.442695020e+00, v35  }
0x648: {  	(erf) = vrcp.f32 v40  }
0x649: {  	(erf) = vpow2.f32 v35;
	_ =	sdelay $0x1  }
0x64a: {  	v52 =	vld [tilespmem:$0x8930];
	_ =	sdelay $0x4  }
0x64b: {  	v35 =	vadd.f32 v52, v11  }
0x64c: {  	v40 =	vpop (erf)  }
0x64d: {  	v35 =	vsub.f32 $0.0e+00, v35;
	v41 =	vpop (erf)  }
0x64e: {  	v41 =	vadd.f32 $1.000000000e+00, v41  }
0x64f: {  	v35 =	vmul.f32 $1.442695020e+00, v35  }
0x650: {  	(erf) = vrcp.f32 v41  }
0x651: {  	(erf) = vpow2.f32 v35;
	_ =	sdelay $0x1  }
0x652: {  	v53 =	vld [tilespmem:$0x8940];
	_ =	sdelay $0x4  }
0x653: {  	v35 =	vadd.f32 v53, v11  }
0x654: {  	v41 =	vpop (erf)  }
0x655: {  	v35 =	vsub.f32 $0.0e+00, v35;
	v42 =	vpop (erf)  }
0x656: {  	v42 =	vadd.f32 $1.000000000e+00, v42  }
0x657: {  	v35 =	vmul.f32 $1.442695020e+00, v35  }
0x658: {  	(erf) = vrcp.f32 v42  }
0x659: {  	(erf) = vpow2.f32 v35;
	_ =	sdelay $0x1  }
0x65a: {  	v54 =	vld [tilespmem:$0x8950];
	_ =	sdelay $0x4  }
0x65b: {  	v35 =	vadd.f32 v54, v11  }
0x65c: {  	v42 =	vpop (erf)  }
0x65d: {  	v35 =	vsub.f32 $0.0e+00, v35;
	v43 =	vpop (erf)  }
0x65e: {  	v43 =	vadd.f32 $1.000000000e+00, v43  }
0x65f: {  	v35 =	vmul.f32 $1.442695020e+00, v35  }
0x660: {  	(erf) = vrcp.f32 v43  }
0x661: {  	(erf) = vpow2.f32 v35;
	_ =	sdelay $0x2  }
0x662: {  	v13 =	vor.u32 v12, v13;
	v5 =	vor.u32 s4, v5  }
0x663: {  	v5 =	vor.u32 v12, v5;
	_ =	sdelay $0x1  }
0x664: {  	v10 =	vld.idx.msk [tilespmem:v10+s22+$0x0], $0xffff;
	s0 =	sadd.s32 $0x10, s0  }
0x665: {  	v55 =	vld [tilespmem:s0+$0x0];
	v3 =	vadd.f32 v11, v3  }
0x666: {  	v13 =	vld.idx.msk [tilespmem:v13+s21+$0x0], $0xffff;
	v56 =	vpop (erf)  }
0x667: {  	v6 =	vmul.f32 v6, v9;
	v5 =	vld.idx.msk [tilespmem:v5+s22+$0x0], $0xffff;
	v3 =	vsub.f32 $0.0e+00, v3;
	v57 =	vpop (erf)  }
0x668: {  	s0 =	sadd.s32 $0x10, s0;
	v9 =	vadd.f32 $1.000000000e+00, v57  }
0x669: {  	v6 =	vmul.f32 v6, v8;
	v3 =	vmul.f32 $1.442695020e+00, v3;
	v58 =	vld [tilespmem:s0+$0x0]  }
0x66a: {  	v7 =	vmul.f32 v10, v7;
	(erf) = vrcp.f32 v9  }
0x66b: {  	(erf) = vpow2.f32 v3  }
0x66c: {  	v59 =	vmul.f32 v7, v55;
	v5 =	vmul.f32 v5, v13;
	v3 =	vadd.f32 v6, v4;
	_ =	sdelay $0x1  }
0x66d: {  	[tilespmem:$0x8780] =	vst v14;
	v60 =	vmul.f32 v5, v58;
	v3 =	vadd.f32 v59, v3  }
0x66e: {  	[tilespmem:$0x8790] =	vst v15  }
0x66f: {  	[tilespmem:$0x87A0] =	vst v16;
	v3 =	vadd.f32 v60, v3  }
0x670: {  	[tilespmem:$0x87B0] =	vst v17  }
0x671: {  	[tilespmem:$0x8970] =	vst v3;
	v3 =	vadd.f32 v11, v3  }
0x672: {  	[tilespmem:$0x87C0] =	vst v18;
	v61 =	vpop (erf)  }
0x673: {  	[tilespmem:$0x87D0] =	vst v19;
	v3 =	vsub.f32 $0.0e+00, v3;
	v62 =	vpop (erf)  }
0x674: {  	[tilespmem:$0x87E0] =	vst v20;
	v5 =	vadd.f32 $1.000000000e+00, v62  }
0x675: {  	[tilespmem:$0x87F0] =	vst v21;
	v3 =	vmul.f32 $1.442695020e+00, v3  }
0x676: {  	[tilespmem:$0x8800] =	vst v22;
	(erf) = vrcp.f32 v5  }
0x677: {  	[tilespmem:$0x8810] =	vst v23;
	(erf) = vpow2.f32 v3  }
0x678: {  	[tilespmem:$0x8820] =	vst v24  }
0x679: {  	[tilespmem:$0x8830] =	vst v25  }
0x67a: {  	[tilespmem:$0x8840] =	vst v26  }
0x67b: {  	[tilespmem:$0x8850] =	vst v27  }
0x67c: {  	[tilespmem:$0x8860] =	vst v28  }
0x67d: {  	[tilespmem:$0x8870] =	vst v29  }
0x67e: {  	[tilespmem:$0x8880] =	vst v30  }
0x67f: {  	[tilespmem:$0x8890] =	vst v31;
	v3 =	vpop (erf)  }
0x680: {  	[tilespmem:$0x88A0] =	vst v63;
	v63 =	vpop (erf)  }
0x681: {  	[tilespmem:$0x88B0] =	vst v33;
	v5 =	vadd.f32 $1.000000000e+00, v63  }
0x682: {  	[tilespmem:$0x88C0] =	vst v47  }
0x683: {  	[tilespmem:$0x88D0] =	vst v36;
	(erf) = vrcp.f32 v5  }
0x684: {  	[tilespmem:$0x88E0] =	vst v37  }
0x685: {  	[tilespmem:$0x88F0] =	vst v38  }
0x686: {  	[tilespmem:$0x8900] =	vst v39  }
0x687: {  	[tilespmem:$0x8910] =	vst v40  }
0x688: {  	[tilespmem:$0x8920] =	vst v41  }
0x689: {  	[tilespmem:$0x8930] =	vst v42  }
0x68a: {  	[tilespmem:$0x8940] =	vst v56  }
0x68b: {  	[tilespmem:$0x8950] =	vst v61  }
0x68c: {  	[tilespmem:$0x8960] =	vst v3;
	v3 =	vpop (erf)  }
0x68d: {  	s28 =	rddreg [dreg:$0xb];
	s29 =	simm.s32 $0x8780;
	s5 =	simm.s32 $0x3;
	[tilespmem:$0x8970] =	vst v3  }
0x68e: {  	[hbm4b:s28+s3] =	stream.linear.scatter [tilespmem:s29], [sflag:$0x3], $0x200, $0x38;
	[tilespmem:$0x8980] =	vst v63  }
0x68f: {  	_ =	swait.ge [sflag:s5], $0x200  }
0x690: {  	s30 =	rddreg [dreg:$0xd]  }
0x691: {  	s31 =	rddreg [dreg:$0xc];
	s4 =	sadd.s32 $0x1, s30  }
0x692: {  	p0 =	sne.s32 s4, s31  }
.Ltmp9:
0x693: {  	_ = 	snop;
	(pc) =	sbr.rel @p0 .LBB2_1-.Ltmp9, $3  }
0x694: {  	_ =	sdelay $0x1  }
0x695: {  	[sflag:s5] =	ssyncset.done $0x0  }
0x696: {  	[sflag:s5] =	ssyncadd.s32 $0xFFFFFE00  }
0x697: {  	_ =	sfence.sel $0x180000  }
0x698: {  	[bflag:$0x0] =	sbarrier.arrive $0xFFFF  }
0x699: {  	_ =	strace $0x90000047  }
0x69a: {  	s0 =	stileid.u32;
	[bflag:$0x2] =	sbarrier.arrive $0xFFFF  }
0x69b: {  	p0 =	sne.s32 s0, $0x0;
	s0 =	rddreg [dreg:$0x6]  }
0x69c: {  	s0 =	sadd.s32 @!p0 $0x100000, s0  }
0x69d: {  	[sflag:s0] =	ssyncadd.tile.s32 @!p0 $0x1;
	_ =	shalt  }
.Lfunc_end2:
_tile_overlayer_lowered:
.L_overlay_start_2:
0x69e: {  	(tag) =	ssettag $0x2  }
0x69f: {  	s0 =	rddreg [dreg:$0x0];
	s2 =	stileid.u32  }
0x6a0: {  	s1 =	rddreg [dreg:$0x1];
	p0 =	sne.s32 s2, $0x0  }
0x6a1: {  	s3 =	rddreg [dreg:$0x2];
	[bflag:$0x3] =	sbarrier.arrive $0xFFFF;
	s2 =	simm.s32 @!p0 $0x1C03  }
0x6a2: {  	[timem:s3], [sflag:s2] =	dma.local @!p0 [hbm:s0], s1  }
0x6a3: {  	s0 =	simm.s32 @!p0 $0x3  }
0x6a4: {  	_ =	swait.ge @!p0 [sflag:s0], s1  }
0x6a5: {  	s1 =	ssub.s32 @!p0 $0x0, s1;
	[sflag:s0] =	ssyncset.done @!p0 $0x0  }
0x6a6: {  	[sflag:s0] =	ssyncadd.s32 @!p0 s1  }
0x6a7: {  	[bflag:$0x3] =	sbarrier.arrive $0xFFFF  }
0x6a8: {  	_ =	shalt  }

</sc_bundles>
